<compile_context>
chip_gen: v7x
topology: tpu7x:2x2x1
jax: 0.10.2.dev20260603
libtpu: 0.0.44.dev20260713+nightly
codegen_flags: <defaults>
</compile_context>

<pallas_src>
import functools

import jax
import jax.numpy as jnp
from jax import lax
from jax.experimental import pallas as pl
from jax.experimental.pallas import tpu as pltpu
from jax.experimental.pallas import tpu_sc as plsc

N = 10000
E = 320000
D = 128
H = 128
ED = 16

NP = 10240
HP = 144
CK = 128
NCH = 79
NE3 = NCH
NT = 10000
EP = 32 * NCH * CK
ROWS_PER_TILE = NP // 16
F32 = jnp.float32



def _t1_body(x_ref, w_ref, as_ref, ad_ref, hp_ref, asv_ref, adv_ref):
    h = jnp.dot(x_ref[...], w_ref[...], preferred_element_type=F32)
    br = h.shape[0]
    asv = jnp.sum(h * as_ref[...], axis=1, keepdims=True)
    adv = jnp.sum(h * ad_ref[...], axis=1, keepdims=True)
    hp_ref[...] = jnp.concatenate(
        [h, jnp.ones((br, 1), F32), asv, jnp.zeros((br, HP - H - 2), F32)],
        axis=1)
    asv_ref[...] = asv
    adv_ref[...] = adv


def _te_body(ea_ref, we1_ref, ae1_ref, we2_ref, ae2_ref, out_ref, sum_ref):
    v1 = jnp.sum(we1_ref[...] * ae1_ref[...], axis=1, keepdims=True)
    v2 = jnp.sum(we2_ref[...] * ae2_ref[...], axis=1, keepdims=True)
    vv = jnp.concatenate([v1, v2], axis=1)
    o = jnp.dot(ea_ref[...], vv, preferred_element_type=F32)

    @pl.when(pl.program_id(0) == 0)
    def _():
        sum_ref[...] = jnp.zeros((1, 2), F32)

    out_ref[...] = o
    sum_ref[...] += jnp.sum(o, axis=0, keepdims=True)


def _combine(p_ref, asv_ref, adv_ref, aem_ref, hp_ref, b_ref, g_ref, be_ref):
    num = p_ref[0, :, 0:H] + p_ref[1, :, 0:H]
    den = p_ref[0, :, H:H + 1] + p_ref[1, :, H:H + 1]
    aw = asv_ref[...] + adv_ref[...] + aem_ref[...]
    aw = jnp.where(aw > 0, aw, 0.2 * aw)
    ws = jnp.exp(aw)
    num = num + ws * hp_ref[:, 0:H]
    den = den + ws
    o = num / (den + 1e-16) + b_ref[...]
    o = jnp.where(o > 0, o, 0.01 * o)
    mu = jnp.mean(o, axis=1, keepdims=True)
    var = jnp.mean((o - mu) * (o - mu), axis=1, keepdims=True)
    return (o - mu) * lax.rsqrt(var + 1e-5) * g_ref[...] + be_ref[...]


def _t2_body(p_ref, asv_ref, adv_ref, aem_ref, hp_ref, b_ref, g_ref, be_ref,
             w2_ref, as2_ref, ad2_ref, hp2_ref, asv2_ref, adv2_ref):
    o = _combine(p_ref, asv_ref, adv_ref, aem_ref, hp_ref, b_ref, g_ref, be_ref)
    h2 = jnp.dot(o, w2_ref[...], preferred_element_type=F32)
    br = h2.shape[0]
    asv2 = jnp.sum(h2 * as2_ref[...], axis=1, keepdims=True)
    adv2 = jnp.sum(h2 * ad2_ref[...], axis=1, keepdims=True)
    hp2_ref[...] = jnp.concatenate(
        [h2, jnp.ones((br, 1), F32), asv2, jnp.zeros((br, HP - H - 2), F32)],
        axis=1)
    asv2_ref[...] = asv2
    adv2_ref[...] = adv2


def _t3_body(p_ref, asv_ref, adv_ref, aem_ref, hp_ref, b_ref, g_ref, be_ref,
             out_ref):
    out_ref[...] = _combine(p_ref, asv_ref, adv_ref, aem_ref, hp_ref,
                            b_ref, g_ref, be_ref)


_TBR = 640
_TGRID = NP // _TBR


def _full(shape):
    return pl.BlockSpec(shape, lambda i: tuple(0 for _ in shape))


def _rows(w):
    return pl.BlockSpec((_TBR, w), lambda i: (i, 0))


def _t1(xp, w1, as1, ad1):
    return pl.pallas_call(
        _t1_body,
        grid=(_TGRID,),
        in_specs=[_rows(D), _full((D, H)), _full((1, H)), _full((1, H))],
        out_specs=[_rows(HP), _rows(1), _rows(1)],
        out_shape=[jax.ShapeDtypeStruct((NP, HP), F32),
                   jax.ShapeDtypeStruct((NP, 1), F32),
                   jax.ShapeDtypeStruct((NP, 1), F32)],
    )(xp, w1, as1, ad1)


_EBR = 3200


def _te(ea, we1, ae1, we2, ae2):
    return pl.pallas_call(
        _te_body,
        grid=(E // _EBR,),
        in_specs=[pl.BlockSpec((_EBR, ED), lambda i: (i, 0)),
                  _full((ED, H)), _full((1, H)), _full((ED, H)), _full((1, H))],
        out_specs=[pl.BlockSpec((_EBR, 2), lambda i: (i, 0)),
                   pl.BlockSpec((1, 2), lambda i: (0, 0))],
        out_shape=[jax.ShapeDtypeStruct((E, 2), F32),
                   jax.ShapeDtypeStruct((1, 2), F32)],
    )(ea, we1, ae1, we2, ae2)


def _t2(p, asv, adv, aem, hp, b, g, be, w2, as2, ad2):
    return pl.pallas_call(
        _t2_body,
        grid=(_TGRID,),
        in_specs=[pl.BlockSpec((2, _TBR, HP), lambda i: (0, i, 0)),
                  _rows(1), _rows(1), _full((1, 1)), _rows(HP),
                  _full((1, H)), _full((1, H)), _full((1, H)),
                  _full((H, H)), _full((1, H)), _full((1, H))],
        out_specs=[_rows(HP), _rows(1), _rows(1)],
        out_shape=[jax.ShapeDtypeStruct((NP, HP), F32),
                   jax.ShapeDtypeStruct((NP, 1), F32),
                   jax.ShapeDtypeStruct((NP, 1), F32)],
    )(p, asv, adv, aem, hp, b, g, be, w2, as2, ad2)


def _t3(p, asv, adv, aem, hp, b, g, be):
    return pl.pallas_call(
        _t3_body,
        grid=(_TGRID,),
        in_specs=[pl.BlockSpec((2, _TBR, HP), lambda i: (0, i, 0)),
                  _rows(1), _rows(1), _full((1, 1)), _rows(HP),
                  _full((1, H)), _full((1, H)), _full((1, H))],
        out_specs=_rows(H),
        out_shape=jax.ShapeDtypeStruct((NP, H), F32),
    )(p, asv, adv, aem, hp, b, g, be)



_sc_mesh = plsc.VectorSubcoreMesh(core_axis_name="c", subcore_axis_name="s")

_COL_ONES = H
_COL_ASV = H + 1


@functools.partial(
    pl.kernel,
    out_type=jax.ShapeDtypeStruct((2, NP, HP), F32),
    mesh=_sc_mesh,
    compiler_params=pltpu.CompilerParams(needs_layout_passes=False,
                                         use_tc_tiling_on_sc=False),
    scratch_types=[
        pltpu.VMEM((CK, HP), F32),
        pltpu.VMEM((NT,), F32),
        pltpu.VMEM((3, CK), jnp.int32),
        pltpu.VMEM_SHARED((NP, HP), F32),
        pltpu.SemaphoreType.DMA,
        pltpu.SemaphoreType.DMA,
        pltpu.SemaphoreType.DMA,
    ],
)
def _sc_edge(hp, adv, e3, out,
             rows0, adt, e3b0, acc, sg0, ss0, se0):
    c = lax.axis_index("c")
    s = lax.axis_index("s")
    wid = s * 2 + c
    base = s * ROWS_PER_TILE
    z16 = jnp.zeros((16,), F32)

    def zrow(j, carry):
        for g in range(HP // 16):
            rows0[j, pl.ds(g * 16, 16)] = z16
        return carry

    lax.fori_loop(0, CK, zrow, 0)

    nfull = ROWS_PER_TILE // CK
    rem = ROWS_PER_TILE - nfull * CK

    def zcp(j, carry):
        pltpu.async_copy(rows0, acc.at[pl.ds(base + j * CK, CK)], ss0).wait()
        return carry

    lax.fori_loop(0, nfull, zcp, 0)
    if rem:
        pltpu.async_copy(rows0.at[pl.ds(0, rem)],
                         acc.at[pl.ds(base + nfull * CK, rem)], ss0).wait()
    plsc.subcore_barrier()

    iota16 = lax.iota(jnp.int32, 16)
    c_asv = jnp.full((16,), _COL_ASV, jnp.int32)

    pltpu.sync_copy(adv.at[pl.ds(0, NT)], adt)

    def chunk(ci, carry):
        pltpu.async_copy(e3.at[wid, ci], e3b0, se0).wait()
        pltpu.async_copy(hp.at[e3b0.at[0]], rows0, sg0).wait()

        def jbody(j, c2):
            ridx = j * 16 + iota16
            a = (plsc.load_gather(rows0, [ridx, c_asv])
                 + plsc.load_gather(adt, [e3b0[1, pl.ds(j * 16, 16)]])
                 + plsc.bitcast(e3b0[2, pl.ds(j * 16, 16)], F32))
            a = jnp.where(a > 0, a, 0.2 * a)
            w16 = jnp.exp(a)
            for lane in range(16):
                wb = jnp.full((16,), w16[lane], F32)
                r = j * 16 + lane
                for g in range(HP // 16):
                    rows0[r, pl.ds(g * 16, 16)] = rows0[r, pl.ds(g * 16, 16)] * wb
            return c2

        lax.fori_loop(0, CK // 16, jbody, 0)
        pltpu.async_copy(rows0, acc.at[e3b0.at[1]], ss0, add=True).wait()
        return carry

    lax.fori_loop(0, NCH, chunk, 0)
    plsc.subcore_barrier()
    pltpu.sync_copy(acc.at[pl.ds(base, ROWS_PER_TILE)],
                    out.at[c, pl.ds(base, ROWS_PER_TILE)])



def kernel(x, edge_index, edge_attr, W1, as1, ad1, We1, ae1, b1, g1, be1,
           W2, as2, ad2, We2, ae2, b2, g2, be2):
    xp = jnp.pad(x, ((0, NP - N), (0, 0)))
    src = jnp.pad(edge_index[0], (0, EP - E))
    dst = jnp.pad(edge_index[1], (0, EP - E))

    hp1, asv1, adv1 = _t1(xp, W1, as1.reshape(1, H), ad1.reshape(1, H))
    ae12, ae_sum = _te(edge_attr, We1, ae1.reshape(1, H), We2, ae2.reshape(1, H))
    aem1 = ae_sum[0:1, 0:1] * (1.0 / E)
    aem2 = ae_sum[0:1, 1:2] * (1.0 / E)
    ae1b = lax.bitcast_convert_type(
        jnp.pad(ae12[:, 0], (0, EP - E), constant_values=-1e9), jnp.int32)
    ae2b = lax.bitcast_convert_type(
        jnp.pad(ae12[:, 1], (0, EP - E), constant_values=-1e9), jnp.int32)

    def _pack_e3(aeb):
        e = jnp.stack([src, dst, aeb]).reshape(3, 32, NCH, CK)
        e = e.transpose(1, 2, 0, 3)
        return jnp.pad(e, ((0, 0), (0, NE3 - NCH), (0, 0), (0, 0)))

    e31 = _pack_e3(ae1b)
    e32 = _pack_e3(ae2b)

    p1 = _sc_edge(hp1, adv1.reshape(NP), e31)
    hp2, asv2, adv2 = _t2(p1, asv1, adv1, aem1, hp1,
                          b1.reshape(1, H), g1.reshape(1, H),
                          be1.reshape(1, H),
                          W2, as2.reshape(1, H), ad2.reshape(1, H))
    p2 = _sc_edge(hp2, adv2.reshape(NP), e32)
    out = _t3(p2, asv2, adv2, aem2, hp2,
              b2.reshape(1, H), g2.reshape(1, H), be2.reshape(1, H))
    return out[:N]

# --- scband reference (transcript-rebuilt; emitter-appended) ---
"""Pipeline reference for scband-node-encoder-8495445312100 (READ-ONLY COPY).

The authoritative reference and input builder live on the scoring server;
editing this copy changes nothing except your own understanding.
"""

import jax, jax.numpy as jnp
import numpy as np

N = 10000
E = 320000
D = 128
H = 128
ED = 16


def _gat(x, edge_index, edge_attr, W, a_s, a_d, We, a_e, b):
    # Faithful single-head PyG GATConv with edge_dim, add_self_loops=True (fill_value='mean')
    n = x.shape[0]
    loops = jnp.arange(n, dtype=edge_index.dtype)
    src = jnp.concatenate([edge_index[0], loops])
    dst = jnp.concatenate([edge_index[1], loops])
    ea_loop = jnp.broadcast_to(edge_attr.mean(axis=0), (n, edge_attr.shape[1]))
    ea = jnp.concatenate([edge_attr, ea_loop], axis=0)
    h = x @ W
    alpha_src = (h * a_s).sum(axis=-1)
    alpha_dst = (h * a_d).sum(axis=-1)
    alpha_edge = ((ea @ We) * a_e).sum(axis=-1)
    alpha = alpha_src[src] + alpha_dst[dst] + alpha_edge
    alpha = jax.nn.leaky_relu(alpha, negative_slope=0.2)
    m = jax.ops.segment_max(alpha, dst, num_segments=n)
    alpha = jnp.exp(alpha - m[dst])
    s = jax.ops.segment_sum(alpha, dst, num_segments=n)
    alpha = alpha / (s[dst] + 1e-16)
    out = jax.ops.segment_sum(h[src] * alpha[:, None], dst, num_segments=n)
    return out + b


def _ln(x, g, b):
    mu = x.mean(axis=-1, keepdims=True)
    var = x.var(axis=-1, keepdims=True)
    return (x - mu) / jnp.sqrt(var + 1e-5) * g + b


def setup_inputs(seed: int = 0) -> dict:
    key = jax.random.key(seed)
    ks = jax.random.split(key, 20)
    d = {}
    d['x'] = jax.random.normal(ks[0], (N, D), dtype=jnp.float32)
    d['edge_index'] = jax.random.randint(ks[1], (2, E), 0, N, dtype=jnp.int32)
    d['edge_attr'] = jax.random.normal(ks[2], (E, ED), dtype=jnp.float32)
    # conv1 params
    d['W1'] = jax.random.normal(ks[3], (D, H), dtype=jnp.float32) * (1.0 / np.sqrt(D))
    d['as1'] = jax.random.normal(ks[4], (H,), dtype=jnp.float32) * 0.1
    d['ad1'] = jax.random.normal(ks[5], (H,), dtype=jnp.float32) * 0.1
    d['We1'] = jax.random.normal(ks[6], (ED, H), dtype=jnp.float32) * (1.0 / np.sqrt(ED))
    d['ae1'] = jax.random.normal(ks[7], (H,), dtype=jnp.float32) * 0.1
    d['b1'] = jnp.zeros((H,), dtype=jnp.float32)
    d['g1'] = jnp.ones((H,), dtype=jnp.float32)
    d['be1'] = jnp.zeros((H,), dtype=jnp.float32)
    # conv2 params
    d['W2'] = jax.random.normal(ks[8], (H, H), dtype=jnp.float32) * (1.0 / np.sqrt(H))
    d['as2'] = jax.random.normal(ks[9], (H,), dtype=jnp.float32) * 0.1
    d['ad2'] = jax.random.normal(ks[10], (H,), dtype=jnp.float32) * 0.1
    d['We2'] = jax.random.normal(ks[11], (ED, H), dtype=jnp.float32) * (1.0 / np.sqrt(ED))
    d['ae2'] = jax.random.normal(ks[12], (H,), dtype=jnp.float32) * 0.1
    d['b2'] = jnp.zeros((H,), dtype=jnp.float32)
    d['g2'] = jnp.ones((H,), dtype=jnp.float32)
    d['be2'] = jnp.zeros((H,), dtype=jnp.float32)
    return d


def reference(x, edge_index, edge_attr, W1, as1, ad1, We1, ae1, b1, g1, be1, W2, as2, ad2, We2, ae2, b2, g2, be2):
    h = _gat(x, edge_index, edge_attr, W1, as1, ad1, We1, ae1, b1)
    h = jax.nn.leaky_relu(h, negative_slope=0.01)
    h = _ln(h, g1, be1)
    # dropout is identity at inference
    h = _gat(h, edge_index, edge_attr, W2, as2, ad2, We2, ae2, b2)
    h = jax.nn.leaky_relu(h, negative_slope=0.01)
    h = _ln(h, g2, be2)
    return h

if __name__ == "__main__":
    import jax
    _d = setup_inputs()
    print(jax.jit(kernel)(*tuple(_d.values())))

</pallas_src>

<mosaic_0001>
#map = affine_map<(d0, d1) -> (0, 0)>
#map1 = affine_map<(d0, d1) -> (0)>
#map2 = affine_map<(d0, d1) -> (0, 0, 0, 0)>
#map3 = affine_map<(d0, d1) -> (0, 0, 0)>
module attributes {stable_mosaic.version = 14 : i64} {
  func.func @_sc_edge(%arg0: i32, %arg1: i32, %arg2: memref<10240x144xf32, #tpu.memory_space<hbm>>, %arg3: memref<10240xf32, #tpu.memory_space<hbm>>, %arg4: memref<32x79x3x128xi32, #tpu.memory_space<hbm>>, %arg5: memref<2x10240x144xf32, #tpu.memory_space<hbm>>, %arg6: memref<128x144xf32, #tpu.memory_space<vmem>>, %arg7: memref<10000xf32, #tpu.memory_space<vmem>>, %arg8: memref<3x128xi32, #tpu.memory_space<vmem>>, %arg9: memref<10240x144xf32, #tpu.memory_space<vmem_shared>>, %arg10: memref<!tpu.dma_semaphore, #tpu.memory_space<semaphore_mem>>, %arg11: memref<!tpu.dma_semaphore, #tpu.memory_space<semaphore_mem>>, %arg12: memref<!tpu.dma_semaphore, #tpu.memory_space<semaphore_mem>>) attributes {dimension_semantics = [#tpu.dimension_semantics<core_parallel>, #tpu.dimension_semantics<subcore_parallel>], iteration_bounds = array<i64: 2, 16>, scalar_prefetch = 0 : i64, scratch_operands = 7 : i64, tpu.core_type = #tpu.core_type<sc_vector_subcore>, window_params = [{transform_indices = #map}, {transform_indices = #map1}, {transform_indices = #map2}, {transform_indices = #map3}]} {
    %mul3A = arith.constant 2 : i32
    %mul3A_0 = arith.muli %arg1, %mul3A : i32
    %add3A = arith.addi %mul3A_0, %arg0 : i32
    %mul3A_1 = arith.constant 640 : i32
    %mul3A_2 = arith.muli %arg1, %mul3A_1 : i32
    %broadcast_in_dim3A = arith.constant 0.000000e+00 : f32
    %broadcast_in_dim3A_3 = vector.broadcast %broadcast_in_dim3A : f32 to vector<16xf32>
    %scan3A = arith.constant 0 : i32
    %scan3A_4 = arith.constant 0 : i32
    %scan3A_5 = arith.constant 128 : i32
    %scan3A_6 = arith.addi %scan3A_4, %scan3A_5 : i32
    %scan3A_7 = arith.constant 1 : i32
    scf.for %scan3A_24 = %scan3A_4 to %scan3A_6 step %scan3A_7  : i32 {
      %swap3A = arith.index_cast %scan3A_24 : i32 to index
      %swap3A_25 = arith.constant 0 : index
      %swap3A_26 = tpu.vector_load %arg6[%swap3A, %swap3A_25] {strides = array<i32>} : memref<128x144xf32, #tpu.memory_space<vmem>>, vector<16xf32>,
      tpu.vector_store %arg6[%swap3A, %swap3A_25], %broadcast_in_dim3A_3 {strides = array<i32>} : memref<128x144xf32, #tpu.memory_space<vmem>>, vector<16xf32>,
      %swap3A_27 = arith.index_cast %scan3A_24 : i32 to index
      %swap3A_28 = arith.constant 16 : index
      %swap3A_29 = tpu.vector_load %arg6[%swap3A_27, %swap3A_28] {strides = array<i32>} : memref<128x144xf32, #tpu.memory_space<vmem>>, vector<16xf32>,
      tpu.vector_store %arg6[%swap3A_27, %swap3A_28], %broadcast_in_dim3A_3 {strides = array<i32>} : memref<128x144xf32, #tpu.memory_space<vmem>>, vector<16xf32>,
      %swap3A_30 = arith.index_cast %scan3A_24 : i32 to index
      %swap3A_31 = arith.constant 32 : index
      %swap3A_32 = tpu.vector_load %arg6[%swap3A_30, %swap3A_31] {strides = array<i32>} : memref<128x144xf32, #tpu.memory_space<vmem>>, vector<16xf32>,
      tpu.vector_store %arg6[%swap3A_30, %swap3A_31], %broadcast_in_dim3A_3 {strides = array<i32>} : memref<128x144xf32, #tpu.memory_space<vmem>>, vector<16xf32>,
      %swap3A_33 = arith.index_cast %scan3A_24 : i32 to index
      %swap3A_34 = arith.constant 48 : index
      %swap3A_35 = tpu.vector_load %arg6[%swap3A_33, %swap3A_34] {strides = array<i32>} : memref<128x144xf32, #tpu.memory_space<vmem>>, vector<16xf32>,
      tpu.vector_store %arg6[%swap3A_33, %swap3A_34], %broadcast_in_dim3A_3 {strides = array<i32>} : memref<128x144xf32, #tpu.memory_space<vmem>>, vector<16xf32>,
      %swap3A_36 = arith.index_cast %scan3A_24 : i32 to index
      %swap3A_37 = arith.constant 64 : index
      %swap3A_38 = tpu.vector_load %arg6[%swap3A_36, %swap3A_37] {strides = array<i32>} : memref<128x144xf32, #tpu.memory_space<vmem>>, vector<16xf32>,
      tpu.vector_store %arg6[%swap3A_36, %swap3A_37], %broadcast_in_dim3A_3 {strides = array<i32>} : memref<128x144xf32, #tpu.memory_space<vmem>>, vector<16xf32>,
      %swap3A_39 = arith.index_cast %scan3A_24 : i32 to index
      %swap3A_40 = arith.constant 80 : index
      %swap3A_41 = tpu.vector_load %arg6[%swap3A_39, %swap3A_40] {strides = array<i32>} : memref<128x144xf32, #tpu.memory_space<vmem>>, vector<16xf32>,
      tpu.vector_store %arg6[%swap3A_39, %swap3A_40], %broadcast_in_dim3A_3 {strides = array<i32>} : memref<128x144xf32, #tpu.memory_space<vmem>>, vector<16xf32>,
      %swap3A_42 = arith.index_cast %scan3A_24 : i32 to index
      %swap3A_43 = arith.constant 96 : index
      %swap3A_44 = tpu.vector_load %arg6[%swap3A_42, %swap3A_43] {strides = array<i32>} : memref<128x144xf32, #tpu.memory_space<vmem>>, vector<16xf32>,
      tpu.vector_store %arg6[%swap3A_42, %swap3A_43], %broadcast_in_dim3A_3 {strides = array<i32>} : memref<128x144xf32, #tpu.memory_space<vmem>>, vector<16xf32>,
      %swap3A_45 = arith.index_cast %scan3A_24 : i32 to index
      %swap3A_46 = arith.constant 112 : index
      %swap3A_47 = tpu.vector_load %arg6[%swap3A_45, %swap3A_46] {strides = array<i32>} : memref<128x144xf32, #tpu.memory_space<vmem>>, vector<16xf32>,
      tpu.vector_store %arg6[%swap3A_45, %swap3A_46], %broadcast_in_dim3A_3 {strides = array<i32>} : memref<128x144xf32, #tpu.memory_space<vmem>>, vector<16xf32>,
      %swap3A_48 = arith.index_cast %scan3A_24 : i32 to index
      %swap3A_49 = arith.constant 128 : index
      %swap3A_50 = tpu.vector_load %arg6[%swap3A_48, %swap3A_49] {strides = array<i32>} : memref<128x144xf32, #tpu.memory_space<vmem>>, vector<16xf32>,
      tpu.vector_store %arg6[%swap3A_48, %swap3A_49], %broadcast_in_dim3A_3 {strides = array<i32>} : memref<128x144xf32, #tpu.memory_space<vmem>>, vector<16xf32>,
    }
    %scan3A_8 = arith.constant 128 : i32
    %scan3A_9 = arith.constant 0 : i32
    %scan3A_10 = arith.constant 0 : i32
    %scan3A_11 = arith.constant 5 : i32
    %scan3A_12 = arith.addi %scan3A_10, %scan3A_11 : i32
    %scan3A_13 = arith.constant 1 : i32
    scf.for %scan3A_24 = %scan3A_10 to %scan3A_12 step %scan3A_13  : i32 {
      %mul3A_25 = arith.constant 128 : i32
      %mul3A_26 = arith.muli %scan3A_24, %mul3A_25 : i32
      %add3A_27 = arith.addi %mul3A_2, %mul3A_26 : i32
      %dma_start3A = arith.constant 0 : i32
      %dma_start3A_28 = tpu.memref_slice %arg9[%add3A_27, %dma_start3A] : memref<10240x144xf32, #tpu.memory_space<vmem_shared>> -> memref<128x144xf32, #tpu.memory_space<vmem_shared>>
      %dma_start3A_29 = arith.constant 0 : i32
      %dma_start3A_30 = tpu.memref_slice %arg9[%add3A_27, %dma_start3A_29] : memref<10240x144xf32, #tpu.memory_space<vmem_shared>> -> memref<128x144xf32, #tpu.memory_space<vmem_shared>>
      tpu.enqueue_dma source(%arg6 : memref<128x144xf32, #tpu.memory_space<vmem>>) target(%dma_start3A_30 : memref<128x144xf32, #tpu.memory_space<vmem_shared>>) target_semaphore(%arg11 : memref<!tpu.dma_semaphore, #tpu.memory_space<semaphore_mem>>)
      %dma_wait3A = arith.constant 0 : i32
      %dma_wait3A_31 = tpu.memref_slice %arg9[%add3A_27, %dma_wait3A] : memref<10240x144xf32, #tpu.memory_space<vmem_shared>> -> memref<128x144xf32, #tpu.memory_space<vmem_shared>>
      %dma_wait3A_32 = arith.constant 0 : i32
      %dma_wait3A_33 = tpu.memref_slice %arg9[%add3A_27, %dma_wait3A_32] : memref<10240x144xf32, #tpu.memory_space<vmem_shared>> -> memref<128x144xf32, #tpu.memory_space<vmem_shared>>
      tpu.wait_dma2 semaphore(%arg11 : memref<!tpu.dma_semaphore, #tpu.memory_space<semaphore_mem>>) src(%arg6 : memref<128x144xf32, #tpu.memory_space<vmem>>) dst(%dma_wait3A_33 : memref<128x144xf32, #tpu.memory_space<vmem_shared>>)
    }
    %scan3A_14 = arith.constant 5 : i32
    %barrier3A = arith.constant 0 : index
    tpu.barrier barrier_id(%barrier3A)
    %iota3A = tpu.iota {dimensions = array<i32: 0>} : vector<16xi32>
    %broadcast_in_dim3A_15 = arith.constant 129 : i32
    %broadcast_in_dim3A_16 = vector.broadcast %broadcast_in_dim3A_15 : i32 to vector<16xi32>
    "tpu.region"() ({
      %run_scoped3A = tpu.sem_alloc : memref<!tpu.dma_semaphore, #tpu.memory_space<semaphore_mem>>
      %dma_start3A = arith.constant 0 : i32
      %dma_start3A_24 = tpu.memref_slice %arg3[%dma_start3A] : memref<10240xf32, #tpu.memory_space<hbm>> -> memref<10000xf32, #tpu.memory_space<hbm>>
      %dma_start3A_25 = arith.constant 0 : i32
      %dma_start3A_26 = tpu.memref_slice %arg3[%dma_start3A_25] : memref<10240xf32, #tpu.memory_space<hbm>> -> memref<10000xf32, #tpu.memory_space<hbm>>
      tpu.enqueue_dma source(%dma_start3A_26 : memref<10000xf32, #tpu.memory_space<hbm>>) target(%arg7 : memref<10000xf32, #tpu.memory_space<vmem>>) target_semaphore(%run_scoped3A : memref<!tpu.dma_semaphore, #tpu.memory_space<semaphore_mem>>)
      %dma_wait3A = arith.constant 0 : i32
      %dma_wait3A_27 = tpu.memref_slice %arg3[%dma_wait3A] : memref<10240xf32, #tpu.memory_space<hbm>> -> memref<10000xf32, #tpu.memory_space<hbm>>
      %dma_wait3A_28 = arith.constant 0 : i32
      %dma_wait3A_29 = tpu.memref_slice %arg3[%dma_wait3A_28] : memref<10240xf32, #tpu.memory_space<hbm>> -> memref<10000xf32, #tpu.memory_space<hbm>>
      tpu.wait_dma2 semaphore(%run_scoped3A : memref<!tpu.dma_semaphore, #tpu.memory_space<semaphore_mem>>) src(%dma_wait3A_29 : memref<10000xf32, #tpu.memory_space<hbm>>) dst(%arg7 : memref<10000xf32, #tpu.memory_space<vmem>>)
      tpu.yield
    }) : () -> ()
    %scan3A_17 = arith.constant 0 : i32
    %scan3A_18 = arith.constant 0 : i32
    %scan3A_19 = arith.constant 79 : i32
    %scan3A_20 = arith.addi %scan3A_18, %scan3A_19 : i32
    %scan3A_21 = arith.constant 1 : i32
    scf.for %scan3A_24 = %scan3A_18 to %scan3A_20 step %scan3A_21  : i32 {
      %dma_start3A = arith.constant 0 : i32
      %dma_start3A_25 = arith.constant 0 : i32
      %dma_start3A_26 = tpu.memref_slice %arg4[%add3A, %scan3A_24, %dma_start3A, %dma_start3A_25] : memref<32x79x3x128xi32, #tpu.memory_space<hbm>> -> memref<1x1x3x128xi32, #tpu.memory_space<hbm>>
      %dma_start3A_27 = tpu.memref_squeeze %dma_start3A_26 : memref<1x1x3x128xi32, #tpu.memory_space<hbm>> -> memref<3x128xi32, #tpu.memory_space<hbm>>
      %dma_start3A_28 = arith.constant 0 : i32
      %dma_start3A_29 = arith.constant 0 : i32
      %dma_start3A_30 = tpu.memref_slice %arg4[%add3A, %scan3A_24, %dma_start3A_28, %dma_start3A_29] : memref<32x79x3x128xi32, #tpu.memory_space<hbm>> -> memref<1x1x3x128xi32, #tpu.memory_space<hbm>>
      %dma_start3A_31 = tpu.memref_squeeze %dma_start3A_30 : memref<1x1x3x128xi32, #tpu.memory_space<hbm>> -> memref<3x128xi32, #tpu.memory_space<hbm>>
      tpu.enqueue_dma source(%dma_start3A_31 : memref<3x128xi32, #tpu.memory_space<hbm>>) target(%arg8 : memref<3x128xi32, #tpu.memory_space<vmem>>) target_semaphore(%arg12 : memref<!tpu.dma_semaphore, #tpu.memory_space<semaphore_mem>>)
      %dma_wait3A = arith.constant 0 : i32
      %dma_wait3A_32 = arith.constant 0 : i32
      %dma_wait3A_33 = tpu.memref_slice %arg4[%add3A, %scan3A_24, %dma_wait3A, %dma_wait3A_32] : memref<32x79x3x128xi32, #tpu.memory_space<hbm>> -> memref<1x1x3x128xi32, #tpu.memory_space<hbm>>
      %dma_wait3A_34 = tpu.memref_squeeze %dma_wait3A_33 : memref<1x1x3x128xi32, #tpu.memory_space<hbm>> -> memref<3x128xi32, #tpu.memory_space<hbm>>
      %dma_wait3A_35 = arith.constant 0 : i32
      %dma_wait3A_36 = arith.constant 0 : i32
      %dma_wait3A_37 = tpu.memref_slice %arg4[%add3A, %scan3A_24, %dma_wait3A_35, %dma_wait3A_36] : memref<32x79x3x128xi32, #tpu.memory_space<hbm>> -> memref<1x1x3x128xi32, #tpu.memory_space<hbm>>
      %dma_wait3A_38 = tpu.memref_squeeze %dma_wait3A_37 : memref<1x1x3x128xi32, #tpu.memory_space<hbm>> -> memref<3x128xi32, #tpu.memory_space<hbm>>
      tpu.wait_dma2 semaphore(%arg12 : memref<!tpu.dma_semaphore, #tpu.memory_space<semaphore_mem>>) src(%dma_wait3A_38 : memref<3x128xi32, #tpu.memory_space<hbm>>) dst(%arg8 : memref<3x128xi32, #tpu.memory_space<vmem>>)
      %dma_start3A_39 = arith.constant 0 : i32
      %dma_start3A_40 = arith.constant 0 : i32
      %dma_start3A_41 = tpu.memref_slice %arg8[%dma_start3A_39, %dma_start3A_40] : memref<3x128xi32, #tpu.memory_space<vmem>> -> memref<1x128xi32, #tpu.memory_space<vmem>>
      %dma_start3A_42 = tpu.memref_squeeze %dma_start3A_41 : memref<1x128xi32, #tpu.memory_space<vmem>> -> memref<128xi32, #tpu.memory_space<vmem>>
      %dma_start3A_43 = arith.constant 0 : i32
      %dma_start3A_44 = arith.constant 0 : i32
      %dma_start3A_45 = tpu.memref_slice %arg2[%dma_start3A_43, %dma_start3A_44] : memref<10240x144xf32, #tpu.memory_space<hbm>> -> memref<10240x144xf32, #tpu.memory_space<hbm>>
      tpu.enqueue_indirect_dma source(%dma_start3A_45 : memref<10240x144xf32, #tpu.memory_space<hbm>>) target(%arg6 : memref<128x144xf32, #tpu.memory_space<vmem>>) offsets(%dma_start3A_42 : memref<128xi32, #tpu.memory_space<vmem>>) semaphore(%arg10 : memref<!tpu.dma_semaphore, #tpu.memory_space<semaphore_mem>>)
      %dma_wait3A_46 = arith.constant 0 : i32
      %dma_wait3A_47 = arith.constant 0 : i32
      %dma_wait3A_48 = tpu.memref_slice %arg8[%dma_wait3A_46, %dma_wait3A_47] : memref<3x128xi32, #tpu.memory_space<vmem>> -> memref<1x128xi32, #tpu.memory_space<vmem>>
      %dma_wait3A_49 = tpu.memref_squeeze %dma_wait3A_48 : memref<1x128xi32, #tpu.memory_space<vmem>> -> memref<128xi32, #tpu.memory_space<vmem>>
      %dma_wait3A_50 = arith.constant 0 : i32
      %dma_wait3A_51 = arith.constant 0 : i32
      %dma_wait3A_52 = tpu.memref_slice %arg2[%dma_wait3A_50, %dma_wait3A_51] : memref<10240x144xf32, #tpu.memory_space<hbm>> -> memref<10240x144xf32, #tpu.memory_space<hbm>>
      tpu.wait_indirect_dma semaphore(%arg10 : memref<!tpu.dma_semaphore, #tpu.memory_space<semaphore_mem>>) src(%dma_wait3A_52 : memref<10240x144xf32, #tpu.memory_space<hbm>>) dst(%arg6 : memref<128x144xf32, #tpu.memory_space<vmem>>)
      %scan3A_53 = arith.constant 0 : i32
      %scan3A_54 = arith.constant 0 : i32
      %scan3A_55 = arith.constant 8 : i32
      %scan3A_56 = arith.addi %scan3A_54, %scan3A_55 : i32
      %scan3A_57 = arith.constant 1 : i32
      scf.for %scan3A_73 = %scan3A_54 to %scan3A_56 step %scan3A_57  : i32 {
        %mul3A_74 = arith.constant 16 : i32
        %mul3A_75 = arith.muli %scan3A_73, %mul3A_74 : i32
        %add3A_76 = vector.broadcast %mul3A_75 : i32 to vector<16xi32>
        %add3A_77 = arith.addi %add3A_76, %iota3A : vector<16xi32>
        %gather3A = tpu.vector_load_idx %arg6[%add3A_77, %broadcast_in_dim3A_16] : memref<128x144xf32, #tpu.memory_space<vmem>>[vector<16xi32>, vector<16xi32>], vector<16xf32>,
        %mul3A_78 = arith.constant 16 : i32
        %mul3A_79 = arith.muli %scan3A_73, %mul3A_78 : i32
        %get3A = arith.constant 1 : i32
        %get3A_80 = arith.index_cast %get3A : i32 to index
        %get3A_81 = arith.index_cast %mul3A_79 : i32 to index
        %get3A_82 = tpu.vector_load %arg8[%get3A_80, %get3A_81] {strides = array<i32>} : memref<3x128xi32, #tpu.memory_space<vmem>>, vector<16xi32>,
        %gather3A_83 = tpu.vector_load_idx %arg7[%get3A_82] : memref<10000xf32, #tpu.memory_space<vmem>>[vector<16xi32>], vector<16xf32>,
        %add3A_84 = arith.addf %gather3A, %gather3A_83 : vector<16xf32>
        %mul3A_85 = arith.constant 16 : i32
        %mul3A_86 = arith.muli %scan3A_73, %mul3A_85 : i32
        %get3A_87 = arith.constant 2 : i32
        %get3A_88 = arith.index_cast %get3A_87 : i32 to index
        %get3A_89 = arith.index_cast %mul3A_86 : i32 to index
        %get3A_90 = tpu.vector_load %arg8[%get3A_88, %get3A_89] {strides = array<i32>} : memref<3x128xi32, #tpu.memory_space<vmem>>, vector<16xi32>,
        %bitcast3A = vector.bitcast %get3A_90 : vector<16xi32> to vector<16xf32>
        %add3A_91 = arith.addf %add3A_84, %bitcast3A : vector<16xf32>
        %gt3A = arith.constant 0.000000e+00 : f32
        %gt3A_92 = vector.broadcast %gt3A : f32 to vector<16xf32>
        %gt3A_93 = arith.cmpf ogt, %add3A_91, %gt3A_92 : vector<16xf32>
        %mul3A_94 = arith.constant 2.000000e-01 : f32
        %mul3A_95 = vector.broadcast %mul3A_94 : f32 to vector<16xf32>
        %mul3A_96 = arith.mulf %mul3A_95, %add3A_91 : vector<16xf32>
        %select_n3A = arith.select %gt3A_93, %add3A_91, %mul3A_96 : vector<16xi1>, vector<16xf32>
        %exp3A = math.exp %select_n3A : vector<16xf32>
        %slice3A = vector.extract_strided_slice %exp3A {offsets = [0], sizes = [1], strides = [1]} : vector<16xf32> to vector<1xf32>
        %squeeze3A = vector.extract %slice3A[0] : f32 from vector<1xf32>
        %broadcast_in_dim3A_97 = vector.broadcast %squeeze3A : f32 to vector<16xf32>
        %mul3A_98 = arith.constant 16 : i32
        %mul3A_99 = arith.muli %scan3A_73, %mul3A_98 : i32
        %add3A_100 = arith.constant 0 : i32
        %add3A_101 = arith.addi %mul3A_99, %add3A_100 : i32
        %get3A_102 = arith.index_cast %add3A_101 : i32 to index
        %get3A_103 = arith.constant 0 : index
        %get3A_104 = tpu.vector_load %arg6[%get3A_102, %get3A_103] {strides = array<i32>} : memref<128x144xf32, #tpu.memory_space<vmem>>, vector<16xf32>,
        %mul3A_105 = arith.mulf %get3A_104, %broadcast_in_dim3A_97 : vector<16xf32>
        %swap3A = arith.index_cast %add3A_101 : i32 to index
        %swap3A_106 = arith.constant 0 : index
        %swap3A_107 = tpu.vector_load %arg6[%swap3A, %swap3A_106] {strides = array<i32>} : memref<128x144xf32, #tpu.memory_space<vmem>>, vector<16xf32>,
        tpu.vector_store %arg6[%swap3A, %swap3A_106], %mul3A_105 {strides = array<i32>} : memref<128x144xf32, #tpu.memory_space<vmem>>, vector<16xf32>,
        %get3A_108 = arith.index_cast %add3A_101 : i32 to index
        %get3A_109 = arith.constant 16 : index
        %get3A_110 = tpu.vector_load %arg6[%get3A_108, %get3A_109] {strides = array<i32>} : memref<128x144xf32, #tpu.memory_space<vmem>>, vector<16xf32>,
        %mul3A_111 = arith.mulf %get3A_110, %broadcast_in_dim3A_97 : vector<16xf32>
        %swap3A_112 = arith.index_cast %add3A_101 : i32 to index
        %swap3A_113 = arith.constant 16 : index
        %swap3A_114 = tpu.vector_load %arg6[%swap3A_112, %swap3A_113] {strides = array<i32>} : memref<128x144xf32, #tpu.memory_space<vmem>>, vector<16xf32>,
        tpu.vector_store %arg6[%swap3A_112, %swap3A_113], %mul3A_111 {strides = array<i32>} : memref<128x144xf32, #tpu.memory_space<vmem>>, vector<16xf32>,
        %get3A_115 = arith.index_cast %add3A_101 : i32 to index
        %get3A_116 = arith.constant 32 : index
        %get3A_117 = tpu.vector_load %arg6[%get3A_115, %get3A_116] {strides = array<i32>} : memref<128x144xf32, #tpu.memory_space<vmem>>, vector<16xf32>,
        %mul3A_118 = arith.mulf %get3A_117, %broadcast_in_dim3A_97 : vector<16xf32>
        %swap3A_119 = arith.index_cast %add3A_101 : i32 to index
        %swap3A_120 = arith.constant 32 : index
        %swap3A_121 = tpu.vector_load %arg6[%swap3A_119, %swap3A_120] {strides = array<i32>} : memref<128x144xf32, #tpu.memory_space<vmem>>, vector<16xf32>,
        tpu.vector_store %arg6[%swap3A_119, %swap3A_120], %mul3A_118 {strides = array<i32>} : memref<128x144xf32, #tpu.memory_space<vmem>>, vector<16xf32>,
        %get3A_122 = arith.index_cast %add3A_101 : i32 to index
        %get3A_123 = arith.constant 48 : index
        %get3A_124 = tpu.vector_load %arg6[%get3A_122, %get3A_123] {strides = array<i32>} : memref<128x144xf32, #tpu.memory_space<vmem>>, vector<16xf32>,
        %mul3A_125 = arith.mulf %get3A_124, %broadcast_in_dim3A_97 : vector<16xf32>
        %swap3A_126 = arith.index_cast %add3A_101 : i32 to index
        %swap3A_127 = arith.constant 48 : index
        %swap3A_128 = tpu.vector_load %arg6[%swap3A_126, %swap3A_127] {strides = array<i32>} : memref<128x144xf32, #tpu.memory_space<vmem>>, vector<16xf32>,
        tpu.vector_store %arg6[%swap3A_126, %swap3A_127], %mul3A_125 {strides = array<i32>} : memref<128x144xf32, #tpu.memory_space<vmem>>, vector<16xf32>,
        %get3A_129 = arith.index_cast %add3A_101 : i32 to index
        %get3A_130 = arith.constant 64 : index
        %get3A_131 = tpu.vector_load %arg6[%get3A_129, %get3A_130] {strides = array<i32>} : memref<128x144xf32, #tpu.memory_space<vmem>>, vector<16xf32>,
        %mul3A_132 = arith.mulf %get3A_131, %broadcast_in_dim3A_97 : vector<16xf32>
        %swap3A_133 = arith.index_cast %add3A_101 : i32 to index
        %swap3A_134 = arith.constant 64 : index
        %swap3A_135 = tpu.vector_load %arg6[%swap3A_133, %swap3A_134] {strides = array<i32>} : memref<128x144xf32, #tpu.memory_space<vmem>>, vector<16xf32>,
        tpu.vector_store %arg6[%swap3A_133, %swap3A_134], %mul3A_132 {strides = array<i32>} : memref<128x144xf32, #tpu.memory_space<vmem>>, vector<16xf32>,
        %get3A_136 = arith.index_cast %add3A_101 : i32 to index
        %get3A_137 = arith.constant 80 : index
        %get3A_138 = tpu.vector_load %arg6[%get3A_136, %get3A_137] {strides = array<i32>} : memref<128x144xf32, #tpu.memory_space<vmem>>, vector<16xf32>,
        %mul3A_139 = arith.mulf %get3A_138, %broadcast_in_dim3A_97 : vector<16xf32>
        %swap3A_140 = arith.index_cast %add3A_101 : i32 to index
        %swap3A_141 = arith.constant 80 : index
        %swap3A_142 = tpu.vector_load %arg6[%swap3A_140, %swap3A_141] {strides = array<i32>} : memref<128x144xf32, #tpu.memory_space<vmem>>, vector<16xf32>,
        tpu.vector_store %arg6[%swap3A_140, %swap3A_141], %mul3A_139 {strides = array<i32>} : memref<128x144xf32, #tpu.memory_space<vmem>>, vector<16xf32>,
        %get3A_143 = arith.index_cast %add3A_101 : i32 to index
        %get3A_144 = arith.constant 96 : index
        %get3A_145 = tpu.vector_load %arg6[%get3A_143, %get3A_144] {strides = array<i32>} : memref<128x144xf32, #tpu.memory_space<vmem>>, vector<16xf32>,
        %mul3A_146 = arith.mulf %get3A_145, %broadcast_in_dim3A_97 : vector<16xf32>
        %swap3A_147 = arith.index_cast %add3A_101 : i32 to index
        %swap3A_148 = arith.constant 96 : index
        %swap3A_149 = tpu.vector_load %arg6[%swap3A_147, %swap3A_148] {strides = array<i32>} : memref<128x144xf32, #tpu.memory_space<vmem>>, vector<16xf32>,
        tpu.vector_store %arg6[%swap3A_147, %swap3A_148], %mul3A_146 {strides = array<i32>} : memref<128x144xf32, #tpu.memory_space<vmem>>, vector<16xf32>,
        %get3A_150 = arith.index_cast %add3A_101 : i32 to index
        %get3A_151 = arith.constant 112 : index
        %get3A_152 = tpu.vector_load %arg6[%get3A_150, %get3A_151] {strides = array<i32>} : memref<128x144xf32, #tpu.memory_space<vmem>>, vector<16xf32>,
        %mul3A_153 = arith.mulf %get3A_152, %broadcast_in_dim3A_97 : vector<16xf32>
        %swap3A_154 = arith.index_cast %add3A_101 : i32 to index
        %swap3A_155 = arith.constant 112 : index
        %swap3A_156 = tpu.vector_load %arg6[%swap3A_154, %swap3A_155] {strides = array<i32>} : memref<128x144xf32, #tpu.memory_space<vmem>>, vector<16xf32>,
        tpu.vector_store %arg6[%swap3A_154, %swap3A_155], %mul3A_153 {strides = array<i32>} : memref<128x144xf32, #tpu.memory_space<vmem>>, vector<16xf32>,
        %get3A_157 = arith.index_cast %add3A_101 : i32 to index
        %get3A_158 = arith.constant 128 : index
        %get3A_159 = tpu.vector_load %arg6[%get3A_157, %get3A_158] {strides = array<i32>} : memref<128x144xf32, #tpu.memory_space<vmem>>, vector<16xf32>,
        %mul3A_160 = arith.mulf %get3A_159, %broadcast_in_dim3A_97 : vector<16xf32>
        %swap3A_161 = arith.index_cast %add3A_101 : i32 to index
        %swap3A_162 = arith.constant 128 : index
        %swap3A_163 = tpu.vector_load %arg6[%swap3A_161, %swap3A_162] {strides = array<i32>} : memref<128x144xf32, #tpu.memory_space<vmem>>, vector<16xf32>,
        tpu.vector_store %arg6[%swap3A_161, %swap3A_162], %mul3A_160 {strides = array<i32>} : memref<128x144xf32, #tpu.memory_space<vmem>>, vector<16xf32>,
        %slice3A_164 = vector.extract_strided_slice %exp3A {offsets = [1], sizes = [1], strides = [1]} : vector<16xf32> to vector<1xf32>
        %squeeze3A_165 = vector.extract %slice3A_164[0] : f32 from vector<1xf32>
        %broadcast_in_dim3A_166 = vector.broadcast %squeeze3A_165 : f32 to vector<16xf32>
        %mul3A_167 = arith.constant 16 : i32
        %mul3A_168 = arith.muli %scan3A_73, %mul3A_167 : i32
        %add3A_169 = arith.constant 1 : i32
        %add3A_170 = arith.addi %mul3A_168, %add3A_169 : i32
        %get3A_171 = arith.index_cast %add3A_170 : i32 to index
        %get3A_172 = arith.constant 0 : index
        %get3A_173 = tpu.vector_load %arg6[%get3A_171, %get3A_172] {strides = array<i32>} : memref<128x144xf32, #tpu.memory_space<vmem>>, vector<16xf32>,
        %mul3A_174 = arith.mulf %get3A_173, %broadcast_in_dim3A_166 : vector<16xf32>
        %swap3A_175 = arith.index_cast %add3A_170 : i32 to index
        %swap3A_176 = arith.constant 0 : index
        %swap3A_177 = tpu.vector_load %arg6[%swap3A_175, %swap3A_176] {strides = array<i32>} : memref<128x144xf32, #tpu.memory_space<vmem>>, vector<16xf32>,
        tpu.vector_store %arg6[%swap3A_175, %swap3A_176], %mul3A_174 {strides = array<i32>} : memref<128x144xf32, #tpu.memory_space<vmem>>, vector<16xf32>,
        %get3A_178 = arith.index_cast %add3A_170 : i32 to index
        %get3A_179 = arith.constant 16 : index
        %get3A_180 = tpu.vector_load %arg6[%get3A_178, %get3A_179] {strides = array<i32>} : memref<128x144xf32, #tpu.memory_space<vmem>>, vector<16xf32>,
        %mul3A_181 = arith.mulf %get3A_180, %broadcast_in_dim3A_166 : vector<16xf32>
        %swap3A_182 = arith.index_cast %add3A_170 : i32 to index
        %swap3A_183 = arith.constant 16 : index
        %swap3A_184 = tpu.vector_load %arg6[%swap3A_182, %swap3A_183] {strides = array<i32>} : memref<128x144xf32, #tpu.memory_space<vmem>>, vector<16xf32>,
        tpu.vector_store %arg6[%swap3A_182, %swap3A_183], %mul3A_181 {strides = array<i32>} : memref<128x144xf32, #tpu.memory_space<vmem>>, vector<16xf32>,
        %get3A_185 = arith.index_cast %add3A_170 : i32 to index
        %get3A_186 = arith.constant 32 : index
        %get3A_187 = tpu.vector_load %arg6[%get3A_185, %get3A_186] {strides = array<i32>} : memref<128x144xf32, #tpu.memory_space<vmem>>, vector<16xf32>,
        %mul3A_188 = arith.mulf %get3A_187, %broadcast_in_dim3A_166 : vector<16xf32>
        %swap3A_189 = arith.index_cast %add3A_170 : i32 to index
        %swap3A_190 = arith.constant 32 : index
        %swap3A_191 = tpu.vector_load %arg6[%swap3A_189, %swap3A_190] {strides = array<i32>} : memref<128x144xf32, #tpu.memory_space<vmem>>, vector<16xf32>,
        tpu.vector_store %arg6[%swap3A_189, %swap3A_190], %mul3A_188 {strides = array<i32>} : memref<128x144xf32, #tpu.memory_space<vmem>>, vector<16xf32>,
        %get3A_192 = arith.index_cast %add3A_170 : i32 to index
        %get3A_193 = arith.constant 48 : index
        %get3A_194 = tpu.vector_load %arg6[%get3A_192, %get3A_193] {strides = array<i32>} : memref<128x144xf32, #tpu.memory_space<vmem>>, vector<16xf32>,
        %mul3A_195 = arith.mulf %get3A_194, %broadcast_in_dim3A_166 : vector<16xf32>
        %swap3A_196 = arith.index_cast %add3A_170 : i32 to index
        %swap3A_197 = arith.constant 48 : index
        %swap3A_198 = tpu.vector_load %arg6[%swap3A_196, %swap3A_197] {strides = array<i32>} : memref<128x144xf32, #tpu.memory_space<vmem>>, vector<16xf32>,
        tpu.vector_store %arg6[%swap3A_196, %swap3A_197], %mul3A_195 {strides = array<i32>} : memref<128x144xf32, #tpu.memory_space<vmem>>, vector<16xf32>,
        %get3A_199 = arith.index_cast %add3A_170 : i32 to index
        %get3A_200 = arith.constant 64 : index
        %get3A_201 = tpu.vector_load %arg6[%get3A_199, %get3A_200] {strides = array<i32>} : memref<128x144xf32, #tpu.memory_space<vmem>>, vector<16xf32>,
        %mul3A_202 = arith.mulf %get3A_201, %broadcast_in_dim3A_166 : vector<16xf32>
        %swap3A_203 = arith.index_cast %add3A_170 : i32 to index
        %swap3A_204 = arith.constant 64 : index
        %swap3A_205 = tpu.vector_load %arg6[%swap3A_203, %swap3A_204] {strides = array<i32>} : memref<128x144xf32, #tpu.memory_space<vmem>>, vector<16xf32>,
        tpu.vector_store %arg6[%swap3A_203, %swap3A_204], %mul3A_202 {strides = array<i32>} : memref<128x144xf32, #tpu.memory_space<vmem>>, vector<16xf32>,
        %get3A_206 = arith.index_cast %add3A_170 : i32 to index
        %get3A_207 = arith.constant 80 : index
        %get3A_208 = tpu.vector_load %arg6[%get3A_206, %get3A_207] {strides = array<i32>} : memref<128x144xf32, #tpu.memory_space<vmem>>, vector<16xf32>,
        %mul3A_209 = arith.mulf %get3A_208, %broadcast_in_dim3A_166 : vector<16xf32>
        %swap3A_210 = arith.index_cast %add3A_170 : i32 to index
        %swap3A_211 = arith.constant 80 : index
        %swap3A_212 = tpu.vector_load %arg6[%swap3A_210, %swap3A_211] {strides = array<i32>} : memref<128x144xf32, #tpu.memory_space<vmem>>, vector<16xf32>,
        tpu.vector_store %arg6[%swap3A_210, %swap3A_211], %mul3A_209 {strides = array<i32>} : memref<128x144xf32, #tpu.memory_space<vmem>>, vector<16xf32>,
        %get3A_213 = arith.index_cast %add3A_170 : i32 to index
        %get3A_214 = arith.constant 96 : index
        %get3A_215 = tpu.vector_load %arg6[%get3A_213, %get3A_214] {strides = array<i32>} : memref<128x144xf32, #tpu.memory_space<vmem>>, vector<16xf32>,
        %mul3A_216 = arith.mulf %get3A_215, %broadcast_in_dim3A_166 : vector<16xf32>
        %swap3A_217 = arith.index_cast %add3A_170 : i32 to index
        %swap3A_218 = arith.constant 96 : index
        %swap3A_219 = tpu.vector_load %arg6[%swap3A_217, %swap3A_218] {strides = array<i32>} : memref<128x144xf32, #tpu.memory_space<vmem>>, vector<16xf32>,
        tpu.vector_store %arg6[%swap3A_217, %swap3A_218], %mul3A_216 {strides = array<i32>} : memref<128x144xf32, #tpu.memory_space<vmem>>, vector<16xf32>,
        %get3A_220 = arith.index_cast %add3A_170 : i32 to index
        %get3A_221 = arith.constant 112 : index
        %get3A_222 = tpu.vector_load %arg6[%get3A_220, %get3A_221] {strides = array<i32>} : memref<128x144xf32, #tpu.memory_space<vmem>>, vector<16xf32>,
        %mul3A_223 = arith.mulf %get3A_222, %broadcast_in_dim3A_166 : vector<16xf32>
        %swap3A_224 = arith.index_cast %add3A_170 : i32 to index
        %swap3A_225 = arith.constant 112 : index
        %swap3A_226 = tpu.vector_load %arg6[%swap3A_224, %swap3A_225] {strides = array<i32>} : memref<128x144xf32, #tpu.memory_space<vmem>>, vector<16xf32>,
        tpu.vector_store %arg6[%swap3A_224, %swap3A_225], %mul3A_223 {strides = array<i32>} : memref<128x144xf32, #tpu.memory_space<vmem>>, vector<16xf32>,
        %get3A_227 = arith.index_cast %add3A_170 : i32 to index
        %get3A_228 = arith.constant 128 : index
        %get3A_229 = tpu.vector_load %arg6[%get3A_227, %get3A_228] {strides = array<i32>} : memref<128x144xf32, #tpu.memory_space<vmem>>, vector<16xf32>,
        %mul3A_230 = arith.mulf %get3A_229, %broadcast_in_dim3A_166 : vector<16xf32>
        %swap3A_231 = arith.index_cast %add3A_170 : i32 to index
        %swap3A_232 = arith.constant 128 : index
        %swap3A_233 = tpu.vector_load %arg6[%swap3A_231, %swap3A_232] {strides = array<i32>} : memref<128x144xf32, #tpu.memory_space<vmem>>, vector<16xf32>,
        tpu.vector_store %arg6[%swap3A_231, %swap3A_232], %mul3A_230 {strides = array<i32>} : memref<128x144xf32, #tpu.memory_space<vmem>>, vector<16xf32>,
        %slice3A_234 = vector.extract_strided_slice %exp3A {offsets = [2], sizes = [1], strides = [1]} : vector<16xf32> to vector<1xf32>
        %squeeze3A_235 = vector.extract %slice3A_234[0] : f32 from vector<1xf32>
        %broadcast_in_dim3A_236 = vector.broadcast %squeeze3A_235 : f32 to vector<16xf32>
        %mul3A_237 = arith.constant 16 : i32
        %mul3A_238 = arith.muli %scan3A_73, %mul3A_237 : i32
        %add3A_239 = arith.constant 2 : i32
        %add3A_240 = arith.addi %mul3A_238, %add3A_239 : i32
        %get3A_241 = arith.index_cast %add3A_240 : i32 to index
        %get3A_242 = arith.constant 0 : index
        %get3A_243 = tpu.vector_load %arg6[%get3A_241, %get3A_242] {strides = array<i32>} : memref<128x144xf32, #tpu.memory_space<vmem>>, vector<16xf32>,
        %mul3A_244 = arith.mulf %get3A_243, %broadcast_in_dim3A_236 : vector<16xf32>
        %swap3A_245 = arith.index_cast %add3A_240 : i32 to index
        %swap3A_246 = arith.constant 0 : index
        %swap3A_247 = tpu.vector_load %arg6[%swap3A_245, %swap3A_246] {strides = array<i32>} : memref<128x144xf32, #tpu.memory_space<vmem>>, vector<16xf32>,
        tpu.vector_store %arg6[%swap3A_245, %swap3A_246], %mul3A_244 {strides = array<i32>} : memref<128x144xf32, #tpu.memory_space<vmem>>, vector<16xf32>,
        %get3A_248 = arith.index_cast %add3A_240 : i32 to index
        %get3A_249 = arith.constant 16 : index
        %get3A_250 = tpu.vector_load %arg6[%get3A_248, %get3A_249] {strides = array<i32>} : memref<128x144xf32, #tpu.memory_space<vmem>>, vector<16xf32>,
        %mul3A_251 = arith.mulf %get3A_250, %broadcast_in_dim3A_236 : vector<16xf32>
        %swap3A_252 = arith.index_cast %add3A_240 : i32 to index
        %swap3A_253 = arith.constant 16 : index
        %swap3A_254 = tpu.vector_load %arg6[%swap3A_252, %swap3A_253] {strides = array<i32>} : memref<128x144xf32, #tpu.memory_space<vmem>>, vector<16xf32>,
        tpu.vector_store %arg6[%swap3A_252, %swap3A_253], %mul3A_251 {strides = array<i32>} : memref<128x144xf32, #tpu.memory_space<vmem>>, vector<16xf32>,
        %get3A_255 = arith.index_cast %add3A_240 : i32 to index
        %get3A_256 = arith.constant 32 : index
        %get3A_257 = tpu.vector_load %arg6[%get3A_255, %get3A_256] {strides = array<i32>} : memref<128x144xf32, #tpu.memory_space<vmem>>, vector<16xf32>,
        %mul3A_258 = arith.mulf %get3A_257, %broadcast_in_dim3A_236 : vector<16xf32>
        %swap3A_259 = arith.index_cast %add3A_240 : i32 to index
        %swap3A_260 = arith.constant 32 : index
        %swap3A_261 = tpu.vector_load %arg6[%swap3A_259, %swap3A_260] {strides = array<i32>} : memref<128x144xf32, #tpu.memory_space<vmem>>, vector<16xf32>,
        tpu.vector_store %arg6[%swap3A_259, %swap3A_260], %mul3A_258 {strides = array<i32>} : memref<128x144xf32, #tpu.memory_space<vmem>>, vector<16xf32>,
        %get3A_262 = arith.index_cast %add3A_240 : i32 to index
        %get3A_263 = arith.constant 48 : index
        %get3A_264 = tpu.vector_load %arg6[%get3A_262, %get3A_263] {strides = array<i32>} : memref<128x144xf32, #tpu.memory_space<vmem>>, vector<16xf32>,
        %mul3A_265 = arith.mulf %get3A_264, %broadcast_in_dim3A_236 : vector<16xf32>
        %swap3A_266 = arith.index_cast %add3A_240 : i32 to index
        %swap3A_267 = arith.constant 48 : index
        %swap3A_268 = tpu.vector_load %arg6[%swap3A_266, %swap3A_267] {strides = array<i32>} : memref<128x144xf32, #tpu.memory_space<vmem>>, vector<16xf32>,
        tpu.vector_store %arg6[%swap3A_266, %swap3A_267], %mul3A_265 {strides = array<i32>} : memref<128x144xf32, #tpu.memory_space<vmem>>, vector<16xf32>,
        %get3A_269 = arith.index_cast %add3A_240 : i32 to index
        %get3A_270 = arith.constant 64 : index
        %get3A_271 = tpu.vector_load %arg6[%get3A_269, %get3A_270] {strides = array<i32>} : memref<128x144xf32, #tpu.memory_space<vmem>>, vector<16xf32>,
        %mul3A_272 = arith.mulf %get3A_271, %broadcast_in_dim3A_236 : vector<16xf32>
        %swap3A_273 = arith.index_cast %add3A_240 : i32 to index
        %swap3A_274 = arith.constant 64 : index
        %swap3A_275 = tpu.vector_load %arg6[%swap3A_273, %swap3A_274] {strides = array<i32>} : memref<128x144xf32, #tpu.memory_space<vmem>>, vector<16xf32>,
        tpu.vector_store %arg6[%swap3A_273, %swap3A_274], %mul3A_272 {strides = array<i32>} : memref<128x144xf32, #tpu.memory_space<vmem>>, vector<16xf32>,
        %get3A_276 = arith.index_cast %add3A_240 : i32 to index
        %get3A_277 = arith.constant 80 : index
        %get3A_278 = tpu.vector_load %arg6[%get3A_276, %get3A_277] {strides = array<i32>} : memref<128x144xf32, #tpu.memory_space<vmem>>, vector<16xf32>,
        %mul3A_279 = arith.mulf %get3A_278, %broadcast_in_dim3A_236 : vector<16xf32>
        %swap3A_280 = arith.index_cast %add3A_240 : i32 to index
        %swap3A_281 = arith.constant 80 : index
        %swap3A_282 = tpu.vector_load %arg6[%swap3A_280, %swap3A_281] {strides = array<i32>} : memref<128x144xf32, #tpu.memory_space<vmem>>, vector<16xf32>,
        tpu.vector_store %arg6[%swap3A_280, %swap3A_281], %mul3A_279 {strides = array<i32>} : memref<128x144xf32, #tpu.memory_space<vmem>>, vector<16xf32>,
        %get3A_283 = arith.index_cast %add3A_240 : i32 to index
        %get3A_284 = arith.constant 96 : index
        %get3A_285 = tpu.vector_load %arg6[%get3A_283, %get3A_284] {strides = array<i32>} : memref<128x144xf32, #tpu.memory_space<vmem>>, vector<16xf32>,
        %mul3A_286 = arith.mulf %get3A_285, %broadcast_in_dim3A_236 : vector<16xf32>
        %swap3A_287 = arith.index_cast %add3A_240 : i32 to index
        %swap3A_288 = arith.constant 96 : index
        %swap3A_289 = tpu.vector_load %arg6[%swap3A_287, %swap3A_288] {strides = array<i32>} : memref<128x144xf32, #tpu.memory_space<vmem>>, vector<16xf32>,
        tpu.vector_store %arg6[%swap3A_287, %swap3A_288], %mul3A_286 {strides = array<i32>} : memref<128x144xf32, #tpu.memory_space<vmem>>, vector<16xf32>,
        %get3A_290 = arith.index_cast %add3A_240 : i32 to index
        %get3A_291 = arith.constant 112 : index
        %get3A_292 = tpu.vector_load %arg6[%get3A_290, %get3A_291] {strides = array<i32>} : memref<128x144xf32, #tpu.memory_space<vmem>>, vector<16xf32>,
        %mul3A_293 = arith.mulf %get3A_292, %broadcast_in_dim3A_236 : vector<16xf32>
        %swap3A_294 = arith.index_cast %add3A_240 : i32 to index
        %swap3A_295 = arith.constant 112 : index
        %swap3A_296 = tpu.vector_load %arg6[%swap3A_294, %swap3A_295] {strides = array<i32>} : memref<128x144xf32, #tpu.memory_space<vmem>>, vector<16xf32>,
        tpu.vector_store %arg6[%swap3A_294, %swap3A_295], %mul3A_293 {strides = array<i32>} : memref<128x144xf32, #tpu.memory_space<vmem>>, vector<16xf32>,
        %get3A_297 = arith.index_cast %add3A_240 : i32 to index
        %get3A_298 = arith.constant 128 : index
        %get3A_299 = tpu.vector_load %arg6[%get3A_297, %get3A_298] {strides = array<i32>} : memref<128x144xf32, #tpu.memory_space<vmem>>, vector<16xf32>,
        %mul3A_300 = arith.mulf %get3A_299, %broadcast_in_dim3A_236 : vector<16xf32>
        %swap3A_301 = arith.index_cast %add3A_240 : i32 to index
        %swap3A_302 = arith.constant 128 : index
        %swap3A_303 = tpu.vector_load %arg6[%swap3A_301, %swap3A_302] {strides = array<i32>} : memref<128x144xf32, #tpu.memory_space<vmem>>, vector<16xf32>,
        tpu.vector_store %arg6[%swap3A_301, %swap3A_302], %mul3A_300 {strides = array<i32>} : memref<128x144xf32, #tpu.memory_space<vmem>>, vector<16xf32>,
        %slice3A_304 = vector.extract_strided_slice %exp3A {offsets = [3], sizes = [1], strides = [1]} : vector<16xf32> to vector<1xf32>
        %squeeze3A_305 = vector.extract %slice3A_304[0] : f32 from vector<1xf32>
        %broadcast_in_dim3A_306 = vector.broadcast %squeeze3A_305 : f32 to vector<16xf32>
        %mul3A_307 = arith.constant 16 : i32
        %mul3A_308 = arith.muli %scan3A_73, %mul3A_307 : i32
        %add3A_309 = arith.constant 3 : i32
        %add3A_310 = arith.addi %mul3A_308, %add3A_309 : i32
        %get3A_311 = arith.index_cast %add3A_310 : i32 to index
        %get3A_312 = arith.constant 0 : index
        %get3A_313 = tpu.vector_load %arg6[%get3A_311, %get3A_312] {strides = array<i32>} : memref<128x144xf32, #tpu.memory_space<vmem>>, vector<16xf32>,
        %mul3A_314 = arith.mulf %get3A_313, %broadcast_in_dim3A_306 : vector<16xf32>
        %swap3A_315 = arith.index_cast %add3A_310 : i32 to index
        %swap3A_316 = arith.constant 0 : index
        %swap3A_317 = tpu.vector_load %arg6[%swap3A_315, %swap3A_316] {strides = array<i32>} : memref<128x144xf32, #tpu.memory_space<vmem>>, vector<16xf32>,
        tpu.vector_store %arg6[%swap3A_315, %swap3A_316], %mul3A_314 {strides = array<i32>} : memref<128x144xf32, #tpu.memory_space<vmem>>, vector<16xf32>,
        %get3A_318 = arith.index_cast %add3A_310 : i32 to index
        %get3A_319 = arith.constant 16 : index
        %get3A_320 = tpu.vector_load %arg6[%get3A_318, %get3A_319] {strides = array<i32>} : memref<128x144xf32, #tpu.memory_space<vmem>>, vector<16xf32>,
        %mul3A_321 = arith.mulf %get3A_320, %broadcast_in_dim3A_306 : vector<16xf32>
        %swap3A_322 = arith.index_cast %add3A_310 : i32 to index
        %swap3A_323 = arith.constant 16 : index
        %swap3A_324 = tpu.vector_load %arg6[%swap3A_322, %swap3A_323] {strides = array<i32>} : memref<128x144xf32, #tpu.memory_space<vmem>>, vector<16xf32>,
        tpu.vector_store %arg6[%swap3A_322, %swap3A_323], %mul3A_321 {strides = array<i32>} : memref<128x144xf32, #tpu.memory_space<vmem>>, vector<16xf32>,
        %get3A_325 = arith.index_cast %add3A_310 : i32 to index
        %get3A_326 = arith.constant 32 : index
        %get3A_327 = tpu.vector_load %arg6[%get3A_325, %get3A_326] {strides = array<i32>} : memref<128x144xf32, #tpu.memory_space<vmem>>, vector<16xf32>,
        %mul3A_328 = arith.mulf %get3A_327, %broadcast_in_dim3A_306 : vector<16xf32>
        %swap3A_329 = arith.index_cast %add3A_310 : i32 to index
        %swap3A_330 = arith.constant 32 : index
        %swap3A_331 = tpu.vector_load %arg6[%swap3A_329, %swap3A_330] {strides = array<i32>} : memref<128x144xf32, #tpu.memory_space<vmem>>, vector<16xf32>,
        tpu.vector_store %arg6[%swap3A_329, %swap3A_330], %mul3A_328 {strides = array<i32>} : memref<128x144xf32, #tpu.memory_space<vmem>>, vector<16xf32>,
        %get3A_332 = arith.index_cast %add3A_310 : i32 to index
        %get3A_333 = arith.constant 48 : index
        %get3A_334 = tpu.vector_load %arg6[%get3A_332, %get3A_333] {strides = array<i32>} : memref<128x144xf32, #tpu.memory_space<vmem>>, vector<16xf32>,
        %mul3A_335 = arith.mulf %get3A_334, %broadcast_in_dim3A_306 : vector<16xf32>
        %swap3A_336 = arith.index_cast %add3A_310 : i32 to index
        %swap3A_337 = arith.constant 48 : index
        %swap3A_338 = tpu.vector_load %arg6[%swap3A_336, %swap3A_337] {strides = array<i32>} : memref<128x144xf32, #tpu.memory_space<vmem>>, vector<16xf32>,
        tpu.vector_store %arg6[%swap3A_336, %swap3A_337], %mul3A_335 {strides = array<i32>} : memref<128x144xf32, #tpu.memory_space<vmem>>, vector<16xf32>,
        %get3A_339 = arith.index_cast %add3A_310 : i32 to index
        %get3A_340 = arith.constant 64 : index
        %get3A_341 = tpu.vector_load %arg6[%get3A_339, %get3A_340] {strides = array<i32>} : memref<128x144xf32, #tpu.memory_space<vmem>>, vector<16xf32>,
        %mul3A_342 = arith.mulf %get3A_341, %broadcast_in_dim3A_306 : vector<16xf32>
        %swap3A_343 = arith.index_cast %add3A_310 : i32 to index
        %swap3A_344 = arith.constant 64 : index
        %swap3A_345 = tpu.vector_load %arg6[%swap3A_343, %swap3A_344] {strides = array<i32>} : memref<128x144xf32, #tpu.memory_space<vmem>>, vector<16xf32>,
        tpu.vector_store %arg6[%swap3A_343, %swap3A_344], %mul3A_342 {strides = array<i32>} : memref<128x144xf32, #tpu.memory_space<vmem>>, vector<16xf32>,
        %get3A_346 = arith.index_cast %add3A_310 : i32 to index
        %get3A_347 = arith.constant 80 : index
        %get3A_348 = tpu.vector_load %arg6[%get3A_346, %get3A_347] {strides = array<i32>} : memref<128x144xf32, #tpu.memory_space<vmem>>, vector<16xf32>,
        %mul3A_349 = arith.mulf %get3A_348, %broadcast_in_dim3A_306 : vector<16xf32>
        %swap3A_350 = arith.index_cast %add3A_310 : i32 to index
        %swap3A_351 = arith.constant 80 : index
        %swap3A_352 = tpu.vector_load %arg6[%swap3A_350, %swap3A_351] {strides = array<i32>} : memref<128x144xf32, #tpu.memory_space<vmem>>, vector<16xf32>,
        tpu.vector_store %arg6[%swap3A_350, %swap3A_351], %mul3A_349 {strides = array<i32>} : memref<128x144xf32, #tpu.memory_space<vmem>>, vector<16xf32>,
        %get3A_353 = arith.index_cast %add3A_310 : i32 to index
        %get3A_354 = arith.constant 96 : index
        %get3A_355 = tpu.vector_load %arg6[%get3A_353, %get3A_354] {strides = array<i32>} : memref<128x144xf32, #tpu.memory_space<vmem>>, vector<16xf32>,
        %mul3A_356 = arith.mulf %get3A_355, %broadcast_in_dim3A_306 : vector<16xf32>
        %swap3A_357 = arith.index_cast %add3A_310 : i32 to index
        %swap3A_358 = arith.constant 96 : index
        %swap3A_359 = tpu.vector_load %arg6[%swap3A_357, %swap3A_358] {strides = array<i32>} : memref<128x144xf32, #tpu.memory_space<vmem>>, vector<16xf32>,
        tpu.vector_store %arg6[%swap3A_357, %swap3A_358], %mul3A_356 {strides = array<i32>} : memref<128x144xf32, #tpu.memory_space<vmem>>, vector<16xf32>,
        %get3A_360 = arith.index_cast %add3A_310 : i32 to index
        %get3A_361 = arith.constant 112 : index
        %get3A_362 = tpu.vector_load %arg6[%get3A_360, %get3A_361] {strides = array<i32>} : memref<128x144xf32, #tpu.memory_space<vmem>>, vector<16xf32>,
        %mul3A_363 = arith.mulf %get3A_362, %broadcast_in_dim3A_306 : vector<16xf32>
        %swap3A_364 = arith.index_cast %add3A_310 : i32 to index
        %swap3A_365 = arith.constant 112 : index
        %swap3A_366 = tpu.vector_load %arg6[%swap3A_364, %swap3A_365] {strides = array<i32>} : memref<128x144xf32, #tpu.memory_space<vmem>>, vector<16xf32>,
        tpu.vector_store %arg6[%swap3A_364, %swap3A_365], %mul3A_363 {strides = array<i32>} : memref<128x144xf32, #tpu.memory_space<vmem>>, vector<16xf32>,
        %get3A_367 = arith.index_cast %add3A_310 : i32 to index
        %get3A_368 = arith.constant 128 : index
        %get3A_369 = tpu.vector_load %arg6[%get3A_367, %get3A_368] {strides = array<i32>} : memref<128x144xf32, #tpu.memory_space<vmem>>, vector<16xf32>,
        %mul3A_370 = arith.mulf %get3A_369, %broadcast_in_dim3A_306 : vector<16xf32>
        %swap3A_371 = arith.index_cast %add3A_310 : i32 to index
        %swap3A_372 = arith.constant 128 : index
        %swap3A_373 = tpu.vector_load %arg6[%swap3A_371, %swap3A_372] {strides = array<i32>} : memref<128x144xf32, #tpu.memory_space<vmem>>, vector<16xf32>,
        tpu.vector_store %arg6[%swap3A_371, %swap3A_372], %mul3A_370 {strides = array<i32>} : memref<128x144xf32, #tpu.memory_space<vmem>>, vector<16xf32>,
        %slice3A_374 = vector.extract_strided_slice %exp3A {offsets = [4], sizes = [1], strides = [1]} : vector<16xf32> to vector<1xf32>
        %squeeze3A_375 = vector.extract %slice3A_374[0] : f32 from vector<1xf32>
        %broadcast_in_dim3A_376 = vector.broadcast %squeeze3A_375 : f32 to vector<16xf32>
        %mul3A_377 = arith.constant 16 : i32
        %mul3A_378 = arith.muli %scan3A_73, %mul3A_377 : i32
        %add3A_379 = arith.constant 4 : i32
        %add3A_380 = arith.addi %mul3A_378, %add3A_379 : i32
        %get3A_381 = arith.index_cast %add3A_380 : i32 to index
        %get3A_382 = arith.constant 0 : index
        %get3A_383 = tpu.vector_load %arg6[%get3A_381, %get3A_382] {strides = array<i32>} : memref<128x144xf32, #tpu.memory_space<vmem>>, vector<16xf32>,
        %mul3A_384 = arith.mulf %get3A_383, %broadcast_in_dim3A_376 : vector<16xf32>
        %swap3A_385 = arith.index_cast %add3A_380 : i32 to index
        %swap3A_386 = arith.constant 0 : index
        %swap3A_387 = tpu.vector_load %arg6[%swap3A_385, %swap3A_386] {strides = array<i32>} : memref<128x144xf32, #tpu.memory_space<vmem>>, vector<16xf32>,
        tpu.vector_store %arg6[%swap3A_385, %swap3A_386], %mul3A_384 {strides = array<i32>} : memref<128x144xf32, #tpu.memory_space<vmem>>, vector<16xf32>,
        %get3A_388 = arith.index_cast %add3A_380 : i32 to index
        %get3A_389 = arith.constant 16 : index
        %get3A_390 = tpu.vector_load %arg6[%get3A_388, %get3A_389] {strides = array<i32>} : memref<128x144xf32, #tpu.memory_space<vmem>>, vector<16xf32>,
        %mul3A_391 = arith.mulf %get3A_390, %broadcast_in_dim3A_376 : vector<16xf32>
        %swap3A_392 = arith.index_cast %add3A_380 : i32 to index
        %swap3A_393 = arith.constant 16 : index
        %swap3A_394 = tpu.vector_load %arg6[%swap3A_392, %swap3A_393] {strides = array<i32>} : memref<128x144xf32, #tpu.memory_space<vmem>>, vector<16xf32>,
        tpu.vector_store %arg6[%swap3A_392, %swap3A_393], %mul3A_391 {strides = array<i32>} : memref<128x144xf32, #tpu.memory_space<vmem>>, vector<16xf32>,
        %get3A_395 = arith.index_cast %add3A_380 : i32 to index
        %get3A_396 = arith.constant 32 : index
        %get3A_397 = tpu.vector_load %arg6[%get3A_395, %get3A_396] {strides = array<i32>} : memref<128x144xf32, #tpu.memory_space<vmem>>, vector<16xf32>,
        %mul3A_398 = arith.mulf %get3A_397, %broadcast_in_dim3A_376 : vector<16xf32>
        %swap3A_399 = arith.index_cast %add3A_380 : i32 to index
        %swap3A_400 = arith.constant 32 : index
        %swap3A_401 = tpu.vector_load %arg6[%swap3A_399, %swap3A_400] {strides = array<i32>} : memref<128x144xf32, #tpu.memory_space<vmem>>, vector<16xf32>,
        tpu.vector_store %arg6[%swap3A_399, %swap3A_400], %mul3A_398 {strides = array<i32>} : memref<128x144xf32, #tpu.memory_space<vmem>>, vector<16xf32>,
        %get3A_402 = arith.index_cast %add3A_380 : i32 to index
        %get3A_403 = arith.constant 48 : index
        %get3A_404 = tpu.vector_load %arg6[%get3A_402, %get3A_403] {strides = array<i32>} : memref<128x144xf32, #tpu.memory_space<vmem>>, vector<16xf32>,
        %mul3A_405 = arith.mulf %get3A_404, %broadcast_in_dim3A_376 : vector<16xf32>
        %swap3A_406 = arith.index_cast %add3A_380 : i32 to index
        %swap3A_407 = arith.constant 48 : index
        %swap3A_408 = tpu.vector_load %arg6[%swap3A_406, %swap3A_407] {strides = array<i32>} : memref<128x144xf32, #tpu.memory_space<vmem>>, vector<16xf32>,
        tpu.vector_store %arg6[%swap3A_406, %swap3A_407], %mul3A_405 {strides = array<i32>} : memref<128x144xf32, #tpu.memory_space<vmem>>, vector<16xf32>,
        %get3A_409 = arith.index_cast %add3A_380 : i32 to index
        %get3A_410 = arith.constant 64 : index
        %get3A_411 = tpu.vector_load %arg6[%get3A_409, %get3A_410] {strides = array<i32>} : memref<128x144xf32, #tpu.memory_space<vmem>>, vector<16xf32>,
        %mul3A_412 = arith.mulf %get3A_411, %broadcast_in_dim3A_376 : vector<16xf32>
        %swap3A_413 = arith.index_cast %add3A_380 : i32 to index
        %swap3A_414 = arith.constant 64 : index
        %swap3A_415 = tpu.vector_load %arg6[%swap3A_413, %swap3A_414] {strides = array<i32>} : memref<128x144xf32, #tpu.memory_space<vmem>>, vector<16xf32>,
        tpu.vector_store %arg6[%swap3A_413, %swap3A_414], %mul3A_412 {strides = array<i32>} : memref<128x144xf32, #tpu.memory_space<vmem>>, vector<16xf32>,
        %get3A_416 = arith.index_cast %add3A_380 : i32 to index
        %get3A_417 = arith.constant 80 : index
        %get3A_418 = tpu.vector_load %arg6[%get3A_416, %get3A_417] {strides = array<i32>} : memref<128x144xf32, #tpu.memory_space<vmem>>, vector<16xf32>,
        %mul3A_419 = arith.mulf %get3A_418, %broadcast_in_dim3A_376 : vector<16xf32>
        %swap3A_420 = arith.index_cast %add3A_380 : i32 to index
        %swap3A_421 = arith.constant 80 : index
        %swap3A_422 = tpu.vector_load %arg6[%swap3A_420, %swap3A_421] {strides = array<i32>} : memref<128x144xf32, #tpu.memory_space<vmem>>, vector<16xf32>,
        tpu.vector_store %arg6[%swap3A_420, %swap3A_421], %mul3A_419 {strides = array<i32>} : memref<128x144xf32, #tpu.memory_space<vmem>>, vector<16xf32>,
        %get3A_423 = arith.index_cast %add3A_380 : i32 to index
        %get3A_424 = arith.constant 96 : index
        %get3A_425 = tpu.vector_load %arg6[%get3A_423, %get3A_424] {strides = array<i32>} : memref<128x144xf32, #tpu.memory_space<vmem>>, vector<16xf32>,
        %mul3A_426 = arith.mulf %get3A_425, %broadcast_in_dim3A_376 : vector<16xf32>
        %swap3A_427 = arith.index_cast %add3A_380 : i32 to index
        %swap3A_428 = arith.constant 96 : index
        %swap3A_429 = tpu.vector_load %arg6[%swap3A_427, %swap3A_428] {strides = array<i32>} : memref<128x144xf32, #tpu.memory_space<vmem>>, vector<16xf32>,
        tpu.vector_store %arg6[%swap3A_427, %swap3A_428], %mul3A_426 {strides = array<i32>} : memref<128x144xf32, #tpu.memory_space<vmem>>, vector<16xf32>,
        %get3A_430 = arith.index_cast %add3A_380 : i32 to index
        %get3A_431 = arith.constant 112 : index
        %get3A_432 = tpu.vector_load %arg6[%get3A_430, %get3A_431] {strides = array<i32>} : memref<128x144xf32, #tpu.memory_space<vmem>>, vector<16xf32>,
        %mul3A_433 = arith.mulf %get3A_432, %broadcast_in_dim3A_376 : vector<16xf32>
        %swap3A_434 = arith.index_cast %add3A_380 : i32 to index
        %swap3A_435 = arith.constant 112 : index
        %swap3A_436 = tpu.vector_load %arg6[%swap3A_434, %swap3A_435] {strides = array<i32>} : memref<128x144xf32, #tpu.memory_space<vmem>>, vector<16xf32>,
        tpu.vector_store %arg6[%swap3A_434, %swap3A_435], %mul3A_433 {strides = array<i32>} : memref<128x144xf32, #tpu.memory_space<vmem>>, vector<16xf32>,
        %get3A_437 = arith.index_cast %add3A_380 : i32 to index
        %get3A_438 = arith.constant 128 : index
        %get3A_439 = tpu.vector_load %arg6[%get3A_437, %get3A_438] {strides = array<i32>} : memref<128x144xf32, #tpu.memory_space<vmem>>, vector<16xf32>,
        %mul3A_440 = arith.mulf %get3A_439, %broadcast_in_dim3A_376 : vector<16xf32>
        %swap3A_441 = arith.index_cast %add3A_380 : i32 to index
        %swap3A_442 = arith.constant 128 : index
        %swap3A_443 = tpu.vector_load %arg6[%swap3A_441, %swap3A_442] {strides = array<i32>} : memref<128x144xf32, #tpu.memory_space<vmem>>, vector<16xf32>,
        tpu.vector_store %arg6[%swap3A_441, %swap3A_442], %mul3A_440 {strides = array<i32>} : memref<128x144xf32, #tpu.memory_space<vmem>>, vector<16xf32>,
        %slice3A_444 = vector.extract_strided_slice %exp3A {offsets = [5], sizes = [1], strides = [1]} : vector<16xf32> to vector<1xf32>
        %squeeze3A_445 = vector.extract %slice3A_444[0] : f32 from vector<1xf32>
        %broadcast_in_dim3A_446 = vector.broadcast %squeeze3A_445 : f32 to vector<16xf32>
        %mul3A_447 = arith.constant 16 : i32
        %mul3A_448 = arith.muli %scan3A_73, %mul3A_447 : i32
        %add3A_449 = arith.constant 5 : i32
        %add3A_450 = arith.addi %mul3A_448, %add3A_449 : i32
        %get3A_451 = arith.index_cast %add3A_450 : i32 to index
        %get3A_452 = arith.constant 0 : index
        %get3A_453 = tpu.vector_load %arg6[%get3A_451, %get3A_452] {strides = array<i32>} : memref<128x144xf32, #tpu.memory_space<vmem>>, vector<16xf32>,
        %mul3A_454 = arith.mulf %get3A_453, %broadcast_in_dim3A_446 : vector<16xf32>
        %swap3A_455 = arith.index_cast %add3A_450 : i32 to index
        %swap3A_456 = arith.constant 0 : index
        %swap3A_457 = tpu.vector_load %arg6[%swap3A_455, %swap3A_456] {strides = array<i32>} : memref<128x144xf32, #tpu.memory_space<vmem>>, vector<16xf32>,
        tpu.vector_store %arg6[%swap3A_455, %swap3A_456], %mul3A_454 {strides = array<i32>} : memref<128x144xf32, #tpu.memory_space<vmem>>, vector<16xf32>,
        %get3A_458 = arith.index_cast %add3A_450 : i32 to index
        %get3A_459 = arith.constant 16 : index
        %get3A_460 = tpu.vector_load %arg6[%get3A_458, %get3A_459] {strides = array<i32>} : memref<128x144xf32, #tpu.memory_space<vmem>>, vector<16xf32>,
        %mul3A_461 = arith.mulf %get3A_460, %broadcast_in_dim3A_446 : vector<16xf32>
        %swap3A_462 = arith.index_cast %add3A_450 : i32 to index
        %swap3A_463 = arith.constant 16 : index
        %swap3A_464 = tpu.vector_load %arg6[%swap3A_462, %swap3A_463] {strides = array<i32>} : memref<128x144xf32, #tpu.memory_space<vmem>>, vector<16xf32>,
        tpu.vector_store %arg6[%swap3A_462, %swap3A_463], %mul3A_461 {strides = array<i32>} : memref<128x144xf32, #tpu.memory_space<vmem>>, vector<16xf32>,
        %get3A_465 = arith.index_cast %add3A_450 : i32 to index
        %get3A_466 = arith.constant 32 : index
        %get3A_467 = tpu.vector_load %arg6[%get3A_465, %get3A_466] {strides = array<i32>} : memref<128x144xf32, #tpu.memory_space<vmem>>, vector<16xf32>,
        %mul3A_468 = arith.mulf %get3A_467, %broadcast_in_dim3A_446 : vector<16xf32>
        %swap3A_469 = arith.index_cast %add3A_450 : i32 to index
        %swap3A_470 = arith.constant 32 : index
        %swap3A_471 = tpu.vector_load %arg6[%swap3A_469, %swap3A_470] {strides = array<i32>} : memref<128x144xf32, #tpu.memory_space<vmem>>, vector<16xf32>,
        tpu.vector_store %arg6[%swap3A_469, %swap3A_470], %mul3A_468 {strides = array<i32>} : memref<128x144xf32, #tpu.memory_space<vmem>>, vector<16xf32>,
        %get3A_472 = arith.index_cast %add3A_450 : i32 to index
        %get3A_473 = arith.constant 48 : index
        %get3A_474 = tpu.vector_load %arg6[%get3A_472, %get3A_473] {strides = array<i32>} : memref<128x144xf32, #tpu.memory_space<vmem>>, vector<16xf32>,
        %mul3A_475 = arith.mulf %get3A_474, %broadcast_in_dim3A_446 : vector<16xf32>
        %swap3A_476 = arith.index_cast %add3A_450 : i32 to index
        %swap3A_477 = arith.constant 48 : index
        %swap3A_478 = tpu.vector_load %arg6[%swap3A_476, %swap3A_477] {strides = array<i32>} : memref<128x144xf32, #tpu.memory_space<vmem>>, vector<16xf32>,
        tpu.vector_store %arg6[%swap3A_476, %swap3A_477], %mul3A_475 {strides = array<i32>} : memref<128x144xf32, #tpu.memory_space<vmem>>, vector<16xf32>,
        %get3A_479 = arith.index_cast %add3A_450 : i32 to index
        %get3A_480 = arith.constant 64 : index
        %get3A_481 = tpu.vector_load %arg6[%get3A_479, %get3A_480] {strides = array<i32>} : memref<128x144xf32, #tpu.memory_space<vmem>>, vector<16xf32>,
        %mul3A_482 = arith.mulf %get3A_481, %broadcast_in_dim3A_446 : vector<16xf32>
        %swap3A_483 = arith.index_cast %add3A_450 : i32 to index
        %swap3A_484 = arith.constant 64 : index
        %swap3A_485 = tpu.vector_load %arg6[%swap3A_483, %swap3A_484] {strides = array<i32>} : memref<128x144xf32, #tpu.memory_space<vmem>>, vector<16xf32>,
        tpu.vector_store %arg6[%swap3A_483, %swap3A_484], %mul3A_482 {strides = array<i32>} : memref<128x144xf32, #tpu.memory_space<vmem>>, vector<16xf32>,
        %get3A_486 = arith.index_cast %add3A_450 : i32 to index
        %get3A_487 = arith.constant 80 : index
        %get3A_488 = tpu.vector_load %arg6[%get3A_486, %get3A_487] {strides = array<i32>} : memref<128x144xf32, #tpu.memory_space<vmem>>, vector<16xf32>,
        %mul3A_489 = arith.mulf %get3A_488, %broadcast_in_dim3A_446 : vector<16xf32>
        %swap3A_490 = arith.index_cast %add3A_450 : i32 to index
        %swap3A_491 = arith.constant 80 : index
        %swap3A_492 = tpu.vector_load %arg6[%swap3A_490, %swap3A_491] {strides = array<i32>} : memref<128x144xf32, #tpu.memory_space<vmem>>, vector<16xf32>,
        tpu.vector_store %arg6[%swap3A_490, %swap3A_491], %mul3A_489 {strides = array<i32>} : memref<128x144xf32, #tpu.memory_space<vmem>>, vector<16xf32>,
        %get3A_493 = arith.index_cast %add3A_450 : i32 to index
        %get3A_494 = arith.constant 96 : index
        %get3A_495 = tpu.vector_load %arg6[%get3A_493, %get3A_494] {strides = array<i32>} : memref<128x144xf32, #tpu.memory_space<vmem>>, vector<16xf32>,
        %mul3A_496 = arith.mulf %get3A_495, %broadcast_in_dim3A_446 : vector<16xf32>
        %swap3A_497 = arith.index_cast %add3A_450 : i32 to index
        %swap3A_498 = arith.constant 96 : index
        %swap3A_499 = tpu.vector_load %arg6[%swap3A_497, %swap3A_498] {strides = array<i32>} : memref<128x144xf32, #tpu.memory_space<vmem>>, vector<16xf32>,
        tpu.vector_store %arg6[%swap3A_497, %swap3A_498], %mul3A_496 {strides = array<i32>} : memref<128x144xf32, #tpu.memory_space<vmem>>, vector<16xf32>,
        %get3A_500 = arith.index_cast %add3A_450 : i32 to index
        %get3A_501 = arith.constant 112 : index
        %get3A_502 = tpu.vector_load %arg6[%get3A_500, %get3A_501] {strides = array<i32>} : memref<128x144xf32, #tpu.memory_space<vmem>>, vector<16xf32>,
        %mul3A_503 = arith.mulf %get3A_502, %broadcast_in_dim3A_446 : vector<16xf32>
        %swap3A_504 = arith.index_cast %add3A_450 : i32 to index
        %swap3A_505 = arith.constant 112 : index
        %swap3A_506 = tpu.vector_load %arg6[%swap3A_504, %swap3A_505] {strides = array<i32>} : memref<128x144xf32, #tpu.memory_space<vmem>>, vector<16xf32>,
        tpu.vector_store %arg6[%swap3A_504, %swap3A_505], %mul3A_503 {strides = array<i32>} : memref<128x144xf32, #tpu.memory_space<vmem>>, vector<16xf32>,
        %get3A_507 = arith.index_cast %add3A_450 : i32 to index
        %get3A_508 = arith.constant 128 : index
        %get3A_509 = tpu.vector_load %arg6[%get3A_507, %get3A_508] {strides = array<i32>} : memref<128x144xf32, #tpu.memory_space<vmem>>, vector<16xf32>,
        %mul3A_510 = arith.mulf %get3A_509, %broadcast_in_dim3A_446 : vector<16xf32>
        %swap3A_511 = arith.index_cast %add3A_450 : i32 to index
        %swap3A_512 = arith.constant 128 : index
        %swap3A_513 = tpu.vector_load %arg6[%swap3A_511, %swap3A_512] {strides = array<i32>} : memref<128x144xf32, #tpu.memory_space<vmem>>, vector<16xf32>,
        tpu.vector_store %arg6[%swap3A_511, %swap3A_512], %mul3A_510 {strides = array<i32>} : memref<128x144xf32, #tpu.memory_space<vmem>>, vector<16xf32>,
        %slice3A_514 = vector.extract_strided_slice %exp3A {offsets = [6], sizes = [1], strides = [1]} : vector<16xf32> to vector<1xf32>
        %squeeze3A_515 = vector.extract %slice3A_514[0] : f32 from vector<1xf32>
        %broadcast_in_dim3A_516 = vector.broadcast %squeeze3A_515 : f32 to vector<16xf32>
        %mul3A_517 = arith.constant 16 : i32
        %mul3A_518 = arith.muli %scan3A_73, %mul3A_517 : i32
        %add3A_519 = arith.constant 6 : i32
        %add3A_520 = arith.addi %mul3A_518, %add3A_519 : i32
        %get3A_521 = arith.index_cast %add3A_520 : i32 to index
        %get3A_522 = arith.constant 0 : index
        %get3A_523 = tpu.vector_load %arg6[%get3A_521, %get3A_522] {strides = array<i32>} : memref<128x144xf32, #tpu.memory_space<vmem>>, vector<16xf32>,
        %mul3A_524 = arith.mulf %get3A_523, %broadcast_in_dim3A_516 : vector<16xf32>
        %swap3A_525 = arith.index_cast %add3A_520 : i32 to index
        %swap3A_526 = arith.constant 0 : index
        %swap3A_527 = tpu.vector_load %arg6[%swap3A_525, %swap3A_526] {strides = array<i32>} : memref<128x144xf32, #tpu.memory_space<vmem>>, vector<16xf32>,
        tpu.vector_store %arg6[%swap3A_525, %swap3A_526], %mul3A_524 {strides = array<i32>} : memref<128x144xf32, #tpu.memory_space<vmem>>, vector<16xf32>,
        %get3A_528 = arith.index_cast %add3A_520 : i32 to index
        %get3A_529 = arith.constant 16 : index
        %get3A_530 = tpu.vector_load %arg6[%get3A_528, %get3A_529] {strides = array<i32>} : memref<128x144xf32, #tpu.memory_space<vmem>>, vector<16xf32>,
        %mul3A_531 = arith.mulf %get3A_530, %broadcast_in_dim3A_516 : vector<16xf32>
        %swap3A_532 = arith.index_cast %add3A_520 : i32 to index
        %swap3A_533 = arith.constant 16 : index
        %swap3A_534 = tpu.vector_load %arg6[%swap3A_532, %swap3A_533] {strides = array<i32>} : memref<128x144xf32, #tpu.memory_space<vmem>>, vector<16xf32>,
        tpu.vector_store %arg6[%swap3A_532, %swap3A_533], %mul3A_531 {strides = array<i32>} : memref<128x144xf32, #tpu.memory_space<vmem>>, vector<16xf32>,
        %get3A_535 = arith.index_cast %add3A_520 : i32 to index
        %get3A_536 = arith.constant 32 : index
        %get3A_537 = tpu.vector_load %arg6[%get3A_535, %get3A_536] {strides = array<i32>} : memref<128x144xf32, #tpu.memory_space<vmem>>, vector<16xf32>,
        %mul3A_538 = arith.mulf %get3A_537, %broadcast_in_dim3A_516 : vector<16xf32>
        %swap3A_539 = arith.index_cast %add3A_520 : i32 to index
        %swap3A_540 = arith.constant 32 : index
        %swap3A_541 = tpu.vector_load %arg6[%swap3A_539, %swap3A_540] {strides = array<i32>} : memref<128x144xf32, #tpu.memory_space<vmem>>, vector<16xf32>,
        tpu.vector_store %arg6[%swap3A_539, %swap3A_540], %mul3A_538 {strides = array<i32>} : memref<128x144xf32, #tpu.memory_space<vmem>>, vector<16xf32>,
        %get3A_542 = arith.index_cast %add3A_520 : i32 to index
        %get3A_543 = arith.constant 48 : index
        %get3A_544 = tpu.vector_load %arg6[%get3A_542, %get3A_543] {strides = array<i32>} : memref<128x144xf32, #tpu.memory_space<vmem>>, vector<16xf32>,
        %mul3A_545 = arith.mulf %get3A_544, %broadcast_in_dim3A_516 : vector<16xf32>
        %swap3A_546 = arith.index_cast %add3A_520 : i32 to index
        %swap3A_547 = arith.constant 48 : index
        %swap3A_548 = tpu.vector_load %arg6[%swap3A_546, %swap3A_547] {strides = array<i32>} : memref<128x144xf32, #tpu.memory_space<vmem>>, vector<16xf32>,
        tpu.vector_store %arg6[%swap3A_546, %swap3A_547], %mul3A_545 {strides = array<i32>} : memref<128x144xf32, #tpu.memory_space<vmem>>, vector<16xf32>,
        %get3A_549 = arith.index_cast %add3A_520 : i32 to index
        %get3A_550 = arith.constant 64 : index
        %get3A_551 = tpu.vector_load %arg6[%get3A_549, %get3A_550] {strides = array<i32>} : memref<128x144xf32, #tpu.memory_space<vmem>>, vector<16xf32>,
        %mul3A_552 = arith.mulf %get3A_551, %broadcast_in_dim3A_516 : vector<16xf32>
        %swap3A_553 = arith.index_cast %add3A_520 : i32 to index
        %swap3A_554 = arith.constant 64 : index
        %swap3A_555 = tpu.vector_load %arg6[%swap3A_553, %swap3A_554] {strides = array<i32>} : memref<128x144xf32, #tpu.memory_space<vmem>>, vector<16xf32>,
        tpu.vector_store %arg6[%swap3A_553, %swap3A_554], %mul3A_552 {strides = array<i32>} : memref<128x144xf32, #tpu.memory_space<vmem>>, vector<16xf32>,
        %get3A_556 = arith.index_cast %add3A_520 : i32 to index
        %get3A_557 = arith.constant 80 : index
        %get3A_558 = tpu.vector_load %arg6[%get3A_556, %get3A_557] {strides = array<i32>} : memref<128x144xf32, #tpu.memory_space<vmem>>, vector<16xf32>,
        %mul3A_559 = arith.mulf %get3A_558, %broadcast_in_dim3A_516 : vector<16xf32>
        %swap3A_560 = arith.index_cast %add3A_520 : i32 to index
        %swap3A_561 = arith.constant 80 : index
        %swap3A_562 = tpu.vector_load %arg6[%swap3A_560, %swap3A_561] {strides = array<i32>} : memref<128x144xf32, #tpu.memory_space<vmem>>, vector<16xf32>,
        tpu.vector_store %arg6[%swap3A_560, %swap3A_561], %mul3A_559 {strides = array<i32>} : memref<128x144xf32, #tpu.memory_space<vmem>>, vector<16xf32>,
        %get3A_563 = arith.index_cast %add3A_520 : i32 to index
        %get3A_564 = arith.constant 96 : index
        %get3A_565 = tpu.vector_load %arg6[%get3A_563, %get3A_564] {strides = array<i32>} : memref<128x144xf32, #tpu.memory_space<vmem>>, vector<16xf32>,
        %mul3A_566 = arith.mulf %get3A_565, %broadcast_in_dim3A_516 : vector<16xf32>
        %swap3A_567 = arith.index_cast %add3A_520 : i32 to index
        %swap3A_568 = arith.constant 96 : index
        %swap3A_569 = tpu.vector_load %arg6[%swap3A_567, %swap3A_568] {strides = array<i32>} : memref<128x144xf32, #tpu.memory_space<vmem>>, vector<16xf32>,
        tpu.vector_store %arg6[%swap3A_567, %swap3A_568], %mul3A_566 {strides = array<i32>} : memref<128x144xf32, #tpu.memory_space<vmem>>, vector<16xf32>,
        %get3A_570 = arith.index_cast %add3A_520 : i32 to index
        %get3A_571 = arith.constant 112 : index
        %get3A_572 = tpu.vector_load %arg6[%get3A_570, %get3A_571] {strides = array<i32>} : memref<128x144xf32, #tpu.memory_space<vmem>>, vector<16xf32>,
        %mul3A_573 = arith.mulf %get3A_572, %broadcast_in_dim3A_516 : vector<16xf32>
        %swap3A_574 = arith.index_cast %add3A_520 : i32 to index
        %swap3A_575 = arith.constant 112 : index
        %swap3A_576 = tpu.vector_load %arg6[%swap3A_574, %swap3A_575] {strides = array<i32>} : memref<128x144xf32, #tpu.memory_space<vmem>>, vector<16xf32>,
        tpu.vector_store %arg6[%swap3A_574, %swap3A_575], %mul3A_573 {strides = array<i32>} : memref<128x144xf32, #tpu.memory_space<vmem>>, vector<16xf32>,
        %get3A_577 = arith.index_cast %add3A_520 : i32 to index
        %get3A_578 = arith.constant 128 : index
        %get3A_579 = tpu.vector_load %arg6[%get3A_577, %get3A_578] {strides = array<i32>} : memref<128x144xf32, #tpu.memory_space<vmem>>, vector<16xf32>,
        %mul3A_580 = arith.mulf %get3A_579, %broadcast_in_dim3A_516 : vector<16xf32>
        %swap3A_581 = arith.index_cast %add3A_520 : i32 to index
        %swap3A_582 = arith.constant 128 : index
        %swap3A_583 = tpu.vector_load %arg6[%swap3A_581, %swap3A_582] {strides = array<i32>} : memref<128x144xf32, #tpu.memory_space<vmem>>, vector<16xf32>,
        tpu.vector_store %arg6[%swap3A_581, %swap3A_582], %mul3A_580 {strides = array<i32>} : memref<128x144xf32, #tpu.memory_space<vmem>>, vector<16xf32>,
        %slice3A_584 = vector.extract_strided_slice %exp3A {offsets = [7], sizes = [1], strides = [1]} : vector<16xf32> to vector<1xf32>
        %squeeze3A_585 = vector.extract %slice3A_584[0] : f32 from vector<1xf32>
        %broadcast_in_dim3A_586 = vector.broadcast %squeeze3A_585 : f32 to vector<16xf32>
        %mul3A_587 = arith.constant 16 : i32
        %mul3A_588 = arith.muli %scan3A_73, %mul3A_587 : i32
        %add3A_589 = arith.constant 7 : i32
        %add3A_590 = arith.addi %mul3A_588, %add3A_589 : i32
        %get3A_591 = arith.index_cast %add3A_590 : i32 to index
        %get3A_592 = arith.constant 0 : index
        %get3A_593 = tpu.vector_load %arg6[%get3A_591, %get3A_592] {strides = array<i32>} : memref<128x144xf32, #tpu.memory_space<vmem>>, vector<16xf32>,
        %mul3A_594 = arith.mulf %get3A_593, %broadcast_in_dim3A_586 : vector<16xf32>
        %swap3A_595 = arith.index_cast %add3A_590 : i32 to index
        %swap3A_596 = arith.constant 0 : index
        %swap3A_597 = tpu.vector_load %arg6[%swap3A_595, %swap3A_596] {strides = array<i32>} : memref<128x144xf32, #tpu.memory_space<vmem>>, vector<16xf32>,
        tpu.vector_store %arg6[%swap3A_595, %swap3A_596], %mul3A_594 {strides = array<i32>} : memref<128x144xf32, #tpu.memory_space<vmem>>, vector<16xf32>,
        %get3A_598 = arith.index_cast %add3A_590 : i32 to index
        %get3A_599 = arith.constant 16 : index
        %get3A_600 = tpu.vector_load %arg6[%get3A_598, %get3A_599] {strides = array<i32>} : memref<128x144xf32, #tpu.memory_space<vmem>>, vector<16xf32>,
        %mul3A_601 = arith.mulf %get3A_600, %broadcast_in_dim3A_586 : vector<16xf32>
        %swap3A_602 = arith.index_cast %add3A_590 : i32 to index
        %swap3A_603 = arith.constant 16 : index
        %swap3A_604 = tpu.vector_load %arg6[%swap3A_602, %swap3A_603] {strides = array<i32>} : memref<128x144xf32, #tpu.memory_space<vmem>>, vector<16xf32>,
        tpu.vector_store %arg6[%swap3A_602, %swap3A_603], %mul3A_601 {strides = array<i32>} : memref<128x144xf32, #tpu.memory_space<vmem>>, vector<16xf32>,
        %get3A_605 = arith.index_cast %add3A_590 : i32 to index
        %get3A_606 = arith.constant 32 : index
        %get3A_607 = tpu.vector_load %arg6[%get3A_605, %get3A_606] {strides = array<i32>} : memref<128x144xf32, #tpu.memory_space<vmem>>, vector<16xf32>,
        %mul3A_608 = arith.mulf %get3A_607, %broadcast_in_dim3A_586 : vector<16xf32>
        %swap3A_609 = arith.index_cast %add3A_590 : i32 to index
        %swap3A_610 = arith.constant 32 : index
        %swap3A_611 = tpu.vector_load %arg6[%swap3A_609, %swap3A_610] {strides = array<i32>} : memref<128x144xf32, #tpu.memory_space<vmem>>, vector<16xf32>,
        tpu.vector_store %arg6[%swap3A_609, %swap3A_610], %mul3A_608 {strides = array<i32>} : memref<128x144xf32, #tpu.memory_space<vmem>>, vector<16xf32>,
        %get3A_612 = arith.index_cast %add3A_590 : i32 to index
        %get3A_613 = arith.constant 48 : index
        %get3A_614 = tpu.vector_load %arg6[%get3A_612, %get3A_613] {strides = array<i32>} : memref<128x144xf32, #tpu.memory_space<vmem>>, vector<16xf32>,
        %mul3A_615 = arith.mulf %get3A_614, %broadcast_in_dim3A_586 : vector<16xf32>
        %swap3A_616 = arith.index_cast %add3A_590 : i32 to index
        %swap3A_617 = arith.constant 48 : index
        %swap3A_618 = tpu.vector_load %arg6[%swap3A_616, %swap3A_617] {strides = array<i32>} : memref<128x144xf32, #tpu.memory_space<vmem>>, vector<16xf32>,
        tpu.vector_store %arg6[%swap3A_616, %swap3A_617], %mul3A_615 {strides = array<i32>} : memref<128x144xf32, #tpu.memory_space<vmem>>, vector<16xf32>,
        %get3A_619 = arith.index_cast %add3A_590 : i32 to index
        %get3A_620 = arith.constant 64 : index
        %get3A_621 = tpu.vector_load %arg6[%get3A_619, %get3A_620] {strides = array<i32>} : memref<128x144xf32, #tpu.memory_space<vmem>>, vector<16xf32>,
        %mul3A_622 = arith.mulf %get3A_621, %broadcast_in_dim3A_586 : vector<16xf32>
        %swap3A_623 = arith.index_cast %add3A_590 : i32 to index
        %swap3A_624 = arith.constant 64 : index
        %swap3A_625 = tpu.vector_load %arg6[%swap3A_623, %swap3A_624] {strides = array<i32>} : memref<128x144xf32, #tpu.memory_space<vmem>>, vector<16xf32>,
        tpu.vector_store %arg6[%swap3A_623, %swap3A_624], %mul3A_622 {strides = array<i32>} : memref<128x144xf32, #tpu.memory_space<vmem>>, vector<16xf32>,
        %get3A_626 = arith.index_cast %add3A_590 : i32 to index
        %get3A_627 = arith.constant 80 : index
        %get3A_628 = tpu.vector_load %arg6[%get3A_626, %get3A_627] {strides = array<i32>} : memref<128x144xf32, #tpu.memory_space<vmem>>, vector<16xf32>,
        %mul3A_629 = arith.mulf %get3A_628, %broadcast_in_dim3A_586 : vector<16xf32>
        %swap3A_630 = arith.index_cast %add3A_590 : i32 to index
        %swap3A_631 = arith.constant 80 : index
        %swap3A_632 = tpu.vector_load %arg6[%swap3A_630, %swap3A_631] {strides = array<i32>} : memref<128x144xf32, #tpu.memory_space<vmem>>, vector<16xf32>,
        tpu.vector_store %arg6[%swap3A_630, %swap3A_631], %mul3A_629 {strides = array<i32>} : memref<128x144xf32, #tpu.memory_space<vmem>>, vector<16xf32>,
        %get3A_633 = arith.index_cast %add3A_590 : i32 to index
        %get3A_634 = arith.constant 96 : index
        %get3A_635 = tpu.vector_load %arg6[%get3A_633, %get3A_634] {strides = array<i32>} : memref<128x144xf32, #tpu.memory_space<vmem>>, vector<16xf32>,
        %mul3A_636 = arith.mulf %get3A_635, %broadcast_in_dim3A_586 : vector<16xf32>
        %swap3A_637 = arith.index_cast %add3A_590 : i32 to index
        %swap3A_638 = arith.constant 96 : index
        %swap3A_639 = tpu.vector_load %arg6[%swap3A_637, %swap3A_638] {strides = array<i32>} : memref<128x144xf32, #tpu.memory_space<vmem>>, vector<16xf32>,
        tpu.vector_store %arg6[%swap3A_637, %swap3A_638], %mul3A_636 {strides = array<i32>} : memref<128x144xf32, #tpu.memory_space<vmem>>, vector<16xf32>,
        %get3A_640 = arith.index_cast %add3A_590 : i32 to index
        %get3A_641 = arith.constant 112 : index
        %get3A_642 = tpu.vector_load %arg6[%get3A_640, %get3A_641] {strides = array<i32>} : memref<128x144xf32, #tpu.memory_space<vmem>>, vector<16xf32>,
        %mul3A_643 = arith.mulf %get3A_642, %broadcast_in_dim3A_586 : vector<16xf32>
        %swap3A_644 = arith.index_cast %add3A_590 : i32 to index
        %swap3A_645 = arith.constant 112 : index
        %swap3A_646 = tpu.vector_load %arg6[%swap3A_644, %swap3A_645] {strides = array<i32>} : memref<128x144xf32, #tpu.memory_space<vmem>>, vector<16xf32>,
        tpu.vector_store %arg6[%swap3A_644, %swap3A_645], %mul3A_643 {strides = array<i32>} : memref<128x144xf32, #tpu.memory_space<vmem>>, vector<16xf32>,
        %get3A_647 = arith.index_cast %add3A_590 : i32 to index
        %get3A_648 = arith.constant 128 : index
        %get3A_649 = tpu.vector_load %arg6[%get3A_647, %get3A_648] {strides = array<i32>} : memref<128x144xf32, #tpu.memory_space<vmem>>, vector<16xf32>,
        %mul3A_650 = arith.mulf %get3A_649, %broadcast_in_dim3A_586 : vector<16xf32>
        %swap3A_651 = arith.index_cast %add3A_590 : i32 to index
        %swap3A_652 = arith.constant 128 : index
        %swap3A_653 = tpu.vector_load %arg6[%swap3A_651, %swap3A_652] {strides = array<i32>} : memref<128x144xf32, #tpu.memory_space<vmem>>, vector<16xf32>,
        tpu.vector_store %arg6[%swap3A_651, %swap3A_652], %mul3A_650 {strides = array<i32>} : memref<128x144xf32, #tpu.memory_space<vmem>>, vector<16xf32>,
        %slice3A_654 = vector.extract_strided_slice %exp3A {offsets = [8], sizes = [1], strides = [1]} : vector<16xf32> to vector<1xf32>
        %squeeze3A_655 = vector.extract %slice3A_654[0] : f32 from vector<1xf32>
        %broadcast_in_dim3A_656 = vector.broadcast %squeeze3A_655 : f32 to vector<16xf32>
        %mul3A_657 = arith.constant 16 : i32
        %mul3A_658 = arith.muli %scan3A_73, %mul3A_657 : i32
        %add3A_659 = arith.constant 8 : i32
        %add3A_660 = arith.addi %mul3A_658, %add3A_659 : i32
        %get3A_661 = arith.index_cast %add3A_660 : i32 to index
        %get3A_662 = arith.constant 0 : index
        %get3A_663 = tpu.vector_load %arg6[%get3A_661, %get3A_662] {strides = array<i32>} : memref<128x144xf32, #tpu.memory_space<vmem>>, vector<16xf32>,
        %mul3A_664 = arith.mulf %get3A_663, %broadcast_in_dim3A_656 : vector<16xf32>
        %swap3A_665 = arith.index_cast %add3A_660 : i32 to index
        %swap3A_666 = arith.constant 0 : index
        %swap3A_667 = tpu.vector_load %arg6[%swap3A_665, %swap3A_666] {strides = array<i32>} : memref<128x144xf32, #tpu.memory_space<vmem>>, vector<16xf32>,
        tpu.vector_store %arg6[%swap3A_665, %swap3A_666], %mul3A_664 {strides = array<i32>} : memref<128x144xf32, #tpu.memory_space<vmem>>, vector<16xf32>,
        %get3A_668 = arith.index_cast %add3A_660 : i32 to index
        %get3A_669 = arith.constant 16 : index
        %get3A_670 = tpu.vector_load %arg6[%get3A_668, %get3A_669] {strides = array<i32>} : memref<128x144xf32, #tpu.memory_space<vmem>>, vector<16xf32>,
        %mul3A_671 = arith.mulf %get3A_670, %broadcast_in_dim3A_656 : vector<16xf32>
        %swap3A_672 = arith.index_cast %add3A_660 : i32 to index
        %swap3A_673 = arith.constant 16 : index
        %swap3A_674 = tpu.vector_load %arg6[%swap3A_672, %swap3A_673] {strides = array<i32>} : memref<128x144xf32, #tpu.memory_space<vmem>>, vector<16xf32>,
        tpu.vector_store %arg6[%swap3A_672, %swap3A_673], %mul3A_671 {strides = array<i32>} : memref<128x144xf32, #tpu.memory_space<vmem>>, vector<16xf32>,
        %get3A_675 = arith.index_cast %add3A_660 : i32 to index
        %get3A_676 = arith.constant 32 : index
        %get3A_677 = tpu.vector_load %arg6[%get3A_675, %get3A_676] {strides = array<i32>} : memref<128x144xf32, #tpu.memory_space<vmem>>, vector<16xf32>,
        %mul3A_678 = arith.mulf %get3A_677, %broadcast_in_dim3A_656 : vector<16xf32>
        %swap3A_679 = arith.index_cast %add3A_660 : i32 to index
        %swap3A_680 = arith.constant 32 : index
        %swap3A_681 = tpu.vector_load %arg6[%swap3A_679, %swap3A_680] {strides = array<i32>} : memref<128x144xf32, #tpu.memory_space<vmem>>, vector<16xf32>,
        tpu.vector_store %arg6[%swap3A_679, %swap3A_680], %mul3A_678 {strides = array<i32>} : memref<128x144xf32, #tpu.memory_space<vmem>>, vector<16xf32>,
        %get3A_682 = arith.index_cast %add3A_660 : i32 to index
        %get3A_683 = arith.constant 48 : index
        %get3A_684 = tpu.vector_load %arg6[%get3A_682, %get3A_683] {strides = array<i32>} : memref<128x144xf32, #tpu.memory_space<vmem>>, vector<16xf32>,
        %mul3A_685 = arith.mulf %get3A_684, %broadcast_in_dim3A_656 : vector<16xf32>
        %swap3A_686 = arith.index_cast %add3A_660 : i32 to index
        %swap3A_687 = arith.constant 48 : index
        %swap3A_688 = tpu.vector_load %arg6[%swap3A_686, %swap3A_687] {strides = array<i32>} : memref<128x144xf32, #tpu.memory_space<vmem>>, vector<16xf32>,
        tpu.vector_store %arg6[%swap3A_686, %swap3A_687], %mul3A_685 {strides = array<i32>} : memref<128x144xf32, #tpu.memory_space<vmem>>, vector<16xf32>,
        %get3A_689 = arith.index_cast %add3A_660 : i32 to index
        %get3A_690 = arith.constant 64 : index
        %get3A_691 = tpu.vector_load %arg6[%get3A_689, %get3A_690] {strides = array<i32>} : memref<128x144xf32, #tpu.memory_space<vmem>>, vector<16xf32>,
        %mul3A_692 = arith.mulf %get3A_691, %broadcast_in_dim3A_656 : vector<16xf32>
        %swap3A_693 = arith.index_cast %add3A_660 : i32 to index
        %swap3A_694 = arith.constant 64 : index
        %swap3A_695 = tpu.vector_load %arg6[%swap3A_693, %swap3A_694] {strides = array<i32>} : memref<128x144xf32, #tpu.memory_space<vmem>>, vector<16xf32>,
        tpu.vector_store %arg6[%swap3A_693, %swap3A_694], %mul3A_692 {strides = array<i32>} : memref<128x144xf32, #tpu.memory_space<vmem>>, vector<16xf32>,
        %get3A_696 = arith.index_cast %add3A_660 : i32 to index
        %get3A_697 = arith.constant 80 : index
        %get3A_698 = tpu.vector_load %arg6[%get3A_696, %get3A_697] {strides = array<i32>} : memref<128x144xf32, #tpu.memory_space<vmem>>, vector<16xf32>,
        %mul3A_699 = arith.mulf %get3A_698, %broadcast_in_dim3A_656 : vector<16xf32>
        %swap3A_700 = arith.index_cast %add3A_660 : i32 to index
        %swap3A_701 = arith.constant 80 : index
        %swap3A_702 = tpu.vector_load %arg6[%swap3A_700, %swap3A_701] {strides = array<i32>} : memref<128x144xf32, #tpu.memory_space<vmem>>, vector<16xf32>,
        tpu.vector_store %arg6[%swap3A_700, %swap3A_701], %mul3A_699 {strides = array<i32>} : memref<128x144xf32, #tpu.memory_space<vmem>>, vector<16xf32>,
        %get3A_703 = arith.index_cast %add3A_660 : i32 to index
        %get3A_704 = arith.constant 96 : index
        %get3A_705 = tpu.vector_load %arg6[%get3A_703, %get3A_704] {strides = array<i32>} : memref<128x144xf32, #tpu.memory_space<vmem>>, vector<16xf32>,
        %mul3A_706 = arith.mulf %get3A_705, %broadcast_in_dim3A_656 : vector<16xf32>
        %swap3A_707 = arith.index_cast %add3A_660 : i32 to index
        %swap3A_708 = arith.constant 96 : index
        %swap3A_709 = tpu.vector_load %arg6[%swap3A_707, %swap3A_708] {strides = array<i32>} : memref<128x144xf32, #tpu.memory_space<vmem>>, vector<16xf32>,
        tpu.vector_store %arg6[%swap3A_707, %swap3A_708], %mul3A_706 {strides = array<i32>} : memref<128x144xf32, #tpu.memory_space<vmem>>, vector<16xf32>,
        %get3A_710 = arith.index_cast %add3A_660 : i32 to index
        %get3A_711 = arith.constant 112 : index
        %get3A_712 = tpu.vector_load %arg6[%get3A_710, %get3A_711] {strides = array<i32>} : memref<128x144xf32, #tpu.memory_space<vmem>>, vector<16xf32>,
        %mul3A_713 = arith.mulf %get3A_712, %broadcast_in_dim3A_656 : vector<16xf32>
        %swap3A_714 = arith.index_cast %add3A_660 : i32 to index
        %swap3A_715 = arith.constant 112 : index
        %swap3A_716 = tpu.vector_load %arg6[%swap3A_714, %swap3A_715] {strides = array<i32>} : memref<128x144xf32, #tpu.memory_space<vmem>>, vector<16xf32>,
        tpu.vector_store %arg6[%swap3A_714, %swap3A_715], %mul3A_713 {strides = array<i32>} : memref<128x144xf32, #tpu.memory_space<vmem>>, vector<16xf32>,
        %get3A_717 = arith.index_cast %add3A_660 : i32 to index
        %get3A_718 = arith.constant 128 : index
        %get3A_719 = tpu.vector_load %arg6[%get3A_717, %get3A_718] {strides = array<i32>} : memref<128x144xf32, #tpu.memory_space<vmem>>, vector<16xf32>,
        %mul3A_720 = arith.mulf %get3A_719, %broadcast_in_dim3A_656 : vector<16xf32>
        %swap3A_721 = arith.index_cast %add3A_660 : i32 to index
        %swap3A_722 = arith.constant 128 : index
        %swap3A_723 = tpu.vector_load %arg6[%swap3A_721, %swap3A_722] {strides = array<i32>} : memref<128x144xf32, #tpu.memory_space<vmem>>, vector<16xf32>,
        tpu.vector_store %arg6[%swap3A_721, %swap3A_722], %mul3A_720 {strides = array<i32>} : memref<128x144xf32, #tpu.memory_space<vmem>>, vector<16xf32>,
        %slice3A_724 = vector.extract_strided_slice %exp3A {offsets = [9], sizes = [1], strides = [1]} : vector<16xf32> to vector<1xf32>
        %squeeze3A_725 = vector.extract %slice3A_724[0] : f32 from vector<1xf32>
        %broadcast_in_dim3A_726 = vector.broadcast %squeeze3A_725 : f32 to vector<16xf32>
        %mul3A_727 = arith.constant 16 : i32
        %mul3A_728 = arith.muli %scan3A_73, %mul3A_727 : i32
        %add3A_729 = arith.constant 9 : i32
        %add3A_730 = arith.addi %mul3A_728, %add3A_729 : i32
        %get3A_731 = arith.index_cast %add3A_730 : i32 to index
        %get3A_732 = arith.constant 0 : index
        %get3A_733 = tpu.vector_load %arg6[%get3A_731, %get3A_732] {strides = array<i32>} : memref<128x144xf32, #tpu.memory_space<vmem>>, vector<16xf32>,
        %mul3A_734 = arith.mulf %get3A_733, %broadcast_in_dim3A_726 : vector<16xf32>
        %swap3A_735 = arith.index_cast %add3A_730 : i32 to index
        %swap3A_736 = arith.constant 0 : index
        %swap3A_737 = tpu.vector_load %arg6[%swap3A_735, %swap3A_736] {strides = array<i32>} : memref<128x144xf32, #tpu.memory_space<vmem>>, vector<16xf32>,
        tpu.vector_store %arg6[%swap3A_735, %swap3A_736], %mul3A_734 {strides = array<i32>} : memref<128x144xf32, #tpu.memory_space<vmem>>, vector<16xf32>,
        %get3A_738 = arith.index_cast %add3A_730 : i32 to index
        %get3A_739 = arith.constant 16 : index
        %get3A_740 = tpu.vector_load %arg6[%get3A_738, %get3A_739] {strides = array<i32>} : memref<128x144xf32, #tpu.memory_space<vmem>>, vector<16xf32>,
        %mul3A_741 = arith.mulf %get3A_740, %broadcast_in_dim3A_726 : vector<16xf32>
        %swap3A_742 = arith.index_cast %add3A_730 : i32 to index
        %swap3A_743 = arith.constant 16 : index
        %swap3A_744 = tpu.vector_load %arg6[%swap3A_742, %swap3A_743] {strides = array<i32>} : memref<128x144xf32, #tpu.memory_space<vmem>>, vector<16xf32>,
        tpu.vector_store %arg6[%swap3A_742, %swap3A_743], %mul3A_741 {strides = array<i32>} : memref<128x144xf32, #tpu.memory_space<vmem>>, vector<16xf32>,
        %get3A_745 = arith.index_cast %add3A_730 : i32 to index
        %get3A_746 = arith.constant 32 : index
        %get3A_747 = tpu.vector_load %arg6[%get3A_745, %get3A_746] {strides = array<i32>} : memref<128x144xf32, #tpu.memory_space<vmem>>, vector<16xf32>,
        %mul3A_748 = arith.mulf %get3A_747, %broadcast_in_dim3A_726 : vector<16xf32>
        %swap3A_749 = arith.index_cast %add3A_730 : i32 to index
        %swap3A_750 = arith.constant 32 : index
        %swap3A_751 = tpu.vector_load %arg6[%swap3A_749, %swap3A_750] {strides = array<i32>} : memref<128x144xf32, #tpu.memory_space<vmem>>, vector<16xf32>,
        tpu.vector_store %arg6[%swap3A_749, %swap3A_750], %mul3A_748 {strides = array<i32>} : memref<128x144xf32, #tpu.memory_space<vmem>>, vector<16xf32>,
        %get3A_752 = arith.index_cast %add3A_730 : i32 to index
        %get3A_753 = arith.constant 48 : index
        %get3A_754 = tpu.vector_load %arg6[%get3A_752, %get3A_753] {strides = array<i32>} : memref<128x144xf32, #tpu.memory_space<vmem>>, vector<16xf32>,
        %mul3A_755 = arith.mulf %get3A_754, %broadcast_in_dim3A_726 : vector<16xf32>
        %swap3A_756 = arith.index_cast %add3A_730 : i32 to index
        %swap3A_757 = arith.constant 48 : index
        %swap3A_758 = tpu.vector_load %arg6[%swap3A_756, %swap3A_757] {strides = array<i32>} : memref<128x144xf32, #tpu.memory_space<vmem>>, vector<16xf32>,
        tpu.vector_store %arg6[%swap3A_756, %swap3A_757], %mul3A_755 {strides = array<i32>} : memref<128x144xf32, #tpu.memory_space<vmem>>, vector<16xf32>,
        %get3A_759 = arith.index_cast %add3A_730 : i32 to index
        %get3A_760 = arith.constant 64 : index
        %get3A_761 = tpu.vector_load %arg6[%get3A_759, %get3A_760] {strides = array<i32>} : memref<128x144xf32, #tpu.memory_space<vmem>>, vector<16xf32>,
        %mul3A_762 = arith.mulf %get3A_761, %broadcast_in_dim3A_726 : vector<16xf32>
        %swap3A_763 = arith.index_cast %add3A_730 : i32 to index
        %swap3A_764 = arith.constant 64 : index
        %swap3A_765 = tpu.vector_load %arg6[%swap3A_763, %swap3A_764] {strides = array<i32>} : memref<128x144xf32, #tpu.memory_space<vmem>>, vector<16xf32>,
        tpu.vector_store %arg6[%swap3A_763, %swap3A_764], %mul3A_762 {strides = array<i32>} : memref<128x144xf32, #tpu.memory_space<vmem>>, vector<16xf32>,
        %get3A_766 = arith.index_cast %add3A_730 : i32 to index
        %get3A_767 = arith.constant 80 : index
        %get3A_768 = tpu.vector_load %arg6[%get3A_766, %get3A_767] {strides = array<i32>} : memref<128x144xf32, #tpu.memory_space<vmem>>, vector<16xf32>,
        %mul3A_769 = arith.mulf %get3A_768, %broadcast_in_dim3A_726 : vector<16xf32>
        %swap3A_770 = arith.index_cast %add3A_730 : i32 to index
        %swap3A_771 = arith.constant 80 : index
        %swap3A_772 = tpu.vector_load %arg6[%swap3A_770, %swap3A_771] {strides = array<i32>} : memref<128x144xf32, #tpu.memory_space<vmem>>, vector<16xf32>,
        tpu.vector_store %arg6[%swap3A_770, %swap3A_771], %mul3A_769 {strides = array<i32>} : memref<128x144xf32, #tpu.memory_space<vmem>>, vector<16xf32>,
        %get3A_773 = arith.index_cast %add3A_730 : i32 to index
        %get3A_774 = arith.constant 96 : index
        %get3A_775 = tpu.vector_load %arg6[%get3A_773, %get3A_774] {strides = array<i32>} : memref<128x144xf32, #tpu.memory_space<vmem>>, vector<16xf32>,
        %mul3A_776 = arith.mulf %get3A_775, %broadcast_in_dim3A_726 : vector<16xf32>
        %swap3A_777 = arith.index_cast %add3A_730 : i32 to index
        %swap3A_778 = arith.constant 96 : index
        %swap3A_779 = tpu.vector_load %arg6[%swap3A_777, %swap3A_778] {strides = array<i32>} : memref<128x144xf32, #tpu.memory_space<vmem>>, vector<16xf32>,
        tpu.vector_store %arg6[%swap3A_777, %swap3A_778], %mul3A_776 {strides = array<i32>} : memref<128x144xf32, #tpu.memory_space<vmem>>, vector<16xf32>,
        %get3A_780 = arith.index_cast %add3A_730 : i32 to index
        %get3A_781 = arith.constant 112 : index
        %get3A_782 = tpu.vector_load %arg6[%get3A_780, %get3A_781] {strides = array<i32>} : memref<128x144xf32, #tpu.memory_space<vmem>>, vector<16xf32>,
        %mul3A_783 = arith.mulf %get3A_782, %broadcast_in_dim3A_726 : vector<16xf32>
        %swap3A_784 = arith.index_cast %add3A_730 : i32 to index
        %swap3A_785 = arith.constant 112 : index
        %swap3A_786 = tpu.vector_load %arg6[%swap3A_784, %swap3A_785] {strides = array<i32>} : memref<128x144xf32, #tpu.memory_space<vmem>>, vector<16xf32>,
        tpu.vector_store %arg6[%swap3A_784, %swap3A_785], %mul3A_783 {strides = array<i32>} : memref<128x144xf32, #tpu.memory_space<vmem>>, vector<16xf32>,
        %get3A_787 = arith.index_cast %add3A_730 : i32 to index
        %get3A_788 = arith.constant 128 : index
        %get3A_789 = tpu.vector_load %arg6[%get3A_787, %get3A_788] {strides = array<i32>} : memref<128x144xf32, #tpu.memory_space<vmem>>, vector<16xf32>,
        %mul3A_790 = arith.mulf %get3A_789, %broadcast_in_dim3A_726 : vector<16xf32>
        %swap3A_791 = arith.index_cast %add3A_730 : i32 to index
        %swap3A_792 = arith.constant 128 : index
        %swap3A_793 = tpu.vector_load %arg6[%swap3A_791, %swap3A_792] {strides = array<i32>} : memref<128x144xf32, #tpu.memory_space<vmem>>, vector<16xf32>,
        tpu.vector_store %arg6[%swap3A_791, %swap3A_792], %mul3A_790 {strides = array<i32>} : memref<128x144xf32, #tpu.memory_space<vmem>>, vector<16xf32>,
        %slice3A_794 = vector.extract_strided_slice %exp3A {offsets = [10], sizes = [1], strides = [1]} : vector<16xf32> to vector<1xf32>
        %squeeze3A_795 = vector.extract %slice3A_794[0] : f32 from vector<1xf32>
        %broadcast_in_dim3A_796 = vector.broadcast %squeeze3A_795 : f32 to vector<16xf32>
        %mul3A_797 = arith.constant 16 : i32
        %mul3A_798 = arith.muli %scan3A_73, %mul3A_797 : i32
        %add3A_799 = arith.constant 10 : i32
        %add3A_800 = arith.addi %mul3A_798, %add3A_799 : i32
        %get3A_801 = arith.index_cast %add3A_800 : i32 to index
        %get3A_802 = arith.constant 0 : index
        %get3A_803 = tpu.vector_load %arg6[%get3A_801, %get3A_802] {strides = array<i32>} : memref<128x144xf32, #tpu.memory_space<vmem>>, vector<16xf32>,
        %mul3A_804 = arith.mulf %get3A_803, %broadcast_in_dim3A_796 : vector<16xf32>
        %swap3A_805 = arith.index_cast %add3A_800 : i32 to index
        %swap3A_806 = arith.constant 0 : index
        %swap3A_807 = tpu.vector_load %arg6[%swap3A_805, %swap3A_806] {strides = array<i32>} : memref<128x144xf32, #tpu.memory_space<vmem>>, vector<16xf32>,
        tpu.vector_store %arg6[%swap3A_805, %swap3A_806], %mul3A_804 {strides = array<i32>} : memref<128x144xf32, #tpu.memory_space<vmem>>, vector<16xf32>,
        %get3A_808 = arith.index_cast %add3A_800 : i32 to index
        %get3A_809 = arith.constant 16 : index
        %get3A_810 = tpu.vector_load %arg6[%get3A_808, %get3A_809] {strides = array<i32>} : memref<128x144xf32, #tpu.memory_space<vmem>>, vector<16xf32>,
        %mul3A_811 = arith.mulf %get3A_810, %broadcast_in_dim3A_796 : vector<16xf32>
        %swap3A_812 = arith.index_cast %add3A_800 : i32 to index
        %swap3A_813 = arith.constant 16 : index
        %swap3A_814 = tpu.vector_load %arg6[%swap3A_812, %swap3A_813] {strides = array<i32>} : memref<128x144xf32, #tpu.memory_space<vmem>>, vector<16xf32>,
        tpu.vector_store %arg6[%swap3A_812, %swap3A_813], %mul3A_811 {strides = array<i32>} : memref<128x144xf32, #tpu.memory_space<vmem>>, vector<16xf32>,
        %get3A_815 = arith.index_cast %add3A_800 : i32 to index
        %get3A_816 = arith.constant 32 : index
        %get3A_817 = tpu.vector_load %arg6[%get3A_815, %get3A_816] {strides = array<i32>} : memref<128x144xf32, #tpu.memory_space<vmem>>, vector<16xf32>,
        %mul3A_818 = arith.mulf %get3A_817, %broadcast_in_dim3A_796 : vector<16xf32>
        %swap3A_819 = arith.index_cast %add3A_800 : i32 to index
        %swap3A_820 = arith.constant 32 : index
        %swap3A_821 = tpu.vector_load %arg6[%swap3A_819, %swap3A_820] {strides = array<i32>} : memref<128x144xf32, #tpu.memory_space<vmem>>, vector<16xf32>,
        tpu.vector_store %arg6[%swap3A_819, %swap3A_820], %mul3A_818 {strides = array<i32>} : memref<128x144xf32, #tpu.memory_space<vmem>>, vector<16xf32>,
        %get3A_822 = arith.index_cast %add3A_800 : i32 to index
        %get3A_823 = arith.constant 48 : index
        %get3A_824 = tpu.vector_load %arg6[%get3A_822, %get3A_823] {strides = array<i32>} : memref<128x144xf32, #tpu.memory_space<vmem>>, vector<16xf32>,
        %mul3A_825 = arith.mulf %get3A_824, %broadcast_in_dim3A_796 : vector<16xf32>
        %swap3A_826 = arith.index_cast %add3A_800 : i32 to index
        %swap3A_827 = arith.constant 48 : index
        %swap3A_828 = tpu.vector_load %arg6[%swap3A_826, %swap3A_827] {strides = array<i32>} : memref<128x144xf32, #tpu.memory_space<vmem>>, vector<16xf32>,
        tpu.vector_store %arg6[%swap3A_826, %swap3A_827], %mul3A_825 {strides = array<i32>} : memref<128x144xf32, #tpu.memory_space<vmem>>, vector<16xf32>,
        %get3A_829 = arith.index_cast %add3A_800 : i32 to index
        %get3A_830 = arith.constant 64 : index
        %get3A_831 = tpu.vector_load %arg6[%get3A_829, %get3A_830] {strides = array<i32>} : memref<128x144xf32, #tpu.memory_space<vmem>>, vector<16xf32>,
        %mul3A_832 = arith.mulf %get3A_831, %broadcast_in_dim3A_796 : vector<16xf32>
        %swap3A_833 = arith.index_cast %add3A_800 : i32 to index
        %swap3A_834 = arith.constant 64 : index
        %swap3A_835 = tpu.vector_load %arg6[%swap3A_833, %swap3A_834] {strides = array<i32>} : memref<128x144xf32, #tpu.memory_space<vmem>>, vector<16xf32>,
        tpu.vector_store %arg6[%swap3A_833, %swap3A_834], %mul3A_832 {strides = array<i32>} : memref<128x144xf32, #tpu.memory_space<vmem>>, vector<16xf32>,
        %get3A_836 = arith.index_cast %add3A_800 : i32 to index
        %get3A_837 = arith.constant 80 : index
        %get3A_838 = tpu.vector_load %arg6[%get3A_836, %get3A_837] {strides = array<i32>} : memref<128x144xf32, #tpu.memory_space<vmem>>, vector<16xf32>,
        %mul3A_839 = arith.mulf %get3A_838, %broadcast_in_dim3A_796 : vector<16xf32>
        %swap3A_840 = arith.index_cast %add3A_800 : i32 to index
        %swap3A_841 = arith.constant 80 : index
        %swap3A_842 = tpu.vector_load %arg6[%swap3A_840, %swap3A_841] {strides = array<i32>} : memref<128x144xf32, #tpu.memory_space<vmem>>, vector<16xf32>,
        tpu.vector_store %arg6[%swap3A_840, %swap3A_841], %mul3A_839 {strides = array<i32>} : memref<128x144xf32, #tpu.memory_space<vmem>>, vector<16xf32>,
        %get3A_843 = arith.index_cast %add3A_800 : i32 to index
        %get3A_844 = arith.constant 96 : index
        %get3A_845 = tpu.vector_load %arg6[%get3A_843, %get3A_844] {strides = array<i32>} : memref<128x144xf32, #tpu.memory_space<vmem>>, vector<16xf32>,
        %mul3A_846 = arith.mulf %get3A_845, %broadcast_in_dim3A_796 : vector<16xf32>
        %swap3A_847 = arith.index_cast %add3A_800 : i32 to index
        %swap3A_848 = arith.constant 96 : index
        %swap3A_849 = tpu.vector_load %arg6[%swap3A_847, %swap3A_848] {strides = array<i32>} : memref<128x144xf32, #tpu.memory_space<vmem>>, vector<16xf32>,
        tpu.vector_store %arg6[%swap3A_847, %swap3A_848], %mul3A_846 {strides = array<i32>} : memref<128x144xf32, #tpu.memory_space<vmem>>, vector<16xf32>,
        %get3A_850 = arith.index_cast %add3A_800 : i32 to index
        %get3A_851 = arith.constant 112 : index
        %get3A_852 = tpu.vector_load %arg6[%get3A_850, %get3A_851] {strides = array<i32>} : memref<128x144xf32, #tpu.memory_space<vmem>>, vector<16xf32>,
        %mul3A_853 = arith.mulf %get3A_852, %broadcast_in_dim3A_796 : vector<16xf32>
        %swap3A_854 = arith.index_cast %add3A_800 : i32 to index
        %swap3A_855 = arith.constant 112 : index
        %swap3A_856 = tpu.vector_load %arg6[%swap3A_854, %swap3A_855] {strides = array<i32>} : memref<128x144xf32, #tpu.memory_space<vmem>>, vector<16xf32>,
        tpu.vector_store %arg6[%swap3A_854, %swap3A_855], %mul3A_853 {strides = array<i32>} : memref<128x144xf32, #tpu.memory_space<vmem>>, vector<16xf32>,
        %get3A_857 = arith.index_cast %add3A_800 : i32 to index
        %get3A_858 = arith.constant 128 : index
        %get3A_859 = tpu.vector_load %arg6[%get3A_857, %get3A_858] {strides = array<i32>} : memref<128x144xf32, #tpu.memory_space<vmem>>, vector<16xf32>,
        %mul3A_860 = arith.mulf %get3A_859, %broadcast_in_dim3A_796 : vector<16xf32>
        %swap3A_861 = arith.index_cast %add3A_800 : i32 to index
        %swap3A_862 = arith.constant 128 : index
        %swap3A_863 = tpu.vector_load %arg6[%swap3A_861, %swap3A_862] {strides = array<i32>} : memref<128x144xf32, #tpu.memory_space<vmem>>, vector<16xf32>,
        tpu.vector_store %arg6[%swap3A_861, %swap3A_862], %mul3A_860 {strides = array<i32>} : memref<128x144xf32, #tpu.memory_space<vmem>>, vector<16xf32>,
        %slice3A_864 = vector.extract_strided_slice %exp3A {offsets = [11], sizes = [1], strides = [1]} : vector<16xf32> to vector<1xf32>
        %squeeze3A_865 = vector.extract %slice3A_864[0] : f32 from vector<1xf32>
        %broadcast_in_dim3A_866 = vector.broadcast %squeeze3A_865 : f32 to vector<16xf32>
        %mul3A_867 = arith.constant 16 : i32
        %mul3A_868 = arith.muli %scan3A_73, %mul3A_867 : i32
        %add3A_869 = arith.constant 11 : i32
        %add3A_870 = arith.addi %mul3A_868, %add3A_869 : i32
        %get3A_871 = arith.index_cast %add3A_870 : i32 to index
        %get3A_872 = arith.constant 0 : index
        %get3A_873 = tpu.vector_load %arg6[%get3A_871, %get3A_872] {strides = array<i32>} : memref<128x144xf32, #tpu.memory_space<vmem>>, vector<16xf32>,
        %mul3A_874 = arith.mulf %get3A_873, %broadcast_in_dim3A_866 : vector<16xf32>
        %swap3A_875 = arith.index_cast %add3A_870 : i32 to index
        %swap3A_876 = arith.constant 0 : index
        %swap3A_877 = tpu.vector_load %arg6[%swap3A_875, %swap3A_876] {strides = array<i32>} : memref<128x144xf32, #tpu.memory_space<vmem>>, vector<16xf32>,
        tpu.vector_store %arg6[%swap3A_875, %swap3A_876], %mul3A_874 {strides = array<i32>} : memref<128x144xf32, #tpu.memory_space<vmem>>, vector<16xf32>,
        %get3A_878 = arith.index_cast %add3A_870 : i32 to index
        %get3A_879 = arith.constant 16 : index
        %get3A_880 = tpu.vector_load %arg6[%get3A_878, %get3A_879] {strides = array<i32>} : memref<128x144xf32, #tpu.memory_space<vmem>>, vector<16xf32>,
        %mul3A_881 = arith.mulf %get3A_880, %broadcast_in_dim3A_866 : vector<16xf32>
        %swap3A_882 = arith.index_cast %add3A_870 : i32 to index
        %swap3A_883 = arith.constant 16 : index
        %swap3A_884 = tpu.vector_load %arg6[%swap3A_882, %swap3A_883] {strides = array<i32>} : memref<128x144xf32, #tpu.memory_space<vmem>>, vector<16xf32>,
        tpu.vector_store %arg6[%swap3A_882, %swap3A_883], %mul3A_881 {strides = array<i32>} : memref<128x144xf32, #tpu.memory_space<vmem>>, vector<16xf32>,
        %get3A_885 = arith.index_cast %add3A_870 : i32 to index
        %get3A_886 = arith.constant 32 : index
        %get3A_887 = tpu.vector_load %arg6[%get3A_885, %get3A_886] {strides = array<i32>} : memref<128x144xf32, #tpu.memory_space<vmem>>, vector<16xf32>,
        %mul3A_888 = arith.mulf %get3A_887, %broadcast_in_dim3A_866 : vector<16xf32>
        %swap3A_889 = arith.index_cast %add3A_870 : i32 to index
        %swap3A_890 = arith.constant 32 : index
        %swap3A_891 = tpu.vector_load %arg6[%swap3A_889, %swap3A_890] {strides = array<i32>} : memref<128x144xf32, #tpu.memory_space<vmem>>, vector<16xf32>,
        tpu.vector_store %arg6[%swap3A_889, %swap3A_890], %mul3A_888 {strides = array<i32>} : memref<128x144xf32, #tpu.memory_space<vmem>>, vector<16xf32>,
        %get3A_892 = arith.index_cast %add3A_870 : i32 to index
        %get3A_893 = arith.constant 48 : index
        %get3A_894 = tpu.vector_load %arg6[%get3A_892, %get3A_893] {strides = array<i32>} : memref<128x144xf32, #tpu.memory_space<vmem>>, vector<16xf32>,
        %mul3A_895 = arith.mulf %get3A_894, %broadcast_in_dim3A_866 : vector<16xf32>
        %swap3A_896 = arith.index_cast %add3A_870 : i32 to index
        %swap3A_897 = arith.constant 48 : index
        %swap3A_898 = tpu.vector_load %arg6[%swap3A_896, %swap3A_897] {strides = array<i32>} : memref<128x144xf32, #tpu.memory_space<vmem>>, vector<16xf32>,
        tpu.vector_store %arg6[%swap3A_896, %swap3A_897], %mul3A_895 {strides = array<i32>} : memref<128x144xf32, #tpu.memory_space<vmem>>, vector<16xf32>,
        %get3A_899 = arith.index_cast %add3A_870 : i32 to index
        %get3A_900 = arith.constant 64 : index
        %get3A_901 = tpu.vector_load %arg6[%get3A_899, %get3A_900] {strides = array<i32>} : memref<128x144xf32, #tpu.memory_space<vmem>>, vector<16xf32>,
        %mul3A_902 = arith.mulf %get3A_901, %broadcast_in_dim3A_866 : vector<16xf32>
        %swap3A_903 = arith.index_cast %add3A_870 : i32 to index
        %swap3A_904 = arith.constant 64 : index
        %swap3A_905 = tpu.vector_load %arg6[%swap3A_903, %swap3A_904] {strides = array<i32>} : memref<128x144xf32, #tpu.memory_space<vmem>>, vector<16xf32>,
        tpu.vector_store %arg6[%swap3A_903, %swap3A_904], %mul3A_902 {strides = array<i32>} : memref<128x144xf32, #tpu.memory_space<vmem>>, vector<16xf32>,
        %get3A_906 = arith.index_cast %add3A_870 : i32 to index
        %get3A_907 = arith.constant 80 : index
        %get3A_908 = tpu.vector_load %arg6[%get3A_906, %get3A_907] {strides = array<i32>} : memref<128x144xf32, #tpu.memory_space<vmem>>, vector<16xf32>,
        %mul3A_909 = arith.mulf %get3A_908, %broadcast_in_dim3A_866 : vector<16xf32>
        %swap3A_910 = arith.index_cast %add3A_870 : i32 to index
        %swap3A_911 = arith.constant 80 : index
        %swap3A_912 = tpu.vector_load %arg6[%swap3A_910, %swap3A_911] {strides = array<i32>} : memref<128x144xf32, #tpu.memory_space<vmem>>, vector<16xf32>,
        tpu.vector_store %arg6[%swap3A_910, %swap3A_911], %mul3A_909 {strides = array<i32>} : memref<128x144xf32, #tpu.memory_space<vmem>>, vector<16xf32>,
        %get3A_913 = arith.index_cast %add3A_870 : i32 to index
        %get3A_914 = arith.constant 96 : index
        %get3A_915 = tpu.vector_load %arg6[%get3A_913, %get3A_914] {strides = array<i32>} : memref<128x144xf32, #tpu.memory_space<vmem>>, vector<16xf32>,
        %mul3A_916 = arith.mulf %get3A_915, %broadcast_in_dim3A_866 : vector<16xf32>
        %swap3A_917 = arith.index_cast %add3A_870 : i32 to index
        %swap3A_918 = arith.constant 96 : index
        %swap3A_919 = tpu.vector_load %arg6[%swap3A_917, %swap3A_918] {strides = array<i32>} : memref<128x144xf32, #tpu.memory_space<vmem>>, vector<16xf32>,
        tpu.vector_store %arg6[%swap3A_917, %swap3A_918], %mul3A_916 {strides = array<i32>} : memref<128x144xf32, #tpu.memory_space<vmem>>, vector<16xf32>,
        %get3A_920 = arith.index_cast %add3A_870 : i32 to index
        %get3A_921 = arith.constant 112 : index
        %get3A_922 = tpu.vector_load %arg6[%get3A_920, %get3A_921] {strides = array<i32>} : memref<128x144xf32, #tpu.memory_space<vmem>>, vector<16xf32>,
        %mul3A_923 = arith.mulf %get3A_922, %broadcast_in_dim3A_866 : vector<16xf32>
        %swap3A_924 = arith.index_cast %add3A_870 : i32 to index
        %swap3A_925 = arith.constant 112 : index
        %swap3A_926 = tpu.vector_load %arg6[%swap3A_924, %swap3A_925] {strides = array<i32>} : memref<128x144xf32, #tpu.memory_space<vmem>>, vector<16xf32>,
        tpu.vector_store %arg6[%swap3A_924, %swap3A_925], %mul3A_923 {strides = array<i32>} : memref<128x144xf32, #tpu.memory_space<vmem>>, vector<16xf32>,
        %get3A_927 = arith.index_cast %add3A_870 : i32 to index
        %get3A_928 = arith.constant 128 : index
        %get3A_929 = tpu.vector_load %arg6[%get3A_927, %get3A_928] {strides = array<i32>} : memref<128x144xf32, #tpu.memory_space<vmem>>, vector<16xf32>,
        %mul3A_930 = arith.mulf %get3A_929, %broadcast_in_dim3A_866 : vector<16xf32>
        %swap3A_931 = arith.index_cast %add3A_870 : i32 to index
        %swap3A_932 = arith.constant 128 : index
        %swap3A_933 = tpu.vector_load %arg6[%swap3A_931, %swap3A_932] {strides = array<i32>} : memref<128x144xf32, #tpu.memory_space<vmem>>, vector<16xf32>,
        tpu.vector_store %arg6[%swap3A_931, %swap3A_932], %mul3A_930 {strides = array<i32>} : memref<128x144xf32, #tpu.memory_space<vmem>>, vector<16xf32>,
        %slice3A_934 = vector.extract_strided_slice %exp3A {offsets = [12], sizes = [1], strides = [1]} : vector<16xf32> to vector<1xf32>
        %squeeze3A_935 = vector.extract %slice3A_934[0] : f32 from vector<1xf32>
        %broadcast_in_dim3A_936 = vector.broadcast %squeeze3A_935 : f32 to vector<16xf32>
        %mul3A_937 = arith.constant 16 : i32
        %mul3A_938 = arith.muli %scan3A_73, %mul3A_937 : i32
        %add3A_939 = arith.constant 12 : i32
        %add3A_940 = arith.addi %mul3A_938, %add3A_939 : i32
        %get3A_941 = arith.index_cast %add3A_940 : i32 to index
        %get3A_942 = arith.constant 0 : index
        %get3A_943 = tpu.vector_load %arg6[%get3A_941, %get3A_942] {strides = array<i32>} : memref<128x144xf32, #tpu.memory_space<vmem>>, vector<16xf32>,
        %mul3A_944 = arith.mulf %get3A_943, %broadcast_in_dim3A_936 : vector<16xf32>
        %swap3A_945 = arith.index_cast %add3A_940 : i32 to index
        %swap3A_946 = arith.constant 0 : index
        %swap3A_947 = tpu.vector_load %arg6[%swap3A_945, %swap3A_946] {strides = array<i32>} : memref<128x144xf32, #tpu.memory_space<vmem>>, vector<16xf32>,
        tpu.vector_store %arg6[%swap3A_945, %swap3A_946], %mul3A_944 {strides = array<i32>} : memref<128x144xf32, #tpu.memory_space<vmem>>, vector<16xf32>,
        %get3A_948 = arith.index_cast %add3A_940 : i32 to index
        %get3A_949 = arith.constant 16 : index
        %get3A_950 = tpu.vector_load %arg6[%get3A_948, %get3A_949] {strides = array<i32>} : memref<128x144xf32, #tpu.memory_space<vmem>>, vector<16xf32>,
        %mul3A_951 = arith.mulf %get3A_950, %broadcast_in_dim3A_936 : vector<16xf32>
        %swap3A_952 = arith.index_cast %add3A_940 : i32 to index
        %swap3A_953 = arith.constant 16 : index
        %swap3A_954 = tpu.vector_load %arg6[%swap3A_952, %swap3A_953] {strides = array<i32>} : memref<128x144xf32, #tpu.memory_space<vmem>>, vector<16xf32>,
        tpu.vector_store %arg6[%swap3A_952, %swap3A_953], %mul3A_951 {strides = array<i32>} : memref<128x144xf32, #tpu.memory_space<vmem>>, vector<16xf32>,
        %get3A_955 = arith.index_cast %add3A_940 : i32 to index
        %get3A_956 = arith.constant 32 : index
        %get3A_957 = tpu.vector_load %arg6[%get3A_955, %get3A_956] {strides = array<i32>} : memref<128x144xf32, #tpu.memory_space<vmem>>, vector<16xf32>,
        %mul3A_958 = arith.mulf %get3A_957, %broadcast_in_dim3A_936 : vector<16xf32>
        %swap3A_959 = arith.index_cast %add3A_940 : i32 to index
        %swap3A_960 = arith.constant 32 : index
        %swap3A_961 = tpu.vector_load %arg6[%swap3A_959, %swap3A_960] {strides = array<i32>} : memref<128x144xf32, #tpu.memory_space<vmem>>, vector<16xf32>,
        tpu.vector_store %arg6[%swap3A_959, %swap3A_960], %mul3A_958 {strides = array<i32>} : memref<128x144xf32, #tpu.memory_space<vmem>>, vector<16xf32>,
        %get3A_962 = arith.index_cast %add3A_940 : i32 to index
        %get3A_963 = arith.constant 48 : index
        %get3A_964 = tpu.vector_load %arg6[%get3A_962, %get3A_963] {strides = array<i32>} : memref<128x144xf32, #tpu.memory_space<vmem>>, vector<16xf32>,
        %mul3A_965 = arith.mulf %get3A_964, %broadcast_in_dim3A_936 : vector<16xf32>
        %swap3A_966 = arith.index_cast %add3A_940 : i32 to index
        %swap3A_967 = arith.constant 48 : index
        %swap3A_968 = tpu.vector_load %arg6[%swap3A_966, %swap3A_967] {strides = array<i32>} : memref<128x144xf32, #tpu.memory_space<vmem>>, vector<16xf32>,
        tpu.vector_store %arg6[%swap3A_966, %swap3A_967], %mul3A_965 {strides = array<i32>} : memref<128x144xf32, #tpu.memory_space<vmem>>, vector<16xf32>,
        %get3A_969 = arith.index_cast %add3A_940 : i32 to index
        %get3A_970 = arith.constant 64 : index
        %get3A_971 = tpu.vector_load %arg6[%get3A_969, %get3A_970] {strides = array<i32>} : memref<128x144xf32, #tpu.memory_space<vmem>>, vector<16xf32>,
        %mul3A_972 = arith.mulf %get3A_971, %broadcast_in_dim3A_936 : vector<16xf32>
        %swap3A_973 = arith.index_cast %add3A_940 : i32 to index
        %swap3A_974 = arith.constant 64 : index
        %swap3A_975 = tpu.vector_load %arg6[%swap3A_973, %swap3A_974] {strides = array<i32>} : memref<128x144xf32, #tpu.memory_space<vmem>>, vector<16xf32>,
        tpu.vector_store %arg6[%swap3A_973, %swap3A_974], %mul3A_972 {strides = array<i32>} : memref<128x144xf32, #tpu.memory_space<vmem>>, vector<16xf32>,
        %get3A_976 = arith.index_cast %add3A_940 : i32 to index
        %get3A_977 = arith.constant 80 : index
        %get3A_978 = tpu.vector_load %arg6[%get3A_976, %get3A_977] {strides = array<i32>} : memref<128x144xf32, #tpu.memory_space<vmem>>, vector<16xf32>,
        %mul3A_979 = arith.mulf %get3A_978, %broadcast_in_dim3A_936 : vector<16xf32>
        %swap3A_980 = arith.index_cast %add3A_940 : i32 to index
        %swap3A_981 = arith.constant 80 : index
        %swap3A_982 = tpu.vector_load %arg6[%swap3A_980, %swap3A_981] {strides = array<i32>} : memref<128x144xf32, #tpu.memory_space<vmem>>, vector<16xf32>,
        tpu.vector_store %arg6[%swap3A_980, %swap3A_981], %mul3A_979 {strides = array<i32>} : memref<128x144xf32, #tpu.memory_space<vmem>>, vector<16xf32>,
        %get3A_983 = arith.index_cast %add3A_940 : i32 to index
        %get3A_984 = arith.constant 96 : index
        %get3A_985 = tpu.vector_load %arg6[%get3A_983, %get3A_984] {strides = array<i32>} : memref<128x144xf32, #tpu.memory_space<vmem>>, vector<16xf32>,
        %mul3A_986 = arith.mulf %get3A_985, %broadcast_in_dim3A_936 : vector<16xf32>
        %swap3A_987 = arith.index_cast %add3A_940 : i32 to index
        %swap3A_988 = arith.constant 96 : index
        %swap3A_989 = tpu.vector_load %arg6[%swap3A_987, %swap3A_988] {strides = array<i32>} : memref<128x144xf32, #tpu.memory_space<vmem>>, vector<16xf32>,
        tpu.vector_store %arg6[%swap3A_987, %swap3A_988], %mul3A_986 {strides = array<i32>} : memref<128x144xf32, #tpu.memory_space<vmem>>, vector<16xf32>,
        %get3A_990 = arith.index_cast %add3A_940 : i32 to index
        %get3A_991 = arith.constant 112 : index
        %get3A_992 = tpu.vector_load %arg6[%get3A_990, %get3A_991] {strides = array<i32>} : memref<128x144xf32, #tpu.memory_space<vmem>>, vector<16xf32>,
        %mul3A_993 = arith.mulf %get3A_992, %broadcast_in_dim3A_936 : vector<16xf32>
        %swap3A_994 = arith.index_cast %add3A_940 : i32 to index
        %swap3A_995 = arith.constant 112 : index
        %swap3A_996 = tpu.vector_load %arg6[%swap3A_994, %swap3A_995] {strides = array<i32>} : memref<128x144xf32, #tpu.memory_space<vmem>>, vector<16xf32>,
        tpu.vector_store %arg6[%swap3A_994, %swap3A_995], %mul3A_993 {strides = array<i32>} : memref<128x144xf32, #tpu.memory_space<vmem>>, vector<16xf32>,
        %get3A_997 = arith.index_cast %add3A_940 : i32 to index
        %get3A_998 = arith.constant 128 : index
        %get3A_999 = tpu.vector_load %arg6[%get3A_997, %get3A_998] {strides = array<i32>} : memref<128x144xf32, #tpu.memory_space<vmem>>, vector<16xf32>,
        %mul3A_1000 = arith.mulf %get3A_999, %broadcast_in_dim3A_936 : vector<16xf32>
        %swap3A_1001 = arith.index_cast %add3A_940 : i32 to index
        %swap3A_1002 = arith.constant 128 : index
        %swap3A_1003 = tpu.vector_load %arg6[%swap3A_1001, %swap3A_1002] {strides = array<i32>} : memref<128x144xf32, #tpu.memory_space<vmem>>, vector<16xf32>,
        tpu.vector_store %arg6[%swap3A_1001, %swap3A_1002], %mul3A_1000 {strides = array<i32>} : memref<128x144xf32, #tpu.memory_space<vmem>>, vector<16xf32>,
        %slice3A_1004 = vector.extract_strided_slice %exp3A {offsets = [13], sizes = [1], strides = [1]} : vector<16xf32> to vector<1xf32>
        %squeeze3A_1005 = vector.extract %slice3A_1004[0] : f32 from vector<1xf32>
        %broadcast_in_dim3A_1006 = vector.broadcast %squeeze3A_1005 : f32 to vector<16xf32>
        %mul3A_1007 = arith.constant 16 : i32
        %mul3A_1008 = arith.muli %scan3A_73, %mul3A_1007 : i32
        %add3A_1009 = arith.constant 13 : i32
        %add3A_1010 = arith.addi %mul3A_1008, %add3A_1009 : i32
        %get3A_1011 = arith.index_cast %add3A_1010 : i32 to index
        %get3A_1012 = arith.constant 0 : index
        %get3A_1013 = tpu.vector_load %arg6[%get3A_1011, %get3A_1012] {strides = array<i32>} : memref<128x144xf32, #tpu.memory_space<vmem>>, vector<16xf32>,
        %mul3A_1014 = arith.mulf %get3A_1013, %broadcast_in_dim3A_1006 : vector<16xf32>
        %swap3A_1015 = arith.index_cast %add3A_1010 : i32 to index
        %swap3A_1016 = arith.constant 0 : index
        %swap3A_1017 = tpu.vector_load %arg6[%swap3A_1015, %swap3A_1016] {strides = array<i32>} : memref<128x144xf32, #tpu.memory_space<vmem>>, vector<16xf32>,
        tpu.vector_store %arg6[%swap3A_1015, %swap3A_1016], %mul3A_1014 {strides = array<i32>} : memref<128x144xf32, #tpu.memory_space<vmem>>, vector<16xf32>,
        %get3A_1018 = arith.index_cast %add3A_1010 : i32 to index
        %get3A_1019 = arith.constant 16 : index
        %get3A_1020 = tpu.vector_load %arg6[%get3A_1018, %get3A_1019] {strides = array<i32>} : memref<128x144xf32, #tpu.memory_space<vmem>>, vector<16xf32>,
        %mul3A_1021 = arith.mulf %get3A_1020, %broadcast_in_dim3A_1006 : vector<16xf32>
        %swap3A_1022 = arith.index_cast %add3A_1010 : i32 to index
        %swap3A_1023 = arith.constant 16 : index
        %swap3A_1024 = tpu.vector_load %arg6[%swap3A_1022, %swap3A_1023] {strides = array<i32>} : memref<128x144xf32, #tpu.memory_space<vmem>>, vector<16xf32>,
        tpu.vector_store %arg6[%swap3A_1022, %swap3A_1023], %mul3A_1021 {strides = array<i32>} : memref<128x144xf32, #tpu.memory_space<vmem>>, vector<16xf32>,
        %get3A_1025 = arith.index_cast %add3A_1010 : i32 to index
        %get3A_1026 = arith.constant 32 : index
        %get3A_1027 = tpu.vector_load %arg6[%get3A_1025, %get3A_1026] {strides = array<i32>} : memref<128x144xf32, #tpu.memory_space<vmem>>, vector<16xf32>,
        %mul3A_1028 = arith.mulf %get3A_1027, %broadcast_in_dim3A_1006 : vector<16xf32>
        %swap3A_1029 = arith.index_cast %add3A_1010 : i32 to index
        %swap3A_1030 = arith.constant 32 : index
        %swap3A_1031 = tpu.vector_load %arg6[%swap3A_1029, %swap3A_1030] {strides = array<i32>} : memref<128x144xf32, #tpu.memory_space<vmem>>, vector<16xf32>,
        tpu.vector_store %arg6[%swap3A_1029, %swap3A_1030], %mul3A_1028 {strides = array<i32>} : memref<128x144xf32, #tpu.memory_space<vmem>>, vector<16xf32>,
        %get3A_1032 = arith.index_cast %add3A_1010 : i32 to index
        %get3A_1033 = arith.constant 48 : index
        %get3A_1034 = tpu.vector_load %arg6[%get3A_1032, %get3A_1033] {strides = array<i32>} : memref<128x144xf32, #tpu.memory_space<vmem>>, vector<16xf32>,
        %mul3A_1035 = arith.mulf %get3A_1034, %broadcast_in_dim3A_1006 : vector<16xf32>
        %swap3A_1036 = arith.index_cast %add3A_1010 : i32 to index
        %swap3A_1037 = arith.constant 48 : index
        %swap3A_1038 = tpu.vector_load %arg6[%swap3A_1036, %swap3A_1037] {strides = array<i32>} : memref<128x144xf32, #tpu.memory_space<vmem>>, vector<16xf32>,
        tpu.vector_store %arg6[%swap3A_1036, %swap3A_1037], %mul3A_1035 {strides = array<i32>} : memref<128x144xf32, #tpu.memory_space<vmem>>, vector<16xf32>,
        %get3A_1039 = arith.index_cast %add3A_1010 : i32 to index
        %get3A_1040 = arith.constant 64 : index
        %get3A_1041 = tpu.vector_load %arg6[%get3A_1039, %get3A_1040] {strides = array<i32>} : memref<128x144xf32, #tpu.memory_space<vmem>>, vector<16xf32>,
        %mul3A_1042 = arith.mulf %get3A_1041, %broadcast_in_dim3A_1006 : vector<16xf32>
        %swap3A_1043 = arith.index_cast %add3A_1010 : i32 to index
        %swap3A_1044 = arith.constant 64 : index
        %swap3A_1045 = tpu.vector_load %arg6[%swap3A_1043, %swap3A_1044] {strides = array<i32>} : memref<128x144xf32, #tpu.memory_space<vmem>>, vector<16xf32>,
        tpu.vector_store %arg6[%swap3A_1043, %swap3A_1044], %mul3A_1042 {strides = array<i32>} : memref<128x144xf32, #tpu.memory_space<vmem>>, vector<16xf32>,
        %get3A_1046 = arith.index_cast %add3A_1010 : i32 to index
        %get3A_1047 = arith.constant 80 : index
        %get3A_1048 = tpu.vector_load %arg6[%get3A_1046, %get3A_1047] {strides = array<i32>} : memref<128x144xf32, #tpu.memory_space<vmem>>, vector<16xf32>,
        %mul3A_1049 = arith.mulf %get3A_1048, %broadcast_in_dim3A_1006 : vector<16xf32>
        %swap3A_1050 = arith.index_cast %add3A_1010 : i32 to index
        %swap3A_1051 = arith.constant 80 : index
        %swap3A_1052 = tpu.vector_load %arg6[%swap3A_1050, %swap3A_1051] {strides = array<i32>} : memref<128x144xf32, #tpu.memory_space<vmem>>, vector<16xf32>,
        tpu.vector_store %arg6[%swap3A_1050, %swap3A_1051], %mul3A_1049 {strides = array<i32>} : memref<128x144xf32, #tpu.memory_space<vmem>>, vector<16xf32>,
        %get3A_1053 = arith.index_cast %add3A_1010 : i32 to index
        %get3A_1054 = arith.constant 96 : index
        %get3A_1055 = tpu.vector_load %arg6[%get3A_1053, %get3A_1054] {strides = array<i32>} : memref<128x144xf32, #tpu.memory_space<vmem>>, vector<16xf32>,
        %mul3A_1056 = arith.mulf %get3A_1055, %broadcast_in_dim3A_1006 : vector<16xf32>
        %swap3A_1057 = arith.index_cast %add3A_1010 : i32 to index
        %swap3A_1058 = arith.constant 96 : index
        %swap3A_1059 = tpu.vector_load %arg6[%swap3A_1057, %swap3A_1058] {strides = array<i32>} : memref<128x144xf32, #tpu.memory_space<vmem>>, vector<16xf32>,
        tpu.vector_store %arg6[%swap3A_1057, %swap3A_1058], %mul3A_1056 {strides = array<i32>} : memref<128x144xf32, #tpu.memory_space<vmem>>, vector<16xf32>,
        %get3A_1060 = arith.index_cast %add3A_1010 : i32 to index
        %get3A_1061 = arith.constant 112 : index
        %get3A_1062 = tpu.vector_load %arg6[%get3A_1060, %get3A_1061] {strides = array<i32>} : memref<128x144xf32, #tpu.memory_space<vmem>>, vector<16xf32>,
        %mul3A_1063 = arith.mulf %get3A_1062, %broadcast_in_dim3A_1006 : vector<16xf32>
        %swap3A_1064 = arith.index_cast %add3A_1010 : i32 to index
        %swap3A_1065 = arith.constant 112 : index
        %swap3A_1066 = tpu.vector_load %arg6[%swap3A_1064, %swap3A_1065] {strides = array<i32>} : memref<128x144xf32, #tpu.memory_space<vmem>>, vector<16xf32>,
        tpu.vector_store %arg6[%swap3A_1064, %swap3A_1065], %mul3A_1063 {strides = array<i32>} : memref<128x144xf32, #tpu.memory_space<vmem>>, vector<16xf32>,
        %get3A_1067 = arith.index_cast %add3A_1010 : i32 to index
        %get3A_1068 = arith.constant 128 : index
        %get3A_1069 = tpu.vector_load %arg6[%get3A_1067, %get3A_1068] {strides = array<i32>} : memref<128x144xf32, #tpu.memory_space<vmem>>, vector<16xf32>,
        %mul3A_1070 = arith.mulf %get3A_1069, %broadcast_in_dim3A_1006 : vector<16xf32>
        %swap3A_1071 = arith.index_cast %add3A_1010 : i32 to index
        %swap3A_1072 = arith.constant 128 : index
        %swap3A_1073 = tpu.vector_load %arg6[%swap3A_1071, %swap3A_1072] {strides = array<i32>} : memref<128x144xf32, #tpu.memory_space<vmem>>, vector<16xf32>,
        tpu.vector_store %arg6[%swap3A_1071, %swap3A_1072], %mul3A_1070 {strides = array<i32>} : memref<128x144xf32, #tpu.memory_space<vmem>>, vector<16xf32>,
        %slice3A_1074 = vector.extract_strided_slice %exp3A {offsets = [14], sizes = [1], strides = [1]} : vector<16xf32> to vector<1xf32>
        %squeeze3A_1075 = vector.extract %slice3A_1074[0] : f32 from vector<1xf32>
        %broadcast_in_dim3A_1076 = vector.broadcast %squeeze3A_1075 : f32 to vector<16xf32>
        %mul3A_1077 = arith.constant 16 : i32
        %mul3A_1078 = arith.muli %scan3A_73, %mul3A_1077 : i32
        %add3A_1079 = arith.constant 14 : i32
        %add3A_1080 = arith.addi %mul3A_1078, %add3A_1079 : i32
        %get3A_1081 = arith.index_cast %add3A_1080 : i32 to index
        %get3A_1082 = arith.constant 0 : index
        %get3A_1083 = tpu.vector_load %arg6[%get3A_1081, %get3A_1082] {strides = array<i32>} : memref<128x144xf32, #tpu.memory_space<vmem>>, vector<16xf32>,
        %mul3A_1084 = arith.mulf %get3A_1083, %broadcast_in_dim3A_1076 : vector<16xf32>
        %swap3A_1085 = arith.index_cast %add3A_1080 : i32 to index
        %swap3A_1086 = arith.constant 0 : index
        %swap3A_1087 = tpu.vector_load %arg6[%swap3A_1085, %swap3A_1086] {strides = array<i32>} : memref<128x144xf32, #tpu.memory_space<vmem>>, vector<16xf32>,
        tpu.vector_store %arg6[%swap3A_1085, %swap3A_1086], %mul3A_1084 {strides = array<i32>} : memref<128x144xf32, #tpu.memory_space<vmem>>, vector<16xf32>,
        %get3A_1088 = arith.index_cast %add3A_1080 : i32 to index
        %get3A_1089 = arith.constant 16 : index
        %get3A_1090 = tpu.vector_load %arg6[%get3A_1088, %get3A_1089] {strides = array<i32>} : memref<128x144xf32, #tpu.memory_space<vmem>>, vector<16xf32>,
        %mul3A_1091 = arith.mulf %get3A_1090, %broadcast_in_dim3A_1076 : vector<16xf32>
        %swap3A_1092 = arith.index_cast %add3A_1080 : i32 to index
        %swap3A_1093 = arith.constant 16 : index
        %swap3A_1094 = tpu.vector_load %arg6[%swap3A_1092, %swap3A_1093] {strides = array<i32>} : memref<128x144xf32, #tpu.memory_space<vmem>>, vector<16xf32>,
        tpu.vector_store %arg6[%swap3A_1092, %swap3A_1093], %mul3A_1091 {strides = array<i32>} : memref<128x144xf32, #tpu.memory_space<vmem>>, vector<16xf32>,
        %get3A_1095 = arith.index_cast %add3A_1080 : i32 to index
        %get3A_1096 = arith.constant 32 : index
        %get3A_1097 = tpu.vector_load %arg6[%get3A_1095, %get3A_1096] {strides = array<i32>} : memref<128x144xf32, #tpu.memory_space<vmem>>, vector<16xf32>,
        %mul3A_1098 = arith.mulf %get3A_1097, %broadcast_in_dim3A_1076 : vector<16xf32>
        %swap3A_1099 = arith.index_cast %add3A_1080 : i32 to index
        %swap3A_1100 = arith.constant 32 : index
        %swap3A_1101 = tpu.vector_load %arg6[%swap3A_1099, %swap3A_1100] {strides = array<i32>} : memref<128x144xf32, #tpu.memory_space<vmem>>, vector<16xf32>,
        tpu.vector_store %arg6[%swap3A_1099, %swap3A_1100], %mul3A_1098 {strides = array<i32>} : memref<128x144xf32, #tpu.memory_space<vmem>>, vector<16xf32>,
        %get3A_1102 = arith.index_cast %add3A_1080 : i32 to index
        %get3A_1103 = arith.constant 48 : index
        %get3A_1104 = tpu.vector_load %arg6[%get3A_1102, %get3A_1103] {strides = array<i32>} : memref<128x144xf32, #tpu.memory_space<vmem>>, vector<16xf32>,
        %mul3A_1105 = arith.mulf %get3A_1104, %broadcast_in_dim3A_1076 : vector<16xf32>
        %swap3A_1106 = arith.index_cast %add3A_1080 : i32 to index
        %swap3A_1107 = arith.constant 48 : index
        %swap3A_1108 = tpu.vector_load %arg6[%swap3A_1106, %swap3A_1107] {strides = array<i32>} : memref<128x144xf32, #tpu.memory_space<vmem>>, vector<16xf32>,
        tpu.vector_store %arg6[%swap3A_1106, %swap3A_1107], %mul3A_1105 {strides = array<i32>} : memref<128x144xf32, #tpu.memory_space<vmem>>, vector<16xf32>,
        %get3A_1109 = arith.index_cast %add3A_1080 : i32 to index
        %get3A_1110 = arith.constant 64 : index
        %get3A_1111 = tpu.vector_load %arg6[%get3A_1109, %get3A_1110] {strides = array<i32>} : memref<128x144xf32, #tpu.memory_space<vmem>>, vector<16xf32>,
        %mul3A_1112 = arith.mulf %get3A_1111, %broadcast_in_dim3A_1076 : vector<16xf32>
        %swap3A_1113 = arith.index_cast %add3A_1080 : i32 to index
        %swap3A_1114 = arith.constant 64 : index
        %swap3A_1115 = tpu.vector_load %arg6[%swap3A_1113, %swap3A_1114] {strides = array<i32>} : memref<128x144xf32, #tpu.memory_space<vmem>>, vector<16xf32>,
        tpu.vector_store %arg6[%swap3A_1113, %swap3A_1114], %mul3A_1112 {strides = array<i32>} : memref<128x144xf32, #tpu.memory_space<vmem>>, vector<16xf32>,
        %get3A_1116 = arith.index_cast %add3A_1080 : i32 to index
        %get3A_1117 = arith.constant 80 : index
        %get3A_1118 = tpu.vector_load %arg6[%get3A_1116, %get3A_1117] {strides = array<i32>} : memref<128x144xf32, #tpu.memory_space<vmem>>, vector<16xf32>,
        %mul3A_1119 = arith.mulf %get3A_1118, %broadcast_in_dim3A_1076 : vector<16xf32>
        %swap3A_1120 = arith.index_cast %add3A_1080 : i32 to index
        %swap3A_1121 = arith.constant 80 : index
        %swap3A_1122 = tpu.vector_load %arg6[%swap3A_1120, %swap3A_1121] {strides = array<i32>} : memref<128x144xf32, #tpu.memory_space<vmem>>, vector<16xf32>,
        tpu.vector_store %arg6[%swap3A_1120, %swap3A_1121], %mul3A_1119 {strides = array<i32>} : memref<128x144xf32, #tpu.memory_space<vmem>>, vector<16xf32>,
        %get3A_1123 = arith.index_cast %add3A_1080 : i32 to index
        %get3A_1124 = arith.constant 96 : index
        %get3A_1125 = tpu.vector_load %arg6[%get3A_1123, %get3A_1124] {strides = array<i32>} : memref<128x144xf32, #tpu.memory_space<vmem>>, vector<16xf32>,
        %mul3A_1126 = arith.mulf %get3A_1125, %broadcast_in_dim3A_1076 : vector<16xf32>
        %swap3A_1127 = arith.index_cast %add3A_1080 : i32 to index
        %swap3A_1128 = arith.constant 96 : index
        %swap3A_1129 = tpu.vector_load %arg6[%swap3A_1127, %swap3A_1128] {strides = array<i32>} : memref<128x144xf32, #tpu.memory_space<vmem>>, vector<16xf32>,
        tpu.vector_store %arg6[%swap3A_1127, %swap3A_1128], %mul3A_1126 {strides = array<i32>} : memref<128x144xf32, #tpu.memory_space<vmem>>, vector<16xf32>,
        %get3A_1130 = arith.index_cast %add3A_1080 : i32 to index
        %get3A_1131 = arith.constant 112 : index
        %get3A_1132 = tpu.vector_load %arg6[%get3A_1130, %get3A_1131] {strides = array<i32>} : memref<128x144xf32, #tpu.memory_space<vmem>>, vector<16xf32>,
        %mul3A_1133 = arith.mulf %get3A_1132, %broadcast_in_dim3A_1076 : vector<16xf32>
        %swap3A_1134 = arith.index_cast %add3A_1080 : i32 to index
        %swap3A_1135 = arith.constant 112 : index
        %swap3A_1136 = tpu.vector_load %arg6[%swap3A_1134, %swap3A_1135] {strides = array<i32>} : memref<128x144xf32, #tpu.memory_space<vmem>>, vector<16xf32>,
        tpu.vector_store %arg6[%swap3A_1134, %swap3A_1135], %mul3A_1133 {strides = array<i32>} : memref<128x144xf32, #tpu.memory_space<vmem>>, vector<16xf32>,
        %get3A_1137 = arith.index_cast %add3A_1080 : i32 to index
        %get3A_1138 = arith.constant 128 : index
        %get3A_1139 = tpu.vector_load %arg6[%get3A_1137, %get3A_1138] {strides = array<i32>} : memref<128x144xf32, #tpu.memory_space<vmem>>, vector<16xf32>,
        %mul3A_1140 = arith.mulf %get3A_1139, %broadcast_in_dim3A_1076 : vector<16xf32>
        %swap3A_1141 = arith.index_cast %add3A_1080 : i32 to index
        %swap3A_1142 = arith.constant 128 : index
        %swap3A_1143 = tpu.vector_load %arg6[%swap3A_1141, %swap3A_1142] {strides = array<i32>} : memref<128x144xf32, #tpu.memory_space<vmem>>, vector<16xf32>,
        tpu.vector_store %arg6[%swap3A_1141, %swap3A_1142], %mul3A_1140 {strides = array<i32>} : memref<128x144xf32, #tpu.memory_space<vmem>>, vector<16xf32>,
        %slice3A_1144 = vector.extract_strided_slice %exp3A {offsets = [15], sizes = [1], strides = [1]} : vector<16xf32> to vector<1xf32>
        %squeeze3A_1145 = vector.extract %slice3A_1144[0] : f32 from vector<1xf32>
        %broadcast_in_dim3A_1146 = vector.broadcast %squeeze3A_1145 : f32 to vector<16xf32>
        %mul3A_1147 = arith.constant 16 : i32
        %mul3A_1148 = arith.muli %scan3A_73, %mul3A_1147 : i32
        %add3A_1149 = arith.constant 15 : i32
        %add3A_1150 = arith.addi %mul3A_1148, %add3A_1149 : i32
        %get3A_1151 = arith.index_cast %add3A_1150 : i32 to index
        %get3A_1152 = arith.constant 0 : index
        %get3A_1153 = tpu.vector_load %arg6[%get3A_1151, %get3A_1152] {strides = array<i32>} : memref<128x144xf32, #tpu.memory_space<vmem>>, vector<16xf32>,
        %mul3A_1154 = arith.mulf %get3A_1153, %broadcast_in_dim3A_1146 : vector<16xf32>
        %swap3A_1155 = arith.index_cast %add3A_1150 : i32 to index
        %swap3A_1156 = arith.constant 0 : index
        %swap3A_1157 = tpu.vector_load %arg6[%swap3A_1155, %swap3A_1156] {strides = array<i32>} : memref<128x144xf32, #tpu.memory_space<vmem>>, vector<16xf32>,
        tpu.vector_store %arg6[%swap3A_1155, %swap3A_1156], %mul3A_1154 {strides = array<i32>} : memref<128x144xf32, #tpu.memory_space<vmem>>, vector<16xf32>,
        %get3A_1158 = arith.index_cast %add3A_1150 : i32 to index
        %get3A_1159 = arith.constant 16 : index
        %get3A_1160 = tpu.vector_load %arg6[%get3A_1158, %get3A_1159] {strides = array<i32>} : memref<128x144xf32, #tpu.memory_space<vmem>>, vector<16xf32>,
        %mul3A_1161 = arith.mulf %get3A_1160, %broadcast_in_dim3A_1146 : vector<16xf32>
        %swap3A_1162 = arith.index_cast %add3A_1150 : i32 to index
        %swap3A_1163 = arith.constant 16 : index
        %swap3A_1164 = tpu.vector_load %arg6[%swap3A_1162, %swap3A_1163] {strides = array<i32>} : memref<128x144xf32, #tpu.memory_space<vmem>>, vector<16xf32>,
        tpu.vector_store %arg6[%swap3A_1162, %swap3A_1163], %mul3A_1161 {strides = array<i32>} : memref<128x144xf32, #tpu.memory_space<vmem>>, vector<16xf32>,
        %get3A_1165 = arith.index_cast %add3A_1150 : i32 to index
        %get3A_1166 = arith.constant 32 : index
        %get3A_1167 = tpu.vector_load %arg6[%get3A_1165, %get3A_1166] {strides = array<i32>} : memref<128x144xf32, #tpu.memory_space<vmem>>, vector<16xf32>,
        %mul3A_1168 = arith.mulf %get3A_1167, %broadcast_in_dim3A_1146 : vector<16xf32>
        %swap3A_1169 = arith.index_cast %add3A_1150 : i32 to index
        %swap3A_1170 = arith.constant 32 : index
        %swap3A_1171 = tpu.vector_load %arg6[%swap3A_1169, %swap3A_1170] {strides = array<i32>} : memref<128x144xf32, #tpu.memory_space<vmem>>, vector<16xf32>,
        tpu.vector_store %arg6[%swap3A_1169, %swap3A_1170], %mul3A_1168 {strides = array<i32>} : memref<128x144xf32, #tpu.memory_space<vmem>>, vector<16xf32>,
        %get3A_1172 = arith.index_cast %add3A_1150 : i32 to index
        %get3A_1173 = arith.constant 48 : index
        %get3A_1174 = tpu.vector_load %arg6[%get3A_1172, %get3A_1173] {strides = array<i32>} : memref<128x144xf32, #tpu.memory_space<vmem>>, vector<16xf32>,
        %mul3A_1175 = arith.mulf %get3A_1174, %broadcast_in_dim3A_1146 : vector<16xf32>
        %swap3A_1176 = arith.index_cast %add3A_1150 : i32 to index
        %swap3A_1177 = arith.constant 48 : index
        %swap3A_1178 = tpu.vector_load %arg6[%swap3A_1176, %swap3A_1177] {strides = array<i32>} : memref<128x144xf32, #tpu.memory_space<vmem>>, vector<16xf32>,
        tpu.vector_store %arg6[%swap3A_1176, %swap3A_1177], %mul3A_1175 {strides = array<i32>} : memref<128x144xf32, #tpu.memory_space<vmem>>, vector<16xf32>,
        %get3A_1179 = arith.index_cast %add3A_1150 : i32 to index
        %get3A_1180 = arith.constant 64 : index
        %get3A_1181 = tpu.vector_load %arg6[%get3A_1179, %get3A_1180] {strides = array<i32>} : memref<128x144xf32, #tpu.memory_space<vmem>>, vector<16xf32>,
        %mul3A_1182 = arith.mulf %get3A_1181, %broadcast_in_dim3A_1146 : vector<16xf32>
        %swap3A_1183 = arith.index_cast %add3A_1150 : i32 to index
        %swap3A_1184 = arith.constant 64 : index
        %swap3A_1185 = tpu.vector_load %arg6[%swap3A_1183, %swap3A_1184] {strides = array<i32>} : memref<128x144xf32, #tpu.memory_space<vmem>>, vector<16xf32>,
        tpu.vector_store %arg6[%swap3A_1183, %swap3A_1184], %mul3A_1182 {strides = array<i32>} : memref<128x144xf32, #tpu.memory_space<vmem>>, vector<16xf32>,
        %get3A_1186 = arith.index_cast %add3A_1150 : i32 to index
        %get3A_1187 = arith.constant 80 : index
        %get3A_1188 = tpu.vector_load %arg6[%get3A_1186, %get3A_1187] {strides = array<i32>} : memref<128x144xf32, #tpu.memory_space<vmem>>, vector<16xf32>,
        %mul3A_1189 = arith.mulf %get3A_1188, %broadcast_in_dim3A_1146 : vector<16xf32>
        %swap3A_1190 = arith.index_cast %add3A_1150 : i32 to index
        %swap3A_1191 = arith.constant 80 : index
        %swap3A_1192 = tpu.vector_load %arg6[%swap3A_1190, %swap3A_1191] {strides = array<i32>} : memref<128x144xf32, #tpu.memory_space<vmem>>, vector<16xf32>,
        tpu.vector_store %arg6[%swap3A_1190, %swap3A_1191], %mul3A_1189 {strides = array<i32>} : memref<128x144xf32, #tpu.memory_space<vmem>>, vector<16xf32>,
        %get3A_1193 = arith.index_cast %add3A_1150 : i32 to index
        %get3A_1194 = arith.constant 96 : index
        %get3A_1195 = tpu.vector_load %arg6[%get3A_1193, %get3A_1194] {strides = array<i32>} : memref<128x144xf32, #tpu.memory_space<vmem>>, vector<16xf32>,
        %mul3A_1196 = arith.mulf %get3A_1195, %broadcast_in_dim3A_1146 : vector<16xf32>
        %swap3A_1197 = arith.index_cast %add3A_1150 : i32 to index
        %swap3A_1198 = arith.constant 96 : index
        %swap3A_1199 = tpu.vector_load %arg6[%swap3A_1197, %swap3A_1198] {strides = array<i32>} : memref<128x144xf32, #tpu.memory_space<vmem>>, vector<16xf32>,
        tpu.vector_store %arg6[%swap3A_1197, %swap3A_1198], %mul3A_1196 {strides = array<i32>} : memref<128x144xf32, #tpu.memory_space<vmem>>, vector<16xf32>,
        %get3A_1200 = arith.index_cast %add3A_1150 : i32 to index
        %get3A_1201 = arith.constant 112 : index
        %get3A_1202 = tpu.vector_load %arg6[%get3A_1200, %get3A_1201] {strides = array<i32>} : memref<128x144xf32, #tpu.memory_space<vmem>>, vector<16xf32>,
        %mul3A_1203 = arith.mulf %get3A_1202, %broadcast_in_dim3A_1146 : vector<16xf32>
        %swap3A_1204 = arith.index_cast %add3A_1150 : i32 to index
        %swap3A_1205 = arith.constant 112 : index
        %swap3A_1206 = tpu.vector_load %arg6[%swap3A_1204, %swap3A_1205] {strides = array<i32>} : memref<128x144xf32, #tpu.memory_space<vmem>>, vector<16xf32>,
        tpu.vector_store %arg6[%swap3A_1204, %swap3A_1205], %mul3A_1203 {strides = array<i32>} : memref<128x144xf32, #tpu.memory_space<vmem>>, vector<16xf32>,
        %get3A_1207 = arith.index_cast %add3A_1150 : i32 to index
        %get3A_1208 = arith.constant 128 : index
        %get3A_1209 = tpu.vector_load %arg6[%get3A_1207, %get3A_1208] {strides = array<i32>} : memref<128x144xf32, #tpu.memory_space<vmem>>, vector<16xf32>,
        %mul3A_1210 = arith.mulf %get3A_1209, %broadcast_in_dim3A_1146 : vector<16xf32>
        %swap3A_1211 = arith.index_cast %add3A_1150 : i32 to index
        %swap3A_1212 = arith.constant 128 : index
        %swap3A_1213 = tpu.vector_load %arg6[%swap3A_1211, %swap3A_1212] {strides = array<i32>} : memref<128x144xf32, #tpu.memory_space<vmem>>, vector<16xf32>,
        tpu.vector_store %arg6[%swap3A_1211, %swap3A_1212], %mul3A_1210 {strides = array<i32>} : memref<128x144xf32, #tpu.memory_space<vmem>>, vector<16xf32>,
      }
      %scan3A_58 = arith.constant 8 : i32
      %dma_start3A_59 = arith.constant 1 : i32
      %dma_start3A_60 = arith.constant 0 : i32
      %dma_start3A_61 = tpu.memref_slice %arg8[%dma_start3A_59, %dma_start3A_60] : memref<3x128xi32, #tpu.memory_space<vmem>> -> memref<1x128xi32, #tpu.memory_space<vmem>>
      %dma_start3A_62 = tpu.memref_squeeze %dma_start3A_61 : memref<1x128xi32, #tpu.memory_space<vmem>> -> memref<128xi32, #tpu.memory_space<vmem>>
      %dma_start3A_63 = arith.constant 0 : i32
      %dma_start3A_64 = arith.constant 0 : i32
      %dma_start3A_65 = tpu.memref_slice %arg9[%dma_start3A_63, %dma_start3A_64] : memref<10240x144xf32, #tpu.memory_space<vmem_shared>> -> memref<10240x144xf32, #tpu.memory_space<vmem_shared>>
      tpu.enqueue_indirect_dma source(%arg6 : memref<128x144xf32, #tpu.memory_space<vmem>>) target(%dma_start3A_65 : memref<10240x144xf32, #tpu.memory_space<vmem_shared>>) offsets(%dma_start3A_62 : memref<128xi32, #tpu.memory_space<vmem>>) semaphore(%arg11 : memref<!tpu.dma_semaphore, #tpu.memory_space<semaphore_mem>>) {add = true}
      %dma_wait3A_66 = arith.constant 1 : i32
      %dma_wait3A_67 = arith.constant 0 : i32
      %dma_wait3A_68 = tpu.memref_slice %arg8[%dma_wait3A_66, %dma_wait3A_67] : memref<3x128xi32, #tpu.memory_space<vmem>> -> memref<1x128xi32, #tpu.memory_space<vmem>>
      %dma_wait3A_69 = tpu.memref_squeeze %dma_wait3A_68 : memref<1x128xi32, #tpu.memory_space<vmem>> -> memref<128xi32, #tpu.memory_space<vmem>>
      %dma_wait3A_70 = arith.constant 0 : i32
      %dma_wait3A_71 = arith.constant 0 : i32
      %dma_wait3A_72 = tpu.memref_slice %arg9[%dma_wait3A_70, %dma_wait3A_71] : memref<10240x144xf32, #tpu.memory_space<vmem_shared>> -> memref<10240x144xf32, #tpu.memory_space<vmem_shared>>
      tpu.wait_indirect_dma semaphore(%arg11 : memref<!tpu.dma_semaphore, #tpu.memory_space<semaphore_mem>>) src(%arg6 : memref<128x144xf32, #tpu.memory_space<vmem>>) dst(%dma_wait3A_72 : memref<10240x144xf32, #tpu.memory_space<vmem_shared>>)
    }
    %scan3A_22 = arith.constant 79 : i32
    %barrier3A_23 = arith.constant 0 : index
    tpu.barrier barrier_id(%barrier3A_23)
    "tpu.region"() ({
      %run_scoped3A = tpu.sem_alloc : memref<!tpu.dma_semaphore, #tpu.memory_space<semaphore_mem>>
      %dma_start3A = arith.constant 0 : i32
      %dma_start3A_24 = tpu.memref_slice %arg5[%arg0, %mul3A_2, %dma_start3A] : memref<2x10240x144xf32, #tpu.memory_space<hbm>> -> memref<1x640x144xf32, #tpu.memory_space<hbm>>
      %dma_start3A_25 = tpu.memref_squeeze %dma_start3A_24 : memref<1x640x144xf32, #tpu.memory_space<hbm>> -> memref<640x144xf32, #tpu.memory_space<hbm>>
      %dma_start3A_26 = arith.constant 0 : i32
      %dma_start3A_27 = tpu.memref_slice %arg9[%mul3A_2, %dma_start3A_26] : memref<10240x144xf32, #tpu.memory_space<vmem_shared>> -> memref<640x144xf32, #tpu.memory_space<vmem_shared>>
      tpu.enqueue_dma source(%dma_start3A_27 : memref<640x144xf32, #tpu.memory_space<vmem_shared>>) target(%dma_start3A_25 : memref<640x144xf32, #tpu.memory_space<hbm>>) target_semaphore(%run_scoped3A : memref<!tpu.dma_semaphore, #tpu.memory_space<semaphore_mem>>)
      %dma_wait3A = arith.constant 0 : i32
      %dma_wait3A_28 = tpu.memref_slice %arg5[%arg0, %mul3A_2, %dma_wait3A] : memref<2x10240x144xf32, #tpu.memory_space<hbm>> -> memref<1x640x144xf32, #tpu.memory_space<hbm>>
      %dma_wait3A_29 = tpu.memref_squeeze %dma_wait3A_28 : memref<1x640x144xf32, #tpu.memory_space<hbm>> -> memref<640x144xf32, #tpu.memory_space<hbm>>
      %dma_wait3A_30 = arith.constant 0 : i32
      %dma_wait3A_31 = tpu.memref_slice %arg9[%mul3A_2, %dma_wait3A_30] : memref<10240x144xf32, #tpu.memory_space<vmem_shared>> -> memref<640x144xf32, #tpu.memory_space<vmem_shared>>
      tpu.wait_dma2 semaphore(%run_scoped3A : memref<!tpu.dma_semaphore, #tpu.memory_space<semaphore_mem>>) src(%dma_wait3A_31 : memref<640x144xf32, #tpu.memory_space<vmem_shared>>) dst(%dma_wait3A_29 : memref<640x144xf32, #tpu.memory_space<hbm>>)
      tpu.yield
    }) : () -> ()
    return
  }
}

#map = affine_map<(d0, d1) -> (0, 0)>
#map1 = affine_map<(d0, d1) -> (0)>
#map2 = affine_map<(d0, d1) -> (0, 0, 0, 0)>
#map3 = affine_map<(d0, d1) -> (0, 0, 0)>
module attributes {stable_mosaic.version = 14 : i64} {
  func.func @_sc_edge(%arg0: i32, %arg1: i32, %arg2: memref<10240x144xf32, #tpu.memory_space<hbm>>, %arg3: memref<10240xf32, #tpu.memory_space<hbm>>, %arg4: memref<32x79x3x128xi32, #tpu.memory_space<hbm>>, %arg5: memref<2x10240x144xf32, #tpu.memory_space<hbm>>, %arg6: memref<128x144xf32, #tpu.memory_space<vmem>>, %arg7: memref<10000xf32, #tpu.memory_space<vmem>>, %arg8: memref<3x128xi32, #tpu.memory_space<vmem>>, %arg9: memref<10240x144xf32, #tpu.memory_space<vmem_shared>>, %arg10: memref<!tpu.dma_semaphore, #tpu.memory_space<semaphore_mem>>, %arg11: memref<!tpu.dma_semaphore, #tpu.memory_space<semaphore_mem>>, %arg12: memref<!tpu.dma_semaphore, #tpu.memory_space<semaphore_mem>>) attributes {dimension_semantics = [#tpu.dimension_semantics<core_parallel>, #tpu.dimension_semantics<subcore_parallel>], iteration_bounds = array<i64: 2, 16>, scalar_prefetch = 0 : i64, scratch_operands = 7 : i64, tpu.core_type = #tpu.core_type<sc_vector_subcore>, window_params = [{transform_indices = #map}, {transform_indices = #map1}, {transform_indices = #map2}, {transform_indices = #map3}]} {
    %mul3A = arith.constant 2 : i32
    %mul3A_0 = arith.muli %arg1, %mul3A : i32
    %add3A = arith.addi %mul3A_0, %arg0 : i32
    %mul3A_1 = arith.constant 640 : i32
    %mul3A_2 = arith.muli %arg1, %mul3A_1 : i32
    %broadcast_in_dim3A = arith.constant 0.000000e+00 : f32
    %broadcast_in_dim3A_3 = vector.broadcast %broadcast_in_dim3A : f32 to vector<16xf32>
    %scan3A = arith.constant 0 : i32
    %scan3A_4 = arith.constant 0 : i32
    %scan3A_5 = arith.constant 128 : i32
    %scan3A_6 = arith.addi %scan3A_4, %scan3A_5 : i32
    %scan3A_7 = arith.constant 1 : i32
    scf.for %scan3A_24 = %scan3A_4 to %scan3A_6 step %scan3A_7  : i32 {
      %swap3A = arith.index_cast %scan3A_24 : i32 to index
      %swap3A_25 = arith.constant 0 : index
      %swap3A_26 = tpu.vector_load %arg6[%swap3A, %swap3A_25] {strides = array<i32>} : memref<128x144xf32, #tpu.memory_space<vmem>>, vector<16xf32>,
      tpu.vector_store %arg6[%swap3A, %swap3A_25], %broadcast_in_dim3A_3 {strides = array<i32>} : memref<128x144xf32, #tpu.memory_space<vmem>>, vector<16xf32>,
      %swap3A_27 = arith.index_cast %scan3A_24 : i32 to index
      %swap3A_28 = arith.constant 16 : index
      %swap3A_29 = tpu.vector_load %arg6[%swap3A_27, %swap3A_28] {strides = array<i32>} : memref<128x144xf32, #tpu.memory_space<vmem>>, vector<16xf32>,
      tpu.vector_store %arg6[%swap3A_27, %swap3A_28], %broadcast_in_dim3A_3 {strides = array<i32>} : memref<128x144xf32, #tpu.memory_space<vmem>>, vector<16xf32>,
      %swap3A_30 = arith.index_cast %scan3A_24 : i32 to index
      %swap3A_31 = arith.constant 32 : index
      %swap3A_32 = tpu.vector_load %arg6[%swap3A_30, %swap3A_31] {strides = array<i32>} : memref<128x144xf32, #tpu.memory_space<vmem>>, vector<16xf32>,
      tpu.vector_store %arg6[%swap3A_30, %swap3A_31], %broadcast_in_dim3A_3 {strides = array<i32>} : memref<128x144xf32, #tpu.memory_space<vmem>>, vector<16xf32>,
      %swap3A_33 = arith.index_cast %scan3A_24 : i32 to index
      %swap3A_34 = arith.constant 48 : index
      %swap3A_35 = tpu.vector_load %arg6[%swap3A_33, %swap3A_34] {strides = array<i32>} : memref<128x144xf32, #tpu.memory_space<vmem>>, vector<16xf32>,
      tpu.vector_store %arg6[%swap3A_33, %swap3A_34], %broadcast_in_dim3A_3 {strides = array<i32>} : memref<128x144xf32, #tpu.memory_space<vmem>>, vector<16xf32>,
      %swap3A_36 = arith.index_cast %scan3A_24 : i32 to index
      %swap3A_37 = arith.constant 64 : index
      %swap3A_38 = tpu.vector_load %arg6[%swap3A_36, %swap3A_37] {strides = array<i32>} : memref<128x144xf32, #tpu.memory_space<vmem>>, vector<16xf32>,
      tpu.vector_store %arg6[%swap3A_36, %swap3A_37], %broadcast_in_dim3A_3 {strides = array<i32>} : memref<128x144xf32, #tpu.memory_space<vmem>>, vector<16xf32>,
      %swap3A_39 = arith.index_cast %scan3A_24 : i32 to index
      %swap3A_40 = arith.constant 80 : index
      %swap3A_41 = tpu.vector_load %arg6[%swap3A_39, %swap3A_40] {strides = array<i32>} : memref<128x144xf32, #tpu.memory_space<vmem>>, vector<16xf32>,
      tpu.vector_store %arg6[%swap3A_39, %swap3A_40], %broadcast_in_dim3A_3 {strides = array<i32>} : memref<128x144xf32, #tpu.memory_space<vmem>>, vector<16xf32>,
      %swap3A_42 = arith.index_cast %scan3A_24 : i32 to index
      %swap3A_43 = arith.constant 96 : index
      %swap3A_44 = tpu.vector_load %arg6[%swap3A_42, %swap3A_43] {strides = array<i32>} : memref<128x144xf32, #tpu.memory_space<vmem>>, vector<16xf32>,
      tpu.vector_store %arg6[%swap3A_42, %swap3A_43], %broadcast_in_dim3A_3 {strides = array<i32>} : memref<128x144xf32, #tpu.memory_space<vmem>>, vector<16xf32>,
      %swap3A_45 = arith.index_cast %scan3A_24 : i32 to index
      %swap3A_46 = arith.constant 112 : index
      %swap3A_47 = tpu.vector_load %arg6[%swap3A_45, %swap3A_46] {strides = array<i32>} : memref<128x144xf32, #tpu.memory_space<vmem>>, vector<16xf32>,
      tpu.vector_store %arg6[%swap3A_45, %swap3A_46], %broadcast_in_dim3A_3 {strides = array<i32>} : memref<128x144xf32, #tpu.memory_space<vmem>>, vector<16xf32>,
      %swap3A_48 = arith.index_cast %scan3A_24 : i32 to index
      %swap3A_49 = arith.constant 128 : index
      %swap3A_50 = tpu.vector_load %arg6[%swap3A_48, %swap3A_49] {strides = array<i32>} : memref<128x144xf32, #tpu.memory_space<vmem>>, vector<16xf32>,
      tpu.vector_store %arg6[%swap3A_48, %swap3A_49], %broadcast_in_dim3A_3 {strides = array<i32>} : memref<128x144xf32, #tpu.memory_space<vmem>>, vector<16xf32>,
    }
    %scan3A_8 = arith.constant 128 : i32
    %scan3A_9 = arith.constant 0 : i32
    %scan3A_10 = arith.constant 0 : i32
    %scan3A_11 = arith.constant 5 : i32
    %scan3A_12 = arith.addi %scan3A_10, %scan3A_11 : i32
    %scan3A_13 = arith.constant 1 : i32
    scf.for %scan3A_24 = %scan3A_10 to %scan3A_12 step %scan3A_13  : i32 {
      %mul3A_25 = arith.constant 128 : i32
      %mul3A_26 = arith.muli %scan3A_24, %mul3A_25 : i32
      %add3A_27 = arith.addi %mul3A_2, %mul3A_26 : i32
      %dma_start3A = arith.constant 0 : i32
      %dma_start3A_28 = tpu.memref_slice %arg9[%add3A_27, %dma_start3A] : memref<10240x144xf32, #tpu.memory_space<vmem_shared>> -> memref<128x144xf32, #tpu.memory_space<vmem_shared>>
      %dma_start3A_29 = arith.constant 0 : i32
      %dma_start3A_30 = tpu.memref_slice %arg9[%add3A_27, %dma_start3A_29] : memref<10240x144xf32, #tpu.memory_space<vmem_shared>> -> memref<128x144xf32, #tpu.memory_space<vmem_shared>>
      tpu.enqueue_dma source(%arg6 : memref<128x144xf32, #tpu.memory_space<vmem>>) target(%dma_start3A_30 : memref<128x144xf32, #tpu.memory_space<vmem_shared>>) target_semaphore(%arg11 : memref<!tpu.dma_semaphore, #tpu.memory_space<semaphore_mem>>)
      %dma_wait3A = arith.constant 0 : i32
      %dma_wait3A_31 = tpu.memref_slice %arg9[%add3A_27, %dma_wait3A] : memref<10240x144xf32, #tpu.memory_space<vmem_shared>> -> memref<128x144xf32, #tpu.memory_space<vmem_shared>>
      %dma_wait3A_32 = arith.constant 0 : i32
      %dma_wait3A_33 = tpu.memref_slice %arg9[%add3A_27, %dma_wait3A_32] : memref<10240x144xf32, #tpu.memory_space<vmem_shared>> -> memref<128x144xf32, #tpu.memory_space<vmem_shared>>
      tpu.wait_dma2 semaphore(%arg11 : memref<!tpu.dma_semaphore, #tpu.memory_space<semaphore_mem>>) src(%arg6 : memref<128x144xf32, #tpu.memory_space<vmem>>) dst(%dma_wait3A_33 : memref<128x144xf32, #tpu.memory_space<vmem_shared>>)
    }
    %scan3A_14 = arith.constant 5 : i32
    %barrier3A = arith.constant 0 : index
    tpu.barrier barrier_id(%barrier3A)
    %iota3A = tpu.iota {dimensions = array<i32: 0>} : vector<16xi32>
    %broadcast_in_dim3A_15 = arith.constant 129 : i32
    %broadcast_in_dim3A_16 = vector.broadcast %broadcast_in_dim3A_15 : i32 to vector<16xi32>
    "tpu.region"() ({
      %run_scoped3A = tpu.sem_alloc : memref<!tpu.dma_semaphore, #tpu.memory_space<semaphore_mem>>
      %dma_start3A = arith.constant 0 : i32
      %dma_start3A_24 = tpu.memref_slice %arg3[%dma_start3A] : memref<10240xf32, #tpu.memory_space<hbm>> -> memref<10000xf32, #tpu.memory_space<hbm>>
      %dma_start3A_25 = arith.constant 0 : i32
      %dma_start3A_26 = tpu.memref_slice %arg3[%dma_start3A_25] : memref<10240xf32, #tpu.memory_space<hbm>> -> memref<10000xf32, #tpu.memory_space<hbm>>
      tpu.enqueue_dma source(%dma_start3A_26 : memref<10000xf32, #tpu.memory_space<hbm>>) target(%arg7 : memref<10000xf32, #tpu.memory_space<vmem>>) target_semaphore(%run_scoped3A : memref<!tpu.dma_semaphore, #tpu.memory_space<semaphore_mem>>)
      %dma_wait3A = arith.constant 0 : i32
      %dma_wait3A_27 = tpu.memref_slice %arg3[%dma_wait3A] : memref<10240xf32, #tpu.memory_space<hbm>> -> memref<10000xf32, #tpu.memory_space<hbm>>
      %dma_wait3A_28 = arith.constant 0 : i32
      %dma_wait3A_29 = tpu.memref_slice %arg3[%dma_wait3A_28] : memref<10240xf32, #tpu.memory_space<hbm>> -> memref<10000xf32, #tpu.memory_space<hbm>>
      tpu.wait_dma2 semaphore(%run_scoped3A : memref<!tpu.dma_semaphore, #tpu.memory_space<semaphore_mem>>) src(%dma_wait3A_29 : memref<10000xf32, #tpu.memory_space<hbm>>) dst(%arg7 : memref<10000xf32, #tpu.memory_space<vmem>>)
      tpu.yield
    }) : () -> ()
    %scan3A_17 = arith.constant 0 : i32
    %scan3A_18 = arith.constant 0 : i32
    %scan3A_19 = arith.constant 79 : i32
    %scan3A_20 = arith.addi %scan3A_18, %scan3A_19 : i32
    %scan3A_21 = arith.constant 1 : i32
    scf.for %scan3A_24 = %scan3A_18 to %scan3A_20 step %scan3A_21  : i32 {
      %dma_start3A = arith.constant 0 : i32
      %dma_start3A_25 = arith.constant 0 : i32
      %dma_start3A_26 = tpu.memref_slice %arg4[%add3A, %scan3A_24, %dma_start3A, %dma_start3A_25] : memref<32x79x3x128xi32, #tpu.memory_space<hbm>> -> memref<1x1x3x128xi32, #tpu.memory_space<hbm>>
      %dma_start3A_27 = tpu.memref_squeeze %dma_start3A_26 : memref<1x1x3x128xi32, #tpu.memory_space<hbm>> -> memref<3x128xi32, #tpu.memory_space<hbm>>
      %dma_start3A_28 = arith.constant 0 : i32
      %dma_start3A_29 = arith.constant 0 : i32
      %dma_start3A_30 = tpu.memref_slice %arg4[%add3A, %scan3A_24, %dma_start3A_28, %dma_start3A_29] : memref<32x79x3x128xi32, #tpu.memory_space<hbm>> -> memref<1x1x3x128xi32, #tpu.memory_space<hbm>>
      %dma_start3A_31 = tpu.memref_squeeze %dma_start3A_30 : memref<1x1x3x128xi32, #tpu.memory_space<hbm>> -> memref<3x128xi32, #tpu.memory_space<hbm>>
      tpu.enqueue_dma source(%dma_start3A_31 : memref<3x128xi32, #tpu.memory_space<hbm>>) target(%arg8 : memref<3x128xi32, #tpu.memory_space<vmem>>) target_semaphore(%arg12 : memref<!tpu.dma_semaphore, #tpu.memory_space<semaphore_mem>>)
      %dma_wait3A = arith.constant 0 : i32
      %dma_wait3A_32 = arith.constant 0 : i32
      %dma_wait3A_33 = tpu.memref_slice %arg4[%add3A, %scan3A_24, %dma_wait3A, %dma_wait3A_32] : memref<32x79x3x128xi32, #tpu.memory_space<hbm>> -> memref<1x1x3x128xi32, #tpu.memory_space<hbm>>
      %dma_wait3A_34 = tpu.memref_squeeze %dma_wait3A_33 : memref<1x1x3x128xi32, #tpu.memory_space<hbm>> -> memref<3x128xi32, #tpu.memory_space<hbm>>
      %dma_wait3A_35 = arith.constant 0 : i32
      %dma_wait3A_36 = arith.constant 0 : i32
      %dma_wait3A_37 = tpu.memref_slice %arg4[%add3A, %scan3A_24, %dma_wait3A_35, %dma_wait3A_36] : memref<32x79x3x128xi32, #tpu.memory_space<hbm>> -> memref<1x1x3x128xi32, #tpu.memory_space<hbm>>
      %dma_wait3A_38 = tpu.memref_squeeze %dma_wait3A_37 : memref<1x1x3x128xi32, #tpu.memory_space<hbm>> -> memref<3x128xi32, #tpu.memory_space<hbm>>
      tpu.wait_dma2 semaphore(%arg12 : memref<!tpu.dma_semaphore, #tpu.memory_space<semaphore_mem>>) src(%dma_wait3A_38 : memref<3x128xi32, #tpu.memory_space<hbm>>) dst(%arg8 : memref<3x128xi32, #tpu.memory_space<vmem>>)
      %dma_start3A_39 = arith.constant 0 : i32
      %dma_start3A_40 = arith.constant 0 : i32
      %dma_start3A_41 = tpu.memref_slice %arg8[%dma_start3A_39, %dma_start3A_40] : memref<3x128xi32, #tpu.memory_space<vmem>> -> memref<1x128xi32, #tpu.memory_space<vmem>>
      %dma_start3A_42 = tpu.memref_squeeze %dma_start3A_41 : memref<1x128xi32, #tpu.memory_space<vmem>> -> memref<128xi32, #tpu.memory_space<vmem>>
      %dma_start3A_43 = arith.constant 0 : i32
      %dma_start3A_44 = arith.constant 0 : i32
      %dma_start3A_45 = tpu.memref_slice %arg2[%dma_start3A_43, %dma_start3A_44] : memref<10240x144xf32, #tpu.memory_space<hbm>> -> memref<10240x144xf32, #tpu.memory_space<hbm>>
      tpu.enqueue_indirect_dma source(%dma_start3A_45 : memref<10240x144xf32, #tpu.memory_space<hbm>>) target(%arg6 : memref<128x144xf32, #tpu.memory_space<vmem>>) offsets(%dma_start3A_42 : memref<128xi32, #tpu.memory_space<vmem>>) semaphore(%arg10 : memref<!tpu.dma_semaphore, #tpu.memory_space<semaphore_mem>>)
      %dma_wait3A_46 = arith.constant 0 : i32
      %dma_wait3A_47 = arith.constant 0 : i32
      %dma_wait3A_48 = tpu.memref_slice %arg8[%dma_wait3A_46, %dma_wait3A_47] : memref<3x128xi32, #tpu.memory_space<vmem>> -> memref<1x128xi32, #tpu.memory_space<vmem>>
      %dma_wait3A_49 = tpu.memref_squeeze %dma_wait3A_48 : memref<1x128xi32, #tpu.memory_space<vmem>> -> memref<128xi32, #tpu.memory_space<vmem>>
      %dma_wait3A_50 = arith.constant 0 : i32
      %dma_wait3A_51 = arith.constant 0 : i32
      %dma_wait3A_52 = tpu.memref_slice %arg2[%dma_wait3A_50, %dma_wait3A_51] : memref<10240x144xf32, #tpu.memory_space<hbm>> -> memref<10240x144xf32, #tpu.memory_space<hbm>>
      tpu.wait_indirect_dma semaphore(%arg10 : memref<!tpu.dma_semaphore, #tpu.memory_space<semaphore_mem>>) src(%dma_wait3A_52 : memref<10240x144xf32, #tpu.memory_space<hbm>>) dst(%arg6 : memref<128x144xf32, #tpu.memory_space<vmem>>)
      %scan3A_53 = arith.constant 0 : i32
      %scan3A_54 = arith.constant 0 : i32
      %scan3A_55 = arith.constant 8 : i32
      %scan3A_56 = arith.addi %scan3A_54, %scan3A_55 : i32
      %scan3A_57 = arith.constant 1 : i32
      scf.for %scan3A_73 = %scan3A_54 to %scan3A_56 step %scan3A_57  : i32 {
        %mul3A_74 = arith.constant 16 : i32
        %mul3A_75 = arith.muli %scan3A_73, %mul3A_74 : i32
        %add3A_76 = vector.broadcast %mul3A_75 : i32 to vector<16xi32>
        %add3A_77 = arith.addi %add3A_76, %iota3A : vector<16xi32>
        %gather3A = tpu.vector_load_idx %arg6[%add3A_77, %broadcast_in_dim3A_16] : memref<128x144xf32, #tpu.memory_space<vmem>>[vector<16xi32>, vector<16xi32>], vector<16xf32>,
        %mul3A_78 = arith.constant 16 : i32
        %mul3A_79 = arith.muli %scan3A_73, %mul3A_78 : i32
        %get3A = arith.constant 1 : i32
        %get3A_80 = arith.index_cast %get3A : i32 to index
        %get3A_81 = arith.index_cast %mul3A_79 : i32 to index
        %get3A_82 = tpu.vector_load %arg8[%get3A_80, %get3A_81] {strides = array<i32>} : memref<3x128xi32, #tpu.memory_space<vmem>>, vector<16xi32>,
        %gather3A_83 = tpu.vector_load_idx %arg7[%get3A_82] : memref<10000xf32, #tpu.memory_space<vmem>>[vector<16xi32>], vector<16xf32>,
        %add3A_84 = arith.addf %gather3A, %gather3A_83 : vector<16xf32>
        %mul3A_85 = arith.constant 16 : i32
        %mul3A_86 = arith.muli %scan3A_73, %mul3A_85 : i32
        %get3A_87 = arith.constant 2 : i32
        %get3A_88 = arith.index_cast %get3A_87 : i32 to index
        %get3A_89 = arith.index_cast %mul3A_86 : i32 to index
        %get3A_90 = tpu.vector_load %arg8[%get3A_88, %get3A_89] {strides = array<i32>} : memref<3x128xi32, #tpu.memory_space<vmem>>, vector<16xi32>,
        %bitcast3A = vector.bitcast %get3A_90 : vector<16xi32> to vector<16xf32>
        %add3A_91 = arith.addf %add3A_84, %bitcast3A : vector<16xf32>
        %gt3A = arith.constant 0.000000e+00 : f32
        %gt3A_92 = vector.broadcast %gt3A : f32 to vector<16xf32>
        %gt3A_93 = arith.cmpf ogt, %add3A_91, %gt3A_92 : vector<16xf32>
        %mul3A_94 = arith.constant 2.000000e-01 : f32
        %mul3A_95 = vector.broadcast %mul3A_94 : f32 to vector<16xf32>
        %mul3A_96 = arith.mulf %mul3A_95, %add3A_91 : vector<16xf32>
        %select_n3A = arith.select %gt3A_93, %add3A_91, %mul3A_96 : vector<16xi1>, vector<16xf32>
        %exp3A = math.exp %select_n3A : vector<16xf32>
        %slice3A = vector.extract_strided_slice %exp3A {offsets = [0], sizes = [1], strides = [1]} : vector<16xf32> to vector<1xf32>
        %squeeze3A = vector.extract %slice3A[0] : f32 from vector<1xf32>
        %broadcast_in_dim3A_97 = vector.broadcast %squeeze3A : f32 to vector<16xf32>
        %mul3A_98 = arith.constant 16 : i32
        %mul3A_99 = arith.muli %scan3A_73, %mul3A_98 : i32
        %add3A_100 = arith.constant 0 : i32
        %add3A_101 = arith.addi %mul3A_99, %add3A_100 : i32
        %get3A_102 = arith.index_cast %add3A_101 : i32 to index
        %get3A_103 = arith.constant 0 : index
        %get3A_104 = tpu.vector_load %arg6[%get3A_102, %get3A_103] {strides = array<i32>} : memref<128x144xf32, #tpu.memory_space<vmem>>, vector<16xf32>,
        %mul3A_105 = arith.mulf %get3A_104, %broadcast_in_dim3A_97 : vector<16xf32>
        %swap3A = arith.index_cast %add3A_101 : i32 to index
        %swap3A_106 = arith.constant 0 : index
        %swap3A_107 = tpu.vector_load %arg6[%swap3A, %swap3A_106] {strides = array<i32>} : memref<128x144xf32, #tpu.memory_space<vmem>>, vector<16xf32>,
        tpu.vector_store %arg6[%swap3A, %swap3A_106], %mul3A_105 {strides = array<i32>} : memref<128x144xf32, #tpu.memory_space<vmem>>, vector<16xf32>,
        %get3A_108 = arith.index_cast %add3A_101 : i32 to index
        %get3A_109 = arith.constant 16 : index
        %get3A_110 = tpu.vector_load %arg6[%get3A_108, %get3A_109] {strides = array<i32>} : memref<128x144xf32, #tpu.memory_space<vmem>>, vector<16xf32>,
        %mul3A_111 = arith.mulf %get3A_110, %broadcast_in_dim3A_97 : vector<16xf32>
        %swap3A_112 = arith.index_cast %add3A_101 : i32 to index
        %swap3A_113 = arith.constant 16 : index
        %swap3A_114 = tpu.vector_load %arg6[%swap3A_112, %swap3A_113] {strides = array<i32>} : memref<128x144xf32, #tpu.memory_space<vmem>>, vector<16xf32>,
        tpu.vector_store %arg6[%swap3A_112, %swap3A_113], %mul3A_111 {strides = array<i32>} : memref<128x144xf32, #tpu.memory_space<vmem>>, vector<16xf32>,
        %get3A_115 = arith.index_cast %add3A_101 : i32 to index
        %get3A_116 = arith.constant 32 : index
        %get3A_117 = tpu.vector_load %arg6[%get3A_115, %get3A_116] {strides = array<i32>} : memref<128x144xf32, #tpu.memory_space<vmem>>, vector<16xf32>,
        %mul3A_118 = arith.mulf %get3A_117, %broadcast_in_dim3A_97 : vector<16xf32>
        %swap3A_119 = arith.index_cast %add3A_101 : i32 to index
        %swap3A_120 = arith.constant 32 : index
        %swap3A_121 = tpu.vector_load %arg6[%swap3A_119, %swap3A_120] {strides = array<i32>} : memref<128x144xf32, #tpu.memory_space<vmem>>, vector<16xf32>,
        tpu.vector_store %arg6[%swap3A_119, %swap3A_120], %mul3A_118 {strides = array<i32>} : memref<128x144xf32, #tpu.memory_space<vmem>>, vector<16xf32>,
        %get3A_122 = arith.index_cast %add3A_101 : i32 to index
        %get3A_123 = arith.constant 48 : index
        %get3A_124 = tpu.vector_load %arg6[%get3A_122, %get3A_123] {strides = array<i32>} : memref<128x144xf32, #tpu.memory_space<vmem>>, vector<16xf32>,
        %mul3A_125 = arith.mulf %get3A_124, %broadcast_in_dim3A_97 : vector<16xf32>
        %swap3A_126 = arith.index_cast %add3A_101 : i32 to index
        %swap3A_127 = arith.constant 48 : index
        %swap3A_128 = tpu.vector_load %arg6[%swap3A_126, %swap3A_127] {strides = array<i32>} : memref<128x144xf32, #tpu.memory_space<vmem>>, vector<16xf32>,
        tpu.vector_store %arg6[%swap3A_126, %swap3A_127], %mul3A_125 {strides = array<i32>} : memref<128x144xf32, #tpu.memory_space<vmem>>, vector<16xf32>,
        %get3A_129 = arith.index_cast %add3A_101 : i32 to index
        %get3A_130 = arith.constant 64 : index
        %get3A_131 = tpu.vector_load %arg6[%get3A_129, %get3A_130] {strides = array<i32>} : memref<128x144xf32, #tpu.memory_space<vmem>>, vector<16xf32>,
        %mul3A_132 = arith.mulf %get3A_131, %broadcast_in_dim3A_97 : vector<16xf32>
        %swap3A_133 = arith.index_cast %add3A_101 : i32 to index
        %swap3A_134 = arith.constant 64 : index
        %swap3A_135 = tpu.vector_load %arg6[%swap3A_133, %swap3A_134] {strides = array<i32>} : memref<128x144xf32, #tpu.memory_space<vmem>>, vector<16xf32>,
        tpu.vector_store %arg6[%swap3A_133, %swap3A_134], %mul3A_132 {strides = array<i32>} : memref<128x144xf32, #tpu.memory_space<vmem>>, vector<16xf32>,
        %get3A_136 = arith.index_cast %add3A_101 : i32 to index
        %get3A_137 = arith.constant 80 : index
        %get3A_138 = tpu.vector_load %arg6[%get3A_136, %get3A_137] {strides = array<i32>} : memref<128x144xf32, #tpu.memory_space<vmem>>, vector<16xf32>,
        %mul3A_139 = arith.mulf %get3A_138, %broadcast_in_dim3A_97 : vector<16xf32>
        %swap3A_140 = arith.index_cast %add3A_101 : i32 to index
        %swap3A_141 = arith.constant 80 : index
        %swap3A_142 = tpu.vector_load %arg6[%swap3A_140, %swap3A_141] {strides = array<i32>} : memref<128x144xf32, #tpu.memory_space<vmem>>, vector<16xf32>,
        tpu.vector_store %arg6[%swap3A_140, %swap3A_141], %mul3A_139 {strides = array<i32>} : memref<128x144xf32, #tpu.memory_space<vmem>>, vector<16xf32>,
        %get3A_143 = arith.index_cast %add3A_101 : i32 to index
        %get3A_144 = arith.constant 96 : index
        %get3A_145 = tpu.vector_load %arg6[%get3A_143, %get3A_144] {strides = array<i32>} : memref<128x144xf32, #tpu.memory_space<vmem>>, vector<16xf32>,
        %mul3A_146 = arith.mulf %get3A_145, %broadcast_in_dim3A_97 : vector<16xf32>
        %swap3A_147 = arith.index_cast %add3A_101 : i32 to index
        %swap3A_148 = arith.constant 96 : index
        %swap3A_149 = tpu.vector_load %arg6[%swap3A_147, %swap3A_148] {strides = array<i32>} : memref<128x144xf32, #tpu.memory_space<vmem>>, vector<16xf32>,
        tpu.vector_store %arg6[%swap3A_147, %swap3A_148], %mul3A_146 {strides = array<i32>} : memref<128x144xf32, #tpu.memory_space<vmem>>, vector<16xf32>,
        %get3A_150 = arith.index_cast %add3A_101 : i32 to index
        %get3A_151 = arith.constant 112 : index
        %get3A_152 = tpu.vector_load %arg6[%get3A_150, %get3A_151] {strides = array<i32>} : memref<128x144xf32, #tpu.memory_space<vmem>>, vector<16xf32>,
        %mul3A_153 = arith.mulf %get3A_152, %broadcast_in_dim3A_97 : vector<16xf32>
        %swap3A_154 = arith.index_cast %add3A_101 : i32 to index
        %swap3A_155 = arith.constant 112 : index
        %swap3A_156 = tpu.vector_load %arg6[%swap3A_154, %swap3A_155] {strides = array<i32>} : memref<128x144xf32, #tpu.memory_space<vmem>>, vector<16xf32>,
        tpu.vector_store %arg6[%swap3A_154, %swap3A_155], %mul3A_153 {strides = array<i32>} : memref<128x144xf32, #tpu.memory_space<vmem>>, vector<16xf32>,
        %get3A_157 = arith.index_cast %add3A_101 : i32 to index
        %get3A_158 = arith.constant 128 : index
        %get3A_159 = tpu.vector_load %arg6[%get3A_157, %get3A_158] {strides = array<i32>} : memref<128x144xf32, #tpu.memory_space<vmem>>, vector<16xf32>,
        %mul3A_160 = arith.mulf %get3A_159, %broadcast_in_dim3A_97 : vector<16xf32>
        %swap3A_161 = arith.index_cast %add3A_101 : i32 to index
        %swap3A_162 = arith.constant 128 : index
        %swap3A_163 = tpu.vector_load %arg6[%swap3A_161, %swap3A_162] {strides = array<i32>} : memref<128x144xf32, #tpu.memory_space<vmem>>, vector<16xf32>,
        tpu.vector_store %arg6[%swap3A_161, %swap3A_162], %mul3A_160 {strides = array<i32>} : memref<128x144xf32, #tpu.memory_space<vmem>>, vector<16xf32>,
        %slice3A_164 = vector.extract_strided_slice %exp3A {offsets = [1], sizes = [1], strides = [1]} : vector<16xf32> to vector<1xf32>
        %squeeze3A_165 = vector.extract %slice3A_164[0] : f32 from vector<1xf32>
        %broadcast_in_dim3A_166 = vector.broadcast %squeeze3A_165 : f32 to vector<16xf32>
        %mul3A_167 = arith.constant 16 : i32
        %mul3A_168 = arith.muli %scan3A_73, %mul3A_167 : i32
        %add3A_169 = arith.constant 1 : i32
        %add3A_170 = arith.addi %mul3A_168, %add3A_169 : i32
        %get3A_171 = arith.index_cast %add3A_170 : i32 to index
        %get3A_172 = arith.constant 0 : index
        %get3A_173 = tpu.vector_load %arg6[%get3A_171, %get3A_172] {strides = array<i32>} : memref<128x144xf32, #tpu.memory_space<vmem>>, vector<16xf32>,
        %mul3A_174 = arith.mulf %get3A_173, %broadcast_in_dim3A_166 : vector<16xf32>
        %swap3A_175 = arith.index_cast %add3A_170 : i32 to index
        %swap3A_176 = arith.constant 0 : index
        %swap3A_177 = tpu.vector_load %arg6[%swap3A_175, %swap3A_176] {strides = array<i32>} : memref<128x144xf32, #tpu.memory_space<vmem>>, vector<16xf32>,
        tpu.vector_store %arg6[%swap3A_175, %swap3A_176], %mul3A_174 {strides = array<i32>} : memref<128x144xf32, #tpu.memory_space<vmem>>, vector<16xf32>,
        %get3A_178 = arith.index_cast %add3A_170 : i32 to index
        %get3A_179 = arith.constant 16 : index
        %get3A_180 = tpu.vector_load %arg6[%get3A_178, %get3A_179] {strides = array<i32>} : memref<128x144xf32, #tpu.memory_space<vmem>>, vector<16xf32>,
        %mul3A_181 = arith.mulf %get3A_180, %broadcast_in_dim3A_166 : vector<16xf32>
        %swap3A_182 = arith.index_cast %add3A_170 : i32 to index
        %swap3A_183 = arith.constant 16 : index
        %swap3A_184 = tpu.vector_load %arg6[%swap3A_182, %swap3A_183] {strides = array<i32>} : memref<128x144xf32, #tpu.memory_space<vmem>>, vector<16xf32>,
        tpu.vector_store %arg6[%swap3A_182, %swap3A_183], %mul3A_181 {strides = array<i32>} : memref<128x144xf32, #tpu.memory_space<vmem>>, vector<16xf32>,
        %get3A_185 = arith.index_cast %add3A_170 : i32 to index
        %get3A_186 = arith.constant 32 : index
        %get3A_187 = tpu.vector_load %arg6[%get3A_185, %get3A_186] {strides = array<i32>} : memref<128x144xf32, #tpu.memory_space<vmem>>, vector<16xf32>,
        %mul3A_188 = arith.mulf %get3A_187, %broadcast_in_dim3A_166 : vector<16xf32>
        %swap3A_189 = arith.index_cast %add3A_170 : i32 to index
        %swap3A_190 = arith.constant 32 : index
        %swap3A_191 = tpu.vector_load %arg6[%swap3A_189, %swap3A_190] {strides = array<i32>} : memref<128x144xf32, #tpu.memory_space<vmem>>, vector<16xf32>,
        tpu.vector_store %arg6[%swap3A_189, %swap3A_190], %mul3A_188 {strides = array<i32>} : memref<128x144xf32, #tpu.memory_space<vmem>>, vector<16xf32>,
        %get3A_192 = arith.index_cast %add3A_170 : i32 to index
        %get3A_193 = arith.constant 48 : index
        %get3A_194 = tpu.vector_load %arg6[%get3A_192, %get3A_193] {strides = array<i32>} : memref<128x144xf32, #tpu.memory_space<vmem>>, vector<16xf32>,
        %mul3A_195 = arith.mulf %get3A_194, %broadcast_in_dim3A_166 : vector<16xf32>
        %swap3A_196 = arith.index_cast %add3A_170 : i32 to index
        %swap3A_197 = arith.constant 48 : index
        %swap3A_198 = tpu.vector_load %arg6[%swap3A_196, %swap3A_197] {strides = array<i32>} : memref<128x144xf32, #tpu.memory_space<vmem>>, vector<16xf32>,
        tpu.vector_store %arg6[%swap3A_196, %swap3A_197], %mul3A_195 {strides = array<i32>} : memref<128x144xf32, #tpu.memory_space<vmem>>, vector<16xf32>,
        %get3A_199 = arith.index_cast %add3A_170 : i32 to index
        %get3A_200 = arith.constant 64 : index
        %get3A_201 = tpu.vector_load %arg6[%get3A_199, %get3A_200] {strides = array<i32>} : memref<128x144xf32, #tpu.memory_space<vmem>>, vector<16xf32>,
        %mul3A_202 = arith.mulf %get3A_201, %broadcast_in_dim3A_166 : vector<16xf32>
        %swap3A_203 = arith.index_cast %add3A_170 : i32 to index
        %swap3A_204 = arith.constant 64 : index
        %swap3A_205 = tpu.vector_load %arg6[%swap3A_203, %swap3A_204] {strides = array<i32>} : memref<128x144xf32, #tpu.memory_space<vmem>>, vector<16xf32>,
        tpu.vector_store %arg6[%swap3A_203, %swap3A_204], %mul3A_202 {strides = array<i32>} : memref<128x144xf32, #tpu.memory_space<vmem>>, vector<16xf32>,
        %get3A_206 = arith.index_cast %add3A_170 : i32 to index
        %get3A_207 = arith.constant 80 : index
        %get3A_208 = tpu.vector_load %arg6[%get3A_206, %get3A_207] {strides = array<i32>} : memref<128x144xf32, #tpu.memory_space<vmem>>, vector<16xf32>,
        %mul3A_209 = arith.mulf %get3A_208, %broadcast_in_dim3A_166 : vector<16xf32>
        %swap3A_210 = arith.index_cast %add3A_170 : i32 to index
        %swap3A_211 = arith.constant 80 : index
        %swap3A_212 = tpu.vector_load %arg6[%swap3A_210, %swap3A_211] {strides = array<i32>} : memref<128x144xf32, #tpu.memory_space<vmem>>, vector<16xf32>,
        tpu.vector_store %arg6[%swap3A_210, %swap3A_211], %mul3A_209 {strides = array<i32>} : memref<128x144xf32, #tpu.memory_space<vmem>>, vector<16xf32>,
        %get3A_213 = arith.index_cast %add3A_170 : i32 to index
        %get3A_214 = arith.constant 96 : index
        %get3A_215 = tpu.vector_load %arg6[%get3A_213, %get3A_214] {strides = array<i32>} : memref<128x144xf32, #tpu.memory_space<vmem>>, vector<16xf32>,
        %mul3A_216 = arith.mulf %get3A_215, %broadcast_in_dim3A_166 : vector<16xf32>
        %swap3A_217 = arith.index_cast %add3A_170 : i32 to index
        %swap3A_218 = arith.constant 96 : index
        %swap3A_219 = tpu.vector_load %arg6[%swap3A_217, %swap3A_218] {strides = array<i32>} : memref<128x144xf32, #tpu.memory_space<vmem>>, vector<16xf32>,
        tpu.vector_store %arg6[%swap3A_217, %swap3A_218], %mul3A_216 {strides = array<i32>} : memref<128x144xf32, #tpu.memory_space<vmem>>, vector<16xf32>,
        %get3A_220 = arith.index_cast %add3A_170 : i32 to index
        %get3A_221 = arith.constant 112 : index
        %get3A_222 = tpu.vector_load %arg6[%get3A_220, %get3A_221] {strides = array<i32>} : memref<128x144xf32, #tpu.memory_space<vmem>>, vector<16xf32>,
        %mul3A_223 = arith.mulf %get3A_222, %broadcast_in_dim3A_166 : vector<16xf32>
        %swap3A_224 = arith.index_cast %add3A_170 : i32 to index
        %swap3A_225 = arith.constant 112 : index
        %swap3A_226 = tpu.vector_load %arg6[%swap3A_224, %swap3A_225] {strides = array<i32>} : memref<128x144xf32, #tpu.memory_space<vmem>>, vector<16xf32>,
        tpu.vector_store %arg6[%swap3A_224, %swap3A_225], %mul3A_223 {strides = array<i32>} : memref<128x144xf32, #tpu.memory_space<vmem>>, vector<16xf32>,
        %get3A_227 = arith.index_cast %add3A_170 : i32 to index
        %get3A_228 = arith.constant 128 : index
        %get3A_229 = tpu.vector_load %arg6[%get3A_227, %get3A_228] {strides = array<i32>} : memref<128x144xf32, #tpu.memory_space<vmem>>, vector<16xf32>,
        %mul3A_230 = arith.mulf %get3A_229, %broadcast_in_dim3A_166 : vector<16xf32>
        %swap3A_231 = arith.index_cast %add3A_170 : i32 to index
        %swap3A_232 = arith.constant 128 : index
        %swap3A_233 = tpu.vector_load %arg6[%swap3A_231, %swap3A_232] {strides = array<i32>} : memref<128x144xf32, #tpu.memory_space<vmem>>, vector<16xf32>,
        tpu.vector_store %arg6[%swap3A_231, %swap3A_232], %mul3A_230 {strides = array<i32>} : memref<128x144xf32, #tpu.memory_space<vmem>>, vector<16xf32>,
        %slice3A_234 = vector.extract_strided_slice %exp3A {offsets = [2], sizes = [1], strides = [1]} : vector<16xf32> to vector<1xf32>
        %squeeze3A_235 = vector.extract %slice3A_234[0] : f32 from vector<1xf32>
        %broadcast_in_dim3A_236 = vector.broadcast %squeeze3A_235 : f32 to vector<16xf32>
        %mul3A_237 = arith.constant 16 : i32
        %mul3A_238 = arith.muli %scan3A_73, %mul3A_237 : i32
        %add3A_239 = arith.constant 2 : i32
        %add3A_240 = arith.addi %mul3A_238, %add3A_239 : i32
        %get3A_241 = arith.index_cast %add3A_240 : i32 to index
        %get3A_242 = arith.constant 0 : index
        %get3A_243 = tpu.vector_load %arg6[%get3A_241, %get3A_242] {strides = array<i32>} : memref<128x144xf32, #tpu.memory_space<vmem>>, vector<16xf32>,
        %mul3A_244 = arith.mulf %get3A_243, %broadcast_in_dim3A_236 : vector<16xf32>
        %swap3A_245 = arith.index_cast %add3A_240 : i32 to index
        %swap3A_246 = arith.constant 0 : index
        %swap3A_247 = tpu.vector_load %arg6[%swap3A_245, %swap3A_246] {strides = array<i32>} : memref<128x144xf32, #tpu.memory_space<vmem>>, vector<16xf32>,
        tpu.vector_store %arg6[%swap3A_245, %swap3A_246], %mul3A_244 {strides = array<i32>} : memref<128x144xf32, #tpu.memory_space<vmem>>, vector<16xf32>,
        %get3A_248 = arith.index_cast %add3A_240 : i32 to index
        %get3A_249 = arith.constant 16 : index
        %get3A_250 = tpu.vector_load %arg6[%get3A_248, %get3A_249] {strides = array<i32>} : memref<128x144xf32, #tpu.memory_space<vmem>>, vector<16xf32>,
        %mul3A_251 = arith.mulf %get3A_250, %broadcast_in_dim3A_236 : vector<16xf32>
        %swap3A_252 = arith.index_cast %add3A_240 : i32 to index
        %swap3A_253 = arith.constant 16 : index
        %swap3A_254 = tpu.vector_load %arg6[%swap3A_252, %swap3A_253] {strides = array<i32>} : memref<128x144xf32, #tpu.memory_space<vmem>>, vector<16xf32>,
        tpu.vector_store %arg6[%swap3A_252, %swap3A_253], %mul3A_251 {strides = array<i32>} : memref<128x144xf32, #tpu.memory_space<vmem>>, vector<16xf32>,
        %get3A_255 = arith.index_cast %add3A_240 : i32 to index
        %get3A_256 = arith.constant 32 : index
        %get3A_257 = tpu.vector_load %arg6[%get3A_255, %get3A_256] {strides = array<i32>} : memref<128x144xf32, #tpu.memory_space<vmem>>, vector<16xf32>,
        %mul3A_258 = arith.mulf %get3A_257, %broadcast_in_dim3A_236 : vector<16xf32>
        %swap3A_259 = arith.index_cast %add3A_240 : i32 to index
        %swap3A_260 = arith.constant 32 : index
        %swap3A_261 = tpu.vector_load %arg6[%swap3A_259, %swap3A_260] {strides = array<i32>} : memref<128x144xf32, #tpu.memory_space<vmem>>, vector<16xf32>,
        tpu.vector_store %arg6[%swap3A_259, %swap3A_260], %mul3A_258 {strides = array<i32>} : memref<128x144xf32, #tpu.memory_space<vmem>>, vector<16xf32>,
        %get3A_262 = arith.index_cast %add3A_240 : i32 to index
        %get3A_263 = arith.constant 48 : index
        %get3A_264 = tpu.vector_load %arg6[%get3A_262, %get3A_263] {strides = array<i32>} : memref<128x144xf32, #tpu.memory_space<vmem>>, vector<16xf32>,
        %mul3A_265 = arith.mulf %get3A_264, %broadcast_in_dim3A_236 : vector<16xf32>
        %swap3A_266 = arith.index_cast %add3A_240 : i32 to index
        %swap3A_267 = arith.constant 48 : index
        %swap3A_268 = tpu.vector_load %arg6[%swap3A_266, %swap3A_267] {strides = array<i32>} : memref<128x144xf32, #tpu.memory_space<vmem>>, vector<16xf32>,
        tpu.vector_store %arg6[%swap3A_266, %swap3A_267], %mul3A_265 {strides = array<i32>} : memref<128x144xf32, #tpu.memory_space<vmem>>, vector<16xf32>,
        %get3A_269 = arith.index_cast %add3A_240 : i32 to index
        %get3A_270 = arith.constant 64 : index
        %get3A_271 = tpu.vector_load %arg6[%get3A_269, %get3A_270] {strides = array<i32>} : memref<128x144xf32, #tpu.memory_space<vmem>>, vector<16xf32>,
        %mul3A_272 = arith.mulf %get3A_271, %broadcast_in_dim3A_236 : vector<16xf32>
        %swap3A_273 = arith.index_cast %add3A_240 : i32 to index
        %swap3A_274 = arith.constant 64 : index
        %swap3A_275 = tpu.vector_load %arg6[%swap3A_273, %swap3A_274] {strides = array<i32>} : memref<128x144xf32, #tpu.memory_space<vmem>>, vector<16xf32>,
        tpu.vector_store %arg6[%swap3A_273, %swap3A_274], %mul3A_272 {strides = array<i32>} : memref<128x144xf32, #tpu.memory_space<vmem>>, vector<16xf32>,
        %get3A_276 = arith.index_cast %add3A_240 : i32 to index
        %get3A_277 = arith.constant 80 : index
        %get3A_278 = tpu.vector_load %arg6[%get3A_276, %get3A_277] {strides = array<i32>} : memref<128x144xf32, #tpu.memory_space<vmem>>, vector<16xf32>,
        %mul3A_279 = arith.mulf %get3A_278, %broadcast_in_dim3A_236 : vector<16xf32>
        %swap3A_280 = arith.index_cast %add3A_240 : i32 to index
        %swap3A_281 = arith.constant 80 : index
        %swap3A_282 = tpu.vector_load %arg6[%swap3A_280, %swap3A_281] {strides = array<i32>} : memref<128x144xf32, #tpu.memory_space<vmem>>, vector<16xf32>,
        tpu.vector_store %arg6[%swap3A_280, %swap3A_281], %mul3A_279 {strides = array<i32>} : memref<128x144xf32, #tpu.memory_space<vmem>>, vector<16xf32>,
        %get3A_283 = arith.index_cast %add3A_240 : i32 to index
        %get3A_284 = arith.constant 96 : index
        %get3A_285 = tpu.vector_load %arg6[%get3A_283, %get3A_284] {strides = array<i32>} : memref<128x144xf32, #tpu.memory_space<vmem>>, vector<16xf32>,
        %mul3A_286 = arith.mulf %get3A_285, %broadcast_in_dim3A_236 : vector<16xf32>
        %swap3A_287 = arith.index_cast %add3A_240 : i32 to index
        %swap3A_288 = arith.constant 96 : index
        %swap3A_289 = tpu.vector_load %arg6[%swap3A_287, %swap3A_288] {strides = array<i32>} : memref<128x144xf32, #tpu.memory_space<vmem>>, vector<16xf32>,
        tpu.vector_store %arg6[%swap3A_287, %swap3A_288], %mul3A_286 {strides = array<i32>} : memref<128x144xf32, #tpu.memory_space<vmem>>, vector<16xf32>,
        %get3A_290 = arith.index_cast %add3A_240 : i32 to index
        %get3A_291 = arith.constant 112 : index
        %get3A_292 = tpu.vector_load %arg6[%get3A_290, %get3A_291] {strides = array<i32>} : memref<128x144xf32, #tpu.memory_space<vmem>>, vector<16xf32>,
        %mul3A_293 = arith.mulf %get3A_292, %broadcast_in_dim3A_236 : vector<16xf32>
        %swap3A_294 = arith.index_cast %add3A_240 : i32 to index
        %swap3A_295 = arith.constant 112 : index
        %swap3A_296 = tpu.vector_load %arg6[%swap3A_294, %swap3A_295] {strides = array<i32>} : memref<128x144xf32, #tpu.memory_space<vmem>>, vector<16xf32>,
        tpu.vector_store %arg6[%swap3A_294, %swap3A_295], %mul3A_293 {strides = array<i32>} : memref<128x144xf32, #tpu.memory_space<vmem>>, vector<16xf32>,
        %get3A_297 = arith.index_cast %add3A_240 : i32 to index
        %get3A_298 = arith.constant 128 : index
        %get3A_299 = tpu.vector_load %arg6[%get3A_297, %get3A_298] {strides = array<i32>} : memref<128x144xf32, #tpu.memory_space<vmem>>, vector<16xf32>,
        %mul3A_300 = arith.mulf %get3A_299, %broadcast_in_dim3A_236 : vector<16xf32>
        %swap3A_301 = arith.index_cast %add3A_240 : i32 to index
        %swap3A_302 = arith.constant 128 : index
        %swap3A_303 = tpu.vector_load %arg6[%swap3A_301, %swap3A_302] {strides = array<i32>} : memref<128x144xf32, #tpu.memory_space<vmem>>, vector<16xf32>,
        tpu.vector_store %arg6[%swap3A_301, %swap3A_302], %mul3A_300 {strides = array<i32>} : memref<128x144xf32, #tpu.memory_space<vmem>>, vector<16xf32>,
        %slice3A_304 = vector.extract_strided_slice %exp3A {offsets = [3], sizes = [1], strides = [1]} : vector<16xf32> to vector<1xf32>
        %squeeze3A_305 = vector.extract %slice3A_304[0] : f32 from vector<1xf32>
        %broadcast_in_dim3A_306 = vector.broadcast %squeeze3A_305 : f32 to vector<16xf32>
        %mul3A_307 = arith.constant 16 : i32
        %mul3A_308 = arith.muli %scan3A_73, %mul3A_307 : i32
        %add3A_309 = arith.constant 3 : i32
        %add3A_310 = arith.addi %mul3A_308, %add3A_309 : i32
        %get3A_311 = arith.index_cast %add3A_310 : i32 to index
        %get3A_312 = arith.constant 0 : index
        %get3A_313 = tpu.vector_load %arg6[%get3A_311, %get3A_312] {strides = array<i32>} : memref<128x144xf32, #tpu.memory_space<vmem>>, vector<16xf32>,
        %mul3A_314 = arith.mulf %get3A_313, %broadcast_in_dim3A_306 : vector<16xf32>
        %swap3A_315 = arith.index_cast %add3A_310 : i32 to index
        %swap3A_316 = arith.constant 0 : index
        %swap3A_317 = tpu.vector_load %arg6[%swap3A_315, %swap3A_316] {strides = array<i32>} : memref<128x144xf32, #tpu.memory_space<vmem>>, vector<16xf32>,
        tpu.vector_store %arg6[%swap3A_315, %swap3A_316], %mul3A_314 {strides = array<i32>} : memref<128x144xf32, #tpu.memory_space<vmem>>, vector<16xf32>,
        %get3A_318 = arith.index_cast %add3A_310 : i32 to index
        %get3A_319 = arith.constant 16 : index
        %get3A_320 = tpu.vector_load %arg6[%get3A_318, %get3A_319] {strides = array<i32>} : memref<128x144xf32, #tpu.memory_space<vmem>>, vector<16xf32>,
        %mul3A_321 = arith.mulf %get3A_320, %broadcast_in_dim3A_306 : vector<16xf32>
        %swap3A_322 = arith.index_cast %add3A_310 : i32 to index
        %swap3A_323 = arith.constant 16 : index
        %swap3A_324 = tpu.vector_load %arg6[%swap3A_322, %swap3A_323] {strides = array<i32>} : memref<128x144xf32, #tpu.memory_space<vmem>>, vector<16xf32>,
        tpu.vector_store %arg6[%swap3A_322, %swap3A_323], %mul3A_321 {strides = array<i32>} : memref<128x144xf32, #tpu.memory_space<vmem>>, vector<16xf32>,
        %get3A_325 = arith.index_cast %add3A_310 : i32 to index
        %get3A_326 = arith.constant 32 : index
        %get3A_327 = tpu.vector_load %arg6[%get3A_325, %get3A_326] {strides = array<i32>} : memref<128x144xf32, #tpu.memory_space<vmem>>, vector<16xf32>,
        %mul3A_328 = arith.mulf %get3A_327, %broadcast_in_dim3A_306 : vector<16xf32>
        %swap3A_329 = arith.index_cast %add3A_310 : i32 to index
        %swap3A_330 = arith.constant 32 : index
        %swap3A_331 = tpu.vector_load %arg6[%swap3A_329, %swap3A_330] {strides = array<i32>} : memref<128x144xf32, #tpu.memory_space<vmem>>, vector<16xf32>,
        tpu.vector_store %arg6[%swap3A_329, %swap3A_330], %mul3A_328 {strides = array<i32>} : memref<128x144xf32, #tpu.memory_space<vmem>>, vector<16xf32>,
        %get3A_332 = arith.index_cast %add3A_310 : i32 to index
        %get3A_333 = arith.constant 48 : index
        %get3A_334 = tpu.vector_load %arg6[%get3A_332, %get3A_333] {strides = array<i32>} : memref<128x144xf32, #tpu.memory_space<vmem>>, vector<16xf32>,
        %mul3A_335 = arith.mulf %get3A_334, %broadcast_in_dim3A_306 : vector<16xf32>
        %swap3A_336 = arith.index_cast %add3A_310 : i32 to index
        %swap3A_337 = arith.constant 48 : index
        %swap3A_338 = tpu.vector_load %arg6[%swap3A_336, %swap3A_337] {strides = array<i32>} : memref<128x144xf32, #tpu.memory_space<vmem>>, vector<16xf32>,
        tpu.vector_store %arg6[%swap3A_336, %swap3A_337], %mul3A_335 {strides = array<i32>} : memref<128x144xf32, #tpu.memory_space<vmem>>, vector<16xf32>,
        %get3A_339 = arith.index_cast %add3A_310 : i32 to index
        %get3A_340 = arith.constant 64 : index
        %get3A_341 = tpu.vector_load %arg6[%get3A_339, %get3A_340] {strides = array<i32>} : memref<128x144xf32, #tpu.memory_space<vmem>>, vector<16xf32>,
        %mul3A_342 = arith.mulf %get3A_341, %broadcast_in_dim3A_306 : vector<16xf32>
        %swap3A_343 = arith.index_cast %add3A_310 : i32 to index
        %swap3A_344 = arith.constant 64 : index
        %swap3A_345 = tpu.vector_load %arg6[%swap3A_343, %swap3A_344] {strides = array<i32>} : memref<128x144xf32, #tpu.memory_space<vmem>>, vector<16xf32>,
        tpu.vector_store %arg6[%swap3A_343, %swap3A_344], %mul3A_342 {strides = array<i32>} : memref<128x144xf32, #tpu.memory_space<vmem>>, vector<16xf32>,
        %get3A_346 = arith.index_cast %add3A_310 : i32 to index
        %get3A_347 = arith.constant 80 : index
        %get3A_348 = tpu.vector_load %arg6[%get3A_346, %get3A_347] {strides = array<i32>} : memref<128x144xf32, #tpu.memory_space<vmem>>, vector<16xf32>,
        %mul3A_349 = arith.mulf %get3A_348, %broadcast_in_dim3A_306 : vector<16xf32>
        %swap3A_350 = arith.index_cast %add3A_310 : i32 to index
        %swap3A_351 = arith.constant 80 : index
        %swap3A_352 = tpu.vector_load %arg6[%swap3A_350, %swap3A_351] {strides = array<i32>} : memref<128x144xf32, #tpu.memory_space<vmem>>, vector<16xf32>,
        tpu.vector_store %arg6[%swap3A_350, %swap3A_351], %mul3A_349 {strides = array<i32>} : memref<128x144xf32, #tpu.memory_space<vmem>>, vector<16xf32>,
        %get3A_353 = arith.index_cast %add3A_310 : i32 to index
        %get3A_354 = arith.constant 96 : index
        %get3A_355 = tpu.vector_load %arg6[%get3A_353, %get3A_354] {strides = array<i32>} : memref<128x144xf32, #tpu.memory_space<vmem>>, vector<16xf32>,
        %mul3A_356 = arith.mulf %get3A_355, %broadcast_in_dim3A_306 : vector<16xf32>
        %swap3A_357 = arith.index_cast %add3A_310 : i32 to index
        %swap3A_358 = arith.constant 96 : index
        %swap3A_359 = tpu.vector_load %arg6[%swap3A_357, %swap3A_358] {strides = array<i32>} : memref<128x144xf32, #tpu.memory_space<vmem>>, vector<16xf32>,
        tpu.vector_store %arg6[%swap3A_357, %swap3A_358], %mul3A_356 {strides = array<i32>} : memref<128x144xf32, #tpu.memory_space<vmem>>, vector<16xf32>,
        %get3A_360 = arith.index_cast %add3A_310 : i32 to index
        %get3A_361 = arith.constant 112 : index
        %get3A_362 = tpu.vector_load %arg6[%get3A_360, %get3A_361] {strides = array<i32>} : memref<128x144xf32, #tpu.memory_space<vmem>>, vector<16xf32>,
        %mul3A_363 = arith.mulf %get3A_362, %broadcast_in_dim3A_306 : vector<16xf32>
        %swap3A_364 = arith.index_cast %add3A_310 : i32 to index
        %swap3A_365 = arith.constant 112 : index
        %swap3A_366 = tpu.vector_load %arg6[%swap3A_364, %swap3A_365] {strides = array<i32>} : memref<128x144xf32, #tpu.memory_space<vmem>>, vector<16xf32>,
        tpu.vector_store %arg6[%swap3A_364, %swap3A_365], %mul3A_363 {strides = array<i32>} : memref<128x144xf32, #tpu.memory_space<vmem>>, vector<16xf32>,
        %get3A_367 = arith.index_cast %add3A_310 : i32 to index
        %get3A_368 = arith.constant 128 : index
        %get3A_369 = tpu.vector_load %arg6[%get3A_367, %get3A_368] {strides = array<i32>} : memref<128x144xf32, #tpu.memory_space<vmem>>, vector<16xf32>,
        %mul3A_370 = arith.mulf %get3A_369, %broadcast_in_dim3A_306 : vector<16xf32>
        %swap3A_371 = arith.index_cast %add3A_310 : i32 to index
        %swap3A_372 = arith.constant 128 : index
        %swap3A_373 = tpu.vector_load %arg6[%swap3A_371, %swap3A_372] {strides = array<i32>} : memref<128x144xf32, #tpu.memory_space<vmem>>, vector<16xf32>,
        tpu.vector_store %arg6[%swap3A_371, %swap3A_372], %mul3A_370 {strides = array<i32>} : memref<128x144xf32, #tpu.memory_space<vmem>>, vector<16xf32>,
        %slice3A_374 = vector.extract_strided_slice %exp3A {offsets = [4], sizes = [1], strides = [1]} : vector<16xf32> to vector<1xf32>
        %squeeze3A_375 = vector.extract %slice3A_374[0] : f32 from vector<1xf32>
        %broadcast_in_dim3A_376 = vector.broadcast %squeeze3A_375 : f32 to vector<16xf32>
        %mul3A_377 = arith.constant 16 : i32
        %mul3A_378 = arith.muli %scan3A_73, %mul3A_377 : i32
        %add3A_379 = arith.constant 4 : i32
        %add3A_380 = arith.addi %mul3A_378, %add3A_379 : i32
        %get3A_381 = arith.index_cast %add3A_380 : i32 to index
        %get3A_382 = arith.constant 0 : index
        %get3A_383 = tpu.vector_load %arg6[%get3A_381, %get3A_382] {strides = array<i32>} : memref<128x144xf32, #tpu.memory_space<vmem>>, vector<16xf32>,
        %mul3A_384 = arith.mulf %get3A_383, %broadcast_in_dim3A_376 : vector<16xf32>
        %swap3A_385 = arith.index_cast %add3A_380 : i32 to index
        %swap3A_386 = arith.constant 0 : index
        %swap3A_387 = tpu.vector_load %arg6[%swap3A_385, %swap3A_386] {strides = array<i32>} : memref<128x144xf32, #tpu.memory_space<vmem>>, vector<16xf32>,
        tpu.vector_store %arg6[%swap3A_385, %swap3A_386], %mul3A_384 {strides = array<i32>} : memref<128x144xf32, #tpu.memory_space<vmem>>, vector<16xf32>,
        %get3A_388 = arith.index_cast %add3A_380 : i32 to index
        %get3A_389 = arith.constant 16 : index
        %get3A_390 = tpu.vector_load %arg6[%get3A_388, %get3A_389] {strides = array<i32>} : memref<128x144xf32, #tpu.memory_space<vmem>>, vector<16xf32>,
        %mul3A_391 = arith.mulf %get3A_390, %broadcast_in_dim3A_376 : vector<16xf32>
        %swap3A_392 = arith.index_cast %add3A_380 : i32 to index
        %swap3A_393 = arith.constant 16 : index
        %swap3A_394 = tpu.vector_load %arg6[%swap3A_392, %swap3A_393] {strides = array<i32>} : memref<128x144xf32, #tpu.memory_space<vmem>>, vector<16xf32>,
        tpu.vector_store %arg6[%swap3A_392, %swap3A_393], %mul3A_391 {strides = array<i32>} : memref<128x144xf32, #tpu.memory_space<vmem>>, vector<16xf32>,
        %get3A_395 = arith.index_cast %add3A_380 : i32 to index
        %get3A_396 = arith.constant 32 : index
        %get3A_397 = tpu.vector_load %arg6[%get3A_395, %get3A_396] {strides = array<i32>} : memref<128x144xf32, #tpu.memory_space<vmem>>, vector<16xf32>,
        %mul3A_398 = arith.mulf %get3A_397, %broadcast_in_dim3A_376 : vector<16xf32>
        %swap3A_399 = arith.index_cast %add3A_380 : i32 to index
        %swap3A_400 = arith.constant 32 : index
        %swap3A_401 = tpu.vector_load %arg6[%swap3A_399, %swap3A_400] {strides = array<i32>} : memref<128x144xf32, #tpu.memory_space<vmem>>, vector<16xf32>,
        tpu.vector_store %arg6[%swap3A_399, %swap3A_400], %mul3A_398 {strides = array<i32>} : memref<128x144xf32, #tpu.memory_space<vmem>>, vector<16xf32>,
        %get3A_402 = arith.index_cast %add3A_380 : i32 to index
        %get3A_403 = arith.constant 48 : index
        %get3A_404 = tpu.vector_load %arg6[%get3A_402, %get3A_403] {strides = array<i32>} : memref<128x144xf32, #tpu.memory_space<vmem>>, vector<16xf32>,
        %mul3A_405 = arith.mulf %get3A_404, %broadcast_in_dim3A_376 : vector<16xf32>
        %swap3A_406 = arith.index_cast %add3A_380 : i32 to index
        %swap3A_407 = arith.constant 48 : index
        %swap3A_408 = tpu.vector_load %arg6[%swap3A_406, %swap3A_407] {strides = array<i32>} : memref<128x144xf32, #tpu.memory_space<vmem>>, vector<16xf32>,
        tpu.vector_store %arg6[%swap3A_406, %swap3A_407], %mul3A_405 {strides = array<i32>} : memref<128x144xf32, #tpu.memory_space<vmem>>, vector<16xf32>,
        %get3A_409 = arith.index_cast %add3A_380 : i32 to index
        %get3A_410 = arith.constant 64 : index
        %get3A_411 = tpu.vector_load %arg6[%get3A_409, %get3A_410] {strides = array<i32>} : memref<128x144xf32, #tpu.memory_space<vmem>>, vector<16xf32>,
        %mul3A_412 = arith.mulf %get3A_411, %broadcast_in_dim3A_376 : vector<16xf32>
        %swap3A_413 = arith.index_cast %add3A_380 : i32 to index
        %swap3A_414 = arith.constant 64 : index
        %swap3A_415 = tpu.vector_load %arg6[%swap3A_413, %swap3A_414] {strides = array<i32>} : memref<128x144xf32, #tpu.memory_space<vmem>>, vector<16xf32>,
        tpu.vector_store %arg6[%swap3A_413, %swap3A_414], %mul3A_412 {strides = array<i32>} : memref<128x144xf32, #tpu.memory_space<vmem>>, vector<16xf32>,
        %get3A_416 = arith.index_cast %add3A_380 : i32 to index
        %get3A_417 = arith.constant 80 : index
        %get3A_418 = tpu.vector_load %arg6[%get3A_416, %get3A_417] {strides = array<i32>} : memref<128x144xf32, #tpu.memory_space<vmem>>, vector<16xf32>,
        %mul3A_419 = arith.mulf %get3A_418, %broadcast_in_dim3A_376 : vector<16xf32>
        %swap3A_420 = arith.index_cast %add3A_380 : i32 to index
        %swap3A_421 = arith.constant 80 : index
        %swap3A_422 = tpu.vector_load %arg6[%swap3A_420, %swap3A_421] {strides = array<i32>} : memref<128x144xf32, #tpu.memory_space<vmem>>, vector<16xf32>,
        tpu.vector_store %arg6[%swap3A_420, %swap3A_421], %mul3A_419 {strides = array<i32>} : memref<128x144xf32, #tpu.memory_space<vmem>>, vector<16xf32>,
        %get3A_423 = arith.index_cast %add3A_380 : i32 to index
        %get3A_424 = arith.constant 96 : index
        %get3A_425 = tpu.vector_load %arg6[%get3A_423, %get3A_424] {strides = array<i32>} : memref<128x144xf32, #tpu.memory_space<vmem>>, vector<16xf32>,
        %mul3A_426 = arith.mulf %get3A_425, %broadcast_in_dim3A_376 : vector<16xf32>
        %swap3A_427 = arith.index_cast %add3A_380 : i32 to index
        %swap3A_428 = arith.constant 96 : index
        %swap3A_429 = tpu.vector_load %arg6[%swap3A_427, %swap3A_428] {strides = array<i32>} : memref<128x144xf32, #tpu.memory_space<vmem>>, vector<16xf32>,
        tpu.vector_store %arg6[%swap3A_427, %swap3A_428], %mul3A_426 {strides = array<i32>} : memref<128x144xf32, #tpu.memory_space<vmem>>, vector<16xf32>,
        %get3A_430 = arith.index_cast %add3A_380 : i32 to index
        %get3A_431 = arith.constant 112 : index
        %get3A_432 = tpu.vector_load %arg6[%get3A_430, %get3A_431] {strides = array<i32>} : memref<128x144xf32, #tpu.memory_space<vmem>>, vector<16xf32>,
        %mul3A_433 = arith.mulf %get3A_432, %broadcast_in_dim3A_376 : vector<16xf32>
        %swap3A_434 = arith.index_cast %add3A_380 : i32 to index
        %swap3A_435 = arith.constant 112 : index
        %swap3A_436 = tpu.vector_load %arg6[%swap3A_434, %swap3A_435] {strides = array<i32>} : memref<128x144xf32, #tpu.memory_space<vmem>>, vector<16xf32>,
        tpu.vector_store %arg6[%swap3A_434, %swap3A_435], %mul3A_433 {strides = array<i32>} : memref<128x144xf32, #tpu.memory_space<vmem>>, vector<16xf32>,
        %get3A_437 = arith.index_cast %add3A_380 : i32 to index
        %get3A_438 = arith.constant 128 : index
        %get3A_439 = tpu.vector_load %arg6[%get3A_437, %get3A_438] {strides = array<i32>} : memref<128x144xf32, #tpu.memory_space<vmem>>, vector<16xf32>,
        %mul3A_440 = arith.mulf %get3A_439, %broadcast_in_dim3A_376 : vector<16xf32>
        %swap3A_441 = arith.index_cast %add3A_380 : i32 to index
        %swap3A_442 = arith.constant 128 : index
        %swap3A_443 = tpu.vector_load %arg6[%swap3A_441, %swap3A_442] {strides = array<i32>} : memref<128x144xf32, #tpu.memory_space<vmem>>, vector<16xf32>,
        tpu.vector_store %arg6[%swap3A_441, %swap3A_442], %mul3A_440 {strides = array<i32>} : memref<128x144xf32, #tpu.memory_space<vmem>>, vector<16xf32>,
        %slice3A_444 = vector.extract_strided_slice %exp3A {offsets = [5], sizes = [1], strides = [1]} : vector<16xf32> to vector<1xf32>
        %squeeze3A_445 = vector.extract %slice3A_444[0] : f32 from vector<1xf32>
        %broadcast_in_dim3A_446 = vector.broadcast %squeeze3A_445 : f32 to vector<16xf32>
        %mul3A_447 = arith.constant 16 : i32
        %mul3A_448 = arith.muli %scan3A_73, %mul3A_447 : i32
        %add3A_449 = arith.constant 5 : i32
        %add3A_450 = arith.addi %mul3A_448, %add3A_449 : i32
        %get3A_451 = arith.index_cast %add3A_450 : i32 to index
        %get3A_452 = arith.constant 0 : index
        %get3A_453 = tpu.vector_load %arg6[%get3A_451, %get3A_452] {strides = array<i32>} : memref<128x144xf32, #tpu.memory_space<vmem>>, vector<16xf32>,
        %mul3A_454 = arith.mulf %get3A_453, %broadcast_in_dim3A_446 : vector<16xf32>
        %swap3A_455 = arith.index_cast %add3A_450 : i32 to index
        %swap3A_456 = arith.constant 0 : index
        %swap3A_457 = tpu.vector_load %arg6[%swap3A_455, %swap3A_456] {strides = array<i32>} : memref<128x144xf32, #tpu.memory_space<vmem>>, vector<16xf32>,
        tpu.vector_store %arg6[%swap3A_455, %swap3A_456], %mul3A_454 {strides = array<i32>} : memref<128x144xf32, #tpu.memory_space<vmem>>, vector<16xf32>,
        %get3A_458 = arith.index_cast %add3A_450 : i32 to index
        %get3A_459 = arith.constant 16 : index
        %get3A_460 = tpu.vector_load %arg6[%get3A_458, %get3A_459] {strides = array<i32>} : memref<128x144xf32, #tpu.memory_space<vmem>>, vector<16xf32>,
        %mul3A_461 = arith.mulf %get3A_460, %broadcast_in_dim3A_446 : vector<16xf32>
        %swap3A_462 = arith.index_cast %add3A_450 : i32 to index
        %swap3A_463 = arith.constant 16 : index
        %swap3A_464 = tpu.vector_load %arg6[%swap3A_462, %swap3A_463] {strides = array<i32>} : memref<128x144xf32, #tpu.memory_space<vmem>>, vector<16xf32>,
        tpu.vector_store %arg6[%swap3A_462, %swap3A_463], %mul3A_461 {strides = array<i32>} : memref<128x144xf32, #tpu.memory_space<vmem>>, vector<16xf32>,
        %get3A_465 = arith.index_cast %add3A_450 : i32 to index
        %get3A_466 = arith.constant 32 : index
        %get3A_467 = tpu.vector_load %arg6[%get3A_465, %get3A_466] {strides = array<i32>} : memref<128x144xf32, #tpu.memory_space<vmem>>, vector<16xf32>,
        %mul3A_468 = arith.mulf %get3A_467, %broadcast_in_dim3A_446 : vector<16xf32>
        %swap3A_469 = arith.index_cast %add3A_450 : i32 to index
        %swap3A_470 = arith.constant 32 : index
        %swap3A_471 = tpu.vector_load %arg6[%swap3A_469, %swap3A_470] {strides = array<i32>} : memref<128x144xf32, #tpu.memory_space<vmem>>, vector<16xf32>,
        tpu.vector_store %arg6[%swap3A_469, %swap3A_470], %mul3A_468 {strides = array<i32>} : memref<128x144xf32, #tpu.memory_space<vmem>>, vector<16xf32>,
        %get3A_472 = arith.index_cast %add3A_450 : i32 to index
        %get3A_473 = arith.constant 48 : index
        %get3A_474 = tpu.vector_load %arg6[%get3A_472, %get3A_473] {strides = array<i32>} : memref<128x144xf32, #tpu.memory_space<vmem>>, vector<16xf32>,
        %mul3A_475 = arith.mulf %get3A_474, %broadcast_in_dim3A_446 : vector<16xf32>
        %swap3A_476 = arith.index_cast %add3A_450 : i32 to index
        %swap3A_477 = arith.constant 48 : index
        %swap3A_478 = tpu.vector_load %arg6[%swap3A_476, %swap3A_477] {strides = array<i32>} : memref<128x144xf32, #tpu.memory_space<vmem>>, vector<16xf32>,
        tpu.vector_store %arg6[%swap3A_476, %swap3A_477], %mul3A_475 {strides = array<i32>} : memref<128x144xf32, #tpu.memory_space<vmem>>, vector<16xf32>,
        %get3A_479 = arith.index_cast %add3A_450 : i32 to index
        %get3A_480 = arith.constant 64 : index
        %get3A_481 = tpu.vector_load %arg6[%get3A_479, %get3A_480] {strides = array<i32>} : memref<128x144xf32, #tpu.memory_space<vmem>>, vector<16xf32>,
        %mul3A_482 = arith.mulf %get3A_481, %broadcast_in_dim3A_446 : vector<16xf32>
        %swap3A_483 = arith.index_cast %add3A_450 : i32 to index
        %swap3A_484 = arith.constant 64 : index
        %swap3A_485 = tpu.vector_load %arg6[%swap3A_483, %swap3A_484] {strides = array<i32>} : memref<128x144xf32, #tpu.memory_space<vmem>>, vector<16xf32>,
        tpu.vector_store %arg6[%swap3A_483, %swap3A_484], %mul3A_482 {strides = array<i32>} : memref<128x144xf32, #tpu.memory_space<vmem>>, vector<16xf32>,
        %get3A_486 = arith.index_cast %add3A_450 : i32 to index
        %get3A_487 = arith.constant 80 : index
        %get3A_488 = tpu.vector_load %arg6[%get3A_486, %get3A_487] {strides = array<i32>} : memref<128x144xf32, #tpu.memory_space<vmem>>, vector<16xf32>,
        %mul3A_489 = arith.mulf %get3A_488, %broadcast_in_dim3A_446 : vector<16xf32>
        %swap3A_490 = arith.index_cast %add3A_450 : i32 to index
        %swap3A_491 = arith.constant 80 : index
        %swap3A_492 = tpu.vector_load %arg6[%swap3A_490, %swap3A_491] {strides = array<i32>} : memref<128x144xf32, #tpu.memory_space<vmem>>, vector<16xf32>,
        tpu.vector_store %arg6[%swap3A_490, %swap3A_491], %mul3A_489 {strides = array<i32>} : memref<128x144xf32, #tpu.memory_space<vmem>>, vector<16xf32>,
        %get3A_493 = arith.index_cast %add3A_450 : i32 to index
        %get3A_494 = arith.constant 96 : index
        %get3A_495 = tpu.vector_load %arg6[%get3A_493, %get3A_494] {strides = array<i32>} : memref<128x144xf32, #tpu.memory_space<vmem>>, vector<16xf32>,
        %mul3A_496 = arith.mulf %get3A_495, %broadcast_in_dim3A_446 : vector<16xf32>
        %swap3A_497 = arith.index_cast %add3A_450 : i32 to index
        %swap3A_498 = arith.constant 96 : index
        %swap3A_499 = tpu.vector_load %arg6[%swap3A_497, %swap3A_498] {strides = array<i32>} : memref<128x144xf32, #tpu.memory_space<vmem>>, vector<16xf32>,
        tpu.vector_store %arg6[%swap3A_497, %swap3A_498], %mul3A_496 {strides = array<i32>} : memref<128x144xf32, #tpu.memory_space<vmem>>, vector<16xf32>,
        %get3A_500 = arith.index_cast %add3A_450 : i32 to index
        %get3A_501 = arith.constant 112 : index
        %get3A_502 = tpu.vector_load %arg6[%get3A_500, %get3A_501] {strides = array<i32>} : memref<128x144xf32, #tpu.memory_space<vmem>>, vector<16xf32>,
        %mul3A_503 = arith.mulf %get3A_502, %broadcast_in_dim3A_446 : vector<16xf32>
        %swap3A_504 = arith.index_cast %add3A_450 : i32 to index
        %swap3A_505 = arith.constant 112 : index
        %swap3A_506 = tpu.vector_load %arg6[%swap3A_504, %swap3A_505] {strides = array<i32>} : memref<128x144xf32, #tpu.memory_space<vmem>>, vector<16xf32>,
        tpu.vector_store %arg6[%swap3A_504, %swap3A_505], %mul3A_503 {strides = array<i32>} : memref<128x144xf32, #tpu.memory_space<vmem>>, vector<16xf32>,
        %get3A_507 = arith.index_cast %add3A_450 : i32 to index
        %get3A_508 = arith.constant 128 : index
        %get3A_509 = tpu.vector_load %arg6[%get3A_507, %get3A_508] {strides = array<i32>} : memref<128x144xf32, #tpu.memory_space<vmem>>, vector<16xf32>,
        %mul3A_510 = arith.mulf %get3A_509, %broadcast_in_dim3A_446 : vector<16xf32>
        %swap3A_511 = arith.index_cast %add3A_450 : i32 to index
        %swap3A_512 = arith.constant 128 : index
        %swap3A_513 = tpu.vector_load %arg6[%swap3A_511, %swap3A_512] {strides = array<i32>} : memref<128x144xf32, #tpu.memory_space<vmem>>, vector<16xf32>,
        tpu.vector_store %arg6[%swap3A_511, %swap3A_512], %mul3A_510 {strides = array<i32>} : memref<128x144xf32, #tpu.memory_space<vmem>>, vector<16xf32>,
        %slice3A_514 = vector.extract_strided_slice %exp3A {offsets = [6], sizes = [1], strides = [1]} : vector<16xf32> to vector<1xf32>
        %squeeze3A_515 = vector.extract %slice3A_514[0] : f32 from vector<1xf32>
        %broadcast_in_dim3A_516 = vector.broadcast %squeeze3A_515 : f32 to vector<16xf32>
        %mul3A_517 = arith.constant 16 : i32
        %mul3A_518 = arith.muli %scan3A_73, %mul3A_517 : i32
        %add3A_519 = arith.constant 6 : i32
        %add3A_520 = arith.addi %mul3A_518, %add3A_519 : i32
        %get3A_521 = arith.index_cast %add3A_520 : i32 to index
        %get3A_522 = arith.constant 0 : index
        %get3A_523 = tpu.vector_load %arg6[%get3A_521, %get3A_522] {strides = array<i32>} : memref<128x144xf32, #tpu.memory_space<vmem>>, vector<16xf32>,
        %mul3A_524 = arith.mulf %get3A_523, %broadcast_in_dim3A_516 : vector<16xf32>
        %swap3A_525 = arith.index_cast %add3A_520 : i32 to index
        %swap3A_526 = arith.constant 0 : index
        %swap3A_527 = tpu.vector_load %arg6[%swap3A_525, %swap3A_526] {strides = array<i32>} : memref<128x144xf32, #tpu.memory_space<vmem>>, vector<16xf32>,
        tpu.vector_store %arg6[%swap3A_525, %swap3A_526], %mul3A_524 {strides = array<i32>} : memref<128x144xf32, #tpu.memory_space<vmem>>, vector<16xf32>,
        %get3A_528 = arith.index_cast %add3A_520 : i32 to index
        %get3A_529 = arith.constant 16 : index
        %get3A_530 = tpu.vector_load %arg6[%get3A_528, %get3A_529] {strides = array<i32>} : memref<128x144xf32, #tpu.memory_space<vmem>>, vector<16xf32>,
        %mul3A_531 = arith.mulf %get3A_530, %broadcast_in_dim3A_516 : vector<16xf32>
        %swap3A_532 = arith.index_cast %add3A_520 : i32 to index
        %swap3A_533 = arith.constant 16 : index
        %swap3A_534 = tpu.vector_load %arg6[%swap3A_532, %swap3A_533] {strides = array<i32>} : memref<128x144xf32, #tpu.memory_space<vmem>>, vector<16xf32>,
        tpu.vector_store %arg6[%swap3A_532, %swap3A_533], %mul3A_531 {strides = array<i32>} : memref<128x144xf32, #tpu.memory_space<vmem>>, vector<16xf32>,
        %get3A_535 = arith.index_cast %add3A_520 : i32 to index
        %get3A_536 = arith.constant 32 : index
        %get3A_537 = tpu.vector_load %arg6[%get3A_535, %get3A_536] {strides = array<i32>} : memref<128x144xf32, #tpu.memory_space<vmem>>, vector<16xf32>,
        %mul3A_538 = arith.mulf %get3A_537, %broadcast_in_dim3A_516 : vector<16xf32>
        %swap3A_539 = arith.index_cast %add3A_520 : i32 to index
        %swap3A_540 = arith.constant 32 : index
        %swap3A_541 = tpu.vector_load %arg6[%swap3A_539, %swap3A_540] {strides = array<i32>} : memref<128x144xf32, #tpu.memory_space<vmem>>, vector<16xf32>,
        tpu.vector_store %arg6[%swap3A_539, %swap3A_540], %mul3A_538 {strides = array<i32>} : memref<128x144xf32, #tpu.memory_space<vmem>>, vector<16xf32>,
        %get3A_542 = arith.index_cast %add3A_520 : i32 to index
        %get3A_543 = arith.constant 48 : index
        %get3A_544 = tpu.vector_load %arg6[%get3A_542, %get3A_543] {strides = array<i32>} : memref<128x144xf32, #tpu.memory_space<vmem>>, vector<16xf32>,
        %mul3A_545 = arith.mulf %get3A_544, %broadcast_in_dim3A_516 : vector<16xf32>
        %swap3A_546 = arith.index_cast %add3A_520 : i32 to index
        %swap3A_547 = arith.constant 48 : index
        %swap3A_548 = tpu.vector_load %arg6[%swap3A_546, %swap3A_547] {strides = array<i32>} : memref<128x144xf32, #tpu.memory_space<vmem>>, vector<16xf32>,
        tpu.vector_store %arg6[%swap3A_546, %swap3A_547], %mul3A_545 {strides = array<i32>} : memref<128x144xf32, #tpu.memory_space<vmem>>, vector<16xf32>,
        %get3A_549 = arith.index_cast %add3A_520 : i32 to index
        %get3A_550 = arith.constant 64 : index
        %get3A_551 = tpu.vector_load %arg6[%get3A_549, %get3A_550] {strides = array<i32>} : memref<128x144xf32, #tpu.memory_space<vmem>>, vector<16xf32>,
        %mul3A_552 = arith.mulf %get3A_551, %broadcast_in_dim3A_516 : vector<16xf32>
        %swap3A_553 = arith.index_cast %add3A_520 : i32 to index
        %swap3A_554 = arith.constant 64 : index
        %swap3A_555 = tpu.vector_load %arg6[%swap3A_553, %swap3A_554] {strides = array<i32>} : memref<128x144xf32, #tpu.memory_space<vmem>>, vector<16xf32>,
        tpu.vector_store %arg6[%swap3A_553, %swap3A_554], %mul3A_552 {strides = array<i32>} : memref<128x144xf32, #tpu.memory_space<vmem>>, vector<16xf32>,
        %get3A_556 = arith.index_cast %add3A_520 : i32 to index
        %get3A_557 = arith.constant 80 : index
        %get3A_558 = tpu.vector_load %arg6[%get3A_556, %get3A_557] {strides = array<i32>} : memref<128x144xf32, #tpu.memory_space<vmem>>, vector<16xf32>,
        %mul3A_559 = arith.mulf %get3A_558, %broadcast_in_dim3A_516 : vector<16xf32>
        %swap3A_560 = arith.index_cast %add3A_520 : i32 to index
        %swap3A_561 = arith.constant 80 : index
        %swap3A_562 = tpu.vector_load %arg6[%swap3A_560, %swap3A_561] {strides = array<i32>} : memref<128x144xf32, #tpu.memory_space<vmem>>, vector<16xf32>,
        tpu.vector_store %arg6[%swap3A_560, %swap3A_561], %mul3A_559 {strides = array<i32>} : memref<128x144xf32, #tpu.memory_space<vmem>>, vector<16xf32>,
        %get3A_563 = arith.index_cast %add3A_520 : i32 to index
        %get3A_564 = arith.constant 96 : index
        %get3A_565 = tpu.vector_load %arg6[%get3A_563, %get3A_564] {strides = array<i32>} : memref<128x144xf32, #tpu.memory_space<vmem>>, vector<16xf32>,
        %mul3A_566 = arith.mulf %get3A_565, %broadcast_in_dim3A_516 : vector<16xf32>
        %swap3A_567 = arith.index_cast %add3A_520 : i32 to index
        %swap3A_568 = arith.constant 96 : index
        %swap3A_569 = tpu.vector_load %arg6[%swap3A_567, %swap3A_568] {strides = array<i32>} : memref<128x144xf32, #tpu.memory_space<vmem>>, vector<16xf32>,
        tpu.vector_store %arg6[%swap3A_567, %swap3A_568], %mul3A_566 {strides = array<i32>} : memref<128x144xf32, #tpu.memory_space<vmem>>, vector<16xf32>,
        %get3A_570 = arith.index_cast %add3A_520 : i32 to index
        %get3A_571 = arith.constant 112 : index
        %get3A_572 = tpu.vector_load %arg6[%get3A_570, %get3A_571] {strides = array<i32>} : memref<128x144xf32, #tpu.memory_space<vmem>>, vector<16xf32>,
        %mul3A_573 = arith.mulf %get3A_572, %broadcast_in_dim3A_516 : vector<16xf32>
        %swap3A_574 = arith.index_cast %add3A_520 : i32 to index
        %swap3A_575 = arith.constant 112 : index
        %swap3A_576 = tpu.vector_load %arg6[%swap3A_574, %swap3A_575] {strides = array<i32>} : memref<128x144xf32, #tpu.memory_space<vmem>>, vector<16xf32>,
        tpu.vector_store %arg6[%swap3A_574, %swap3A_575], %mul3A_573 {strides = array<i32>} : memref<128x144xf32, #tpu.memory_space<vmem>>, vector<16xf32>,
        %get3A_577 = arith.index_cast %add3A_520 : i32 to index
        %get3A_578 = arith.constant 128 : index
        %get3A_579 = tpu.vector_load %arg6[%get3A_577, %get3A_578] {strides = array<i32>} : memref<128x144xf32, #tpu.memory_space<vmem>>, vector<16xf32>,
        %mul3A_580 = arith.mulf %get3A_579, %broadcast_in_dim3A_516 : vector<16xf32>
        %swap3A_581 = arith.index_cast %add3A_520 : i32 to index
        %swap3A_582 = arith.constant 128 : index
        %swap3A_583 = tpu.vector_load %arg6[%swap3A_581, %swap3A_582] {strides = array<i32>} : memref<128x144xf32, #tpu.memory_space<vmem>>, vector<16xf32>,
        tpu.vector_store %arg6[%swap3A_581, %swap3A_582], %mul3A_580 {strides = array<i32>} : memref<128x144xf32, #tpu.memory_space<vmem>>, vector<16xf32>,
        %slice3A_584 = vector.extract_strided_slice %exp3A {offsets = [7], sizes = [1], strides = [1]} : vector<16xf32> to vector<1xf32>
        %squeeze3A_585 = vector.extract %slice3A_584[0] : f32 from vector<1xf32>
        %broadcast_in_dim3A_586 = vector.broadcast %squeeze3A_585 : f32 to vector<16xf32>
        %mul3A_587 = arith.constant 16 : i32
        %mul3A_588 = arith.muli %scan3A_73, %mul3A_587 : i32
        %add3A_589 = arith.constant 7 : i32
        %add3A_590 = arith.addi %mul3A_588, %add3A_589 : i32
        %get3A_591 = arith.index_cast %add3A_590 : i32 to index
        %get3A_592 = arith.constant 0 : index
        %get3A_593 = tpu.vector_load %arg6[%get3A_591, %get3A_592] {strides = array<i32>} : memref<128x144xf32, #tpu.memory_space<vmem>>, vector<16xf32>,
        %mul3A_594 = arith.mulf %get3A_593, %broadcast_in_dim3A_586 : vector<16xf32>
        %swap3A_595 = arith.index_cast %add3A_590 : i32 to index
        %swap3A_596 = arith.constant 0 : index
        %swap3A_597 = tpu.vector_load %arg6[%swap3A_595, %swap3A_596] {strides = array<i32>} : memref<128x144xf32, #tpu.memory_space<vmem>>, vector<16xf32>,
        tpu.vector_store %arg6[%swap3A_595, %swap3A_596], %mul3A_594 {strides = array<i32>} : memref<128x144xf32, #tpu.memory_space<vmem>>, vector<16xf32>,
        %get3A_598 = arith.index_cast %add3A_590 : i32 to index
        %get3A_599 = arith.constant 16 : index
        %get3A_600 = tpu.vector_load %arg6[%get3A_598, %get3A_599] {strides = array<i32>} : memref<128x144xf32, #tpu.memory_space<vmem>>, vector<16xf32>,
        %mul3A_601 = arith.mulf %get3A_600, %broadcast_in_dim3A_586 : vector<16xf32>
        %swap3A_602 = arith.index_cast %add3A_590 : i32 to index
        %swap3A_603 = arith.constant 16 : index
        %swap3A_604 = tpu.vector_load %arg6[%swap3A_602, %swap3A_603] {strides = array<i32>} : memref<128x144xf32, #tpu.memory_space<vmem>>, vector<16xf32>,
        tpu.vector_store %arg6[%swap3A_602, %swap3A_603], %mul3A_601 {strides = array<i32>} : memref<128x144xf32, #tpu.memory_space<vmem>>, vector<16xf32>,
        %get3A_605 = arith.index_cast %add3A_590 : i32 to index
        %get3A_606 = arith.constant 32 : index
        %get3A_607 = tpu.vector_load %arg6[%get3A_605, %get3A_606] {strides = array<i32>} : memref<128x144xf32, #tpu.memory_space<vmem>>, vector<16xf32>,
        %mul3A_608 = arith.mulf %get3A_607, %broadcast_in_dim3A_586 : vector<16xf32>
        %swap3A_609 = arith.index_cast %add3A_590 : i32 to index
        %swap3A_610 = arith.constant 32 : index
        %swap3A_611 = tpu.vector_load %arg6[%swap3A_609, %swap3A_610] {strides = array<i32>} : memref<128x144xf32, #tpu.memory_space<vmem>>, vector<16xf32>,
        tpu.vector_store %arg6[%swap3A_609, %swap3A_610], %mul3A_608 {strides = array<i32>} : memref<128x144xf32, #tpu.memory_space<vmem>>, vector<16xf32>,
        %get3A_612 = arith.index_cast %add3A_590 : i32 to index
        %get3A_613 = arith.constant 48 : index
        %get3A_614 = tpu.vector_load %arg6[%get3A_612, %get3A_613] {strides = array<i32>} : memref<128x144xf32, #tpu.memory_space<vmem>>, vector<16xf32>,
        %mul3A_615 = arith.mulf %get3A_614, %broadcast_in_dim3A_586 : vector<16xf32>
        %swap3A_616 = arith.index_cast %add3A_590 : i32 to index
        %swap3A_617 = arith.constant 48 : index
        %swap3A_618 = tpu.vector_load %arg6[%swap3A_616, %swap3A_617] {strides = array<i32>} : memref<128x144xf32, #tpu.memory_space<vmem>>, vector<16xf32>,
        tpu.vector_store %arg6[%swap3A_616, %swap3A_617], %mul3A_615 {strides = array<i32>} : memref<128x144xf32, #tpu.memory_space<vmem>>, vector<16xf32>,
        %get3A_619 = arith.index_cast %add3A_590 : i32 to index
        %get3A_620 = arith.constant 64 : index
        %get3A_621 = tpu.vector_load %arg6[%get3A_619, %get3A_620] {strides = array<i32>} : memref<128x144xf32, #tpu.memory_space<vmem>>, vector<16xf32>,
        %mul3A_622 = arith.mulf %get3A_621, %broadcast_in_dim3A_586 : vector<16xf32>
        %swap3A_623 = arith.index_cast %add3A_590 : i32 to index
        %swap3A_624 = arith.constant 64 : index
        %swap3A_625 = tpu.vector_load %arg6[%swap3A_623, %swap3A_624] {strides = array<i32>} : memref<128x144xf32, #tpu.memory_space<vmem>>, vector<16xf32>,
        tpu.vector_store %arg6[%swap3A_623, %swap3A_624], %mul3A_622 {strides = array<i32>} : memref<128x144xf32, #tpu.memory_space<vmem>>, vector<16xf32>,
        %get3A_626 = arith.index_cast %add3A_590 : i32 to index
        %get3A_627 = arith.constant 80 : index
        %get3A_628 = tpu.vector_load %arg6[%get3A_626, %get3A_627] {strides = array<i32>} : memref<128x144xf32, #tpu.memory_space<vmem>>, vector<16xf32>,
        %mul3A_629 = arith.mulf %get3A_628, %broadcast_in_dim3A_586 : vector<16xf32>
        %swap3A_630 = arith.index_cast %add3A_590 : i32 to index
        %swap3A_631 = arith.constant 80 : index
        %swap3A_632 = tpu.vector_load %arg6[%swap3A_630, %swap3A_631] {strides = array<i32>} : memref<128x144xf32, #tpu.memory_space<vmem>>, vector<16xf32>,
        tpu.vector_store %arg6[%swap3A_630, %swap3A_631], %mul3A_629 {strides = array<i32>} : memref<128x144xf32, #tpu.memory_space<vmem>>, vector<16xf32>,
        %get3A_633 = arith.index_cast %add3A_590 : i32 to index
        %get3A_634 = arith.constant 96 : index
        %get3A_635 = tpu.vector_load %arg6[%get3A_633, %get3A_634] {strides = array<i32>} : memref<128x144xf32, #tpu.memory_space<vmem>>, vector<16xf32>,
        %mul3A_636 = arith.mulf %get3A_635, %broadcast_in_dim3A_586 : vector<16xf32>
        %swap3A_637 = arith.index_cast %add3A_590 : i32 to index
        %swap3A_638 = arith.constant 96 : index
        %swap3A_639 = tpu.vector_load %arg6[%swap3A_637, %swap3A_638] {strides = array<i32>} : memref<128x144xf32, #tpu.memory_space<vmem>>, vector<16xf32>,
        tpu.vector_store %arg6[%swap3A_637, %swap3A_638], %mul3A_636 {strides = array<i32>} : memref<128x144xf32, #tpu.memory_space<vmem>>, vector<16xf32>,
        %get3A_640 = arith.index_cast %add3A_590 : i32 to index
        %get3A_641 = arith.constant 112 : index
        %get3A_642 = tpu.vector_load %arg6[%get3A_640, %get3A_641] {strides = array<i32>} : memref<128x144xf32, #tpu.memory_space<vmem>>, vector<16xf32>,
        %mul3A_643 = arith.mulf %get3A_642, %broadcast_in_dim3A_586 : vector<16xf32>
        %swap3A_644 = arith.index_cast %add3A_590 : i32 to index
        %swap3A_645 = arith.constant 112 : index
        %swap3A_646 = tpu.vector_load %arg6[%swap3A_644, %swap3A_645] {strides = array<i32>} : memref<128x144xf32, #tpu.memory_space<vmem>>, vector<16xf32>,
        tpu.vector_store %arg6[%swap3A_644, %swap3A_645], %mul3A_643 {strides = array<i32>} : memref<128x144xf32, #tpu.memory_space<vmem>>, vector<16xf32>,
        %get3A_647 = arith.index_cast %add3A_590 : i32 to index
        %get3A_648 = arith.constant 128 : index
        %get3A_649 = tpu.vector_load %arg6[%get3A_647, %get3A_648] {strides = array<i32>} : memref<128x144xf32, #tpu.memory_space<vmem>>, vector<16xf32>,
        %mul3A_650 = arith.mulf %get3A_649, %broadcast_in_dim3A_586 : vector<16xf32>
        %swap3A_651 = arith.index_cast %add3A_590 : i32 to index
        %swap3A_652 = arith.constant 128 : index
        %swap3A_653 = tpu.vector_load %arg6[%swap3A_651, %swap3A_652] {strides = array<i32>} : memref<128x144xf32, #tpu.memory_space<vmem>>, vector<16xf32>,
        tpu.vector_store %arg6[%swap3A_651, %swap3A_652], %mul3A_650 {strides = array<i32>} : memref<128x144xf32, #tpu.memory_space<vmem>>, vector<16xf32>,
        %slice3A_654 = vector.extract_strided_slice %exp3A {offsets = [8], sizes = [1], strides = [1]} : vector<16xf32> to vector<1xf32>
        %squeeze3A_655 = vector.extract %slice3A_654[0] : f32 from vector<1xf32>
        %broadcast_in_dim3A_656 = vector.broadcast %squeeze3A_655 : f32 to vector<16xf32>
        %mul3A_657 = arith.constant 16 : i32
        %mul3A_658 = arith.muli %scan3A_73, %mul3A_657 : i32
        %add3A_659 = arith.constant 8 : i32
        %add3A_660 = arith.addi %mul3A_658, %add3A_659 : i32
        %get3A_661 = arith.index_cast %add3A_660 : i32 to index
        %get3A_662 = arith.constant 0 : index
        %get3A_663 = tpu.vector_load %arg6[%get3A_661, %get3A_662] {strides = array<i32>} : memref<128x144xf32, #tpu.memory_space<vmem>>, vector<16xf32>,
        %mul3A_664 = arith.mulf %get3A_663, %broadcast_in_dim3A_656 : vector<16xf32>
        %swap3A_665 = arith.index_cast %add3A_660 : i32 to index
        %swap3A_666 = arith.constant 0 : index
        %swap3A_667 = tpu.vector_load %arg6[%swap3A_665, %swap3A_666] {strides = array<i32>} : memref<128x144xf32, #tpu.memory_space<vmem>>, vector<16xf32>,
        tpu.vector_store %arg6[%swap3A_665, %swap3A_666], %mul3A_664 {strides = array<i32>} : memref<128x144xf32, #tpu.memory_space<vmem>>, vector<16xf32>,
        %get3A_668 = arith.index_cast %add3A_660 : i32 to index
        %get3A_669 = arith.constant 16 : index
        %get3A_670 = tpu.vector_load %arg6[%get3A_668, %get3A_669] {strides = array<i32>} : memref<128x144xf32, #tpu.memory_space<vmem>>, vector<16xf32>,
        %mul3A_671 = arith.mulf %get3A_670, %broadcast_in_dim3A_656 : vector<16xf32>
        %swap3A_672 = arith.index_cast %add3A_660 : i32 to index
        %swap3A_673 = arith.constant 16 : index
        %swap3A_674 = tpu.vector_load %arg6[%swap3A_672, %swap3A_673] {strides = array<i32>} : memref<128x144xf32, #tpu.memory_space<vmem>>, vector<16xf32>,
        tpu.vector_store %arg6[%swap3A_672, %swap3A_673], %mul3A_671 {strides = array<i32>} : memref<128x144xf32, #tpu.memory_space<vmem>>, vector<16xf32>,
        %get3A_675 = arith.index_cast %add3A_660 : i32 to index
        %get3A_676 = arith.constant 32 : index
        %get3A_677 = tpu.vector_load %arg6[%get3A_675, %get3A_676] {strides = array<i32>} : memref<128x144xf32, #tpu.memory_space<vmem>>, vector<16xf32>,
        %mul3A_678 = arith.mulf %get3A_677, %broadcast_in_dim3A_656 : vector<16xf32>
        %swap3A_679 = arith.index_cast %add3A_660 : i32 to index
        %swap3A_680 = arith.constant 32 : index
        %swap3A_681 = tpu.vector_load %arg6[%swap3A_679, %swap3A_680] {strides = array<i32>} : memref<128x144xf32, #tpu.memory_space<vmem>>, vector<16xf32>,
        tpu.vector_store %arg6[%swap3A_679, %swap3A_680], %mul3A_678 {strides = array<i32>} : memref<128x144xf32, #tpu.memory_space<vmem>>, vector<16xf32>,
        %get3A_682 = arith.index_cast %add3A_660 : i32 to index
        %get3A_683 = arith.constant 48 : index
        %get3A_684 = tpu.vector_load %arg6[%get3A_682, %get3A_683] {strides = array<i32>} : memref<128x144xf32, #tpu.memory_space<vmem>>, vector<16xf32>,
        %mul3A_685 = arith.mulf %get3A_684, %broadcast_in_dim3A_656 : vector<16xf32>
        %swap3A_686 = arith.index_cast %add3A_660 : i32 to index
        %swap3A_687 = arith.constant 48 : index
        %swap3A_688 = tpu.vector_load %arg6[%swap3A_686, %swap3A_687] {strides = array<i32>} : memref<128x144xf32, #tpu.memory_space<vmem>>, vector<16xf32>,
        tpu.vector_store %arg6[%swap3A_686, %swap3A_687], %mul3A_685 {strides = array<i32>} : memref<128x144xf32, #tpu.memory_space<vmem>>, vector<16xf32>,
        %get3A_689 = arith.index_cast %add3A_660 : i32 to index
        %get3A_690 = arith.constant 64 : index
        %get3A_691 = tpu.vector_load %arg6[%get3A_689, %get3A_690] {strides = array<i32>} : memref<128x144xf32, #tpu.memory_space<vmem>>, vector<16xf32>,
        %mul3A_692 = arith.mulf %get3A_691, %broadcast_in_dim3A_656 : vector<16xf32>
        %swap3A_693 = arith.index_cast %add3A_660 : i32 to index
        %swap3A_694 = arith.constant 64 : index
        %swap3A_695 = tpu.vector_load %arg6[%swap3A_693, %swap3A_694] {strides = array<i32>} : memref<128x144xf32, #tpu.memory_space<vmem>>, vector<16xf32>,
        tpu.vector_store %arg6[%swap3A_693, %swap3A_694], %mul3A_692 {strides = array<i32>} : memref<128x144xf32, #tpu.memory_space<vmem>>, vector<16xf32>,
        %get3A_696 = arith.index_cast %add3A_660 : i32 to index
        %get3A_697 = arith.constant 80 : index
        %get3A_698 = tpu.vector_load %arg6[%get3A_696, %get3A_697] {strides = array<i32>} : memref<128x144xf32, #tpu.memory_space<vmem>>, vector<16xf32>,
        %mul3A_699 = arith.mulf %get3A_698, %broadcast_in_dim3A_656 : vector<16xf32>
        %swap3A_700 = arith.index_cast %add3A_660 : i32 to index
        %swap3A_701 = arith.constant 80 : index
        %swap3A_702 = tpu.vector_load %arg6[%swap3A_700, %swap3A_701] {strides = array<i32>} : memref<128x144xf32, #tpu.memory_space<vmem>>, vector<16xf32>,
        tpu.vector_store %arg6[%swap3A_700, %swap3A_701], %mul3A_699 {strides = array<i32>} : memref<128x144xf32, #tpu.memory_space<vmem>>, vector<16xf32>,
        %get3A_703 = arith.index_cast %add3A_660 : i32 to index
        %get3A_704 = arith.constant 96 : index
        %get3A_705 = tpu.vector_load %arg6[%get3A_703, %get3A_704] {strides = array<i32>} : memref<128x144xf32, #tpu.memory_space<vmem>>, vector<16xf32>,
        %mul3A_706 = arith.mulf %get3A_705, %broadcast_in_dim3A_656 : vector<16xf32>
        %swap3A_707 = arith.index_cast %add3A_660 : i32 to index
        %swap3A_708 = arith.constant 96 : index
        %swap3A_709 = tpu.vector_load %arg6[%swap3A_707, %swap3A_708] {strides = array<i32>} : memref<128x144xf32, #tpu.memory_space<vmem>>, vector<16xf32>,
        tpu.vector_store %arg6[%swap3A_707, %swap3A_708], %mul3A_706 {strides = array<i32>} : memref<128x144xf32, #tpu.memory_space<vmem>>, vector<16xf32>,
        %get3A_710 = arith.index_cast %add3A_660 : i32 to index
        %get3A_711 = arith.constant 112 : index
        %get3A_712 = tpu.vector_load %arg6[%get3A_710, %get3A_711] {strides = array<i32>} : memref<128x144xf32, #tpu.memory_space<vmem>>, vector<16xf32>,
        %mul3A_713 = arith.mulf %get3A_712, %broadcast_in_dim3A_656 : vector<16xf32>
        %swap3A_714 = arith.index_cast %add3A_660 : i32 to index
        %swap3A_715 = arith.constant 112 : index
        %swap3A_716 = tpu.vector_load %arg6[%swap3A_714, %swap3A_715] {strides = array<i32>} : memref<128x144xf32, #tpu.memory_space<vmem>>, vector<16xf32>,
        tpu.vector_store %arg6[%swap3A_714, %swap3A_715], %mul3A_713 {strides = array<i32>} : memref<128x144xf32, #tpu.memory_space<vmem>>, vector<16xf32>,
        %get3A_717 = arith.index_cast %add3A_660 : i32 to index
        %get3A_718 = arith.constant 128 : index
        %get3A_719 = tpu.vector_load %arg6[%get3A_717, %get3A_718] {strides = array<i32>} : memref<128x144xf32, #tpu.memory_space<vmem>>, vector<16xf32>,
        %mul3A_720 = arith.mulf %get3A_719, %broadcast_in_dim3A_656 : vector<16xf32>
        %swap3A_721 = arith.index_cast %add3A_660 : i32 to index
        %swap3A_722 = arith.constant 128 : index
        %swap3A_723 = tpu.vector_load %arg6[%swap3A_721, %swap3A_722] {strides = array<i32>} : memref<128x144xf32, #tpu.memory_space<vmem>>, vector<16xf32>,
        tpu.vector_store %arg6[%swap3A_721, %swap3A_722], %mul3A_720 {strides = array<i32>} : memref<128x144xf32, #tpu.memory_space<vmem>>, vector<16xf32>,
        %slice3A_724 = vector.extract_strided_slice %exp3A {offsets = [9], sizes = [1], strides = [1]} : vector<16xf32> to vector<1xf32>
        %squeeze3A_725 = vector.extract %slice3A_724[0] : f32 from vector<1xf32>
        %broadcast_in_dim3A_726 = vector.broadcast %squeeze3A_725 : f32 to vector<16xf32>
        %mul3A_727 = arith.constant 16 : i32
        %mul3A_728 = arith.muli %scan3A_73, %mul3A_727 : i32
        %add3A_729 = arith.constant 9 : i32
        %add3A_730 = arith.addi %mul3A_728, %add3A_729 : i32
        %get3A_731 = arith.index_cast %add3A_730 : i32 to index
        %get3A_732 = arith.constant 0 : index
        %get3A_733 = tpu.vector_load %arg6[%get3A_731, %get3A_732] {strides = array<i32>} : memref<128x144xf32, #tpu.memory_space<vmem>>, vector<16xf32>,
        %mul3A_734 = arith.mulf %get3A_733, %broadcast_in_dim3A_726 : vector<16xf32>
        %swap3A_735 = arith.index_cast %add3A_730 : i32 to index
        %swap3A_736 = arith.constant 0 : index
        %swap3A_737 = tpu.vector_load %arg6[%swap3A_735, %swap3A_736] {strides = array<i32>} : memref<128x144xf32, #tpu.memory_space<vmem>>, vector<16xf32>,
        tpu.vector_store %arg6[%swap3A_735, %swap3A_736], %mul3A_734 {strides = array<i32>} : memref<128x144xf32, #tpu.memory_space<vmem>>, vector<16xf32>,
        %get3A_738 = arith.index_cast %add3A_730 : i32 to index
        %get3A_739 = arith.constant 16 : index
        %get3A_740 = tpu.vector_load %arg6[%get3A_738, %get3A_739] {strides = array<i32>} : memref<128x144xf32, #tpu.memory_space<vmem>>, vector<16xf32>,
        %mul3A_741 = arith.mulf %get3A_740, %broadcast_in_dim3A_726 : vector<16xf32>
        %swap3A_742 = arith.index_cast %add3A_730 : i32 to index
        %swap3A_743 = arith.constant 16 : index
        %swap3A_744 = tpu.vector_load %arg6[%swap3A_742, %swap3A_743] {strides = array<i32>} : memref<128x144xf32, #tpu.memory_space<vmem>>, vector<16xf32>,
        tpu.vector_store %arg6[%swap3A_742, %swap3A_743], %mul3A_741 {strides = array<i32>} : memref<128x144xf32, #tpu.memory_space<vmem>>, vector<16xf32>,
        %get3A_745 = arith.index_cast %add3A_730 : i32 to index
        %get3A_746 = arith.constant 32 : index
        %get3A_747 = tpu.vector_load %arg6[%get3A_745, %get3A_746] {strides = array<i32>} : memref<128x144xf32, #tpu.memory_space<vmem>>, vector<16xf32>,
        %mul3A_748 = arith.mulf %get3A_747, %broadcast_in_dim3A_726 : vector<16xf32>
        %swap3A_749 = arith.index_cast %add3A_730 : i32 to index
        %swap3A_750 = arith.constant 32 : index
        %swap3A_751 = tpu.vector_load %arg6[%swap3A_749, %swap3A_750] {strides = array<i32>} : memref<128x144xf32, #tpu.memory_space<vmem>>, vector<16xf32>,
        tpu.vector_store %arg6[%swap3A_749, %swap3A_750], %mul3A_748 {strides = array<i32>} : memref<128x144xf32, #tpu.memory_space<vmem>>, vector<16xf32>,
        %get3A_752 = arith.index_cast %add3A_730 : i32 to index
        %get3A_753 = arith.constant 48 : index
        %get3A_754 = tpu.vector_load %arg6[%get3A_752, %get3A_753] {strides = array<i32>} : memref<128x144xf32, #tpu.memory_space<vmem>>, vector<16xf32>,
        %mul3A_755 = arith.mulf %get3A_754, %broadcast_in_dim3A_726 : vector<16xf32>
        %swap3A_756 = arith.index_cast %add3A_730 : i32 to index
        %swap3A_757 = arith.constant 48 : index
        %swap3A_758 = tpu.vector_load %arg6[%swap3A_756, %swap3A_757] {strides = array<i32>} : memref<128x144xf32, #tpu.memory_space<vmem>>, vector<16xf32>,
        tpu.vector_store %arg6[%swap3A_756, %swap3A_757], %mul3A_755 {strides = array<i32>} : memref<128x144xf32, #tpu.memory_space<vmem>>, vector<16xf32>,
        %get3A_759 = arith.index_cast %add3A_730 : i32 to index
        %get3A_760 = arith.constant 64 : index
        %get3A_761 = tpu.vector_load %arg6[%get3A_759, %get3A_760] {strides = array<i32>} : memref<128x144xf32, #tpu.memory_space<vmem>>, vector<16xf32>,
        %mul3A_762 = arith.mulf %get3A_761, %broadcast_in_dim3A_726 : vector<16xf32>
        %swap3A_763 = arith.index_cast %add3A_730 : i32 to index
        %swap3A_764 = arith.constant 64 : index
        %swap3A_765 = tpu.vector_load %arg6[%swap3A_763, %swap3A_764] {strides = array<i32>} : memref<128x144xf32, #tpu.memory_space<vmem>>, vector<16xf32>,
        tpu.vector_store %arg6[%swap3A_763, %swap3A_764], %mul3A_762 {strides = array<i32>} : memref<128x144xf32, #tpu.memory_space<vmem>>, vector<16xf32>,
        %get3A_766 = arith.index_cast %add3A_730 : i32 to index
        %get3A_767 = arith.constant 80 : index
        %get3A_768 = tpu.vector_load %arg6[%get3A_766, %get3A_767] {strides = array<i32>} : memref<128x144xf32, #tpu.memory_space<vmem>>, vector<16xf32>,
        %mul3A_769 = arith.mulf %get3A_768, %broadcast_in_dim3A_726 : vector<16xf32>
        %swap3A_770 = arith.index_cast %add3A_730 : i32 to index
        %swap3A_771 = arith.constant 80 : index
        %swap3A_772 = tpu.vector_load %arg6[%swap3A_770, %swap3A_771] {strides = array<i32>} : memref<128x144xf32, #tpu.memory_space<vmem>>, vector<16xf32>,
        tpu.vector_store %arg6[%swap3A_770, %swap3A_771], %mul3A_769 {strides = array<i32>} : memref<128x144xf32, #tpu.memory_space<vmem>>, vector<16xf32>,
        %get3A_773 = arith.index_cast %add3A_730 : i32 to index
        %get3A_774 = arith.constant 96 : index
        %get3A_775 = tpu.vector_load %arg6[%get3A_773, %get3A_774] {strides = array<i32>} : memref<128x144xf32, #tpu.memory_space<vmem>>, vector<16xf32>,
        %mul3A_776 = arith.mulf %get3A_775, %broadcast_in_dim3A_726 : vector<16xf32>
        %swap3A_777 = arith.index_cast %add3A_730 : i32 to index
        %swap3A_778 = arith.constant 96 : index
        %swap3A_779 = tpu.vector_load %arg6[%swap3A_777, %swap3A_778] {strides = array<i32>} : memref<128x144xf32, #tpu.memory_space<vmem>>, vector<16xf32>,
        tpu.vector_store %arg6[%swap3A_777, %swap3A_778], %mul3A_776 {strides = array<i32>} : memref<128x144xf32, #tpu.memory_space<vmem>>, vector<16xf32>,
        %get3A_780 = arith.index_cast %add3A_730 : i32 to index
        %get3A_781 = arith.constant 112 : index
        %get3A_782 = tpu.vector_load %arg6[%get3A_780, %get3A_781] {strides = array<i32>} : memref<128x144xf32, #tpu.memory_space<vmem>>, vector<16xf32>,
        %mul3A_783 = arith.mulf %get3A_782, %broadcast_in_dim3A_726 : vector<16xf32>
        %swap3A_784 = arith.index_cast %add3A_730 : i32 to index
        %swap3A_785 = arith.constant 112 : index
        %swap3A_786 = tpu.vector_load %arg6[%swap3A_784, %swap3A_785] {strides = array<i32>} : memref<128x144xf32, #tpu.memory_space<vmem>>, vector<16xf32>,
        tpu.vector_store %arg6[%swap3A_784, %swap3A_785], %mul3A_783 {strides = array<i32>} : memref<128x144xf32, #tpu.memory_space<vmem>>, vector<16xf32>,
        %get3A_787 = arith.index_cast %add3A_730 : i32 to index
        %get3A_788 = arith.constant 128 : index
        %get3A_789 = tpu.vector_load %arg6[%get3A_787, %get3A_788] {strides = array<i32>} : memref<128x144xf32, #tpu.memory_space<vmem>>, vector<16xf32>,
        %mul3A_790 = arith.mulf %get3A_789, %broadcast_in_dim3A_726 : vector<16xf32>
        %swap3A_791 = arith.index_cast %add3A_730 : i32 to index
        %swap3A_792 = arith.constant 128 : index
        %swap3A_793 = tpu.vector_load %arg6[%swap3A_791, %swap3A_792] {strides = array<i32>} : memref<128x144xf32, #tpu.memory_space<vmem>>, vector<16xf32>,
        tpu.vector_store %arg6[%swap3A_791, %swap3A_792], %mul3A_790 {strides = array<i32>} : memref<128x144xf32, #tpu.memory_space<vmem>>, vector<16xf32>,
        %slice3A_794 = vector.extract_strided_slice %exp3A {offsets = [10], sizes = [1], strides = [1]} : vector<16xf32> to vector<1xf32>
        %squeeze3A_795 = vector.extract %slice3A_794[0] : f32 from vector<1xf32>
        %broadcast_in_dim3A_796 = vector.broadcast %squeeze3A_795 : f32 to vector<16xf32>
        %mul3A_797 = arith.constant 16 : i32
        %mul3A_798 = arith.muli %scan3A_73, %mul3A_797 : i32
        %add3A_799 = arith.constant 10 : i32
        %add3A_800 = arith.addi %mul3A_798, %add3A_799 : i32
        %get3A_801 = arith.index_cast %add3A_800 : i32 to index
        %get3A_802 = arith.constant 0 : index
        %get3A_803 = tpu.vector_load %arg6[%get3A_801, %get3A_802] {strides = array<i32>} : memref<128x144xf32, #tpu.memory_space<vmem>>, vector<16xf32>,
        %mul3A_804 = arith.mulf %get3A_803, %broadcast_in_dim3A_796 : vector<16xf32>
        %swap3A_805 = arith.index_cast %add3A_800 : i32 to index
        %swap3A_806 = arith.constant 0 : index
        %swap3A_807 = tpu.vector_load %arg6[%swap3A_805, %swap3A_806] {strides = array<i32>} : memref<128x144xf32, #tpu.memory_space<vmem>>, vector<16xf32>,
        tpu.vector_store %arg6[%swap3A_805, %swap3A_806], %mul3A_804 {strides = array<i32>} : memref<128x144xf32, #tpu.memory_space<vmem>>, vector<16xf32>,
        %get3A_808 = arith.index_cast %add3A_800 : i32 to index
        %get3A_809 = arith.constant 16 : index
        %get3A_810 = tpu.vector_load %arg6[%get3A_808, %get3A_809] {strides = array<i32>} : memref<128x144xf32, #tpu.memory_space<vmem>>, vector<16xf32>,
        %mul3A_811 = arith.mulf %get3A_810, %broadcast_in_dim3A_796 : vector<16xf32>
        %swap3A_812 = arith.index_cast %add3A_800 : i32 to index
        %swap3A_813 = arith.constant 16 : index
        %swap3A_814 = tpu.vector_load %arg6[%swap3A_812, %swap3A_813] {strides = array<i32>} : memref<128x144xf32, #tpu.memory_space<vmem>>, vector<16xf32>,
        tpu.vector_store %arg6[%swap3A_812, %swap3A_813], %mul3A_811 {strides = array<i32>} : memref<128x144xf32, #tpu.memory_space<vmem>>, vector<16xf32>,
        %get3A_815 = arith.index_cast %add3A_800 : i32 to index
        %get3A_816 = arith.constant 32 : index
        %get3A_817 = tpu.vector_load %arg6[%get3A_815, %get3A_816] {strides = array<i32>} : memref<128x144xf32, #tpu.memory_space<vmem>>, vector<16xf32>,
        %mul3A_818 = arith.mulf %get3A_817, %broadcast_in_dim3A_796 : vector<16xf32>
        %swap3A_819 = arith.index_cast %add3A_800 : i32 to index
        %swap3A_820 = arith.constant 32 : index
        %swap3A_821 = tpu.vector_load %arg6[%swap3A_819, %swap3A_820] {strides = array<i32>} : memref<128x144xf32, #tpu.memory_space<vmem>>, vector<16xf32>,
        tpu.vector_store %arg6[%swap3A_819, %swap3A_820], %mul3A_818 {strides = array<i32>} : memref<128x144xf32, #tpu.memory_space<vmem>>, vector<16xf32>,
        %get3A_822 = arith.index_cast %add3A_800 : i32 to index
        %get3A_823 = arith.constant 48 : index
        %get3A_824 = tpu.vector_load %arg6[%get3A_822, %get3A_823] {strides = array<i32>} : memref<128x144xf32, #tpu.memory_space<vmem>>, vector<16xf32>,
        %mul3A_825 = arith.mulf %get3A_824, %broadcast_in_dim3A_796 : vector<16xf32>
        %swap3A_826 = arith.index_cast %add3A_800 : i32 to index
        %swap3A_827 = arith.constant 48 : index
        %swap3A_828 = tpu.vector_load %arg6[%swap3A_826, %swap3A_827] {strides = array<i32>} : memref<128x144xf32, #tpu.memory_space<vmem>>, vector<16xf32>,
        tpu.vector_store %arg6[%swap3A_826, %swap3A_827], %mul3A_825 {strides = array<i32>} : memref<128x144xf32, #tpu.memory_space<vmem>>, vector<16xf32>,
        %get3A_829 = arith.index_cast %add3A_800 : i32 to index
        %get3A_830 = arith.constant 64 : index
        %get3A_831 = tpu.vector_load %arg6[%get3A_829, %get3A_830] {strides = array<i32>} : memref<128x144xf32, #tpu.memory_space<vmem>>, vector<16xf32>,
        %mul3A_832 = arith.mulf %get3A_831, %broadcast_in_dim3A_796 : vector<16xf32>
        %swap3A_833 = arith.index_cast %add3A_800 : i32 to index
        %swap3A_834 = arith.constant 64 : index
        %swap3A_835 = tpu.vector_load %arg6[%swap3A_833, %swap3A_834] {strides = array<i32>} : memref<128x144xf32, #tpu.memory_space<vmem>>, vector<16xf32>,
        tpu.vector_store %arg6[%swap3A_833, %swap3A_834], %mul3A_832 {strides = array<i32>} : memref<128x144xf32, #tpu.memory_space<vmem>>, vector<16xf32>,
        %get3A_836 = arith.index_cast %add3A_800 : i32 to index
        %get3A_837 = arith.constant 80 : index
        %get3A_838 = tpu.vector_load %arg6[%get3A_836, %get3A_837] {strides = array<i32>} : memref<128x144xf32, #tpu.memory_space<vmem>>, vector<16xf32>,
        %mul3A_839 = arith.mulf %get3A_838, %broadcast_in_dim3A_796 : vector<16xf32>
        %swap3A_840 = arith.index_cast %add3A_800 : i32 to index
        %swap3A_841 = arith.constant 80 : index
        %swap3A_842 = tpu.vector_load %arg6[%swap3A_840, %swap3A_841] {strides = array<i32>} : memref<128x144xf32, #tpu.memory_space<vmem>>, vector<16xf32>,
        tpu.vector_store %arg6[%swap3A_840, %swap3A_841], %mul3A_839 {strides = array<i32>} : memref<128x144xf32, #tpu.memory_space<vmem>>, vector<16xf32>,
        %get3A_843 = arith.index_cast %add3A_800 : i32 to index
        %get3A_844 = arith.constant 96 : index
        %get3A_845 = tpu.vector_load %arg6[%get3A_843, %get3A_844] {strides = array<i32>} : memref<128x144xf32, #tpu.memory_space<vmem>>, vector<16xf32>,
        %mul3A_846 = arith.mulf %get3A_845, %broadcast_in_dim3A_796 : vector<16xf32>
        %swap3A_847 = arith.index_cast %add3A_800 : i32 to index
        %swap3A_848 = arith.constant 96 : index
        %swap3A_849 = tpu.vector_load %arg6[%swap3A_847, %swap3A_848] {strides = array<i32>} : memref<128x144xf32, #tpu.memory_space<vmem>>, vector<16xf32>,
        tpu.vector_store %arg6[%swap3A_847, %swap3A_848], %mul3A_846 {strides = array<i32>} : memref<128x144xf32, #tpu.memory_space<vmem>>, vector<16xf32>,
        %get3A_850 = arith.index_cast %add3A_800 : i32 to index
        %get3A_851 = arith.constant 112 : index
        %get3A_852 = tpu.vector_load %arg6[%get3A_850, %get3A_851] {strides = array<i32>} : memref<128x144xf32, #tpu.memory_space<vmem>>, vector<16xf32>,
        %mul3A_853 = arith.mulf %get3A_852, %broadcast_in_dim3A_796 : vector<16xf32>
        %swap3A_854 = arith.index_cast %add3A_800 : i32 to index
        %swap3A_855 = arith.constant 112 : index
        %swap3A_856 = tpu.vector_load %arg6[%swap3A_854, %swap3A_855] {strides = array<i32>} : memref<128x144xf32, #tpu.memory_space<vmem>>, vector<16xf32>,
        tpu.vector_store %arg6[%swap3A_854, %swap3A_855], %mul3A_853 {strides = array<i32>} : memref<128x144xf32, #tpu.memory_space<vmem>>, vector<16xf32>,
        %get3A_857 = arith.index_cast %add3A_800 : i32 to index
        %get3A_858 = arith.constant 128 : index
        %get3A_859 = tpu.vector_load %arg6[%get3A_857, %get3A_858] {strides = array<i32>} : memref<128x144xf32, #tpu.memory_space<vmem>>, vector<16xf32>,
        %mul3A_860 = arith.mulf %get3A_859, %broadcast_in_dim3A_796 : vector<16xf32>
        %swap3A_861 = arith.index_cast %add3A_800 : i32 to index
        %swap3A_862 = arith.constant 128 : index
        %swap3A_863 = tpu.vector_load %arg6[%swap3A_861, %swap3A_862] {strides = array<i32>} : memref<128x144xf32, #tpu.memory_space<vmem>>, vector<16xf32>,
        tpu.vector_store %arg6[%swap3A_861, %swap3A_862], %mul3A_860 {strides = array<i32>} : memref<128x144xf32, #tpu.memory_space<vmem>>, vector<16xf32>,
        %slice3A_864 = vector.extract_strided_slice %exp3A {offsets = [11], sizes = [1], strides = [1]} : vector<16xf32> to vector<1xf32>
        %squeeze3A_865 = vector.extract %slice3A_864[0] : f32 from vector<1xf32>
        %broadcast_in_dim3A_866 = vector.broadcast %squeeze3A_865 : f32 to vector<16xf32>
        %mul3A_867 = arith.constant 16 : i32
        %mul3A_868 = arith.muli %scan3A_73, %mul3A_867 : i32
        %add3A_869 = arith.constant 11 : i32
        %add3A_870 = arith.addi %mul3A_868, %add3A_869 : i32
        %get3A_871 = arith.index_cast %add3A_870 : i32 to index
        %get3A_872 = arith.constant 0 : index
        %get3A_873 = tpu.vector_load %arg6[%get3A_871, %get3A_872] {strides = array<i32>} : memref<128x144xf32, #tpu.memory_space<vmem>>, vector<16xf32>,
        %mul3A_874 = arith.mulf %get3A_873, %broadcast_in_dim3A_866 : vector<16xf32>
        %swap3A_875 = arith.index_cast %add3A_870 : i32 to index
        %swap3A_876 = arith.constant 0 : index
        %swap3A_877 = tpu.vector_load %arg6[%swap3A_875, %swap3A_876] {strides = array<i32>} : memref<128x144xf32, #tpu.memory_space<vmem>>, vector<16xf32>,
        tpu.vector_store %arg6[%swap3A_875, %swap3A_876], %mul3A_874 {strides = array<i32>} : memref<128x144xf32, #tpu.memory_space<vmem>>, vector<16xf32>,
        %get3A_878 = arith.index_cast %add3A_870 : i32 to index
        %get3A_879 = arith.constant 16 : index
        %get3A_880 = tpu.vector_load %arg6[%get3A_878, %get3A_879] {strides = array<i32>} : memref<128x144xf32, #tpu.memory_space<vmem>>, vector<16xf32>,
        %mul3A_881 = arith.mulf %get3A_880, %broadcast_in_dim3A_866 : vector<16xf32>
        %swap3A_882 = arith.index_cast %add3A_870 : i32 to index
        %swap3A_883 = arith.constant 16 : index
        %swap3A_884 = tpu.vector_load %arg6[%swap3A_882, %swap3A_883] {strides = array<i32>} : memref<128x144xf32, #tpu.memory_space<vmem>>, vector<16xf32>,
        tpu.vector_store %arg6[%swap3A_882, %swap3A_883], %mul3A_881 {strides = array<i32>} : memref<128x144xf32, #tpu.memory_space<vmem>>, vector<16xf32>,
        %get3A_885 = arith.index_cast %add3A_870 : i32 to index
        %get3A_886 = arith.constant 32 : index
        %get3A_887 = tpu.vector_load %arg6[%get3A_885, %get3A_886] {strides = array<i32>} : memref<128x144xf32, #tpu.memory_space<vmem>>, vector<16xf32>,
        %mul3A_888 = arith.mulf %get3A_887, %broadcast_in_dim3A_866 : vector<16xf32>
        %swap3A_889 = arith.index_cast %add3A_870 : i32 to index
        %swap3A_890 = arith.constant 32 : index
        %swap3A_891 = tpu.vector_load %arg6[%swap3A_889, %swap3A_890] {strides = array<i32>} : memref<128x144xf32, #tpu.memory_space<vmem>>, vector<16xf32>,
        tpu.vector_store %arg6[%swap3A_889, %swap3A_890], %mul3A_888 {strides = array<i32>} : memref<128x144xf32, #tpu.memory_space<vmem>>, vector<16xf32>,
        %get3A_892 = arith.index_cast %add3A_870 : i32 to index
        %get3A_893 = arith.constant 48 : index
        %get3A_894 = tpu.vector_load %arg6[%get3A_892, %get3A_893] {strides = array<i32>} : memref<128x144xf32, #tpu.memory_space<vmem>>, vector<16xf32>,
        %mul3A_895 = arith.mulf %get3A_894, %broadcast_in_dim3A_866 : vector<16xf32>
        %swap3A_896 = arith.index_cast %add3A_870 : i32 to index
        %swap3A_897 = arith.constant 48 : index
        %swap3A_898 = tpu.vector_load %arg6[%swap3A_896, %swap3A_897] {strides = array<i32>} : memref<128x144xf32, #tpu.memory_space<vmem>>, vector<16xf32>,
        tpu.vector_store %arg6[%swap3A_896, %swap3A_897], %mul3A_895 {strides = array<i32>} : memref<128x144xf32, #tpu.memory_space<vmem>>, vector<16xf32>,
        %get3A_899 = arith.index_cast %add3A_870 : i32 to index
        %get3A_900 = arith.constant 64 : index
        %get3A_901 = tpu.vector_load %arg6[%get3A_899, %get3A_900] {strides = array<i32>} : memref<128x144xf32, #tpu.memory_space<vmem>>, vector<16xf32>,
        %mul3A_902 = arith.mulf %get3A_901, %broadcast_in_dim3A_866 : vector<16xf32>
        %swap3A_903 = arith.index_cast %add3A_870 : i32 to index
        %swap3A_904 = arith.constant 64 : index
        %swap3A_905 = tpu.vector_load %arg6[%swap3A_903, %swap3A_904] {strides = array<i32>} : memref<128x144xf32, #tpu.memory_space<vmem>>, vector<16xf32>,
        tpu.vector_store %arg6[%swap3A_903, %swap3A_904], %mul3A_902 {strides = array<i32>} : memref<128x144xf32, #tpu.memory_space<vmem>>, vector<16xf32>,
        %get3A_906 = arith.index_cast %add3A_870 : i32 to index
        %get3A_907 = arith.constant 80 : index
        %get3A_908 = tpu.vector_load %arg6[%get3A_906, %get3A_907] {strides = array<i32>} : memref<128x144xf32, #tpu.memory_space<vmem>>, vector<16xf32>,
        %mul3A_909 = arith.mulf %get3A_908, %broadcast_in_dim3A_866 : vector<16xf32>
        %swap3A_910 = arith.index_cast %add3A_870 : i32 to index
        %swap3A_911 = arith.constant 80 : index
        %swap3A_912 = tpu.vector_load %arg6[%swap3A_910, %swap3A_911] {strides = array<i32>} : memref<128x144xf32, #tpu.memory_space<vmem>>, vector<16xf32>,
        tpu.vector_store %arg6[%swap3A_910, %swap3A_911], %mul3A_909 {strides = array<i32>} : memref<128x144xf32, #tpu.memory_space<vmem>>, vector<16xf32>,
        %get3A_913 = arith.index_cast %add3A_870 : i32 to index
        %get3A_914 = arith.constant 96 : index
        %get3A_915 = tpu.vector_load %arg6[%get3A_913, %get3A_914] {strides = array<i32>} : memref<128x144xf32, #tpu.memory_space<vmem>>, vector<16xf32>,
        %mul3A_916 = arith.mulf %get3A_915, %broadcast_in_dim3A_866 : vector<16xf32>
        %swap3A_917 = arith.index_cast %add3A_870 : i32 to index
        %swap3A_918 = arith.constant 96 : index
        %swap3A_919 = tpu.vector_load %arg6[%swap3A_917, %swap3A_918] {strides = array<i32>} : memref<128x144xf32, #tpu.memory_space<vmem>>, vector<16xf32>,
        tpu.vector_store %arg6[%swap3A_917, %swap3A_918], %mul3A_916 {strides = array<i32>} : memref<128x144xf32, #tpu.memory_space<vmem>>, vector<16xf32>,
        %get3A_920 = arith.index_cast %add3A_870 : i32 to index
        %get3A_921 = arith.constant 112 : index
        %get3A_922 = tpu.vector_load %arg6[%get3A_920, %get3A_921] {strides = array<i32>} : memref<128x144xf32, #tpu.memory_space<vmem>>, vector<16xf32>,
        %mul3A_923 = arith.mulf %get3A_922, %broadcast_in_dim3A_866 : vector<16xf32>
        %swap3A_924 = arith.index_cast %add3A_870 : i32 to index
        %swap3A_925 = arith.constant 112 : index
        %swap3A_926 = tpu.vector_load %arg6[%swap3A_924, %swap3A_925] {strides = array<i32>} : memref<128x144xf32, #tpu.memory_space<vmem>>, vector<16xf32>,
        tpu.vector_store %arg6[%swap3A_924, %swap3A_925], %mul3A_923 {strides = array<i32>} : memref<128x144xf32, #tpu.memory_space<vmem>>, vector<16xf32>,
        %get3A_927 = arith.index_cast %add3A_870 : i32 to index
        %get3A_928 = arith.constant 128 : index
        %get3A_929 = tpu.vector_load %arg6[%get3A_927, %get3A_928] {strides = array<i32>} : memref<128x144xf32, #tpu.memory_space<vmem>>, vector<16xf32>,
        %mul3A_930 = arith.mulf %get3A_929, %broadcast_in_dim3A_866 : vector<16xf32>
        %swap3A_931 = arith.index_cast %add3A_870 : i32 to index
        %swap3A_932 = arith.constant 128 : index
        %swap3A_933 = tpu.vector_load %arg6[%swap3A_931, %swap3A_932] {strides = array<i32>} : memref<128x144xf32, #tpu.memory_space<vmem>>, vector<16xf32>,
        tpu.vector_store %arg6[%swap3A_931, %swap3A_932], %mul3A_930 {strides = array<i32>} : memref<128x144xf32, #tpu.memory_space<vmem>>, vector<16xf32>,
        %slice3A_934 = vector.extract_strided_slice %exp3A {offsets = [12], sizes = [1], strides = [1]} : vector<16xf32> to vector<1xf32>
        %squeeze3A_935 = vector.extract %slice3A_934[0] : f32 from vector<1xf32>
        %broadcast_in_dim3A_936 = vector.broadcast %squeeze3A_935 : f32 to vector<16xf32>
        %mul3A_937 = arith.constant 16 : i32
        %mul3A_938 = arith.muli %scan3A_73, %mul3A_937 : i32
        %add3A_939 = arith.constant 12 : i32
        %add3A_940 = arith.addi %mul3A_938, %add3A_939 : i32
        %get3A_941 = arith.index_cast %add3A_940 : i32 to index
        %get3A_942 = arith.constant 0 : index
        %get3A_943 = tpu.vector_load %arg6[%get3A_941, %get3A_942] {strides = array<i32>} : memref<128x144xf32, #tpu.memory_space<vmem>>, vector<16xf32>,
        %mul3A_944 = arith.mulf %get3A_943, %broadcast_in_dim3A_936 : vector<16xf32>
        %swap3A_945 = arith.index_cast %add3A_940 : i32 to index
        %swap3A_946 = arith.constant 0 : index
        %swap3A_947 = tpu.vector_load %arg6[%swap3A_945, %swap3A_946] {strides = array<i32>} : memref<128x144xf32, #tpu.memory_space<vmem>>, vector<16xf32>,
        tpu.vector_store %arg6[%swap3A_945, %swap3A_946], %mul3A_944 {strides = array<i32>} : memref<128x144xf32, #tpu.memory_space<vmem>>, vector<16xf32>,
        %get3A_948 = arith.index_cast %add3A_940 : i32 to index
        %get3A_949 = arith.constant 16 : index
        %get3A_950 = tpu.vector_load %arg6[%get3A_948, %get3A_949] {strides = array<i32>} : memref<128x144xf32, #tpu.memory_space<vmem>>, vector<16xf32>,
        %mul3A_951 = arith.mulf %get3A_950, %broadcast_in_dim3A_936 : vector<16xf32>
        %swap3A_952 = arith.index_cast %add3A_940 : i32 to index
        %swap3A_953 = arith.constant 16 : index
        %swap3A_954 = tpu.vector_load %arg6[%swap3A_952, %swap3A_953] {strides = array<i32>} : memref<128x144xf32, #tpu.memory_space<vmem>>, vector<16xf32>,
        tpu.vector_store %arg6[%swap3A_952, %swap3A_953], %mul3A_951 {strides = array<i32>} : memref<128x144xf32, #tpu.memory_space<vmem>>, vector<16xf32>,
        %get3A_955 = arith.index_cast %add3A_940 : i32 to index
        %get3A_956 = arith.constant 32 : index
        %get3A_957 = tpu.vector_load %arg6[%get3A_955, %get3A_956] {strides = array<i32>} : memref<128x144xf32, #tpu.memory_space<vmem>>, vector<16xf32>,
        %mul3A_958 = arith.mulf %get3A_957, %broadcast_in_dim3A_936 : vector<16xf32>
        %swap3A_959 = arith.index_cast %add3A_940 : i32 to index
        %swap3A_960 = arith.constant 32 : index
        %swap3A_961 = tpu.vector_load %arg6[%swap3A_959, %swap3A_960] {strides = array<i32>} : memref<128x144xf32, #tpu.memory_space<vmem>>, vector<16xf32>,
        tpu.vector_store %arg6[%swap3A_959, %swap3A_960], %mul3A_958 {strides = array<i32>} : memref<128x144xf32, #tpu.memory_space<vmem>>, vector<16xf32>,
        %get3A_962 = arith.index_cast %add3A_940 : i32 to index
        %get3A_963 = arith.constant 48 : index
        %get3A_964 = tpu.vector_load %arg6[%get3A_962, %get3A_963] {strides = array<i32>} : memref<128x144xf32, #tpu.memory_space<vmem>>, vector<16xf32>,
        %mul3A_965 = arith.mulf %get3A_964, %broadcast_in_dim3A_936 : vector<16xf32>
        %swap3A_966 = arith.index_cast %add3A_940 : i32 to index
        %swap3A_967 = arith.constant 48 : index
        %swap3A_968 = tpu.vector_load %arg6[%swap3A_966, %swap3A_967] {strides = array<i32>} : memref<128x144xf32, #tpu.memory_space<vmem>>, vector<16xf32>,
        tpu.vector_store %arg6[%swap3A_966, %swap3A_967], %mul3A_965 {strides = array<i32>} : memref<128x144xf32, #tpu.memory_space<vmem>>, vector<16xf32>,
        %get3A_969 = arith.index_cast %add3A_940 : i32 to index
        %get3A_970 = arith.constant 64 : index
        %get3A_971 = tpu.vector_load %arg6[%get3A_969, %get3A_970] {strides = array<i32>} : memref<128x144xf32, #tpu.memory_space<vmem>>, vector<16xf32>,
        %mul3A_972 = arith.mulf %get3A_971, %broadcast_in_dim3A_936 : vector<16xf32>
        %swap3A_973 = arith.index_cast %add3A_940 : i32 to index
        %swap3A_974 = arith.constant 64 : index
        %swap3A_975 = tpu.vector_load %arg6[%swap3A_973, %swap3A_974] {strides = array<i32>} : memref<128x144xf32, #tpu.memory_space<vmem>>, vector<16xf32>,
        tpu.vector_store %arg6[%swap3A_973, %swap3A_974], %mul3A_972 {strides = array<i32>} : memref<128x144xf32, #tpu.memory_space<vmem>>, vector<16xf32>,
        %get3A_976 = arith.index_cast %add3A_940 : i32 to index
        %get3A_977 = arith.constant 80 : index
        %get3A_978 = tpu.vector_load %arg6[%get3A_976, %get3A_977] {strides = array<i32>} : memref<128x144xf32, #tpu.memory_space<vmem>>, vector<16xf32>,
        %mul3A_979 = arith.mulf %get3A_978, %broadcast_in_dim3A_936 : vector<16xf32>
        %swap3A_980 = arith.index_cast %add3A_940 : i32 to index
        %swap3A_981 = arith.constant 80 : index
        %swap3A_982 = tpu.vector_load %arg6[%swap3A_980, %swap3A_981] {strides = array<i32>} : memref<128x144xf32, #tpu.memory_space<vmem>>, vector<16xf32>,
        tpu.vector_store %arg6[%swap3A_980, %swap3A_981], %mul3A_979 {strides = array<i32>} : memref<128x144xf32, #tpu.memory_space<vmem>>, vector<16xf32>,
        %get3A_983 = arith.index_cast %add3A_940 : i32 to index
        %get3A_984 = arith.constant 96 : index
        %get3A_985 = tpu.vector_load %arg6[%get3A_983, %get3A_984] {strides = array<i32>} : memref<128x144xf32, #tpu.memory_space<vmem>>, vector<16xf32>,
        %mul3A_986 = arith.mulf %get3A_985, %broadcast_in_dim3A_936 : vector<16xf32>
        %swap3A_987 = arith.index_cast %add3A_940 : i32 to index
        %swap3A_988 = arith.constant 96 : index
        %swap3A_989 = tpu.vector_load %arg6[%swap3A_987, %swap3A_988] {strides = array<i32>} : memref<128x144xf32, #tpu.memory_space<vmem>>, vector<16xf32>,
        tpu.vector_store %arg6[%swap3A_987, %swap3A_988], %mul3A_986 {strides = array<i32>} : memref<128x144xf32, #tpu.memory_space<vmem>>, vector<16xf32>,
        %get3A_990 = arith.index_cast %add3A_940 : i32 to index
        %get3A_991 = arith.constant 112 : index
        %get3A_992 = tpu.vector_load %arg6[%get3A_990, %get3A_991] {strides = array<i32>} : memref<128x144xf32, #tpu.memory_space<vmem>>, vector<16xf32>,
        %mul3A_993 = arith.mulf %get3A_992, %broadcast_in_dim3A_936 : vector<16xf32>
        %swap3A_994 = arith.index_cast %add3A_940 : i32 to index
        %swap3A_995 = arith.constant 112 : index
        %swap3A_996 = tpu.vector_load %arg6[%swap3A_994, %swap3A_995] {strides = array<i32>} : memref<128x144xf32, #tpu.memory_space<vmem>>, vector<16xf32>,
        tpu.vector_store %arg6[%swap3A_994, %swap3A_995], %mul3A_993 {strides = array<i32>} : memref<128x144xf32, #tpu.memory_space<vmem>>, vector<16xf32>,
        %get3A_997 = arith.index_cast %add3A_940 : i32 to index
        %get3A_998 = arith.constant 128 : index
        %get3A_999 = tpu.vector_load %arg6[%get3A_997, %get3A_998] {strides = array<i32>} : memref<128x144xf32, #tpu.memory_space<vmem>>, vector<16xf32>,
        %mul3A_1000 = arith.mulf %get3A_999, %broadcast_in_dim3A_936 : vector<16xf32>
        %swap3A_1001 = arith.index_cast %add3A_940 : i32 to index
        %swap3A_1002 = arith.constant 128 : index
        %swap3A_1003 = tpu.vector_load %arg6[%swap3A_1001, %swap3A_1002] {strides = array<i32>} : memref<128x144xf32, #tpu.memory_space<vmem>>, vector<16xf32>,
        tpu.vector_store %arg6[%swap3A_1001, %swap3A_1002], %mul3A_1000 {strides = array<i32>} : memref<128x144xf32, #tpu.memory_space<vmem>>, vector<16xf32>,
        %slice3A_1004 = vector.extract_strided_slice %exp3A {offsets = [13], sizes = [1], strides = [1]} : vector<16xf32> to vector<1xf32>
        %squeeze3A_1005 = vector.extract %slice3A_1004[0] : f32 from vector<1xf32>
        %broadcast_in_dim3A_1006 = vector.broadcast %squeeze3A_1005 : f32 to vector<16xf32>
        %mul3A_1007 = arith.constant 16 : i32
        %mul3A_1008 = arith.muli %scan3A_73, %mul3A_1007 : i32
        %add3A_1009 = arith.constant 13 : i32
        %add3A_1010 = arith.addi %mul3A_1008, %add3A_1009 : i32
        %get3A_1011 = arith.index_cast %add3A_1010 : i32 to index
        %get3A_1012 = arith.constant 0 : index
        %get3A_1013 = tpu.vector_load %arg6[%get3A_1011, %get3A_1012] {strides = array<i32>} : memref<128x144xf32, #tpu.memory_space<vmem>>, vector<16xf32>,
        %mul3A_1014 = arith.mulf %get3A_1013, %broadcast_in_dim3A_1006 : vector<16xf32>
        %swap3A_1015 = arith.index_cast %add3A_1010 : i32 to index
        %swap3A_1016 = arith.constant 0 : index
        %swap3A_1017 = tpu.vector_load %arg6[%swap3A_1015, %swap3A_1016] {strides = array<i32>} : memref<128x144xf32, #tpu.memory_space<vmem>>, vector<16xf32>,
        tpu.vector_store %arg6[%swap3A_1015, %swap3A_1016], %mul3A_1014 {strides = array<i32>} : memref<128x144xf32, #tpu.memory_space<vmem>>, vector<16xf32>,
        %get3A_1018 = arith.index_cast %add3A_1010 : i32 to index
        %get3A_1019 = arith.constant 16 : index
        %get3A_1020 = tpu.vector_load %arg6[%get3A_1018, %get3A_1019] {strides = array<i32>} : memref<128x144xf32, #tpu.memory_space<vmem>>, vector<16xf32>,
        %mul3A_1021 = arith.mulf %get3A_1020, %broadcast_in_dim3A_1006 : vector<16xf32>
        %swap3A_1022 = arith.index_cast %add3A_1010 : i32 to index
        %swap3A_1023 = arith.constant 16 : index
        %swap3A_1024 = tpu.vector_load %arg6[%swap3A_1022, %swap3A_1023] {strides = array<i32>} : memref<128x144xf32, #tpu.memory_space<vmem>>, vector<16xf32>,
        tpu.vector_store %arg6[%swap3A_1022, %swap3A_1023], %mul3A_1021 {strides = array<i32>} : memref<128x144xf32, #tpu.memory_space<vmem>>, vector<16xf32>,
        %get3A_1025 = arith.index_cast %add3A_1010 : i32 to index
        %get3A_1026 = arith.constant 32 : index
        %get3A_1027 = tpu.vector_load %arg6[%get3A_1025, %get3A_1026] {strides = array<i32>} : memref<128x144xf32, #tpu.memory_space<vmem>>, vector<16xf32>,
        %mul3A_1028 = arith.mulf %get3A_1027, %broadcast_in_dim3A_1006 : vector<16xf32>
        %swap3A_1029 = arith.index_cast %add3A_1010 : i32 to index
        %swap3A_1030 = arith.constant 32 : index
        %swap3A_1031 = tpu.vector_load %arg6[%swap3A_1029, %swap3A_1030] {strides = array<i32>} : memref<128x144xf32, #tpu.memory_space<vmem>>, vector<16xf32>,
        tpu.vector_store %arg6[%swap3A_1029, %swap3A_1030], %mul3A_1028 {strides = array<i32>} : memref<128x144xf32, #tpu.memory_space<vmem>>, vector<16xf32>,
        %get3A_1032 = arith.index_cast %add3A_1010 : i32 to index
        %get3A_1033 = arith.constant 48 : index
        %get3A_1034 = tpu.vector_load %arg6[%get3A_1032, %get3A_1033] {strides = array<i32>} : memref<128x144xf32, #tpu.memory_space<vmem>>, vector<16xf32>,
        %mul3A_1035 = arith.mulf %get3A_1034, %broadcast_in_dim3A_1006 : vector<16xf32>
        %swap3A_1036 = arith.index_cast %add3A_1010 : i32 to index
        %swap3A_1037 = arith.constant 48 : index
        %swap3A_1038 = tpu.vector_load %arg6[%swap3A_1036, %swap3A_1037] {strides = array<i32>} : memref<128x144xf32, #tpu.memory_space<vmem>>, vector<16xf32>,
        tpu.vector_store %arg6[%swap3A_1036, %swap3A_1037], %mul3A_1035 {strides = array<i32>} : memref<128x144xf32, #tpu.memory_space<vmem>>, vector<16xf32>,
        %get3A_1039 = arith.index_cast %add3A_1010 : i32 to index
        %get3A_1040 = arith.constant 64 : index
        %get3A_1041 = tpu.vector_load %arg6[%get3A_1039, %get3A_1040] {strides = array<i32>} : memref<128x144xf32, #tpu.memory_space<vmem>>, vector<16xf32>,
        %mul3A_1042 = arith.mulf %get3A_1041, %broadcast_in_dim3A_1006 : vector<16xf32>
        %swap3A_1043 = arith.index_cast %add3A_1010 : i32 to index
        %swap3A_1044 = arith.constant 64 : index
        %swap3A_1045 = tpu.vector_load %arg6[%swap3A_1043, %swap3A_1044] {strides = array<i32>} : memref<128x144xf32, #tpu.memory_space<vmem>>, vector<16xf32>,
        tpu.vector_store %arg6[%swap3A_1043, %swap3A_1044], %mul3A_1042 {strides = array<i32>} : memref<128x144xf32, #tpu.memory_space<vmem>>, vector<16xf32>,
        %get3A_1046 = arith.index_cast %add3A_1010 : i32 to index
        %get3A_1047 = arith.constant 80 : index
        %get3A_1048 = tpu.vector_load %arg6[%get3A_1046, %get3A_1047] {strides = array<i32>} : memref<128x144xf32, #tpu.memory_space<vmem>>, vector<16xf32>,
        %mul3A_1049 = arith.mulf %get3A_1048, %broadcast_in_dim3A_1006 : vector<16xf32>
        %swap3A_1050 = arith.index_cast %add3A_1010 : i32 to index
        %swap3A_1051 = arith.constant 80 : index
        %swap3A_1052 = tpu.vector_load %arg6[%swap3A_1050, %swap3A_1051] {strides = array<i32>} : memref<128x144xf32, #tpu.memory_space<vmem>>, vector<16xf32>,
        tpu.vector_store %arg6[%swap3A_1050, %swap3A_1051], %mul3A_1049 {strides = array<i32>} : memref<128x144xf32, #tpu.memory_space<vmem>>, vector<16xf32>,
        %get3A_1053 = arith.index_cast %add3A_1010 : i32 to index
        %get3A_1054 = arith.constant 96 : index
        %get3A_1055 = tpu.vector_load %arg6[%get3A_1053, %get3A_1054] {strides = array<i32>} : memref<128x144xf32, #tpu.memory_space<vmem>>, vector<16xf32>,
        %mul3A_1056 = arith.mulf %get3A_1055, %broadcast_in_dim3A_1006 : vector<16xf32>
        %swap3A_1057 = arith.index_cast %add3A_1010 : i32 to index
        %swap3A_1058 = arith.constant 96 : index
        %swap3A_1059 = tpu.vector_load %arg6[%swap3A_1057, %swap3A_1058] {strides = array<i32>} : memref<128x144xf32, #tpu.memory_space<vmem>>, vector<16xf32>,
        tpu.vector_store %arg6[%swap3A_1057, %swap3A_1058], %mul3A_1056 {strides = array<i32>} : memref<128x144xf32, #tpu.memory_space<vmem>>, vector<16xf32>,
        %get3A_1060 = arith.index_cast %add3A_1010 : i32 to index
        %get3A_1061 = arith.constant 112 : index
        %get3A_1062 = tpu.vector_load %arg6[%get3A_1060, %get3A_1061] {strides = array<i32>} : memref<128x144xf32, #tpu.memory_space<vmem>>, vector<16xf32>,
        %mul3A_1063 = arith.mulf %get3A_1062, %broadcast_in_dim3A_1006 : vector<16xf32>
        %swap3A_1064 = arith.index_cast %add3A_1010 : i32 to index
        %swap3A_1065 = arith.constant 112 : index
        %swap3A_1066 = tpu.vector_load %arg6[%swap3A_1064, %swap3A_1065] {strides = array<i32>} : memref<128x144xf32, #tpu.memory_space<vmem>>, vector<16xf32>,
        tpu.vector_store %arg6[%swap3A_1064, %swap3A_1065], %mul3A_1063 {strides = array<i32>} : memref<128x144xf32, #tpu.memory_space<vmem>>, vector<16xf32>,
        %get3A_1067 = arith.index_cast %add3A_1010 : i32 to index
        %get3A_1068 = arith.constant 128 : index
        %get3A_1069 = tpu.vector_load %arg6[%get3A_1067, %get3A_1068] {strides = array<i32>} : memref<128x144xf32, #tpu.memory_space<vmem>>, vector<16xf32>,
        %mul3A_1070 = arith.mulf %get3A_1069, %broadcast_in_dim3A_1006 : vector<16xf32>
        %swap3A_1071 = arith.index_cast %add3A_1010 : i32 to index
        %swap3A_1072 = arith.constant 128 : index
        %swap3A_1073 = tpu.vector_load %arg6[%swap3A_1071, %swap3A_1072] {strides = array<i32>} : memref<128x144xf32, #tpu.memory_space<vmem>>, vector<16xf32>,
        tpu.vector_store %arg6[%swap3A_1071, %swap3A_1072], %mul3A_1070 {strides = array<i32>} : memref<128x144xf32, #tpu.memory_space<vmem>>, vector<16xf32>,
        %slice3A_1074 = vector.extract_strided_slice %exp3A {offsets = [14], sizes = [1], strides = [1]} : vector<16xf32> to vector<1xf32>
        %squeeze3A_1075 = vector.extract %slice3A_1074[0] : f32 from vector<1xf32>
        %broadcast_in_dim3A_1076 = vector.broadcast %squeeze3A_1075 : f32 to vector<16xf32>
        %mul3A_1077 = arith.constant 16 : i32
        %mul3A_1078 = arith.muli %scan3A_73, %mul3A_1077 : i32
        %add3A_1079 = arith.constant 14 : i32
        %add3A_1080 = arith.addi %mul3A_1078, %add3A_1079 : i32
        %get3A_1081 = arith.index_cast %add3A_1080 : i32 to index
        %get3A_1082 = arith.constant 0 : index
        %get3A_1083 = tpu.vector_load %arg6[%get3A_1081, %get3A_1082] {strides = array<i32>} : memref<128x144xf32, #tpu.memory_space<vmem>>, vector<16xf32>,
        %mul3A_1084 = arith.mulf %get3A_1083, %broadcast_in_dim3A_1076 : vector<16xf32>
        %swap3A_1085 = arith.index_cast %add3A_1080 : i32 to index
        %swap3A_1086 = arith.constant 0 : index
        %swap3A_1087 = tpu.vector_load %arg6[%swap3A_1085, %swap3A_1086] {strides = array<i32>} : memref<128x144xf32, #tpu.memory_space<vmem>>, vector<16xf32>,
        tpu.vector_store %arg6[%swap3A_1085, %swap3A_1086], %mul3A_1084 {strides = array<i32>} : memref<128x144xf32, #tpu.memory_space<vmem>>, vector<16xf32>,
        %get3A_1088 = arith.index_cast %add3A_1080 : i32 to index
        %get3A_1089 = arith.constant 16 : index
        %get3A_1090 = tpu.vector_load %arg6[%get3A_1088, %get3A_1089] {strides = array<i32>} : memref<128x144xf32, #tpu.memory_space<vmem>>, vector<16xf32>,
        %mul3A_1091 = arith.mulf %get3A_1090, %broadcast_in_dim3A_1076 : vector<16xf32>
        %swap3A_1092 = arith.index_cast %add3A_1080 : i32 to index
        %swap3A_1093 = arith.constant 16 : index
        %swap3A_1094 = tpu.vector_load %arg6[%swap3A_1092, %swap3A_1093] {strides = array<i32>} : memref<128x144xf32, #tpu.memory_space<vmem>>, vector<16xf32>,
        tpu.vector_store %arg6[%swap3A_1092, %swap3A_1093], %mul3A_1091 {strides = array<i32>} : memref<128x144xf32, #tpu.memory_space<vmem>>, vector<16xf32>,
        %get3A_1095 = arith.index_cast %add3A_1080 : i32 to index
        %get3A_1096 = arith.constant 32 : index
        %get3A_1097 = tpu.vector_load %arg6[%get3A_1095, %get3A_1096] {strides = array<i32>} : memref<128x144xf32, #tpu.memory_space<vmem>>, vector<16xf32>,
        %mul3A_1098 = arith.mulf %get3A_1097, %broadcast_in_dim3A_1076 : vector<16xf32>
        %swap3A_1099 = arith.index_cast %add3A_1080 : i32 to index
        %swap3A_1100 = arith.constant 32 : index
        %swap3A_1101 = tpu.vector_load %arg6[%swap3A_1099, %swap3A_1100] {strides = array<i32>} : memref<128x144xf32, #tpu.memory_space<vmem>>, vector<16xf32>,
        tpu.vector_store %arg6[%swap3A_1099, %swap3A_1100], %mul3A_1098 {strides = array<i32>} : memref<128x144xf32, #tpu.memory_space<vmem>>, vector<16xf32>,
        %get3A_1102 = arith.index_cast %add3A_1080 : i32 to index
        %get3A_1103 = arith.constant 48 : index
        %get3A_1104 = tpu.vector_load %arg6[%get3A_1102, %get3A_1103] {strides = array<i32>} : memref<128x144xf32, #tpu.memory_space<vmem>>, vector<16xf32>,
        %mul3A_1105 = arith.mulf %get3A_1104, %broadcast_in_dim3A_1076 : vector<16xf32>
        %swap3A_1106 = arith.index_cast %add3A_1080 : i32 to index
        %swap3A_1107 = arith.constant 48 : index
        %swap3A_1108 = tpu.vector_load %arg6[%swap3A_1106, %swap3A_1107] {strides = array<i32>} : memref<128x144xf32, #tpu.memory_space<vmem>>, vector<16xf32>,
        tpu.vector_store %arg6[%swap3A_1106, %swap3A_1107], %mul3A_1105 {strides = array<i32>} : memref<128x144xf32, #tpu.memory_space<vmem>>, vector<16xf32>,
        %get3A_1109 = arith.index_cast %add3A_1080 : i32 to index
        %get3A_1110 = arith.constant 64 : index
        %get3A_1111 = tpu.vector_load %arg6[%get3A_1109, %get3A_1110] {strides = array<i32>} : memref<128x144xf32, #tpu.memory_space<vmem>>, vector<16xf32>,
        %mul3A_1112 = arith.mulf %get3A_1111, %broadcast_in_dim3A_1076 : vector<16xf32>
        %swap3A_1113 = arith.index_cast %add3A_1080 : i32 to index
        %swap3A_1114 = arith.constant 64 : index
        %swap3A_1115 = tpu.vector_load %arg6[%swap3A_1113, %swap3A_1114] {strides = array<i32>} : memref<128x144xf32, #tpu.memory_space<vmem>>, vector<16xf32>,
        tpu.vector_store %arg6[%swap3A_1113, %swap3A_1114], %mul3A_1112 {strides = array<i32>} : memref<128x144xf32, #tpu.memory_space<vmem>>, vector<16xf32>,
        %get3A_1116 = arith.index_cast %add3A_1080 : i32 to index
        %get3A_1117 = arith.constant 80 : index
        %get3A_1118 = tpu.vector_load %arg6[%get3A_1116, %get3A_1117] {strides = array<i32>} : memref<128x144xf32, #tpu.memory_space<vmem>>, vector<16xf32>,
        %mul3A_1119 = arith.mulf %get3A_1118, %broadcast_in_dim3A_1076 : vector<16xf32>
        %swap3A_1120 = arith.index_cast %add3A_1080 : i32 to index
        %swap3A_1121 = arith.constant 80 : index
        %swap3A_1122 = tpu.vector_load %arg6[%swap3A_1120, %swap3A_1121] {strides = array<i32>} : memref<128x144xf32, #tpu.memory_space<vmem>>, vector<16xf32>,
        tpu.vector_store %arg6[%swap3A_1120, %swap3A_1121], %mul3A_1119 {strides = array<i32>} : memref<128x144xf32, #tpu.memory_space<vmem>>, vector<16xf32>,
        %get3A_1123 = arith.index_cast %add3A_1080 : i32 to index
        %get3A_1124 = arith.constant 96 : index
        %get3A_1125 = tpu.vector_load %arg6[%get3A_1123, %get3A_1124] {strides = array<i32>} : memref<128x144xf32, #tpu.memory_space<vmem>>, vector<16xf32>,
        %mul3A_1126 = arith.mulf %get3A_1125, %broadcast_in_dim3A_1076 : vector<16xf32>
        %swap3A_1127 = arith.index_cast %add3A_1080 : i32 to index
        %swap3A_1128 = arith.constant 96 : index
        %swap3A_1129 = tpu.vector_load %arg6[%swap3A_1127, %swap3A_1128] {strides = array<i32>} : memref<128x144xf32, #tpu.memory_space<vmem>>, vector<16xf32>,
        tpu.vector_store %arg6[%swap3A_1127, %swap3A_1128], %mul3A_1126 {strides = array<i32>} : memref<128x144xf32, #tpu.memory_space<vmem>>, vector<16xf32>,
        %get3A_1130 = arith.index_cast %add3A_1080 : i32 to index
        %get3A_1131 = arith.constant 112 : index
        %get3A_1132 = tpu.vector_load %arg6[%get3A_1130, %get3A_1131] {strides = array<i32>} : memref<128x144xf32, #tpu.memory_space<vmem>>, vector<16xf32>,
        %mul3A_1133 = arith.mulf %get3A_1132, %broadcast_in_dim3A_1076 : vector<16xf32>
        %swap3A_1134 = arith.index_cast %add3A_1080 : i32 to index
        %swap3A_1135 = arith.constant 112 : index
        %swap3A_1136 = tpu.vector_load %arg6[%swap3A_1134, %swap3A_1135] {strides = array<i32>} : memref<128x144xf32, #tpu.memory_space<vmem>>, vector<16xf32>,
        tpu.vector_store %arg6[%swap3A_1134, %swap3A_1135], %mul3A_1133 {strides = array<i32>} : memref<128x144xf32, #tpu.memory_space<vmem>>, vector<16xf32>,
        %get3A_1137 = arith.index_cast %add3A_1080 : i32 to index
        %get3A_1138 = arith.constant 128 : index
        %get3A_1139 = tpu.vector_load %arg6[%get3A_1137, %get3A_1138] {strides = array<i32>} : memref<128x144xf32, #tpu.memory_space<vmem>>, vector<16xf32>,
        %mul3A_1140 = arith.mulf %get3A_1139, %broadcast_in_dim3A_1076 : vector<16xf32>
        %swap3A_1141 = arith.index_cast %add3A_1080 : i32 to index
        %swap3A_1142 = arith.constant 128 : index
        %swap3A_1143 = tpu.vector_load %arg6[%swap3A_1141, %swap3A_1142] {strides = array<i32>} : memref<128x144xf32, #tpu.memory_space<vmem>>, vector<16xf32>,
        tpu.vector_store %arg6[%swap3A_1141, %swap3A_1142], %mul3A_1140 {strides = array<i32>} : memref<128x144xf32, #tpu.memory_space<vmem>>, vector<16xf32>,
        %slice3A_1144 = vector.extract_strided_slice %exp3A {offsets = [15], sizes = [1], strides = [1]} : vector<16xf32> to vector<1xf32>
        %squeeze3A_1145 = vector.extract %slice3A_1144[0] : f32 from vector<1xf32>
        %broadcast_in_dim3A_1146 = vector.broadcast %squeeze3A_1145 : f32 to vector<16xf32>
        %mul3A_1147 = arith.constant 16 : i32
        %mul3A_1148 = arith.muli %scan3A_73, %mul3A_1147 : i32
        %add3A_1149 = arith.constant 15 : i32
        %add3A_1150 = arith.addi %mul3A_1148, %add3A_1149 : i32
        %get3A_1151 = arith.index_cast %add3A_1150 : i32 to index
        %get3A_1152 = arith.constant 0 : index
        %get3A_1153 = tpu.vector_load %arg6[%get3A_1151, %get3A_1152] {strides = array<i32>} : memref<128x144xf32, #tpu.memory_space<vmem>>, vector<16xf32>,
        %mul3A_1154 = arith.mulf %get3A_1153, %broadcast_in_dim3A_1146 : vector<16xf32>
        %swap3A_1155 = arith.index_cast %add3A_1150 : i32 to index
        %swap3A_1156 = arith.constant 0 : index
        %swap3A_1157 = tpu.vector_load %arg6[%swap3A_1155, %swap3A_1156] {strides = array<i32>} : memref<128x144xf32, #tpu.memory_space<vmem>>, vector<16xf32>,
        tpu.vector_store %arg6[%swap3A_1155, %swap3A_1156], %mul3A_1154 {strides = array<i32>} : memref<128x144xf32, #tpu.memory_space<vmem>>, vector<16xf32>,
        %get3A_1158 = arith.index_cast %add3A_1150 : i32 to index
        %get3A_1159 = arith.constant 16 : index
        %get3A_1160 = tpu.vector_load %arg6[%get3A_1158, %get3A_1159] {strides = array<i32>} : memref<128x144xf32, #tpu.memory_space<vmem>>, vector<16xf32>,
        %mul3A_1161 = arith.mulf %get3A_1160, %broadcast_in_dim3A_1146 : vector<16xf32>
        %swap3A_1162 = arith.index_cast %add3A_1150 : i32 to index
        %swap3A_1163 = arith.constant 16 : index
        %swap3A_1164 = tpu.vector_load %arg6[%swap3A_1162, %swap3A_1163] {strides = array<i32>} : memref<128x144xf32, #tpu.memory_space<vmem>>, vector<16xf32>,
        tpu.vector_store %arg6[%swap3A_1162, %swap3A_1163], %mul3A_1161 {strides = array<i32>} : memref<128x144xf32, #tpu.memory_space<vmem>>, vector<16xf32>,
        %get3A_1165 = arith.index_cast %add3A_1150 : i32 to index
        %get3A_1166 = arith.constant 32 : index
        %get3A_1167 = tpu.vector_load %arg6[%get3A_1165, %get3A_1166] {strides = array<i32>} : memref<128x144xf32, #tpu.memory_space<vmem>>, vector<16xf32>,
        %mul3A_1168 = arith.mulf %get3A_1167, %broadcast_in_dim3A_1146 : vector<16xf32>
        %swap3A_1169 = arith.index_cast %add3A_1150 : i32 to index
        %swap3A_1170 = arith.constant 32 : index
        %swap3A_1171 = tpu.vector_load %arg6[%swap3A_1169, %swap3A_1170] {strides = array<i32>} : memref<128x144xf32, #tpu.memory_space<vmem>>, vector<16xf32>,
        tpu.vector_store %arg6[%swap3A_1169, %swap3A_1170], %mul3A_1168 {strides = array<i32>} : memref<128x144xf32, #tpu.memory_space<vmem>>, vector<16xf32>,
        %get3A_1172 = arith.index_cast %add3A_1150 : i32 to index
        %get3A_1173 = arith.constant 48 : index
        %get3A_1174 = tpu.vector_load %arg6[%get3A_1172, %get3A_1173] {strides = array<i32>} : memref<128x144xf32, #tpu.memory_space<vmem>>, vector<16xf32>,
        %mul3A_1175 = arith.mulf %get3A_1174, %broadcast_in_dim3A_1146 : vector<16xf32>
        %swap3A_1176 = arith.index_cast %add3A_1150 : i32 to index
        %swap3A_1177 = arith.constant 48 : index
        %swap3A_1178 = tpu.vector_load %arg6[%swap3A_1176, %swap3A_1177] {strides = array<i32>} : memref<128x144xf32, #tpu.memory_space<vmem>>, vector<16xf32>,
        tpu.vector_store %arg6[%swap3A_1176, %swap3A_1177], %mul3A_1175 {strides = array<i32>} : memref<128x144xf32, #tpu.memory_space<vmem>>, vector<16xf32>,
        %get3A_1179 = arith.index_cast %add3A_1150 : i32 to index
        %get3A_1180 = arith.constant 64 : index
        %get3A_1181 = tpu.vector_load %arg6[%get3A_1179, %get3A_1180] {strides = array<i32>} : memref<128x144xf32, #tpu.memory_space<vmem>>, vector<16xf32>,
        %mul3A_1182 = arith.mulf %get3A_1181, %broadcast_in_dim3A_1146 : vector<16xf32>
        %swap3A_1183 = arith.index_cast %add3A_1150 : i32 to index
        %swap3A_1184 = arith.constant 64 : index
        %swap3A_1185 = tpu.vector_load %arg6[%swap3A_1183, %swap3A_1184] {strides = array<i32>} : memref<128x144xf32, #tpu.memory_space<vmem>>, vector<16xf32>,
        tpu.vector_store %arg6[%swap3A_1183, %swap3A_1184], %mul3A_1182 {strides = array<i32>} : memref<128x144xf32, #tpu.memory_space<vmem>>, vector<16xf32>,
        %get3A_1186 = arith.index_cast %add3A_1150 : i32 to index
        %get3A_1187 = arith.constant 80 : index
        %get3A_1188 = tpu.vector_load %arg6[%get3A_1186, %get3A_1187] {strides = array<i32>} : memref<128x144xf32, #tpu.memory_space<vmem>>, vector<16xf32>,
        %mul3A_1189 = arith.mulf %get3A_1188, %broadcast_in_dim3A_1146 : vector<16xf32>
        %swap3A_1190 = arith.index_cast %add3A_1150 : i32 to index
        %swap3A_1191 = arith.constant 80 : index
        %swap3A_1192 = tpu.vector_load %arg6[%swap3A_1190, %swap3A_1191] {strides = array<i32>} : memref<128x144xf32, #tpu.memory_space<vmem>>, vector<16xf32>,
        tpu.vector_store %arg6[%swap3A_1190, %swap3A_1191], %mul3A_1189 {strides = array<i32>} : memref<128x144xf32, #tpu.memory_space<vmem>>, vector<16xf32>,
        %get3A_1193 = arith.index_cast %add3A_1150 : i32 to index
        %get3A_1194 = arith.constant 96 : index
        %get3A_1195 = tpu.vector_load %arg6[%get3A_1193, %get3A_1194] {strides = array<i32>} : memref<128x144xf32, #tpu.memory_space<vmem>>, vector<16xf32>,
        %mul3A_1196 = arith.mulf %get3A_1195, %broadcast_in_dim3A_1146 : vector<16xf32>
        %swap3A_1197 = arith.index_cast %add3A_1150 : i32 to index
        %swap3A_1198 = arith.constant 96 : index
        %swap3A_1199 = tpu.vector_load %arg6[%swap3A_1197, %swap3A_1198] {strides = array<i32>} : memref<128x144xf32, #tpu.memory_space<vmem>>, vector<16xf32>,
        tpu.vector_store %arg6[%swap3A_1197, %swap3A_1198], %mul3A_1196 {strides = array<i32>} : memref<128x144xf32, #tpu.memory_space<vmem>>, vector<16xf32>,
        %get3A_1200 = arith.index_cast %add3A_1150 : i32 to index
        %get3A_1201 = arith.constant 112 : index
        %get3A_1202 = tpu.vector_load %arg6[%get3A_1200, %get3A_1201] {strides = array<i32>} : memref<128x144xf32, #tpu.memory_space<vmem>>, vector<16xf32>,
        %mul3A_1203 = arith.mulf %get3A_1202, %broadcast_in_dim3A_1146 : vector<16xf32>
        %swap3A_1204 = arith.index_cast %add3A_1150 : i32 to index
        %swap3A_1205 = arith.constant 112 : index
        %swap3A_1206 = tpu.vector_load %arg6[%swap3A_1204, %swap3A_1205] {strides = array<i32>} : memref<128x144xf32, #tpu.memory_space<vmem>>, vector<16xf32>,
        tpu.vector_store %arg6[%swap3A_1204, %swap3A_1205], %mul3A_1203 {strides = array<i32>} : memref<128x144xf32, #tpu.memory_space<vmem>>, vector<16xf32>,
        %get3A_1207 = arith.index_cast %add3A_1150 : i32 to index
        %get3A_1208 = arith.constant 128 : index
        %get3A_1209 = tpu.vector_load %arg6[%get3A_1207, %get3A_1208] {strides = array<i32>} : memref<128x144xf32, #tpu.memory_space<vmem>>, vector<16xf32>,
        %mul3A_1210 = arith.mulf %get3A_1209, %broadcast_in_dim3A_1146 : vector<16xf32>
        %swap3A_1211 = arith.index_cast %add3A_1150 : i32 to index
        %swap3A_1212 = arith.constant 128 : index
        %swap3A_1213 = tpu.vector_load %arg6[%swap3A_1211, %swap3A_1212] {strides = array<i32>} : memref<128x144xf32, #tpu.memory_space<vmem>>, vector<16xf32>,
        tpu.vector_store %arg6[%swap3A_1211, %swap3A_1212], %mul3A_1210 {strides = array<i32>} : memref<128x144xf32, #tpu.memory_space<vmem>>, vector<16xf32>,
      }
      %scan3A_58 = arith.constant 8 : i32
      %dma_start3A_59 = arith.constant 1 : i32
      %dma_start3A_60 = arith.constant 0 : i32
      %dma_start3A_61 = tpu.memref_slice %arg8[%dma_start3A_59, %dma_start3A_60] : memref<3x128xi32, #tpu.memory_space<vmem>> -> memref<1x128xi32, #tpu.memory_space<vmem>>
      %dma_start3A_62 = tpu.memref_squeeze %dma_start3A_61 : memref<1x128xi32, #tpu.memory_space<vmem>> -> memref<128xi32, #tpu.memory_space<vmem>>
      %dma_start3A_63 = arith.constant 0 : i32
      %dma_start3A_64 = arith.constant 0 : i32
      %dma_start3A_65 = tpu.memref_slice %arg9[%dma_start3A_63, %dma_start3A_64] : memref<10240x144xf32, #tpu.memory_space<vmem_shared>> -> memref<10240x144xf32, #tpu.memory_space<vmem_shared>>
      tpu.enqueue_indirect_dma source(%arg6 : memref<128x144xf32, #tpu.memory_space<vmem>>) target(%dma_start3A_65 : memref<10240x144xf32, #tpu.memory_space<vmem_shared>>) offsets(%dma_start3A_62 : memref<128xi32, #tpu.memory_space<vmem>>) semaphore(%arg11 : memref<!tpu.dma_semaphore, #tpu.memory_space<semaphore_mem>>) {add = true}
      %dma_wait3A_66 = arith.constant 1 : i32
      %dma_wait3A_67 = arith.constant 0 : i32
      %dma_wait3A_68 = tpu.memref_slice %arg8[%dma_wait3A_66, %dma_wait3A_67] : memref<3x128xi32, #tpu.memory_space<vmem>> -> memref<1x128xi32, #tpu.memory_space<vmem>>
      %dma_wait3A_69 = tpu.memref_squeeze %dma_wait3A_68 : memref<1x128xi32, #tpu.memory_space<vmem>> -> memref<128xi32, #tpu.memory_space<vmem>>
      %dma_wait3A_70 = arith.constant 0 : i32
      %dma_wait3A_71 = arith.constant 0 : i32
      %dma_wait3A_72 = tpu.memref_slice %arg9[%dma_wait3A_70, %dma_wait3A_71] : memref<10240x144xf32, #tpu.memory_space<vmem_shared>> -> memref<10240x144xf32, #tpu.memory_space<vmem_shared>>
      tpu.wait_indirect_dma semaphore(%arg11 : memref<!tpu.dma_semaphore, #tpu.memory_space<semaphore_mem>>) src(%arg6 : memref<128x144xf32, #tpu.memory_space<vmem>>) dst(%dma_wait3A_72 : memref<10240x144xf32, #tpu.memory_space<vmem_shared>>)
    }
    %scan3A_22 = arith.constant 79 : i32
    %barrier3A_23 = arith.constant 0 : index
    tpu.barrier barrier_id(%barrier3A_23)
    "tpu.region"() ({
      %run_scoped3A = tpu.sem_alloc : memref<!tpu.dma_semaphore, #tpu.memory_space<semaphore_mem>>
      %dma_start3A = arith.constant 0 : i32
      %dma_start3A_24 = tpu.memref_slice %arg5[%arg0, %mul3A_2, %dma_start3A] : memref<2x10240x144xf32, #tpu.memory_space<hbm>> -> memref<1x640x144xf32, #tpu.memory_space<hbm>>
      %dma_start3A_25 = tpu.memref_squeeze %dma_start3A_24 : memref<1x640x144xf32, #tpu.memory_space<hbm>> -> memref<640x144xf32, #tpu.memory_space<hbm>>
      %dma_start3A_26 = arith.constant 0 : i32
      %dma_start3A_27 = tpu.memref_slice %arg9[%mul3A_2, %dma_start3A_26] : memref<10240x144xf32, #tpu.memory_space<vmem_shared>> -> memref<640x144xf32, #tpu.memory_space<vmem_shared>>
      tpu.enqueue_dma source(%dma_start3A_27 : memref<640x144xf32, #tpu.memory_space<vmem_shared>>) target(%dma_start3A_25 : memref<640x144xf32, #tpu.memory_space<hbm>>) target_semaphore(%run_scoped3A : memref<!tpu.dma_semaphore, #tpu.memory_space<semaphore_mem>>)
      %dma_wait3A = arith.constant 0 : i32
      %dma_wait3A_28 = tpu.memref_slice %arg5[%arg0, %mul3A_2, %dma_wait3A] : memref<2x10240x144xf32, #tpu.memory_space<hbm>> -> memref<1x640x144xf32, #tpu.memory_space<hbm>>
      %dma_wait3A_29 = tpu.memref_squeeze %dma_wait3A_28 : memref<1x640x144xf32, #tpu.memory_space<hbm>> -> memref<640x144xf32, #tpu.memory_space<hbm>>
      %dma_wait3A_30 = arith.constant 0 : i32
      %dma_wait3A_31 = tpu.memref_slice %arg9[%mul3A_2, %dma_wait3A_30] : memref<10240x144xf32, #tpu.memory_space<vmem_shared>> -> memref<640x144xf32, #tpu.memory_space<vmem_shared>>
      tpu.wait_dma2 semaphore(%run_scoped3A : memref<!tpu.dma_semaphore, #tpu.memory_space<semaphore_mem>>) src(%dma_wait3A_31 : memref<640x144xf32, #tpu.memory_space<vmem_shared>>) dst(%dma_wait3A_29 : memref<640x144xf32, #tpu.memory_space<hbm>>)
      tpu.yield
    }) : () -> ()
    return
  }
}

module attributes {stable_mosaic.version = 14 : i64} {
  func.func @_te_body(%arg0: i32, %arg1: memref<3200x16xf32, #tpu.memory_space<vmem>>, %arg2: memref<16x128xf32, #tpu.memory_space<vmem>>, %arg3: memref<1x128xf32, #tpu.memory_space<vmem>>, %arg4: memref<16x128xf32, #tpu.memory_space<vmem>>, %arg5: memref<1x128xf32, #tpu.memory_space<vmem>>, %arg6: memref<3200x2xf32, #tpu.memory_space<vmem>>, %arg7: memref<1x2xf32, #tpu.memory_space<vmem>>) attributes {dimension_semantics = [#tpu.dimension_semantics<arbitrary>], iteration_bounds = array<i64: 100>, scalar_prefetch = 0 : i64, scratch_operands = 0 : i64, tpu.core_type = #tpu.core_type<tc>, window_params = [{transform_indices = @transform_0, window_bounds = array<i64: 3200, 16>}, {pipeline_mode = #tpu.pipeline_mode<synchronous>, transform_indices = @transform_1, window_bounds = array<i64: 16, 128>}, {pipeline_mode = #tpu.pipeline_mode<synchronous>, transform_indices = @transform_2, window_bounds = array<i64: 1, 128>}, {pipeline_mode = #tpu.pipeline_mode<synchronous>, transform_indices = @transform_3, window_bounds = array<i64: 16, 128>}, {pipeline_mode = #tpu.pipeline_mode<synchronous>, transform_indices = @transform_4, window_bounds = array<i64: 1, 128>}, {transform_indices = @transform_5, window_bounds = array<i64: 3200, 2>}, {pipeline_mode = #tpu.pipeline_mode<synchronous>, transform_indices = @transform_6, window_bounds = array<i64: 1, 2>}]} {
    %get3A = arith.constant 0 : index
    %get3A_0 = arith.constant 0 : index
    %get3A_1 = vector.load %arg2[%get3A, %get3A_0] : memref<16x128xf32, #tpu.memory_space<vmem>>, vector<16x128xf32>
    %get3A_2 = arith.constant 0 : index
    %get3A_3 = arith.constant 0 : index
    %get3A_4 = vector.load %arg3[%get3A_2, %get3A_3] : memref<1x128xf32, #tpu.memory_space<vmem>>, vector<1x128xf32>
    %mul3A = vector.broadcast %get3A_4 : vector<1x128xf32> to vector<16x128xf32>
    %mul3A_5 = arith.mulf %get3A_1, %mul3A : vector<16x128xf32>
    %reduce_sum3A = arith.constant dense<0.000000e+00> : vector<16xf32>
    %reduce_sum3A_6 = vector.multi_reduction <add>, %mul3A_5, %reduce_sum3A [1] : vector<16x128xf32> to vector<16xf32>
    %broadcast_in_dim3A = vector.shape_cast %reduce_sum3A_6 : vector<16xf32> to vector<16x1xf32>
    %get3A_7 = arith.constant 0 : index
    %get3A_8 = arith.constant 0 : index
    %get3A_9 = vector.load %arg4[%get3A_7, %get3A_8] : memref<16x128xf32, #tpu.memory_space<vmem>>, vector<16x128xf32>
    %get3A_10 = arith.constant 0 : index
    %get3A_11 = arith.constant 0 : index
    %get3A_12 = vector.load %arg5[%get3A_10, %get3A_11] : memref<1x128xf32, #tpu.memory_space<vmem>>, vector<1x128xf32>
    %mul3A_13 = vector.broadcast %get3A_12 : vector<1x128xf32> to vector<16x128xf32>
    %mul3A_14 = arith.mulf %get3A_9, %mul3A_13 : vector<16x128xf32>
    %reduce_sum3A_15 = arith.constant dense<0.000000e+00> : vector<16xf32>
    %reduce_sum3A_16 = vector.multi_reduction <add>, %mul3A_14, %reduce_sum3A_15 [1] : vector<16x128xf32> to vector<16xf32>
    %broadcast_in_dim3A_17 = vector.shape_cast %reduce_sum3A_16 : vector<16xf32> to vector<16x1xf32>
    %concatenate3A = tpu.concatenate %broadcast_in_dim3A, %broadcast_in_dim3A_17 in 1 : vector<16x1xf32>, vector<16x1xf32> -> vector<16x2xf32>
    %get3A_18 = arith.constant 0 : index
    %get3A_19 = arith.constant 0 : index
    %get3A_20 = vector.load %arg1[%get3A_18, %get3A_19] : memref<3200x16xf32, #tpu.memory_space<vmem>>, vector<3200x16xf32>
    %dot_general3A = arith.constant dense<0.000000e+00> : vector<3200x2xf32>
    %dot_general3A_21 = tpu.matmul %get3A_20, %concatenate3A, %dot_general3A {dimension_numbers = #tpu.dot_dimension_numbers<[1], [0], [0], [1], [0, 0, 1, 1], [], []>, transpose_lhs_hint = false} : vector<3200x16xf32>, vector<16x2xf32>, vector<3200x2xf32> -> vector<3200x2xf32>
    %eq3A = arith.constant 0 : i32
    %eq3A_22 = arith.cmpi eq, %arg0, %eq3A : i32
    %convert_element_type3A = arith.extui %eq3A_22 : i1 to i32
    %cond3A = arith.constant 0 : i32
    %cond3A_23 = arith.cmpi ne, %convert_element_type3A, %cond3A : i32
    scf.if %cond3A_23 {
      %broadcast_in_dim3A_35 = arith.constant 0.000000e+00 : f32
      %broadcast_in_dim3A_36 = vector.broadcast %broadcast_in_dim3A_35 : f32 to vector<1x2xf32>
      %swap3A_37 = arith.constant 0 : index
      %swap3A_38 = arith.constant 0 : index
      %swap3A_39 = vector.load %arg7[%swap3A_37, %swap3A_38] : memref<1x2xf32, #tpu.memory_space<vmem>>, vector<1x2xf32>
      tpu.vector_store %arg7[%swap3A_37, %swap3A_38], %broadcast_in_dim3A_36 {strides = array<i32>} : memref<1x2xf32, #tpu.memory_space<vmem>>, vector<1x2xf32>,
    } else {
    }
    %swap3A = arith.constant 0 : index
    %swap3A_24 = arith.constant 0 : index
    %swap3A_25 = vector.load %arg6[%swap3A, %swap3A_24] : memref<3200x2xf32, #tpu.memory_space<vmem>>, vector<3200x2xf32>
    tpu.vector_store %arg6[%swap3A, %swap3A_24], %dot_general3A_21 {strides = array<i32>} : memref<3200x2xf32, #tpu.memory_space<vmem>>, vector<3200x2xf32>,
    %get3A_26 = arith.constant 0 : index
    %get3A_27 = arith.constant 0 : index
    %get3A_28 = vector.load %arg7[%get3A_26, %get3A_27] : memref<1x2xf32, #tpu.memory_space<vmem>>, vector<1x2xf32>
    %reduce_sum3A_29 = arith.constant dense<0.000000e+00> : vector<2xf32>
    %reduce_sum3A_30 = vector.multi_reduction <add>, %dot_general3A_21, %reduce_sum3A_29 [0] : vector<3200x2xf32> to vector<2xf32>
    %broadcast_in_dim3A_31 = vector.shape_cast %reduce_sum3A_30 : vector<2xf32> to vector<1x2xf32>
    %add3A = arith.addf %get3A_28, %broadcast_in_dim3A_31 : vector<1x2xf32>
    %swap3A_32 = arith.constant 0 : index
    %swap3A_33 = arith.constant 0 : index
    %swap3A_34 = vector.load %arg7[%swap3A_32, %swap3A_33] : memref<1x2xf32, #tpu.memory_space<vmem>>, vector<1x2xf32>
    tpu.vector_store %arg7[%swap3A_32, %swap3A_33], %add3A {strides = array<i32>} : memref<1x2xf32, #tpu.memory_space<vmem>>, vector<1x2xf32>,
    return
  }
  func.func @transform_0(%arg0: i32) -> (i32, i32) {
    %c0_i32 = arith.constant 0 : i32
    %c0_i32_0 = arith.constant 0 : i32
    return %arg0, %c0_i32 : i32, i32
  }
  func.func @transform_1(%arg0: i32) -> (i32, i32) {
    %c0_i32 = arith.constant 0 : i32
    %c0_i32_0 = arith.constant 0 : i32
    %c0_i32_1 = arith.constant 0 : i32
    return %c0_i32, %c0_i32_0 : i32, i32
  }
  func.func @transform_2(%arg0: i32) -> (i32, i32) {
    %c0_i32 = arith.constant 0 : i32
    %c0_i32_0 = arith.constant 0 : i32
    %c0_i32_1 = arith.constant 0 : i32
    return %c0_i32, %c0_i32_0 : i32, i32
  }
  func.func @transform_3(%arg0: i32) -> (i32, i32) {
    %c0_i32 = arith.constant 0 : i32
    %c0_i32_0 = arith.constant 0 : i32
    %c0_i32_1 = arith.constant 0 : i32
    return %c0_i32, %c0_i32_0 : i32, i32
  }
  func.func @transform_4(%arg0: i32) -> (i32, i32) {
    %c0_i32 = arith.constant 0 : i32
    %c0_i32_0 = arith.constant 0 : i32
    %c0_i32_1 = arith.constant 0 : i32
    return %c0_i32, %c0_i32_0 : i32, i32
  }
  func.func @transform_5(%arg0: i32) -> (i32, i32) {
    %c0_i32 = arith.constant 0 : i32
    %c0_i32_0 = arith.constant 0 : i32
    return %arg0, %c0_i32 : i32, i32
  }
  func.func @transform_6(%arg0: i32) -> (i32, i32) {
    %c0_i32 = arith.constant 0 : i32
    %c0_i32_0 = arith.constant 0 : i32
    %c0_i32_1 = arith.constant 0 : i32
    return %c0_i32, %c0_i32_0 : i32, i32
  }
}

module attributes {stable_mosaic.version = 14 : i64} {
  func.func @_t1_body(%arg0: i32, %arg1: memref<640x128xf32, #tpu.memory_space<vmem>>, %arg2: memref<128x128xf32, #tpu.memory_space<vmem>>, %arg3: memref<1x128xf32, #tpu.memory_space<vmem>>, %arg4: memref<1x128xf32, #tpu.memory_space<vmem>>, %arg5: memref<640x144xf32, #tpu.memory_space<vmem>>, %arg6: memref<640x1xf32, #tpu.memory_space<vmem>>, %arg7: memref<640x1xf32, #tpu.memory_space<vmem>>) attributes {dimension_semantics = [#tpu.dimension_semantics<arbitrary>], iteration_bounds = array<i64: 16>, scalar_prefetch = 0 : i64, scratch_operands = 0 : i64, tpu.core_type = #tpu.core_type<tc>, window_params = [{transform_indices = @transform_0, window_bounds = array<i64: 640, 128>}, {pipeline_mode = #tpu.pipeline_mode<synchronous>, transform_indices = @transform_1, window_bounds = array<i64: 128, 128>}, {pipeline_mode = #tpu.pipeline_mode<synchronous>, transform_indices = @transform_2, window_bounds = array<i64: 1, 128>}, {pipeline_mode = #tpu.pipeline_mode<synchronous>, transform_indices = @transform_3, window_bounds = array<i64: 1, 128>}, {transform_indices = @transform_4, window_bounds = array<i64: 640, 144>}, {transform_indices = @transform_5, window_bounds = array<i64: 640, 1>}, {transform_indices = @transform_6, window_bounds = array<i64: 640, 1>}]} {
    %get3A = arith.constant 0 : index
    %get3A_0 = arith.constant 0 : index
    %get3A_1 = vector.load %arg1[%get3A, %get3A_0] : memref<640x128xf32, #tpu.memory_space<vmem>>, vector<640x128xf32>
    %get3A_2 = arith.constant 0 : index
    %get3A_3 = arith.constant 0 : index
    %get3A_4 = vector.load %arg2[%get3A_2, %get3A_3] : memref<128x128xf32, #tpu.memory_space<vmem>>, vector<128x128xf32>
    %dot_general3A = arith.constant dense<0.000000e+00> : vector<640x128xf32>
    %dot_general3A_5 = tpu.matmul %get3A_1, %get3A_4, %dot_general3A {dimension_numbers = #tpu.dot_dimension_numbers<[1], [0], [0], [1], [0, 0, 1, 1], [], []>, transpose_lhs_hint = false} : vector<640x128xf32>, vector<128x128xf32>, vector<640x128xf32> -> vector<640x128xf32>
    %get3A_6 = arith.constant 0 : index
    %get3A_7 = arith.constant 0 : index
    %get3A_8 = vector.load %arg3[%get3A_6, %get3A_7] : memref<1x128xf32, #tpu.memory_space<vmem>>, vector<1x128xf32>
    %mul3A = vector.broadcast %get3A_8 : vector<1x128xf32> to vector<640x128xf32>
    %mul3A_9 = arith.mulf %dot_general3A_5, %mul3A : vector<640x128xf32>
    %reduce_sum3A = arith.constant dense<0.000000e+00> : vector<640xf32>
    %reduce_sum3A_10 = vector.multi_reduction <add>, %mul3A_9, %reduce_sum3A [1] : vector<640x128xf32> to vector<640xf32>
    %broadcast_in_dim3A = vector.shape_cast %reduce_sum3A_10 : vector<640xf32> to vector<640x1xf32>
    %get3A_11 = arith.constant 0 : index
    %get3A_12 = arith.constant 0 : index
    %get3A_13 = vector.load %arg4[%get3A_11, %get3A_12] : memref<1x128xf32, #tpu.memory_space<vmem>>, vector<1x128xf32>
    %mul3A_14 = vector.broadcast %get3A_13 : vector<1x128xf32> to vector<640x128xf32>
    %mul3A_15 = arith.mulf %dot_general3A_5, %mul3A_14 : vector<640x128xf32>
    %reduce_sum3A_16 = arith.constant dense<0.000000e+00> : vector<640xf32>
    %reduce_sum3A_17 = vector.multi_reduction <add>, %mul3A_15, %reduce_sum3A_16 [1] : vector<640x128xf32> to vector<640xf32>
    %broadcast_in_dim3A_18 = vector.shape_cast %reduce_sum3A_17 : vector<640xf32> to vector<640x1xf32>
    %broadcast_in_dim3A_19 = arith.constant 1.000000e+00 : f32
    %broadcast_in_dim3A_20 = vector.broadcast %broadcast_in_dim3A_19 : f32 to vector<640x1xf32>
    %broadcast_in_dim3A_21 = arith.constant 0.000000e+00 : f32
    %broadcast_in_dim3A_22 = vector.broadcast %broadcast_in_dim3A_21 : f32 to vector<640x14xf32>
    %concatenate3A = tpu.concatenate %dot_general3A_5, %broadcast_in_dim3A_20, %broadcast_in_dim3A, %broadcast_in_dim3A_22 in 1 : vector<640x128xf32>, vector<640x1xf32>, vector<640x1xf32>, vector<640x14xf32> -> vector<640x144xf32>
    %swap3A = arith.constant 0 : index
    %swap3A_23 = arith.constant 0 : index
    %swap3A_24 = vector.load %arg5[%swap3A, %swap3A_23] : memref<640x144xf32, #tpu.memory_space<vmem>>, vector<640x144xf32>
    tpu.vector_store %arg5[%swap3A, %swap3A_23], %concatenate3A {strides = array<i32>} : memref<640x144xf32, #tpu.memory_space<vmem>>, vector<640x144xf32>,
    %swap3A_25 = arith.constant 0 : index
    %swap3A_26 = arith.constant 0 : index
    %swap3A_27 = vector.load %arg6[%swap3A_25, %swap3A_26] : memref<640x1xf32, #tpu.memory_space<vmem>>, vector<640x1xf32>
    tpu.vector_store %arg6[%swap3A_25, %swap3A_26], %broadcast_in_dim3A {strides = array<i32>} : memref<640x1xf32, #tpu.memory_space<vmem>>, vector<640x1xf32>,
    %swap3A_28 = arith.constant 0 : index
    %swap3A_29 = arith.constant 0 : index
    %swap3A_30 = vector.load %arg7[%swap3A_28, %swap3A_29] : memref<640x1xf32, #tpu.memory_space<vmem>>, vector<640x1xf32>
    tpu.vector_store %arg7[%swap3A_28, %swap3A_29], %broadcast_in_dim3A_18 {strides = array<i32>} : memref<640x1xf32, #tpu.memory_space<vmem>>, vector<640x1xf32>,
    return
  }
  func.func @transform_0(%arg0: i32) -> (i32, i32) {
    %c0_i32 = arith.constant 0 : i32
    %c0_i32_0 = arith.constant 0 : i32
    return %arg0, %c0_i32 : i32, i32
  }
  func.func @transform_1(%arg0: i32) -> (i32, i32) {
    %c0_i32 = arith.constant 0 : i32
    %c0_i32_0 = arith.constant 0 : i32
    %c0_i32_1 = arith.constant 0 : i32
    return %c0_i32, %c0_i32_0 : i32, i32
  }
  func.func @transform_2(%arg0: i32) -> (i32, i32) {
    %c0_i32 = arith.constant 0 : i32
    %c0_i32_0 = arith.constant 0 : i32
    %c0_i32_1 = arith.constant 0 : i32
    return %c0_i32, %c0_i32_0 : i32, i32
  }
  func.func @transform_3(%arg0: i32) -> (i32, i32) {
    %c0_i32 = arith.constant 0 : i32
    %c0_i32_0 = arith.constant 0 : i32
    %c0_i32_1 = arith.constant 0 : i32
    return %c0_i32, %c0_i32_0 : i32, i32
  }
  func.func @transform_4(%arg0: i32) -> (i32, i32) {
    %c0_i32 = arith.constant 0 : i32
    %c0_i32_0 = arith.constant 0 : i32
    return %arg0, %c0_i32 : i32, i32
  }
  func.func @transform_5(%arg0: i32) -> (i32, i32) {
    %c0_i32 = arith.constant 0 : i32
    %c0_i32_0 = arith.constant 0 : i32
    return %arg0, %c0_i32 : i32, i32
  }
  func.func @transform_6(%arg0: i32) -> (i32, i32) {
    %c0_i32 = arith.constant 0 : i32
    %c0_i32_0 = arith.constant 0 : i32
    return %arg0, %c0_i32 : i32, i32
  }
}

module attributes {stable_mosaic.version = 14 : i64} {
  func.func @_t2_body(%arg0: i32, %arg1: memref<2x640x144xf32, #tpu.memory_space<vmem>>, %arg2: memref<640x1xf32, #tpu.memory_space<vmem>>, %arg3: memref<640x1xf32, #tpu.memory_space<vmem>>, %arg4: memref<1x1xf32, #tpu.memory_space<vmem>>, %arg5: memref<640x144xf32, #tpu.memory_space<vmem>>, %arg6: memref<1x128xf32, #tpu.memory_space<vmem>>, %arg7: memref<1x128xf32, #tpu.memory_space<vmem>>, %arg8: memref<1x128xf32, #tpu.memory_space<vmem>>, %arg9: memref<128x128xf32, #tpu.memory_space<vmem>>, %arg10: memref<1x128xf32, #tpu.memory_space<vmem>>, %arg11: memref<1x128xf32, #tpu.memory_space<vmem>>, %arg12: memref<640x144xf32, #tpu.memory_space<vmem>>, %arg13: memref<640x1xf32, #tpu.memory_space<vmem>>, %arg14: memref<640x1xf32, #tpu.memory_space<vmem>>) attributes {dimension_semantics = [#tpu.dimension_semantics<arbitrary>], iteration_bounds = array<i64: 16>, scalar_prefetch = 0 : i64, scratch_operands = 0 : i64, tpu.core_type = #tpu.core_type<tc>, window_params = [{transform_indices = @transform_0, window_bounds = array<i64: 2, 640, 144>}, {transform_indices = @transform_1, window_bounds = array<i64: 640, 1>}, {transform_indices = @transform_2, window_bounds = array<i64: 640, 1>}, {pipeline_mode = #tpu.pipeline_mode<synchronous>, transform_indices = @transform_3, window_bounds = array<i64: 1, 1>}, {transform_indices = @transform_4, window_bounds = array<i64: 640, 144>}, {pipeline_mode = #tpu.pipeline_mode<synchronous>, transform_indices = @transform_5, window_bounds = array<i64: 1, 128>}, {pipeline_mode = #tpu.pipeline_mode<synchronous>, transform_indices = @transform_6, window_bounds = array<i64: 1, 128>}, {pipeline_mode = #tpu.pipeline_mode<synchronous>, transform_indices = @transform_7, window_bounds = array<i64: 1, 128>}, {pipeline_mode = #tpu.pipeline_mode<synchronous>, transform_indices = @transform_8, window_bounds = array<i64: 128, 128>}, {pipeline_mode = #tpu.pipeline_mode<synchronous>, transform_indices = @transform_9, window_bounds = array<i64: 1, 128>}, {pipeline_mode = #tpu.pipeline_mode<synchronous>, transform_indices = @transform_10, window_bounds = array<i64: 1, 128>}, {transform_indices = @transform_11, window_bounds = array<i64: 640, 144>}, {transform_indices = @transform_12, window_bounds = array<i64: 640, 1>}, {transform_indices = @transform_13, window_bounds = array<i64: 640, 1>}]} {
    %get3A = arith.constant 0 : index
    %get3A_0 = arith.constant 0 : index
    %get3A_1 = arith.constant 0 : index
    %get3A_2 = vector.load %arg1[%get3A, %get3A_0, %get3A_1] : memref<2x640x144xf32, #tpu.memory_space<vmem>>, vector<1x640x128xf32>
    %get3A_3 = vector.shape_cast %get3A_2 : vector<1x640x128xf32> to vector<640x128xf32>
    %get3A_4 = arith.constant 1 : index
    %get3A_5 = arith.constant 0 : index
    %get3A_6 = arith.constant 0 : index
    %get3A_7 = vector.load %arg1[%get3A_4, %get3A_5, %get3A_6] : memref<2x640x144xf32, #tpu.memory_space<vmem>>, vector<1x640x128xf32>
    %get3A_8 = vector.shape_cast %get3A_7 : vector<1x640x128xf32> to vector<640x128xf32>
    %add3A = arith.addf %get3A_3, %get3A_8 : vector<640x128xf32>
    %get3A_9 = arith.constant 0 : index
    %get3A_10 = arith.constant 0 : index
    %get3A_11 = arith.constant 128 : index
    %get3A_12 = vector.load %arg1[%get3A_9, %get3A_10, %get3A_11] : memref<2x640x144xf32, #tpu.memory_space<vmem>>, vector<1x640x1xf32>
    %get3A_13 = vector.shape_cast %get3A_12 : vector<1x640x1xf32> to vector<640x1xf32>
    %get3A_14 = arith.constant 1 : index
    %get3A_15 = arith.constant 0 : index
    %get3A_16 = arith.constant 128 : index
    %get3A_17 = vector.load %arg1[%get3A_14, %get3A_15, %get3A_16] : memref<2x640x144xf32, #tpu.memory_space<vmem>>, vector<1x640x1xf32>
    %get3A_18 = vector.shape_cast %get3A_17 : vector<1x640x1xf32> to vector<640x1xf32>
    %add3A_19 = arith.addf %get3A_13, %get3A_18 : vector<640x1xf32>
    %get3A_20 = arith.constant 0 : index
    %get3A_21 = arith.constant 0 : index
    %get3A_22 = vector.load %arg2[%get3A_20, %get3A_21] : memref<640x1xf32, #tpu.memory_space<vmem>>, vector<640x1xf32>
    %get3A_23 = arith.constant 0 : index
    %get3A_24 = arith.constant 0 : index
    %get3A_25 = vector.load %arg3[%get3A_23, %get3A_24] : memref<640x1xf32, #tpu.memory_space<vmem>>, vector<640x1xf32>
    %add3A_26 = arith.addf %get3A_22, %get3A_25 : vector<640x1xf32>
    %get3A_27 = arith.constant 0 : index
    %get3A_28 = arith.constant 0 : index
    %get3A_29 = vector.load %arg4[%get3A_27, %get3A_28] : memref<1x1xf32, #tpu.memory_space<vmem>>, vector<1x1xf32>
    %add3A_30 = vector.broadcast %get3A_29 : vector<1x1xf32> to vector<640x1xf32>
    %add3A_31 = arith.addf %add3A_26, %add3A_30 : vector<640x1xf32>
    %gt3A = arith.constant 0.000000e+00 : f32
    %gt3A_32 = vector.broadcast %gt3A : f32 to vector<640x1xf32>
    %gt3A_33 = arith.cmpf ogt, %add3A_31, %gt3A_32 : vector<640x1xf32>
    %mul3A = arith.constant 2.000000e-01 : f32
    %mul3A_34 = vector.broadcast %mul3A : f32 to vector<640x1xf32>
    %mul3A_35 = arith.mulf %mul3A_34, %add3A_31 : vector<640x1xf32>
    %select_n3A = arith.select %gt3A_33, %add3A_31, %mul3A_35 : vector<640x1xi1>, vector<640x1xf32>
    %exp3A = math.exp %select_n3A : vector<640x1xf32>
    %get3A_36 = arith.constant 0 : index
    %get3A_37 = arith.constant 0 : index
    %get3A_38 = vector.load %arg5[%get3A_36, %get3A_37] : memref<640x144xf32, #tpu.memory_space<vmem>>, vector<640x128xf32>
    %mul3A_39 = vector.broadcast %exp3A : vector<640x1xf32> to vector<640x128xf32>
    %mul3A_40 = arith.mulf %mul3A_39, %get3A_38 : vector<640x128xf32>
    %add3A_41 = arith.addf %add3A, %mul3A_40 : vector<640x128xf32>
    %add3A_42 = arith.addf %add3A_19, %exp3A : vector<640x1xf32>
    %add3A_43 = arith.constant 1.000000e-16 : f32
    %add3A_44 = vector.broadcast %add3A_43 : f32 to vector<640x1xf32>
    %add3A_45 = arith.addf %add3A_42, %add3A_44 : vector<640x1xf32>
    %div3A = vector.broadcast %add3A_45 : vector<640x1xf32> to vector<640x128xf32>
    %div3A_46 = arith.divf %add3A_41, %div3A : vector<640x128xf32>
    %get3A_47 = arith.constant 0 : index
    %get3A_48 = arith.constant 0 : index
    %get3A_49 = vector.load %arg6[%get3A_47, %get3A_48] : memref<1x128xf32, #tpu.memory_space<vmem>>, vector<1x128xf32>
    %add3A_50 = vector.broadcast %get3A_49 : vector<1x128xf32> to vector<640x128xf32>
    %add3A_51 = arith.addf %div3A_46, %add3A_50 : vector<640x128xf32>
    %gt3A_52 = arith.constant 0.000000e+00 : f32
    %gt3A_53 = vector.broadcast %gt3A_52 : f32 to vector<640x128xf32>
    %gt3A_54 = arith.cmpf ogt, %add3A_51, %gt3A_53 : vector<640x128xf32>
    %mul3A_55 = arith.constant 0.00999999977 : f32
    %mul3A_56 = vector.broadcast %mul3A_55 : f32 to vector<640x128xf32>
    %mul3A_57 = arith.mulf %mul3A_56, %add3A_51 : vector<640x128xf32>
    %select_n3A_58 = arith.select %gt3A_54, %add3A_51, %mul3A_57 : vector<640x128xi1>, vector<640x128xf32>
    %reduce_sum3A = arith.constant dense<0.000000e+00> : vector<640xf32>
    %reduce_sum3A_59 = vector.multi_reduction <add>, %select_n3A_58, %reduce_sum3A [1] : vector<640x128xf32> to vector<640xf32>
    %broadcast_in_dim3A = vector.shape_cast %reduce_sum3A_59 : vector<640xf32> to vector<640x1xf32>
    %div3A_60 = arith.constant 1.280000e+02 : f32
    %div3A_61 = vector.broadcast %div3A_60 : f32 to vector<640x1xf32>
    %div3A_62 = arith.divf %broadcast_in_dim3A, %div3A_61 : vector<640x1xf32>
    %sub3A = vector.broadcast %div3A_62 : vector<640x1xf32> to vector<640x128xf32>
    %sub3A_63 = arith.subf %select_n3A_58, %sub3A : vector<640x128xf32>
    %sub3A_64 = vector.broadcast %div3A_62 : vector<640x1xf32> to vector<640x128xf32>
    %sub3A_65 = arith.subf %select_n3A_58, %sub3A_64 : vector<640x128xf32>
    %mul3A_66 = arith.mulf %sub3A_63, %sub3A_65 : vector<640x128xf32>
    %reduce_sum3A_67 = arith.constant dense<0.000000e+00> : vector<640xf32>
    %reduce_sum3A_68 = vector.multi_reduction <add>, %mul3A_66, %reduce_sum3A_67 [1] : vector<640x128xf32> to vector<640xf32>
    %broadcast_in_dim3A_69 = vector.shape_cast %reduce_sum3A_68 : vector<640xf32> to vector<640x1xf32>
    %div3A_70 = arith.constant 1.280000e+02 : f32
    %div3A_71 = vector.broadcast %div3A_70 : f32 to vector<640x1xf32>
    %div3A_72 = arith.divf %broadcast_in_dim3A_69, %div3A_71 : vector<640x1xf32>
    %sub3A_73 = vector.broadcast %div3A_62 : vector<640x1xf32> to vector<640x128xf32>
    %sub3A_74 = arith.subf %select_n3A_58, %sub3A_73 : vector<640x128xf32>
    %add3A_75 = arith.constant 9.99999974E-6 : f32
    %add3A_76 = vector.broadcast %add3A_75 : f32 to vector<640x1xf32>
    %add3A_77 = arith.addf %div3A_72, %add3A_76 : vector<640x1xf32>
    %rsqrt3A = math.rsqrt %add3A_77 : vector<640x1xf32>
    %mul3A_78 = vector.broadcast %rsqrt3A : vector<640x1xf32> to vector<640x128xf32>
    %mul3A_79 = arith.mulf %sub3A_74, %mul3A_78 : vector<640x128xf32>
    %get3A_80 = arith.constant 0 : index
    %get3A_81 = arith.constant 0 : index
    %get3A_82 = vector.load %arg7[%get3A_80, %get3A_81] : memref<1x128xf32, #tpu.memory_space<vmem>>, vector<1x128xf32>
    %mul3A_83 = vector.broadcast %get3A_82 : vector<1x128xf32> to vector<640x128xf32>
    %mul3A_84 = arith.mulf %mul3A_79, %mul3A_83 : vector<640x128xf32>
    %get3A_85 = arith.constant 0 : index
    %get3A_86 = arith.constant 0 : index
    %get3A_87 = vector.load %arg8[%get3A_85, %get3A_86] : memref<1x128xf32, #tpu.memory_space<vmem>>, vector<1x128xf32>
    %add3A_88 = vector.broadcast %get3A_87 : vector<1x128xf32> to vector<640x128xf32>
    %add3A_89 = arith.addf %mul3A_84, %add3A_88 : vector<640x128xf32>
    %get3A_90 = arith.constant 0 : index
    %get3A_91 = arith.constant 0 : index
    %get3A_92 = vector.load %arg9[%get3A_90, %get3A_91] : memref<128x128xf32, #tpu.memory_space<vmem>>, vector<128x128xf32>
    %dot_general3A = arith.constant dense<0.000000e+00> : vector<640x128xf32>
    %dot_general3A_93 = tpu.matmul %add3A_89, %get3A_92, %dot_general3A {dimension_numbers = #tpu.dot_dimension_numbers<[1], [0], [0], [1], [0, 0, 1, 1], [], []>, transpose_lhs_hint = false} : vector<640x128xf32>, vector<128x128xf32>, vector<640x128xf32> -> vector<640x128xf32>
    %get3A_94 = arith.constant 0 : index
    %get3A_95 = arith.constant 0 : index
    %get3A_96 = vector.load %arg10[%get3A_94, %get3A_95] : memref<1x128xf32, #tpu.memory_space<vmem>>, vector<1x128xf32>
    %mul3A_97 = vector.broadcast %get3A_96 : vector<1x128xf32> to vector<640x128xf32>
    %mul3A_98 = arith.mulf %dot_general3A_93, %mul3A_97 : vector<640x128xf32>
    %reduce_sum3A_99 = arith.constant dense<0.000000e+00> : vector<640xf32>
    %reduce_sum3A_100 = vector.multi_reduction <add>, %mul3A_98, %reduce_sum3A_99 [1] : vector<640x128xf32> to vector<640xf32>
    %broadcast_in_dim3A_101 = vector.shape_cast %reduce_sum3A_100 : vector<640xf32> to vector<640x1xf32>
    %get3A_102 = arith.constant 0 : index
    %get3A_103 = arith.constant 0 : index
    %get3A_104 = vector.load %arg11[%get3A_102, %get3A_103] : memref<1x128xf32, #tpu.memory_space<vmem>>, vector<1x128xf32>
    %mul3A_105 = vector.broadcast %get3A_104 : vector<1x128xf32> to vector<640x128xf32>
    %mul3A_106 = arith.mulf %dot_general3A_93, %mul3A_105 : vector<640x128xf32>
    %reduce_sum3A_107 = arith.constant dense<0.000000e+00> : vector<640xf32>
    %reduce_sum3A_108 = vector.multi_reduction <add>, %mul3A_106, %reduce_sum3A_107 [1] : vector<640x128xf32> to vector<640xf32>
    %broadcast_in_dim3A_109 = vector.shape_cast %reduce_sum3A_108 : vector<640xf32> to vector<640x1xf32>
    %broadcast_in_dim3A_110 = arith.constant 1.000000e+00 : f32
    %broadcast_in_dim3A_111 = vector.broadcast %broadcast_in_dim3A_110 : f32 to vector<640x1xf32>
    %broadcast_in_dim3A_112 = arith.constant 0.000000e+00 : f32
    %broadcast_in_dim3A_113 = vector.broadcast %broadcast_in_dim3A_112 : f32 to vector<640x14xf32>
    %concatenate3A = tpu.concatenate %dot_general3A_93, %broadcast_in_dim3A_111, %broadcast_in_dim3A_101, %broadcast_in_dim3A_113 in 1 : vector<640x128xf32>, vector<640x1xf32>, vector<640x1xf32>, vector<640x14xf32> -> vector<640x144xf32>
    %swap3A = arith.constant 0 : index
    %swap3A_114 = arith.constant 0 : index
    %swap3A_115 = vector.load %arg12[%swap3A, %swap3A_114] : memref<640x144xf32, #tpu.memory_space<vmem>>, vector<640x144xf32>
    tpu.vector_store %arg12[%swap3A, %swap3A_114], %concatenate3A {strides = array<i32>} : memref<640x144xf32, #tpu.memory_space<vmem>>, vector<640x144xf32>,
    %swap3A_116 = arith.constant 0 : index
    %swap3A_117 = arith.constant 0 : index
    %swap3A_118 = vector.load %arg13[%swap3A_116, %swap3A_117] : memref<640x1xf32, #tpu.memory_space<vmem>>, vector<640x1xf32>
    tpu.vector_store %arg13[%swap3A_116, %swap3A_117], %broadcast_in_dim3A_101 {strides = array<i32>} : memref<640x1xf32, #tpu.memory_space<vmem>>, vector<640x1xf32>,
    %swap3A_119 = arith.constant 0 : index
    %swap3A_120 = arith.constant 0 : index
    %swap3A_121 = vector.load %arg14[%swap3A_119, %swap3A_120] : memref<640x1xf32, #tpu.memory_space<vmem>>, vector<640x1xf32>
    tpu.vector_store %arg14[%swap3A_119, %swap3A_120], %broadcast_in_dim3A_109 {strides = array<i32>} : memref<640x1xf32, #tpu.memory_space<vmem>>, vector<640x1xf32>,
    return
  }
  func.func @transform_0(%arg0: i32) -> (i32, i32, i32) {
    %c0_i32 = arith.constant 0 : i32
    %c0_i32_0 = arith.constant 0 : i32
    %c0_i32_1 = arith.constant 0 : i32
    return %c0_i32, %arg0, %c0_i32_0 : i32, i32, i32
  }
  func.func @transform_1(%arg0: i32) -> (i32, i32) {
    %c0_i32 = arith.constant 0 : i32
    %c0_i32_0 = arith.constant 0 : i32
    return %arg0, %c0_i32 : i32, i32
  }
  func.func @transform_2(%arg0: i32) -> (i32, i32) {
    %c0_i32 = arith.constant 0 : i32
    %c0_i32_0 = arith.constant 0 : i32
    return %arg0, %c0_i32 : i32, i32
  }
  func.func @transform_3(%arg0: i32) -> (i32, i32) {
    %c0_i32 = arith.constant 0 : i32
    %c0_i32_0 = arith.constant 0 : i32
    %c0_i32_1 = arith.constant 0 : i32
    return %c0_i32, %c0_i32_0 : i32, i32
  }
  func.func @transform_4(%arg0: i32) -> (i32, i32) {
    %c0_i32 = arith.constant 0 : i32
    %c0_i32_0 = arith.constant 0 : i32
    return %arg0, %c0_i32 : i32, i32
  }
  func.func @transform_5(%arg0: i32) -> (i32, i32) {
    %c0_i32 = arith.constant 0 : i32
    %c0_i32_0 = arith.constant 0 : i32
    %c0_i32_1 = arith.constant 0 : i32
    return %c0_i32, %c0_i32_0 : i32, i32
  }
  func.func @transform_6(%arg0: i32) -> (i32, i32) {
    %c0_i32 = arith.constant 0 : i32
    %c0_i32_0 = arith.constant 0 : i32
    %c0_i32_1 = arith.constant 0 : i32
    return %c0_i32, %c0_i32_0 : i32, i32
  }
  func.func @transform_7(%arg0: i32) -> (i32, i32) {
    %c0_i32 = arith.constant 0 : i32
    %c0_i32_0 = arith.constant 0 : i32
    %c0_i32_1 = arith.constant 0 : i32
    return %c0_i32, %c0_i32_0 : i32, i32
  }
  func.func @transform_8(%arg0: i32) -> (i32, i32) {
    %c0_i32 = arith.constant 0 : i32
    %c0_i32_0 = arith.constant 0 : i32
    %c0_i32_1 = arith.constant 0 : i32
    return %c0_i32, %c0_i32_0 : i32, i32
  }
  func.func @transform_9(%arg0: i32) -> (i32, i32) {
    %c0_i32 = arith.constant 0 : i32
    %c0_i32_0 = arith.constant 0 : i32
    %c0_i32_1 = arith.constant 0 : i32
    return %c0_i32, %c0_i32_0 : i32, i32
  }
  func.func @transform_10(%arg0: i32) -> (i32, i32) {
    %c0_i32 = arith.constant 0 : i32
    %c0_i32_0 = arith.constant 0 : i32
    %c0_i32_1 = arith.constant 0 : i32
    return %c0_i32, %c0_i32_0 : i32, i32
  }
  func.func @transform_11(%arg0: i32) -> (i32, i32) {
    %c0_i32 = arith.constant 0 : i32
    %c0_i32_0 = arith.constant 0 : i32
    return %arg0, %c0_i32 : i32, i32
  }
  func.func @transform_12(%arg0: i32) -> (i32, i32) {
    %c0_i32 = arith.constant 0 : i32
    %c0_i32_0 = arith.constant 0 : i32
    return %arg0, %c0_i32 : i32, i32
  }
  func.func @transform_13(%arg0: i32) -> (i32, i32) {
    %c0_i32 = arith.constant 0 : i32
    %c0_i32_0 = arith.constant 0 : i32
    return %arg0, %c0_i32 : i32, i32
  }
}

module attributes {stable_mosaic.version = 14 : i64} {
  func.func @_t3_body(%arg0: i32, %arg1: memref<2x640x144xf32, #tpu.memory_space<vmem>>, %arg2: memref<640x1xf32, #tpu.memory_space<vmem>>, %arg3: memref<640x1xf32, #tpu.memory_space<vmem>>, %arg4: memref<1x1xf32, #tpu.memory_space<vmem>>, %arg5: memref<640x144xf32, #tpu.memory_space<vmem>>, %arg6: memref<1x128xf32, #tpu.memory_space<vmem>>, %arg7: memref<1x128xf32, #tpu.memory_space<vmem>>, %arg8: memref<1x128xf32, #tpu.memory_space<vmem>>, %arg9: memref<640x128xf32, #tpu.memory_space<vmem>>) attributes {dimension_semantics = [#tpu.dimension_semantics<arbitrary>], iteration_bounds = array<i64: 16>, scalar_prefetch = 0 : i64, scratch_operands = 0 : i64, tpu.core_type = #tpu.core_type<tc>, window_params = [{transform_indices = @transform_0, window_bounds = array<i64: 2, 640, 144>}, {transform_indices = @transform_1, window_bounds = array<i64: 640, 1>}, {transform_indices = @transform_2, window_bounds = array<i64: 640, 1>}, {pipeline_mode = #tpu.pipeline_mode<synchronous>, transform_indices = @transform_3, window_bounds = array<i64: 1, 1>}, {transform_indices = @transform_4, window_bounds = array<i64: 640, 144>}, {pipeline_mode = #tpu.pipeline_mode<synchronous>, transform_indices = @transform_5, window_bounds = array<i64: 1, 128>}, {pipeline_mode = #tpu.pipeline_mode<synchronous>, transform_indices = @transform_6, window_bounds = array<i64: 1, 128>}, {pipeline_mode = #tpu.pipeline_mode<synchronous>, transform_indices = @transform_7, window_bounds = array<i64: 1, 128>}, {transform_indices = @transform_8, window_bounds = array<i64: 640, 128>}]} {
    %get3A = arith.constant 0 : index
    %get3A_0 = arith.constant 0 : index
    %get3A_1 = arith.constant 0 : index
    %get3A_2 = vector.load %arg1[%get3A, %get3A_0, %get3A_1] : memref<2x640x144xf32, #tpu.memory_space<vmem>>, vector<1x640x128xf32>
    %get3A_3 = vector.shape_cast %get3A_2 : vector<1x640x128xf32> to vector<640x128xf32>
    %get3A_4 = arith.constant 1 : index
    %get3A_5 = arith.constant 0 : index
    %get3A_6 = arith.constant 0 : index
    %get3A_7 = vector.load %arg1[%get3A_4, %get3A_5, %get3A_6] : memref<2x640x144xf32, #tpu.memory_space<vmem>>, vector<1x640x128xf32>
    %get3A_8 = vector.shape_cast %get3A_7 : vector<1x640x128xf32> to vector<640x128xf32>
    %add3A = arith.addf %get3A_3, %get3A_8 : vector<640x128xf32>
    %get3A_9 = arith.constant 0 : index
    %get3A_10 = arith.constant 0 : index
    %get3A_11 = arith.constant 128 : index
    %get3A_12 = vector.load %arg1[%get3A_9, %get3A_10, %get3A_11] : memref<2x640x144xf32, #tpu.memory_space<vmem>>, vector<1x640x1xf32>
    %get3A_13 = vector.shape_cast %get3A_12 : vector<1x640x1xf32> to vector<640x1xf32>
    %get3A_14 = arith.constant 1 : index
    %get3A_15 = arith.constant 0 : index
    %get3A_16 = arith.constant 128 : index
    %get3A_17 = vector.load %arg1[%get3A_14, %get3A_15, %get3A_16] : memref<2x640x144xf32, #tpu.memory_space<vmem>>, vector<1x640x1xf32>
    %get3A_18 = vector.shape_cast %get3A_17 : vector<1x640x1xf32> to vector<640x1xf32>
    %add3A_19 = arith.addf %get3A_13, %get3A_18 : vector<640x1xf32>
    %get3A_20 = arith.constant 0 : index
    %get3A_21 = arith.constant 0 : index
    %get3A_22 = vector.load %arg2[%get3A_20, %get3A_21] : memref<640x1xf32, #tpu.memory_space<vmem>>, vector<640x1xf32>
    %get3A_23 = arith.constant 0 : index
    %get3A_24 = arith.constant 0 : index
    %get3A_25 = vector.load %arg3[%get3A_23, %get3A_24] : memref<640x1xf32, #tpu.memory_space<vmem>>, vector<640x1xf32>
    %add3A_26 = arith.addf %get3A_22, %get3A_25 : vector<640x1xf32>
    %get3A_27 = arith.constant 0 : index
    %get3A_28 = arith.constant 0 : index
    %get3A_29 = vector.load %arg4[%get3A_27, %get3A_28] : memref<1x1xf32, #tpu.memory_space<vmem>>, vector<1x1xf32>
    %add3A_30 = vector.broadcast %get3A_29 : vector<1x1xf32> to vector<640x1xf32>
    %add3A_31 = arith.addf %add3A_26, %add3A_30 : vector<640x1xf32>
    %gt3A = arith.constant 0.000000e+00 : f32
    %gt3A_32 = vector.broadcast %gt3A : f32 to vector<640x1xf32>
    %gt3A_33 = arith.cmpf ogt, %add3A_31, %gt3A_32 : vector<640x1xf32>
    %mul3A = arith.constant 2.000000e-01 : f32
    %mul3A_34 = vector.broadcast %mul3A : f32 to vector<640x1xf32>
    %mul3A_35 = arith.mulf %mul3A_34, %add3A_31 : vector<640x1xf32>
    %select_n3A = arith.select %gt3A_33, %add3A_31, %mul3A_35 : vector<640x1xi1>, vector<640x1xf32>
    %exp3A = math.exp %select_n3A : vector<640x1xf32>
    %get3A_36 = arith.constant 0 : index
    %get3A_37 = arith.constant 0 : index
    %get3A_38 = vector.load %arg5[%get3A_36, %get3A_37] : memref<640x144xf32, #tpu.memory_space<vmem>>, vector<640x128xf32>
    %mul3A_39 = vector.broadcast %exp3A : vector<640x1xf32> to vector<640x128xf32>
    %mul3A_40 = arith.mulf %mul3A_39, %get3A_38 : vector<640x128xf32>
    %add3A_41 = arith.addf %add3A, %mul3A_40 : vector<640x128xf32>
    %add3A_42 = arith.addf %add3A_19, %exp3A : vector<640x1xf32>
    %add3A_43 = arith.constant 1.000000e-16 : f32
    %add3A_44 = vector.broadcast %add3A_43 : f32 to vector<640x1xf32>
    %add3A_45 = arith.addf %add3A_42, %add3A_44 : vector<640x1xf32>
    %div3A = vector.broadcast %add3A_45 : vector<640x1xf32> to vector<640x128xf32>
    %div3A_46 = arith.divf %add3A_41, %div3A : vector<640x128xf32>
    %get3A_47 = arith.constant 0 : index
    %get3A_48 = arith.constant 0 : index
    %get3A_49 = vector.load %arg6[%get3A_47, %get3A_48] : memref<1x128xf32, #tpu.memory_space<vmem>>, vector<1x128xf32>
    %add3A_50 = vector.broadcast %get3A_49 : vector<1x128xf32> to vector<640x128xf32>
    %add3A_51 = arith.addf %div3A_46, %add3A_50 : vector<640x128xf32>
    %gt3A_52 = arith.constant 0.000000e+00 : f32
    %gt3A_53 = vector.broadcast %gt3A_52 : f32 to vector<640x128xf32>
    %gt3A_54 = arith.cmpf ogt, %add3A_51, %gt3A_53 : vector<640x128xf32>
    %mul3A_55 = arith.constant 0.00999999977 : f32
    %mul3A_56 = vector.broadcast %mul3A_55 : f32 to vector<640x128xf32>
    %mul3A_57 = arith.mulf %mul3A_56, %add3A_51 : vector<640x128xf32>
    %select_n3A_58 = arith.select %gt3A_54, %add3A_51, %mul3A_57 : vector<640x128xi1>, vector<640x128xf32>
    %reduce_sum3A = arith.constant dense<0.000000e+00> : vector<640xf32>
    %reduce_sum3A_59 = vector.multi_reduction <add>, %select_n3A_58, %reduce_sum3A [1] : vector<640x128xf32> to vector<640xf32>
    %broadcast_in_dim3A = vector.shape_cast %reduce_sum3A_59 : vector<640xf32> to vector<640x1xf32>
    %div3A_60 = arith.constant 1.280000e+02 : f32
    %div3A_61 = vector.broadcast %div3A_60 : f32 to vector<640x1xf32>
    %div3A_62 = arith.divf %broadcast_in_dim3A, %div3A_61 : vector<640x1xf32>
    %sub3A = vector.broadcast %div3A_62 : vector<640x1xf32> to vector<640x128xf32>
    %sub3A_63 = arith.subf %select_n3A_58, %sub3A : vector<640x128xf32>
    %sub3A_64 = vector.broadcast %div3A_62 : vector<640x1xf32> to vector<640x128xf32>
    %sub3A_65 = arith.subf %select_n3A_58, %sub3A_64 : vector<640x128xf32>
    %mul3A_66 = arith.mulf %sub3A_63, %sub3A_65 : vector<640x128xf32>
    %reduce_sum3A_67 = arith.constant dense<0.000000e+00> : vector<640xf32>
    %reduce_sum3A_68 = vector.multi_reduction <add>, %mul3A_66, %reduce_sum3A_67 [1] : vector<640x128xf32> to vector<640xf32>
    %broadcast_in_dim3A_69 = vector.shape_cast %reduce_sum3A_68 : vector<640xf32> to vector<640x1xf32>
    %div3A_70 = arith.constant 1.280000e+02 : f32
    %div3A_71 = vector.broadcast %div3A_70 : f32 to vector<640x1xf32>
    %div3A_72 = arith.divf %broadcast_in_dim3A_69, %div3A_71 : vector<640x1xf32>
    %sub3A_73 = vector.broadcast %div3A_62 : vector<640x1xf32> to vector<640x128xf32>
    %sub3A_74 = arith.subf %select_n3A_58, %sub3A_73 : vector<640x128xf32>
    %add3A_75 = arith.constant 9.99999974E-6 : f32
    %add3A_76 = vector.broadcast %add3A_75 : f32 to vector<640x1xf32>
    %add3A_77 = arith.addf %div3A_72, %add3A_76 : vector<640x1xf32>
    %rsqrt3A = math.rsqrt %add3A_77 : vector<640x1xf32>
    %mul3A_78 = vector.broadcast %rsqrt3A : vector<640x1xf32> to vector<640x128xf32>
    %mul3A_79 = arith.mulf %sub3A_74, %mul3A_78 : vector<640x128xf32>
    %get3A_80 = arith.constant 0 : index
    %get3A_81 = arith.constant 0 : index
    %get3A_82 = vector.load %arg7[%get3A_80, %get3A_81] : memref<1x128xf32, #tpu.memory_space<vmem>>, vector<1x128xf32>
    %mul3A_83 = vector.broadcast %get3A_82 : vector<1x128xf32> to vector<640x128xf32>
    %mul3A_84 = arith.mulf %mul3A_79, %mul3A_83 : vector<640x128xf32>
    %get3A_85 = arith.constant 0 : index
    %get3A_86 = arith.constant 0 : index
    %get3A_87 = vector.load %arg8[%get3A_85, %get3A_86] : memref<1x128xf32, #tpu.memory_space<vmem>>, vector<1x128xf32>
    %add3A_88 = vector.broadcast %get3A_87 : vector<1x128xf32> to vector<640x128xf32>
    %add3A_89 = arith.addf %mul3A_84, %add3A_88 : vector<640x128xf32>
    %swap3A = arith.constant 0 : index
    %swap3A_90 = arith.constant 0 : index
    %swap3A_91 = vector.load %arg9[%swap3A, %swap3A_90] : memref<640x128xf32, #tpu.memory_space<vmem>>, vector<640x128xf32>
    tpu.vector_store %arg9[%swap3A, %swap3A_90], %add3A_89 {strides = array<i32>} : memref<640x128xf32, #tpu.memory_space<vmem>>, vector<640x128xf32>,
    return
  }
  func.func @transform_0(%arg0: i32) -> (i32, i32, i32) {
    %c0_i32 = arith.constant 0 : i32
    %c0_i32_0 = arith.constant 0 : i32
    %c0_i32_1 = arith.constant 0 : i32
    return %c0_i32, %arg0, %c0_i32_0 : i32, i32, i32
  }
  func.func @transform_1(%arg0: i32) -> (i32, i32) {
    %c0_i32 = arith.constant 0 : i32
    %c0_i32_0 = arith.constant 0 : i32
    return %arg0, %c0_i32 : i32, i32
  }
  func.func @transform_2(%arg0: i32) -> (i32, i32) {
    %c0_i32 = arith.constant 0 : i32
    %c0_i32_0 = arith.constant 0 : i32
    return %arg0, %c0_i32 : i32, i32
  }
  func.func @transform_3(%arg0: i32) -> (i32, i32) {
    %c0_i32 = arith.constant 0 : i32
    %c0_i32_0 = arith.constant 0 : i32
    %c0_i32_1 = arith.constant 0 : i32
    return %c0_i32, %c0_i32_0 : i32, i32
  }
  func.func @transform_4(%arg0: i32) -> (i32, i32) {
    %c0_i32 = arith.constant 0 : i32
    %c0_i32_0 = arith.constant 0 : i32
    return %arg0, %c0_i32 : i32, i32
  }
  func.func @transform_5(%arg0: i32) -> (i32, i32) {
    %c0_i32 = arith.constant 0 : i32
    %c0_i32_0 = arith.constant 0 : i32
    %c0_i32_1 = arith.constant 0 : i32
    return %c0_i32, %c0_i32_0 : i32, i32
  }
  func.func @transform_6(%arg0: i32) -> (i32, i32) {
    %c0_i32 = arith.constant 0 : i32
    %c0_i32_0 = arith.constant 0 : i32
    %c0_i32_1 = arith.constant 0 : i32
    return %c0_i32, %c0_i32_0 : i32, i32
  }
  func.func @transform_7(%arg0: i32) -> (i32, i32) {
    %c0_i32 = arith.constant 0 : i32
    %c0_i32_0 = arith.constant 0 : i32
    %c0_i32_1 = arith.constant 0 : i32
    return %c0_i32, %c0_i32_0 : i32, i32
  }
  func.func @transform_8(%arg0: i32) -> (i32, i32) {
    %c0_i32 = arith.constant 0 : i32
    %c0_i32_0 = arith.constant 0 : i32
    return %arg0, %c0_i32 : i32, i32
  }
}

</mosaic_0001>

<sc_bundles>
// kernel: kernel.11.cloned.1.call-start
scs
__scs_entry_jumppad:
0x0: {  	(pc) =	sbr.rel $0x88, $3  }
0x1: {  	(tag) =	ssettag $0x0;
	lr =	simm.s32 $0x1  }
0x2: {  	[smem:$0x3F8E] =	sst lr;
	_ =	strace $0xD0000000  }
0x3: {  	_ = 	snop  }
0x4: {  	_ = 	snop  }
0x5: {  	_ = 	snop  }
0x6: {  	_ = 	snop  }
0x7: {  	_ = 	snop  }
__scs_overlays_trampoline_lowered:
0x8: {  	[smem:$0x3F9D] =	sst s0  }
0x9: {  	[smem:$0x3F9E] =	sst s1  }
0xa: {  	[smem:$0x3F9F] =	sst s2  }
0xb: {  	[smem:$0x3FA0] =	sst s3  }
0xc: {  	[smem:$0x3FA1] =	sst s4  }
0xd: {  	[smem:$0x3FA2] =	sst s5  }
0xe: {  	[smem:$0x3FA3] =	sst s6  }
0xf: {  	[smem:$0x3FA4] =	sst s7  }
0x10: {  	[smem:$0x3FA5] =	sst s8  }
0x11: {  	[smem:$0x3FA6] =	sst s9;
	s0 =	simm.s32 @!p0 $0x0  }
0x12: {  	s1 =	sld [smem:$0x3F8C];
	s0 =	simm.s32 @p0 $0x1  }
0x13: {  	[smem:$0x3FA7] =	sst s0;
	s0 =	simm.s32 @!p1 $0x0  }
0x14: {  	s2 =	sld [smem:$0x3F8B];
	s0 =	simm.s32 @p1 $0x1  }
0x15: {  	[smem:$0x3FA8] =	sst s0;
	s0 =	simm.s32 @!p2 $0x0  }
0x16: {  	s3 =	sld [smem:$0x3FDB];
	s0 =	simm.s32 @p2 $0x1  }
0x17: {  	s4 =	simm.s32 $0x1BF5;
	[smem:$0x3FAA] =	sst s0  }
0x18: {  	s0 =	sld [smem:$0x3F8D];
	_ =	swait.ge [sflag:s4], $0x0  }
0x19: {  	s7 =	sld [smem:$0x3F8E]  }
0x1a: {  	s8 =	sadd.s32 $0xFFFFE003, lr  }
0x1b: {  	s9 =	sadd.s32 $0xFFFFFEF7, lr;
	s5 =	simm.s32 $0xFFFFFFFF;
	p2 =	slt.u32 s8, $0xFFFFF086  }
0x1c: {  	p1 =	slt.u32 s9, $0xF7A;
	s5 =	simm.s32 @!p2 $0x0  }
0x1d: {  	s5 =	simm.s32 @p1 $0x1;
	p0 =	seq.s32 s7, s2  }
0x1e: {  	s7 =	smul.u32 @!p0 $0xF7A, s2;
	p2 =	seq.s32 @!p0 s5, $0x0  }
0x1f: {  	s9 =	smul.u32 $0xF7A, s1;
	s8 =	simm.s32 @!p0 $0x1BF5;
	p2 =	por !p2, p0  }
0x20: {  	[sflag:s8] =	ssyncset.s32 @!p0 $0xFFFFF086;
	s6 =	sadd.s32 @!p0 s3, s7;
	s7 =	simm.s32 @!p0 $0x108  }
0x21: {  	s3 =	sadd.s32 s3, s9;
	s6 =	sadd.s32 @!p0 $0x88, s6;
	s7 =	simm.s32 @p2 $0x1082  }
0x22: {  	[simem:s7], [sflag:s8] =	dma.local @!p0 [hbm:s6], $0xF7A  }
0x23: {  	s9 =	sor.u32 $0xD0000000, s2;
	s6 =	simm.s32 $0x108;
	_ =	swait.ge @!p0 [sflag:s8], $0x0  }
0x24: {  	s3 =	sadd.s32 $0x88, s3;
	s6 =	simm.s32 @!p1 $0x1082;
	[sflag:s4] =	ssyncset.s32 $0xFFFFF086  }
0x25: {  	[simem:s6], [sflag:s4] =	dma.local [hbm:s3], $0xF7A  }
0x26: {  	[smem:$0x3F8E] =	sst s1;
	(tag) =	ssettag s2;
	_ =	strace s9  }
0x27: {  	s1 =	sld [smem:$0x3F9E]  }
0x28: {  	s2 =	sld [smem:$0x3F9F]  }
0x29: {  	s4 =	sld [smem:$0x3FA1]  }
0x2a: {  	p0 =	seq.s32 s5, $0x0;
	s5 =	sld [smem:$0x3FA2]  }
0x2b: {  	s6 =	sld [smem:$0x3FA3]  }
0x2c: {  	s7 =	sld [smem:$0x3FA4]  }
0x2d: {  	s3 =	simm.s32 $0x108;
	s8 =	sld [smem:$0x3FA5]  }
0x2e: {  	s3 =	simm.s32 @!p0 $0x1082;
	s9 =	sld [smem:$0x3FA6]  }
0x2f: {  	lr =	sadd.s32 s0, s3;
	s0 =	sld [smem:$0x3F9D]  }
0x30: {  	s3 =	sld [smem:$0x3FA0]  }
0x31: {  	[smem:$0x3FA9] =	sst s10  }
0x32: {  	s10 =	sld [smem:$0x3FA7];
	_ =	sdelay $0x3  }
0x33: {  	p0 =	seq.s32 s10, $0x1;
	s10 =	sld [smem:$0x3FA9];
	_ =	sdelay $0x3  }
0x34: {  	[smem:$0x3FA9] =	sst s10  }
0x35: {  	s10 =	sld [smem:$0x3FA8];
	_ =	sdelay $0x3  }
0x36: {  	p1 =	seq.s32 s10, $0x1;
	s10 =	sld [smem:$0x3FA9];
	_ =	sdelay $0x3  }
0x37: {  	[smem:$0x3FA9] =	sst s10  }
0x38: {  	s10 =	sld [smem:$0x3FAA]  }
0x39: {  	_ = 	snop;
	(pc) =	sbr.ind lr, $3  }
0x3a: {  	_ = 	snop  }
0x3b: {  	_ = 	snop  }
0x3c: {  	p2 =	seq.s32 s10, $0x1;
	s10 =	sld [smem:$0x3FA9]  }
0x3d: {  	_ =	shalt  }
0x3e: {  	_ =	shalt  }
0x3f: {  	_ =	shalt  }
0x40: {  	_ =	shalt  }
0x41: {  	_ =	shalt  }
0x42: {  	_ =	shalt  }
0x43: {  	_ =	shalt  }
0x44: {  	_ =	shalt  }
0x45: {  	_ =	shalt  }
0x46: {  	_ =	shalt  }
0x47: {  	_ =	shalt  }
0x48: {  	_ =	shalt  }
0x49: {  	_ =	shalt  }
0x4a: {  	_ =	shalt  }
0x4b: {  	_ =	shalt  }
0x4c: {  	_ =	shalt  }
0x4d: {  	_ =	shalt  }
0x4e: {  	_ =	shalt  }
0x4f: {  	_ =	shalt  }
0x50: {  	_ =	shalt  }
0x51: {  	_ =	shalt  }
0x52: {  	_ =	shalt  }
0x53: {  	_ =	shalt  }
0x54: {  	_ =	shalt  }
0x55: {  	_ =	shalt  }
0x56: {  	_ =	shalt  }
0x57: {  	_ =	shalt  }
0x58: {  	_ =	shalt  }
0x59: {  	_ =	shalt  }
0x5a: {  	_ =	shalt  }
0x5b: {  	_ =	shalt  }
0x5c: {  	_ =	shalt  }
0x5d: {  	_ =	shalt  }
0x5e: {  	_ =	shalt  }
0x5f: {  	_ =	shalt  }
0x60: {  	_ =	shalt  }
0x61: {  	_ =	shalt  }
0x62: {  	_ =	shalt  }
0x63: {  	_ =	shalt  }
0x64: {  	_ =	shalt  }
0x65: {  	_ =	shalt  }
0x66: {  	_ =	shalt  }
0x67: {  	_ =	shalt  }
0x68: {  	_ =	shalt  }
0x69: {  	_ =	shalt  }
0x6a: {  	_ =	shalt  }
0x6b: {  	_ =	shalt  }
0x6c: {  	_ =	shalt  }
0x6d: {  	_ =	shalt  }
0x6e: {  	_ =	shalt  }
0x6f: {  	_ =	shalt  }
0x70: {  	_ =	shalt  }
0x71: {  	_ =	shalt  }
0x72: {  	_ =	shalt  }
0x73: {  	_ =	shalt  }
0x74: {  	_ =	shalt  }
0x75: {  	_ =	shalt  }
0x76: {  	_ =	shalt  }
0x77: {  	_ =	shalt  }
0x78: {  	_ =	shalt  }
0x79: {  	_ =	shalt  }
0x7a: {  	_ =	shalt  }
0x7b: {  	_ =	shalt  }
0x7c: {  	_ =	shalt  }
0x7d: {  	_ =	shalt  }
0x7e: {  	_ =	shalt  }
0x7f: {  	_ =	shalt  }
0x80: {  	_ =	shalt  }
0x81: {  	_ =	shalt  }
0x82: {  	_ =	shalt  }
0x83: {  	_ =	shalt  }
0x84: {  	_ =	shalt  }
0x85: {  	_ =	shalt  }
0x86: {  	_ =	shalt  }
0x87: {  	_ =	shalt  }
.Lfunc_end0:
.L_simem_size_0:
called_computation.1_lowered:
.L_overlay_start_0:
0x88: {  	s2 =	sld [smem:$0x3FD9]  }
0x89: {  	s3 =	sld [smem:$0x3FFE];
	_ =	sdelay $0x1  }
0x8a: {  	s1 =	srdreg.scid  }
0x8b: {  	s0 =	sand.u32 $0x1, s1  }
0x8c: {  	s17 =	sshll.u32 s0, $0xA;
	s2 =	sadd.s32 s3, s2  }
0x8d: {  	s2 =	sadd.s32 s2, s17  }
0x8e: {  	[smem:$0x3FB5] =	sst s2  }
0x8f: {  	_ = 	snop  }
0x90: {  	s2 =	sld [smem:$0x3FD0];
	(tm) =	ssettm $0x1  }
0x91: {  	s18 =	sld [smem:$0x3FFB];
	_ =	sdelay $0x3  }
0x92: {  	_ =	strace s18  }
0x93: {  	s3 =	sld [smem:$0x3FFC];
	_ =	sdelay $0x3  }
0x94: {  	_ =	strace s3  }
0x95: {  	s3 =	sld [smem:$0x3FFD];
	_ =	sdelay $0x3  }
0x96: {  	_ =	strace s3  }
0x97: {  	_ =	strace $0x8FFFFFFF  }
0x98: {  	s19 =	sld [smem:$0x3FDB];
	_ =	sdelay $0x1  }
0x99: {  	s4 =	simm.s32 $_scs_section_size  }
0x9a: {  	s5 =	simm.s32 $_size__tile_overlayer_lowered;
	s6 =	simm.s32 $_tile_overlayer_lowered  }
0x9b: {  	s22 =	simm.s32 $0x1BFF;
	s21 =	sshll.u32 s6, $0x1;
	s3 =	sadd.s32 s4, s19  }
0x9c: {  	s7 =	simm.s32 $0x0;
	s20 =	sshll.u32 s5, $0x1;
	s5 =	sadd.s32 s21, s3  }
0x9d: {  	[timem:s7], [sflag:s22] =	dma.local [hbm:s5], s20  }
0x9e: {  	_ =	swait.ge [sflag:s22], s20  }
0x9f: {  	s4 =	ssub.s32 $0x0, s20;
	[sflag:s22] =	ssyncset.done $0x0  }
0xa0: {  	[sflag:s22] =	ssyncadd.s32 s4;
	_ =	sdelay $0x1  }
0xa1: {  	s23 =	simm.s32 $0x1B8B  }
0xa2: {  	_ =	swait.ge [sflag:s23], $0x1  }
0xa3: {  	[sflag:s23] =	ssyncset.done $0x0  }
0xa4: {  	s25 =	simm.s32 $0x1B8E;
	s24 =	sld [smem:$0x3FFE];
	[sflag:s23] =	ssyncadd.s32 $0xFFFFFFFF  }
0xa5: {  	s26 =	simm.s32 $execute0_lowered;
	[smem:$0x3FD2] =	sst s25  }
0xa6: {  	s5 =	sshll.u32 s26, $0x1;
	_ =	strace $0x80000049;
	[dreg:$0x1] =	wrdreg $0xFFFFFFFF  }
0xa7: {  	s28 =	simm.s32 $_size_execute0_lowered;
	s3 =	sadd.s32 s3, s5;
	[dreg:$0x0] =	wrdreg $0x0  }
0xa8: {  	s5 =	sshll.u32 s28, $0x1;
	[dreg:$0x2] =	wrdreg s3  }
0xa9: {  	[dreg:$0x3] =	wrdreg s5  }
0xaa: {  	[dreg:$0x4] =	wrdreg $0xC0  }
0xab: {  	_ =	task [dreg:s7], $0x5FFFF  }
0xac: {  	[dreg:$0x1] =	wrdreg $0xFFFFFFFF  }
0xad: {  	[dreg:$0x0] =	wrdreg $0x60  }
0xae: {  	[dreg:$0x2] =	wrdreg s24  }
0xaf: {  	[dreg:$0x3] =	wrdreg s2  }
0xb0: {  	[dreg:$0x4] =	wrdreg $0x70900  }
0xb1: {  	[dreg:$0x5] =	wrdreg $0x9  }
0xb2: {  	_ =	task.clear_ibuf [dreg:s7], $0x6FFFF;
	_ =	strace $0x90000049  }
0xb3: {  	s29 =	simm.s32 $0x9;
	_ =	strace $0x8000004B  }
0xb4: {  	_ =	swait.ge [sflag:s29], $0x1  }
0xb5: {  	[sflag:s29] =	ssyncadd.s32 $0xFFFFFFFF  }
0xb6: {  	_ =	strace $0x9000004B  }
0xb7: {  	_ =	sfence  }
0xb8: {  	s30 =	sld [smem:$0x0];
	_ =	sdelay $0x2  }
0xb9: {  	s31 =	sshll.u32 s1, $0xD;
	s1 =	sshrl.u32 s1, $0x2  }
0xba: {  	s3 =	sand.u32 $0x4000, s31;
	s1 =	sadd.s32 s1, s30  }
0xbb: {  	s0 =	sor.u32 s3, s0;
	s1 =	sshll.u32 s1, $0x11  }
0xbc: {  	s0 =	sor.u32 s1, s0  }
0xbd: {  	s0 =	sadd.s32 $0x8F2B, s0  }
0xbe: {  	[sflag:s0] =	ssyncadd.remote.s32 $0x1  }
0xbf: {  	_ =	sfence.sel $0xFFFF  }
0xc0: {  	[dreg:$0x0] =	wrdreg $0xFFFFFFFF;
	(pc) =	sbr.abs _section_cstart, $3  }
0xc1: {  	[dreg:$0x1] =	wrdreg $0xFFFFFFFF  }
0xc2: {  	_ =	task.clear_ibuf [dreg:s7], $0x2FFFF;
	_ =	strace $0x9FFFFFFF  }
0xc3: {  	(tm) =	ssettm $0x7FFFFFFF  }
tec
execute0_lowered:
.L_overlay_start_1:
0x0: {  	(tag) =	ssettag $0x1  }
0x1: {  	s7 =	rddreg [dreg:$0x0]  }
0x2: {  	s2 =	rddreg [dreg:$0x1]  }
0x3: {  	s0 =	srdreg.scid;
	s3 =	rddreg [dreg:$0x2]  }
0x4: {  	s1 =	stileid.u32;
	s4 =	simm.s32 $0x0;
	s15 =	simm.s32 $0x2  }
0x5: {  	s16 =	simm.s32 $0x4800;
	s17 =	simm.s32 $0x4;
	s18 =	simm.s32 $0x6F10  }
0x6: {  	s19 =	simm.s32 $0x3;
	s20 =	simm.s32 $0x80;
	s21 =	simm.s32 $0x1  }
0x7: {  	s22 =	simm.s32 $0x6F90;
	s8 =	sand.u32 $0x1, s0;
	s0 =	rddreg [dreg:$0x3]  }
0x8: {  	s24 =	simm.s32 $0x0;
	s9 =	smul.u32 $0x16800, s1;
	[smem:$0x7FF] =	sst s4  }
0x9: {  	s6 =	sadd.s32 $0xD9600, s7;
	s12 =	sshll.u32 s1, $0x1;
	s13 =	smul.u32 $0x5A000, s1  }
0xa: {  	s5 =	smul.u32 $0x168000, s8;
	_ =	strace $0x8000004A;
	s11 =	ssub.s32 $0x2, s8  }
0xb: {  	s8 =	sor.u32 s8, s12;
	s30 =	sshrl.u32 s11, $0x1;
	s31 =	sshrl.u32 s13, $0x2  }
0xc: {  	s23 =	sadd.s32 s9, s3;
	s10 =	sadd.s32 s9, s5;
	s5 =	sadd.s32 $0xA2000, s7  }
0xd: {  	v0 =	vlaneseq.u32;
	s11 =	ssub.s32 s11, s30;
	s9 =	sadd.s32 s31, s3;
	s23 =	sshrl.u32 s23, $0x3  }
0xe: {  	v1 =	vmul.u32 $0x90, v0;
	s10 =	sshrl.u32 s10, $0x3;
	s12 =	sadd.s32 $0x9000, s9;
	s13 =	sadd.s32 $0xD800, s9  }
0xf: {  	s14 =	sadd.s32 $0x12000, s9;
	s10 =	sadd.s32 s10, s7;
	s7 =	smul.u32 $0x7680, s8  }
0x10: {  	v0 =	vimm.f32 $0.0e+00;
	v1 =	vadd.s32 $0x81, v1;
	s8 =	sadd.s32 $0xF7400, s10;
	s10 =	smax.u32 s11, $0x1;
	s11 =	sadd.s32 $0x4800, s9  }
.LBB2_1:
0x11: {  	s25 =	simm.s32 $0x0;
	s26 =	simm.s32 $0x240  }
.LBB2_2:
0x12: {  	p0 =	sne.s32 s26, $0x11DC0;
	[tilespmem:s25+$0x80] =	vst v0  }
0x13: {  	[tilespmem:s25+$0x0] =	vst v0  }
0x14: {  	[tilespmem:s25+$0x10] =	vst v0  }
0x15: {  	[tilespmem:s25+$0x20] =	vst v0  }
.Ltmp0:
0x16: {  	[tilespmem:s25+$0x30] =	vst v0;
	(pc) =	sbr.rel @p0 .LBB2_2-.Ltmp0, $4  }
0x17: {  	[tilespmem:s25+$0x40] =	vst v0  }
0x18: {  	[tilespmem:s25+$0x50] =	vst v0  }
0x19: {  	[tilespmem:s25+$0x60] =	vst v0  }
0x1a: {  	[tilespmem:s25+$0x70] =	vst v0;
	s25 =	sshra.s32 s26, $0x2;
	s26 =	sadd.s32 $0x240, s26  }
0x1b: {  	[tilespmem:s25+$0x80] =	vst v0  }
0x1c: {  	[tilespmem:s25+$0x0] =	vst v0  }
0x1d: {  	[tilespmem:s25+$0x10] =	vst v0  }
0x1e: {  	[tilespmem:s25+$0x20] =	vst v0  }
0x1f: {  	[tilespmem:s25+$0x30] =	vst v0  }
0x20: {  	[tilespmem:s25+$0x40] =	vst v0  }
0x21: {  	[tilespmem:s25+$0x50] =	vst v0  }
0x22: {  	[tilespmem:s25+$0x60] =	vst v0  }
0x23: {  	[tilespmem:s25+$0x70] =	vst v0;
	s25 =	simm.s32 $0x0  }
0x24: {  	[spmem:s9] =	stream.linear.scatter [tilespmem:s25], [sflag:$0x2], $0x4800, $0x38;
	[tilespmem:$0x1D890] =	vst v63  }
0x25: {  	_ =	swait.ge [sflag:s15], $0x4800  }
0x26: {  	[sflag:s15] =	ssyncset.done $0x0  }
0x27: {  	[sflag:s15] =	ssyncadd.s32 $0xFFFFB800  }
0x28: {  	[spmem:s11] =	stream.linear.scatter [tilespmem:s25], [sflag:$0x2], $0x4800, $0x38;
	[tilespmem:$0x1D890] =	vst v63  }
0x29: {  	_ =	swait.ge [sflag:s15], $0x4800  }
0x2a: {  	[sflag:s15] =	ssyncset.done $0x0  }
0x2b: {  	[sflag:s15] =	ssyncadd.s32 $0xFFFFB800  }
0x2c: {  	[spmem:s12] =	stream.linear.scatter [tilespmem:s25], [sflag:$0x2], $0x4800, $0x38;
	[tilespmem:$0x1D890] =	vst v63  }
0x2d: {  	_ =	swait.ge [sflag:s15], $0x4800  }
0x2e: {  	[sflag:s15] =	ssyncset.done $0x0  }
0x2f: {  	[sflag:s15] =	ssyncadd.s32 $0xFFFFB800  }
0x30: {  	[spmem:s13] =	stream.linear.scatter [tilespmem:s25], [sflag:$0x2], $0x4800, $0x38;
	[tilespmem:$0x1D890] =	vst v63  }
0x31: {  	_ =	swait.ge [sflag:s15], $0x4800  }
0x32: {  	[sflag:s15] =	ssyncset.done $0x0  }
0x33: {  	[sflag:s15] =	ssyncadd.s32 $0xFFFFB800  }
0x34: {  	[spmem:s14] =	stream.linear.scatter [tilespmem:s25], [sflag:$0x2], $0x4800, $0x38;
	[tilespmem:$0x1D890] =	vst v63  }
0x35: {  	_ =	swait.ge [sflag:s15], $0x4800  }
0x36: {  	[sflag:s15] =	ssyncset.done $0x0  }
0x37: {  	[sflag:s15] =	ssyncadd.s32 $0xFFFFB800  }
0x38: {  	[bflag:$0x0] =	sbarrier.arrive $0xFFFF  }
0x39: {  	[tilespmem:s16], [sflag:$0x4] =	stream.linear.gather [hbm4b:s2+s25], $0x2710, $0x38;
	[tilespmem:$0x1D890] =	vst v63  }
0x3a: {  	_ =	swait.ge [sflag:s17], $0x2710  }
0x3b: {  	[sflag:s17] =	ssyncset.done $0x0  }
0x3c: {  	s26 =	simm.s32 $0x0;
	[sflag:s17] =	ssyncadd.s32 $0xFFFFD8F0  }
.LBB2_4:
0x3d: {  	s28 =	smul.u32 $0x180, s26;
	_ =	sdelay $0x1  }
0x3e: {  	s28 =	sadd.s32 s7, s28  }
0x3f: {  	s28 =	sshrl.u32 s28, $0x3  }
0x40: {  	s28 =	sadd.s32 s6, s28  }
0x41: {  	[tilespmem:s18], [sflag:$0x3] =	stream.linear.gather [hbm4b:s28+s25], $0x180, $0x38;
	[tilespmem:$0x1D890] =	vst v63  }
0x42: {  	_ =	swait.ge [sflag:s19], $0x180  }
0x43: {  	[sflag:s19] =	ssyncset.done $0x0  }
0x44: {  	[sflag:s19] =	ssyncadd.s32 $0xFFFFFE80  }
0x45: {  	[tilespmem:s25], [sflag:$0x1] =	stream.indirect.gather [hbm4b:s5+s20], $0x90, s18, s20, $0xb8;
	[tilespmem:$0x1D890] =	vst v63  }
0x46: {  	_ =	swait.ge [sflag:s21], $0x4800  }
0x47: {  	[sflag:s21] =	ssyncset.done $0x0  }
0x48: {  	s28 =	simm.s32 $0x0;
	[sflag:s21] =	ssyncadd.s32 $0xFFFFB800  }
.LBB2_5:
0x49: {  	s29 =	sshll.u32 s28, $0x4  }
0x4a: {  	v2 =	vmov s29  }
0x4b: {  	v3 =	vld [tilespmem:s29+$0x6F90];
	v2 =	vmul.u32 $0x90, v2;
	_ =	sdelay $0x1  }
0x4c: {  	v2 =	vbroadcast v2, $0x0;
	_ =	sdelay $0x1  }
0x4d: {  	v2 =	vadd.s32 v1, v2;
	_ =	sdelay $0x3  }
0x4e: {  	v3 =	vld.idx.msk [tilespmem:v3+s16+$0x0], $0xffff  }
0x4f: {  	v2 =	vld.idx.msk [tilespmem:v2+s4+$0x0], $0xffff;
	_ =	sdelay $0x1  }
0x50: {  	v4 =	vld [tilespmem:s29+$0x7010];
	_ =	sdelay $0x2  }
0x51: {  	v2 =	vadd.f32 v3, v2;
	_ =	sdelay $0x1  }
0x52: {  	v2 =	vadd.f32 v4, v2;
	_ =	sdelay $0x1  }
0x53: {  	v3 =	vmul.f32 $2.000000030e-01, v2  }
0x54: {  	vm0 =	vgt.f32 v2, $0.0e+00  }
0x55: {  	v2 =	vsel vm0, v2, v3  }
0x56: {  	v2 =	vmul.f32 $1.442695020e+00, v2;
	_ =	sdelay $0x1  }
0x57: {  	(erf) = vpow2.f32 v2;
	_ =	sdelay $0x2  }
0x58: {  	s31 =	smul.u32 $0x2400, s28;
	_ =	sdelay $0x1  }
0x59: {  	s29 =	sshra.s32 s31, $0x2  }
0x5a: {  	v51 =	vld [tilespmem:s29+$0x10]  }
0x5b: {  	v3 =	vld [tilespmem:s29+$0x0]  }
0x5c: {  	v5 =	vld [tilespmem:s29+$0x20]  }
0x5d: {  	v7 =	vld [tilespmem:s29+$0x30];
	v2 =	vpop (erf)  }
0x5e: {  	v8 =	vld [tilespmem:s29+$0x40];
	v6 =	vbroadcast v2, $0x0  }
0x5f: {  	v9 =	vld [tilespmem:s29+$0x50]  }
0x60: {  	v10 =	vld [tilespmem:s29+$0x60];
	v3 =	vmul.f32 v6, v3  }
0x61: {  	v52 =	vld [tilespmem:s29+$0x70];
	v4 =	vmul.f32 v6, v51  }
0x62: {  	v54 =	vld [tilespmem:s29+$0x80];
	[tilespmem:s29+$0x0] =	vst v3;
	v3 =	vmul.f32 v6, v5  }
0x63: {  	v55 =	vld [tilespmem:s29+$0x90];
	v53 =	vmul.f32 v7, v6;
	[tilespmem:s29+$0x10] =	vst v4  }
0x64: {  	v57 =	vld [tilespmem:s29+$0xA0];
	[tilespmem:s29+$0x20] =	vst v3;
	v3 =	vmul.f32 v8, v6  }
0x65: {  	v58 =	vld [tilespmem:s29+$0xB0];
	v56 =	vmul.f32 v9, v6;
	[tilespmem:s29+$0x30] =	vst v53  }
0x66: {  	v11 =	vld [tilespmem:s29+$0xC0];
	[tilespmem:s29+$0x40] =	vst v3;
	v3 =	vmul.f32 v10, v6  }
0x67: {  	v61 =	vld [tilespmem:s29+$0xD0];
	v60 =	vbroadcast v2, $0x1;
	v59 =	vmul.f32 v52, v6;
	[tilespmem:s29+$0x50] =	vst v56  }
0x68: {  	v63 =	vld [tilespmem:s29+$0xE0];
	[tilespmem:s29+$0x60] =	vst v3;
	v3 =	vmul.f32 v54, v6  }
0x69: {  	v12 =	vld [tilespmem:s29+$0xF0];
	v62 =	vmul.f32 v55, v60;
	[tilespmem:s29+$0x70] =	vst v59  }
0x6a: {  	v14 =	vld [tilespmem:s29+$0x100];
	[tilespmem:s29+$0x80] =	vst v3;
	v3 =	vmul.f32 v57, v60  }
0x6b: {  	v15 =	vld [tilespmem:s29+$0x110];
	v13 =	vmul.f32 v58, v60;
	[tilespmem:s29+$0x90] =	vst v62  }
0x6c: {  	v17 =	vld [tilespmem:s29+$0x120];
	[tilespmem:s29+$0xA0] =	vst v3;
	v3 =	vmul.f32 v11, v60  }
0x6d: {  	v18 =	vld [tilespmem:s29+$0x130];
	v16 =	vmul.f32 v61, v60;
	[tilespmem:s29+$0xB0] =	vst v13  }
0x6e: {  	v20 =	vld [tilespmem:s29+$0x140];
	[tilespmem:s29+$0xC0] =	vst v3;
	v3 =	vmul.f32 v63, v60  }
0x6f: {  	v22 =	vld [tilespmem:s29+$0x150];
	v19 =	vmul.f32 v12, v60;
	[tilespmem:s29+$0xD0] =	vst v16  }
0x70: {  	v24 =	vld [tilespmem:s29+$0x160];
	v21 =	vbroadcast v2, $0x2;
	[tilespmem:s29+$0xE0] =	vst v3;
	v3 =	vmul.f32 v14, v60  }
0x71: {  	v25 =	vld [tilespmem:s29+$0x170];
	v23 =	vmul.f32 v15, v60;
	[tilespmem:s29+$0xF0] =	vst v19  }
0x72: {  	v27 =	vld [tilespmem:s29+$0x180];
	[tilespmem:s29+$0x100] =	vst v3;
	v3 =	vmul.f32 v17, v21  }
0x73: {  	v28 =	vld [tilespmem:s29+$0x190];
	v26 =	vmul.f32 v18, v21;
	[tilespmem:s29+$0x110] =	vst v23  }
0x74: {  	v30 =	vld [tilespmem:s29+$0x1A0];
	[tilespmem:s29+$0x120] =	vst v3;
	v3 =	vmul.f32 v20, v21  }
0x75: {  	v31 =	vld [tilespmem:s29+$0x1B0];
	v29 =	vmul.f32 v22, v21;
	[tilespmem:s29+$0x130] =	vst v26  }
0x76: {  	v33 =	vld [tilespmem:s29+$0x1C0];
	[tilespmem:s29+$0x140] =	vst v3;
	v3 =	vmul.f32 v24, v21  }
0x77: {  	v34 =	vld [tilespmem:s29+$0x1D0];
	v32 =	vmul.f32 v25, v21;
	[tilespmem:s29+$0x150] =	vst v29  }
0x78: {  	v37 =	vld [tilespmem:s29+$0x1E0];
	[tilespmem:s29+$0x160] =	vst v3;
	v3 =	vmul.f32 v27, v21  }
0x79: {  	v38 =	vld [tilespmem:s29+$0x1F0];
	v36 =	vbroadcast v2, $0x3;
	v35 =	vmul.f32 v28, v21;
	[tilespmem:s29+$0x170] =	vst v32  }
0x7a: {  	v40 =	vld [tilespmem:s29+$0x200];
	[tilespmem:s29+$0x180] =	vst v3;
	v3 =	vmul.f32 v30, v21  }
0x7b: {  	v41 =	vld [tilespmem:s29+$0x210];
	v39 =	vmul.f32 v31, v36;
	[tilespmem:s29+$0x190] =	vst v35  }
0x7c: {  	v43 =	vld [tilespmem:s29+$0x220];
	[tilespmem:s29+$0x1A0] =	vst v3;
	v3 =	vmul.f32 v33, v36  }
0x7d: {  	v44 =	vld [tilespmem:s29+$0x230];
	v42 =	vmul.f32 v34, v36;
	[tilespmem:s29+$0x1B0] =	vst v39  }
0x7e: {  	v46 =	vld [tilespmem:s29+$0x240];
	[tilespmem:s29+$0x1C0] =	vst v3;
	v3 =	vmul.f32 v37, v36  }
0x7f: {  	v47 =	vld [tilespmem:s29+$0x250];
	v45 =	vmul.f32 v38, v36;
	[tilespmem:s29+$0x1D0] =	vst v42  }
0x80: {  	v49 =	vld [tilespmem:s29+$0x260];
	[tilespmem:s29+$0x1E0] =	vst v3;
	v3 =	vmul.f32 v40, v36  }
0x81: {  	v48 =	vmul.f32 v41, v36;
	v51 =	vld [tilespmem:s29+$0x270];
	[tilespmem:s29+$0x1F0] =	vst v45  }
0x82: {  	v50 =	vbroadcast v2, $0x4;
	v15 =	vld [tilespmem:s29+$0x310];
	[tilespmem:s29+$0x200] =	vst v3;
	v3 =	vmul.f32 v43, v36  }
0x83: {  	v52 =	vmul.f32 v44, v36;
	[tilespmem:s29+$0x210] =	vst v48;
	v53 =	vld [tilespmem:s29+$0x280]  }
0x84: {  	v18 =	vld [tilespmem:s29+$0x330];
	[tilespmem:s29+$0x220] =	vst v3;
	v3 =	vmul.f32 v46, v50  }
0x85: {  	v55 =	vmul.f32 v47, v50;
	[tilespmem:s29+$0x230] =	vst v52;
	v56 =	vld [tilespmem:s29+$0x2A0]  }
0x86: {  	v28 =	vld [tilespmem:s29+$0x390];
	[tilespmem:s29+$0x240] =	vst v3;
	v3 =	vmul.f32 v49, v50  }
0x87: {  	[tilespmem:s29+$0x250] =	vst v55;
	v59 =	vld [tilespmem:s29+$0x2C0];
	v13 =	vbroadcast v2, $0x5;
	v58 =	vmul.f32 v51, v50  }
0x88: {  	v44 =	vld [tilespmem:s29+$0x430];
	[tilespmem:s29+$0x260] =	vst v3;
	v3 =	vmul.f32 v53, v50  }
0x89: {  	v62 =	vld [tilespmem:s29+$0x2E0];
	v22 =	vmul.f32 v15, v13;
	[tilespmem:s29+$0x270] =	vst v58  }
0x8a: {  	v54 =	vld [tilespmem:s29+$0x290];
	[tilespmem:s29+$0x280] =	vst v3;
	v3 =	vmul.f32 v56, v50  }
0x8b: {  	v42 =	vbroadcast v2, $0x7;
	v25 =	vmul.f32 v18, v13;
	[tilespmem:s29+$0x310] =	vst v22;
	v14 =	vld [tilespmem:s29+$0x300]  }
0x8c: {  	v47 =	vld [tilespmem:s29+$0x450];
	[tilespmem:s29+$0x2A0] =	vst v3;
	v3 =	vmul.f32 v59, v50  }
0x8d: {  	v51 =	vmul.f32 v44, v42;
	[tilespmem:s29+$0x330] =	vst v25;
	v17 =	vld [tilespmem:s29+$0x320]  }
0x8e: {  	v57 =	vld [tilespmem:s29+$0x2B0];
	[tilespmem:s29+$0x2C0] =	vst v3;
	v3 =	vmul.f32 v62, v13  }
0x8f: {  	[tilespmem:s29+$0x430] =	vst v51;
	v61 =	vmul.f32 v54, v50;
	v20 =	vld [tilespmem:s29+$0x340]  }
0x90: {  	v63 =	vld [tilespmem:s29+$0x2F0];
	[tilespmem:s29+$0x2E0] =	vst v3;
	v3 =	vmul.f32 v14, v13  }
0x91: {  	v23 =	vld [tilespmem:s29+$0x360];
	v54 =	vmul.f32 v47, v42;
	[tilespmem:s29+$0x290] =	vst v61  }
0x92: {  	v60 =	vld [tilespmem:s29+$0x2D0];
	[tilespmem:s29+$0x300] =	vst v3;
	v3 =	vmul.f32 v17, v13  }
0x93: {  	v26 =	vld [tilespmem:s29+$0x380];
	v12 =	vmul.f32 v57, v50;
	[tilespmem:s29+$0x450] =	vst v54  }
0x94: {  	v31 =	vld [tilespmem:s29+$0x3B0];
	v27 =	vbroadcast v2, $0x6;
	[tilespmem:s29+$0x320] =	vst v3;
	v3 =	vmul.f32 v20, v13  }
0x95: {  	[tilespmem:s29+$0x2B0] =	vst v12;
	v19 =	vmul.f32 v63, v13;
	v30 =	vld [tilespmem:s29+$0x3A0]  }
0x96: {  	v34 =	vld [tilespmem:s29+$0x3D0];
	[tilespmem:s29+$0x340] =	vst v3;
	v3 =	vmul.f32 v23, v27  }
0x97: {  	v16 =	vmul.f32 v60, v13;
	[tilespmem:s29+$0x2F0] =	vst v19;
	v33 =	vld [tilespmem:s29+$0x3C0]  }
0x98: {  	v24 =	vld [tilespmem:s29+$0x370];
	[tilespmem:s29+$0x360] =	vst v3;
	v3 =	vmul.f32 v26, v27  }
0x99: {  	[tilespmem:s29+$0x2D0] =	vst v16;
	v35 =	vmul.f32 v28, v27;
	v36 =	vld [tilespmem:s29+$0x3E0]  }
0x9a: {  	v39 =	vld [tilespmem:s29+$0x400];
	[tilespmem:s29+$0x380] =	vst v3;
	v3 =	vmul.f32 v30, v27  }
0x9b: {  	v52 =	vld [tilespmem:s29+$0x480];
	v38 =	vmul.f32 v31, v27;
	[tilespmem:s29+$0x390] =	vst v35  }
0x9c: {  	v21 =	vld [tilespmem:s29+$0x350];
	[tilespmem:s29+$0x3A0] =	vst v3;
	v3 =	vmul.f32 v33, v27  }
0x9d: {  	v41 =	vmul.f32 v34, v27;
	[tilespmem:s29+$0x3B0] =	vst v38;
	v43 =	vld [tilespmem:s29+$0x420]  }
0x9e: {  	v32 =	vmul.f32 v24, v27;
	v24 =	vld [tilespmem:s29+$0x570];
	[tilespmem:s29+$0x3C0] =	vst v3;
	v3 =	vmul.f32 v36, v27  }
0x9f: {  	[tilespmem:s29+$0x3D0] =	vst v41;
	v46 =	vld [tilespmem:s29+$0x440]  }
0xa0: {  	v37 =	vld [tilespmem:s29+$0x3F0];
	[tilespmem:s29+$0x3E0] =	vst v3;
	v3 =	vmul.f32 v39, v42  }
0xa1: {  	v19 =	vbroadcast v2, $0x9;
	[tilespmem:s29+$0x370] =	vst v32;
	v29 =	vmul.f32 v21, v13;
	v49 =	vld [tilespmem:s29+$0x460]  }
0xa2: {  	v21 =	vld [tilespmem:s29+$0x550];
	[tilespmem:s29+$0x400] =	vst v3;
	v3 =	vmul.f32 v43, v42  }
0xa3: {  	v55 =	vld [tilespmem:s29+$0x4A0];
	v31 =	vmul.f32 v24, v19;
	[tilespmem:s29+$0x350] =	vst v29  }
0xa4: {  	v40 =	vld [tilespmem:s29+$0x410];
	[tilespmem:s29+$0x420] =	vst v3;
	v3 =	vmul.f32 v46, v42  }
0xa5: {  	v57 =	vld [tilespmem:s29+$0x4B0];
	[tilespmem:s29+$0x570] =	vst v31;
	v45 =	vmul.f32 v37, v42  }
0xa6: {  	v63 =	vld [tilespmem:s29+$0x4F0];
	v56 =	vbroadcast v2, $0x8;
	[tilespmem:s29+$0x440] =	vst v3;
	v3 =	vmul.f32 v49, v42  }
0xa7: {  	v28 =	vmul.f32 v21, v19;
	[tilespmem:s29+$0x3F0] =	vst v45;
	v59 =	vld [tilespmem:s29+$0x4C0]  }
0xa8: {  	v60 =	vld [tilespmem:s29+$0x4D0];
	[tilespmem:s29+$0x460] =	vst v3;
	v3 =	vmul.f32 v52, v56  }
0xa9: {  	v48 =	vmul.f32 v40, v42;
	[tilespmem:s29+$0x550] =	vst v28;
	v62 =	vld [tilespmem:s29+$0x4E0]  }
0xaa: {  	v53 =	vld [tilespmem:s29+$0x490];
	[tilespmem:s29+$0x480] =	vst v3;
	v3 =	vmul.f32 v55, v56  }
0xab: {  	[tilespmem:s29+$0x410] =	vst v48;
	v12 =	vmul.f32 v57, v56;
	v13 =	vld [tilespmem:s29+$0x500]  }
0xac: {  	v16 =	vld [tilespmem:s29+$0x520];
	[tilespmem:s29+$0x4A0] =	vst v3;
	v3 =	vmul.f32 v59, v56  }
0xad: {  	v34 =	vld [tilespmem:s29+$0x5D0];
	v15 =	vmul.f32 v60, v56;
	[tilespmem:s29+$0x4B0] =	vst v12  }
0xae: {  	v50 =	vld [tilespmem:s29+$0x470];
	[tilespmem:s29+$0x4C0] =	vst v3;
	v3 =	vmul.f32 v62, v56  }
0xaf: {  	v18 =	vmul.f32 v63, v56;
	[tilespmem:s29+$0x4D0] =	vst v15;
	v20 =	vld [tilespmem:s29+$0x540]  }
0xb0: {  	v61 =	vmul.f32 v53, v56;
	v53 =	vld [tilespmem:s29+$0x690];
	[tilespmem:s29+$0x4E0] =	vst v3;
	v3 =	vmul.f32 v13, v56  }
0xb1: {  	[tilespmem:s29+$0x4F0] =	vst v18;
	v23 =	vld [tilespmem:s29+$0x560]  }
0xb2: {  	v14 =	vld [tilespmem:s29+$0x510];
	[tilespmem:s29+$0x500] =	vst v3;
	v3 =	vmul.f32 v16, v19  }
0xb3: {  	v48 =	vbroadcast v2, $0xB;
	[tilespmem:s29+$0x490] =	vst v61;
	v58 =	vmul.f32 v50, v42;
	v26 =	vld [tilespmem:s29+$0x580]  }
0xb4: {  	v50 =	vld [tilespmem:s29+$0x670];
	[tilespmem:s29+$0x520] =	vst v3;
	v3 =	vmul.f32 v20, v19  }
0xb5: {  	v29 =	vld [tilespmem:s29+$0x5A0];
	v60 =	vmul.f32 v53, v48;
	[tilespmem:s29+$0x470] =	vst v58  }
0xb6: {  	v17 =	vld [tilespmem:s29+$0x530];
	[tilespmem:s29+$0x540] =	vst v3;
	v3 =	vmul.f32 v23, v19  }
0xb7: {  	v32 =	vld [tilespmem:s29+$0x5C0];
	[tilespmem:s29+$0x690] =	vst v60;
	v22 =	vmul.f32 v14, v19  }
0xb8: {  	v37 =	vld [tilespmem:s29+$0x5F0];
	v33 =	vbroadcast v2, $0xA;
	[tilespmem:s29+$0x560] =	vst v3;
	v3 =	vmul.f32 v26, v19  }
0xb9: {  	v57 =	vmul.f32 v50, v48;
	[tilespmem:s29+$0x510] =	vst v22;
	v36 =	vld [tilespmem:s29+$0x5E0]  }
0xba: {  	v40 =	vld [tilespmem:s29+$0x610];
	[tilespmem:s29+$0x580] =	vst v3;
	v3 =	vmul.f32 v29, v33  }
0xbb: {  	v25 =	vmul.f32 v17, v19;
	[tilespmem:s29+$0x670] =	vst v57;
	v39 =	vld [tilespmem:s29+$0x600]  }
0xbc: {  	v30 =	vld [tilespmem:s29+$0x5B0];
	[tilespmem:s29+$0x5A0] =	vst v3;
	v3 =	vmul.f32 v32, v33  }
0xbd: {  	[tilespmem:s29+$0x530] =	vst v25;
	v41 =	vmul.f32 v34, v33;
	v42 =	vld [tilespmem:s29+$0x620]  }
0xbe: {  	[tilespmem:s29+$0x5C0] =	vst v3;
	v3 =	vmul.f32 v36, v33  }
0xbf: {  	v45 =	vld [tilespmem:s29+$0x640];
	v44 =	vmul.f32 v37, v33;
	[tilespmem:s29+$0x5D0] =	vst v41  }
0xc0: {  	v27 =	vld [tilespmem:s29+$0x590];
	[tilespmem:s29+$0x5E0] =	vst v3;
	v3 =	vmul.f32 v39, v33  }
0xc1: {  	v47 =	vmul.f32 v40, v33;
	[tilespmem:s29+$0x5F0] =	vst v44;
	v49 =	vld [tilespmem:s29+$0x660]  }
0xc2: {  	v38 =	vmul.f32 v30, v33;
	v30 =	vld [tilespmem:s29+$0x7B0];
	[tilespmem:s29+$0x600] =	vst v3;
	v3 =	vmul.f32 v42, v33  }
0xc3: {  	[tilespmem:s29+$0x610] =	vst v47;
	v52 =	vld [tilespmem:s29+$0x680]  }
0xc4: {  	v43 =	vld [tilespmem:s29+$0x630];
	[tilespmem:s29+$0x620] =	vst v3;
	v3 =	vmul.f32 v45, v48  }
0xc5: {  	v25 =	vbroadcast v2, $0xD;
	[tilespmem:s29+$0x5B0] =	vst v38;
	v35 =	vmul.f32 v27, v19;
	v55 =	vld [tilespmem:s29+$0x6A0]  }
0xc6: {  	v27 =	vld [tilespmem:s29+$0x790];
	[tilespmem:s29+$0x640] =	vst v3;
	v3 =	vmul.f32 v49, v48  }
0xc7: {  	v58 =	vld [tilespmem:s29+$0x6C0];
	v37 =	vmul.f32 v30, v25;
	[tilespmem:s29+$0x590] =	vst v35  }
0xc8: {  	v46 =	vld [tilespmem:s29+$0x650];
	[tilespmem:s29+$0x660] =	vst v3;
	v3 =	vmul.f32 v52, v48  }
0xc9: {  	v61 =	vld [tilespmem:s29+$0x6E0];
	[tilespmem:s29+$0x7B0] =	vst v37;
	v51 =	vmul.f32 v43, v48  }
0xca: {  	v63 =	vld [tilespmem:s29+$0x6F0];
	v62 =	vbroadcast v2, $0xC;
	[tilespmem:s29+$0x680] =	vst v3;
	v3 =	vmul.f32 v55, v48  }
0xcb: {  	v34 =	vmul.f32 v27, v25;
	[tilespmem:s29+$0x630] =	vst v51;
	v13 =	vld [tilespmem:s29+$0x700]  }
0xcc: {  	v14 =	vld [tilespmem:s29+$0x710];
	[tilespmem:s29+$0x6A0] =	vst v3;
	v3 =	vmul.f32 v58, v62  }
0xcd: {  	v54 =	vmul.f32 v46, v48;
	[tilespmem:s29+$0x790] =	vst v34;
	v16 =	vld [tilespmem:s29+$0x720]  }
0xce: {  	v17 =	vld [tilespmem:s29+$0x730];
	[tilespmem:s29+$0x6C0] =	vst v3;
	v3 =	vmul.f32 v61, v62  }
0xcf: {  	[tilespmem:s29+$0x650] =	vst v54;
	v18 =	vmul.f32 v63, v62;
	v19 =	vld [tilespmem:s29+$0x740]  }
0xd0: {  	v59 =	vld [tilespmem:s29+$0x6D0];
	[tilespmem:s29+$0x6E0] =	vst v3;
	v3 =	vmul.f32 v13, v62  }
0xd1: {  	v22 =	vld [tilespmem:s29+$0x760];
	v21 =	vmul.f32 v14, v62;
	[tilespmem:s29+$0x6F0] =	vst v18  }
0xd2: {  	v56 =	vld [tilespmem:s29+$0x6B0];
	[tilespmem:s29+$0x700] =	vst v3;
	v3 =	vmul.f32 v16, v62  }
0xd3: {  	v24 =	vmul.f32 v17, v62;
	[tilespmem:s29+$0x710] =	vst v21;
	v26 =	vld [tilespmem:s29+$0x780]  }
0xd4: {  	v20 =	vld [tilespmem:s29+$0x750];
	[tilespmem:s29+$0x720] =	vst v3;
	v3 =	vmul.f32 v19, v62  }
0xd5: {  	v15 =	vmul.f32 v59, v62;
	[tilespmem:s29+$0x730] =	vst v24;
	v29 =	vld [tilespmem:s29+$0x7A0]  }
0xd6: {  	v23 =	vld [tilespmem:s29+$0x770];
	[tilespmem:s29+$0x740] =	vst v3;
	v3 =	vmul.f32 v22, v25  }
0xd7: {  	[tilespmem:s29+$0x6D0] =	vst v15;
	v12 =	vmul.f32 v56, v48;
	v32 =	vld [tilespmem:s29+$0x7C0]  }
0xd8: {  	v40 =	vld [tilespmem:s29+$0x810];
	[tilespmem:s29+$0x760] =	vst v3;
	v3 =	vmul.f32 v26, v25  }
0xd9: {  	v35 =	vld [tilespmem:s29+$0x7E0];
	[tilespmem:s29+$0x6B0] =	vst v12;
	v28 =	vmul.f32 v20, v25  }
0xda: {  	v43 =	vld [tilespmem:s29+$0x830];
	[tilespmem:s29+$0x780] =	vst v3;
	v3 =	vmul.f32 v29, v25  }
0xdb: {  	v38 =	vld [tilespmem:s29+$0x800];
	[tilespmem:s29+$0x750] =	vst v28;
	v31 =	vmul.f32 v23, v25;
	v39 =	vbroadcast v2, $0xE  }
0xdc: {  	v46 =	vld [tilespmem:s29+$0x850];
	[tilespmem:s29+$0x7A0] =	vst v3;
	v3 =	vmul.f32 v32, v25  }
0xdd: {  	[tilespmem:s29+$0x770] =	vst v31;
	v42 =	vld [tilespmem:s29+$0x820];
	v47 =	vmul.f32 v40, v39  }
0xde: {  	v36 =	vld [tilespmem:s29+$0x7F0];
	[tilespmem:s29+$0x7C0] =	vst v3;
	v3 =	vmul.f32 v35, v39  }
0xdf: {  	v50 =	vmul.f32 v43, v39;
	v45 =	vld [tilespmem:s29+$0x840];
	[tilespmem:s29+$0x810] =	vst v47  }
0xe0: {  	v33 =	vld [tilespmem:s29+$0x7D0];
	[tilespmem:s29+$0x7E0] =	vst v3;
	v3 =	vmul.f32 v38, v39  }
0xe1: {  	v53 =	vmul.f32 v46, v39;
	[tilespmem:s29+$0x830] =	vst v50;
	v48 =	vld [tilespmem:s29+$0x860]  }
0xe2: {  	v49 =	vld [tilespmem:s29+$0x870];
	[tilespmem:s29+$0x800] =	vst v3;
	v3 =	vmul.f32 v42, v39  }
0xe3: {  	v51 =	vld [tilespmem:s29+$0x880];
	v44 =	vmul.f32 v36, v39;
	[tilespmem:s29+$0x850] =	vst v53  }
0xe4: {  	v52 =	vld [tilespmem:s29+$0x890];
	[tilespmem:s29+$0x820] =	vst v3;
	v3 =	vmul.f32 v45, v39  }
0xe5: {  	v54 =	vld [tilespmem:s29+$0x8A0];
	v2 =	vbroadcast v2, $0xF;
	[tilespmem:s29+$0x7F0] =	vst v44;
	v41 =	vmul.f32 v33, v25  }
0xe6: {  	v58 =	vld [tilespmem:s29+$0x8D0];
	[tilespmem:s29+$0x840] =	vst v3;
	v3 =	vmul.f32 v48, v39  }
0xe7: {  	v57 =	vld [tilespmem:s29+$0x8C0];
	[tilespmem:s29+$0x7D0] =	vst v41;
	v56 =	vmul.f32 v49, v2  }
0xe8: {  	v55 =	vld [tilespmem:s29+$0x8B0];
	[tilespmem:s29+$0x860] =	vst v3;
	v3 =	vmul.f32 v51, v2  }
0xe9: {  	v60 =	vld [tilespmem:s29+$0x8E0];
	[tilespmem:s29+$0x870] =	vst v56;
	v59 =	vmul.f32 v52, v2  }
0xea: {  	v61 =	vld [tilespmem:s29+$0x8F0];
	[tilespmem:s29+$0x880] =	vst v3;
	v3 =	vmul.f32 v54, v2  }
0xeb: {  	[tilespmem:s29+$0x890] =	vst v59;
	v63 =	vmul.f32 v58, v2  }
0xec: {  	p0 =	sne.s32 s28, $0x7;
	[tilespmem:s29+$0x8A0] =	vst v3;
	v3 =	vmul.f32 v57, v2  }
.Ltmp1:
0xed: {  	[tilespmem:s29+$0x8D0] =	vst v63;
	v62 =	vmul.f32 v55, v2;
	(pc) =	sbr.rel @p0 .LBB2_5-.Ltmp1, $4  }
0xee: {  	[tilespmem:s29+$0x8C0] =	vst v3;
	v3 =	vmul.f32 v60, v2  }
0xef: {  	[tilespmem:s29+$0x8B0] =	vst v62;
	v2 =	vmul.f32 v61, v2  }
0xf0: {  	[tilespmem:s29+$0x8E0] =	vst v3  }
0xf1: {  	s28 =	sadd.s32 $0x1, s28;
	[tilespmem:s29+$0x8F0] =	vst v2  }
0xf2: {  	s26 =	sadd.s32 $0x1, s26  }
0xf3: {  	p0 =	sne.s32 s26, $0x4F  }
.Ltmp2:
0xf4: {  	_ = 	snop;
	(pc) =	sbr.rel @p0 .LBB2_4-.Ltmp2, $4  }
0xf5: {  	[spmem:s3] =	stream.indirect.scatter.add.f32 [tilespmem:s4], [sflag:$0x2], $0x90, s22, s20, $0xb8;
	[tilespmem:$0x1D890] =	vst v63  }
0xf6: {  	_ =	swait.ge [sflag:s15], $0x4800  }
0xf7: {  	[sflag:s15] =	ssyncset.done $0x0  }
0xf8: {  	[sflag:s15] =	ssyncadd.s32 $0xFFFFB800  }
0xf9: {  	s24 =	sadd.s32 $0x1, s24  }
0xfa: {  	s25 =	sshll.u32 s1, $0x6;
	p0 =	sne.s32 s24, s10  }
.Ltmp3:
0xfb: {  	[bflag:$0x0] =	sbarrier.arrive $0xFFFF;
	s25 =	sor.u32 $0x1C04, s25;
	(pc) =	sbr.rel @p0 .LBB2_1-.Ltmp3, $4  }
0xfc: {  	[hbm:s8], [sflag:s25] =	dma.local [spmem:s23], $0x2D00  }
0xfd: {  	_ =	swait.ge [sflag:s17], $0x2D00  }
0xfe: {  	[sflag:s17] =	ssyncset.done $0x0  }
0xff: {  	[sflag:s17] =	ssyncadd.s32 $0xFFFFD300  }
0x100: {  	_ =	sfence.sel $0x180000  }
0x101: {  	[bflag:$0x0] =	sbarrier.arrive $0xFFFF  }
0x102: {  	p0 =	sne.s32 s1, $0x0;
	_ =	strace $0x9000004A  }
0x103: {  	s0 =	sadd.s32 @!p0 $0x100000, s0;
	[bflag:$0x2] =	sbarrier.arrive $0xFFFF  }
0x104: {  	[sflag:s0] =	ssyncadd.tile.s32 @!p0 $0x1;
	_ =	shalt  }
.Lfunc_end2:
_tile_overlayer_lowered:
.L_overlay_start_2:
0x105: {  	(tag) =	ssettag $0x2  }
0x106: {  	s0 =	rddreg [dreg:$0x0];
	s2 =	stileid.u32  }
0x107: {  	s1 =	rddreg [dreg:$0x1];
	p0 =	sne.s32 s2, $0x0  }
0x108: {  	s3 =	rddreg [dreg:$0x2];
	[bflag:$0x3] =	sbarrier.arrive $0xFFFF;
	s2 =	simm.s32 @!p0 $0x1C04  }
0x109: {  	[timem:s3], [sflag:s2] =	dma.local @!p0 [hbm:s0], s1  }
0x10a: {  	s0 =	simm.s32 @!p0 $0x4  }
0x10b: {  	_ =	swait.ge @!p0 [sflag:s0], s1  }
0x10c: {  	s1 =	ssub.s32 @!p0 $0x0, s1;
	[sflag:s0] =	ssyncset.done @!p0 $0x0  }
0x10d: {  	[sflag:s0] =	ssyncadd.s32 @!p0 s1  }
0x10e: {  	[bflag:$0x3] =	sbarrier.arrive $0xFFFF  }
0x10f: {  	_ =	shalt  }

// kernel: kernel.8.cloned.1.call-start
scs
__scs_entry_jumppad:
0x0: {  	(pc) =	sbr.rel $0x88, $3  }
0x1: {  	(tag) =	ssettag $0x0;
	lr =	simm.s32 $0x1  }
0x2: {  	[smem:$0x3F8E] =	sst lr;
	_ =	strace $0xD0000000  }
0x3: {  	_ = 	snop  }
0x4: {  	_ = 	snop  }
0x5: {  	_ = 	snop  }
0x6: {  	_ = 	snop  }
0x7: {  	_ = 	snop  }
__scs_overlays_trampoline_lowered:
0x8: {  	[smem:$0x3F9D] =	sst s0  }
0x9: {  	[smem:$0x3F9E] =	sst s1  }
0xa: {  	[smem:$0x3F9F] =	sst s2  }
0xb: {  	[smem:$0x3FA0] =	sst s3  }
0xc: {  	[smem:$0x3FA1] =	sst s4  }
0xd: {  	[smem:$0x3FA2] =	sst s5  }
0xe: {  	[smem:$0x3FA3] =	sst s6  }
0xf: {  	[smem:$0x3FA4] =	sst s7  }
0x10: {  	[smem:$0x3FA5] =	sst s8  }
0x11: {  	[smem:$0x3FA6] =	sst s9;
	s0 =	simm.s32 @!p0 $0x0  }
0x12: {  	s1 =	sld [smem:$0x3F8C];
	s0 =	simm.s32 @p0 $0x1  }
0x13: {  	[smem:$0x3FA7] =	sst s0;
	s0 =	simm.s32 @!p1 $0x0  }
0x14: {  	s2 =	sld [smem:$0x3F8B];
	s0 =	simm.s32 @p1 $0x1  }
0x15: {  	[smem:$0x3FA8] =	sst s0;
	s0 =	simm.s32 @!p2 $0x0  }
0x16: {  	s3 =	sld [smem:$0x3FDB];
	s0 =	simm.s32 @p2 $0x1  }
0x17: {  	s4 =	simm.s32 $0x1BF5;
	[smem:$0x3FAA] =	sst s0  }
0x18: {  	s0 =	sld [smem:$0x3F8D];
	_ =	swait.ge [sflag:s4], $0x0  }
0x19: {  	s7 =	sld [smem:$0x3F8E]  }
0x1a: {  	s8 =	sadd.s32 $0xFFFFE003, lr  }
0x1b: {  	s9 =	sadd.s32 $0xFFFFFEF7, lr;
	s5 =	simm.s32 $0xFFFFFFFF;
	p2 =	slt.u32 s8, $0xFFFFF086  }
0x1c: {  	p1 =	slt.u32 s9, $0xF7A;
	s5 =	simm.s32 @!p2 $0x0  }
0x1d: {  	s5 =	simm.s32 @p1 $0x1;
	p0 =	seq.s32 s7, s2  }
0x1e: {  	s7 =	smul.u32 @!p0 $0xF7A, s2;
	p2 =	seq.s32 @!p0 s5, $0x0  }
0x1f: {  	s9 =	smul.u32 $0xF7A, s1;
	s8 =	simm.s32 @!p0 $0x1BF5;
	p2 =	por !p2, p0  }
0x20: {  	[sflag:s8] =	ssyncset.s32 @!p0 $0xFFFFF086;
	s6 =	sadd.s32 @!p0 s3, s7;
	s7 =	simm.s32 @!p0 $0x108  }
0x21: {  	s3 =	sadd.s32 s3, s9;
	s6 =	sadd.s32 @!p0 $0x88, s6;
	s7 =	simm.s32 @p2 $0x1082  }
0x22: {  	[simem:s7], [sflag:s8] =	dma.local @!p0 [hbm:s6], $0xF7A  }
0x23: {  	s9 =	sor.u32 $0xD0000000, s2;
	s6 =	simm.s32 $0x108;
	_ =	swait.ge @!p0 [sflag:s8], $0x0  }
0x24: {  	s3 =	sadd.s32 $0x88, s3;
	s6 =	simm.s32 @!p1 $0x1082;
	[sflag:s4] =	ssyncset.s32 $0xFFFFF086  }
0x25: {  	[simem:s6], [sflag:s4] =	dma.local [hbm:s3], $0xF7A  }
0x26: {  	[smem:$0x3F8E] =	sst s1;
	(tag) =	ssettag s2;
	_ =	strace s9  }
0x27: {  	s1 =	sld [smem:$0x3F9E]  }
0x28: {  	s2 =	sld [smem:$0x3F9F]  }
0x29: {  	s4 =	sld [smem:$0x3FA1]  }
0x2a: {  	p0 =	seq.s32 s5, $0x0;
	s5 =	sld [smem:$0x3FA2]  }
0x2b: {  	s6 =	sld [smem:$0x3FA3]  }
0x2c: {  	s7 =	sld [smem:$0x3FA4]  }
0x2d: {  	s3 =	simm.s32 $0x108;
	s8 =	sld [smem:$0x3FA5]  }
0x2e: {  	s3 =	simm.s32 @!p0 $0x1082;
	s9 =	sld [smem:$0x3FA6]  }
0x2f: {  	lr =	sadd.s32 s0, s3;
	s0 =	sld [smem:$0x3F9D]  }
0x30: {  	s3 =	sld [smem:$0x3FA0]  }
0x31: {  	[smem:$0x3FA9] =	sst s10  }
0x32: {  	s10 =	sld [smem:$0x3FA7];
	_ =	sdelay $0x3  }
0x33: {  	p0 =	seq.s32 s10, $0x1;
	s10 =	sld [smem:$0x3FA9];
	_ =	sdelay $0x3  }
0x34: {  	[smem:$0x3FA9] =	sst s10  }
0x35: {  	s10 =	sld [smem:$0x3FA8];
	_ =	sdelay $0x3  }
0x36: {  	p1 =	seq.s32 s10, $0x1;
	s10 =	sld [smem:$0x3FA9];
	_ =	sdelay $0x3  }
0x37: {  	[smem:$0x3FA9] =	sst s10  }
0x38: {  	s10 =	sld [smem:$0x3FAA]  }
0x39: {  	_ = 	snop;
	(pc) =	sbr.ind lr, $3  }
0x3a: {  	_ = 	snop  }
0x3b: {  	_ = 	snop  }
0x3c: {  	p2 =	seq.s32 s10, $0x1;
	s10 =	sld [smem:$0x3FA9]  }
0x3d: {  	_ =	shalt  }
0x3e: {  	_ =	shalt  }
0x3f: {  	_ =	shalt  }
0x40: {  	_ =	shalt  }
0x41: {  	_ =	shalt  }
0x42: {  	_ =	shalt  }
0x43: {  	_ =	shalt  }
0x44: {  	_ =	shalt  }
0x45: {  	_ =	shalt  }
0x46: {  	_ =	shalt  }
0x47: {  	_ =	shalt  }
0x48: {  	_ =	shalt  }
0x49: {  	_ =	shalt  }
0x4a: {  	_ =	shalt  }
0x4b: {  	_ =	shalt  }
0x4c: {  	_ =	shalt  }
0x4d: {  	_ =	shalt  }
0x4e: {  	_ =	shalt  }
0x4f: {  	_ =	shalt  }
0x50: {  	_ =	shalt  }
0x51: {  	_ =	shalt  }
0x52: {  	_ =	shalt  }
0x53: {  	_ =	shalt  }
0x54: {  	_ =	shalt  }
0x55: {  	_ =	shalt  }
0x56: {  	_ =	shalt  }
0x57: {  	_ =	shalt  }
0x58: {  	_ =	shalt  }
0x59: {  	_ =	shalt  }
0x5a: {  	_ =	shalt  }
0x5b: {  	_ =	shalt  }
0x5c: {  	_ =	shalt  }
0x5d: {  	_ =	shalt  }
0x5e: {  	_ =	shalt  }
0x5f: {  	_ =	shalt  }
0x60: {  	_ =	shalt  }
0x61: {  	_ =	shalt  }
0x62: {  	_ =	shalt  }
0x63: {  	_ =	shalt  }
0x64: {  	_ =	shalt  }
0x65: {  	_ =	shalt  }
0x66: {  	_ =	shalt  }
0x67: {  	_ =	shalt  }
0x68: {  	_ =	shalt  }
0x69: {  	_ =	shalt  }
0x6a: {  	_ =	shalt  }
0x6b: {  	_ =	shalt  }
0x6c: {  	_ =	shalt  }
0x6d: {  	_ =	shalt  }
0x6e: {  	_ =	shalt  }
0x6f: {  	_ =	shalt  }
0x70: {  	_ =	shalt  }
0x71: {  	_ =	shalt  }
0x72: {  	_ =	shalt  }
0x73: {  	_ =	shalt  }
0x74: {  	_ =	shalt  }
0x75: {  	_ =	shalt  }
0x76: {  	_ =	shalt  }
0x77: {  	_ =	shalt  }
0x78: {  	_ =	shalt  }
0x79: {  	_ =	shalt  }
0x7a: {  	_ =	shalt  }
0x7b: {  	_ =	shalt  }
0x7c: {  	_ =	shalt  }
0x7d: {  	_ =	shalt  }
0x7e: {  	_ =	shalt  }
0x7f: {  	_ =	shalt  }
0x80: {  	_ =	shalt  }
0x81: {  	_ =	shalt  }
0x82: {  	_ =	shalt  }
0x83: {  	_ =	shalt  }
0x84: {  	_ =	shalt  }
0x85: {  	_ =	shalt  }
0x86: {  	_ =	shalt  }
0x87: {  	_ =	shalt  }
.Lfunc_end0:
.L_simem_size_0:
called_computation_lowered:
.L_overlay_start_0:
0x88: {  	s2 =	sld [smem:$0x3FD9]  }
0x89: {  	s3 =	sld [smem:$0x3FFE];
	_ =	sdelay $0x1  }
0x8a: {  	s1 =	srdreg.scid  }
0x8b: {  	s0 =	sand.u32 $0x1, s1  }
0x8c: {  	s17 =	sshll.u32 s0, $0xA;
	s2 =	sadd.s32 s3, s2  }
0x8d: {  	s2 =	sadd.s32 s2, s17  }
0x8e: {  	[smem:$0x3FB5] =	sst s2  }
0x8f: {  	_ = 	snop  }
0x90: {  	s2 =	sld [smem:$0x3FD0];
	(tm) =	ssettm $0x1  }
0x91: {  	s18 =	sld [smem:$0x3FFB];
	_ =	sdelay $0x3  }
0x92: {  	_ =	strace s18  }
0x93: {  	s3 =	sld [smem:$0x3FFC];
	_ =	sdelay $0x3  }
0x94: {  	_ =	strace s3  }
0x95: {  	s3 =	sld [smem:$0x3FFD];
	_ =	sdelay $0x3  }
0x96: {  	_ =	strace s3  }
0x97: {  	_ =	strace $0x8FFFFFFF  }
0x98: {  	s19 =	sld [smem:$0x3FDB];
	_ =	sdelay $0x1  }
0x99: {  	s4 =	simm.s32 $_scs_section_size  }
0x9a: {  	s5 =	simm.s32 $_size__tile_overlayer_lowered;
	s6 =	simm.s32 $_tile_overlayer_lowered  }
0x9b: {  	s22 =	simm.s32 $0x1BFF;
	s21 =	sshll.u32 s6, $0x1;
	s3 =	sadd.s32 s4, s19  }
0x9c: {  	s7 =	simm.s32 $0x0;
	s20 =	sshll.u32 s5, $0x1;
	s5 =	sadd.s32 s21, s3  }
0x9d: {  	[timem:s7], [sflag:s22] =	dma.local [hbm:s5], s20  }
0x9e: {  	_ =	swait.ge [sflag:s22], s20  }
0x9f: {  	s4 =	ssub.s32 $0x0, s20;
	[sflag:s22] =	ssyncset.done $0x0  }
0xa0: {  	[sflag:s22] =	ssyncadd.s32 s4;
	_ =	sdelay $0x1  }
0xa1: {  	s23 =	simm.s32 $0x1B8B  }
0xa2: {  	_ =	swait.ge [sflag:s23], $0x1  }
0xa3: {  	[sflag:s23] =	ssyncset.done $0x0  }
0xa4: {  	s25 =	simm.s32 $0x1B8E;
	s24 =	sld [smem:$0x3FFE];
	[sflag:s23] =	ssyncadd.s32 $0xFFFFFFFF  }
0xa5: {  	s26 =	simm.s32 $execute0_lowered;
	[smem:$0x3FD2] =	sst s25  }
0xa6: {  	s5 =	sshll.u32 s26, $0x1;
	_ =	strace $0x80000046;
	[dreg:$0x1] =	wrdreg $0xFFFFFFFF  }
0xa7: {  	s28 =	simm.s32 $_size_execute0_lowered;
	s3 =	sadd.s32 s3, s5;
	[dreg:$0x0] =	wrdreg $0x0  }
0xa8: {  	s5 =	sshll.u32 s28, $0x1;
	[dreg:$0x2] =	wrdreg s3  }
0xa9: {  	[dreg:$0x3] =	wrdreg s5  }
0xaa: {  	[dreg:$0x4] =	wrdreg $0xC0  }
0xab: {  	_ =	task [dreg:s7], $0x5FFFF  }
0xac: {  	[dreg:$0x1] =	wrdreg $0xFFFFFFFF  }
0xad: {  	[dreg:$0x0] =	wrdreg $0x60  }
0xae: {  	[dreg:$0x2] =	wrdreg s24  }
0xaf: {  	[dreg:$0x3] =	wrdreg s2  }
0xb0: {  	[dreg:$0x4] =	wrdreg $0x70900  }
0xb1: {  	[dreg:$0x5] =	wrdreg $0x9  }
0xb2: {  	_ =	task.clear_ibuf [dreg:s7], $0x6FFFF;
	_ =	strace $0x90000046  }
0xb3: {  	s29 =	simm.s32 $0x9;
	_ =	strace $0x80000048  }
0xb4: {  	_ =	swait.ge [sflag:s29], $0x1  }
0xb5: {  	[sflag:s29] =	ssyncadd.s32 $0xFFFFFFFF  }
0xb6: {  	_ =	strace $0x90000048  }
0xb7: {  	_ =	sfence  }
0xb8: {  	s30 =	sld [smem:$0x0];
	_ =	sdelay $0x2  }
0xb9: {  	s31 =	sshll.u32 s1, $0xD;
	s1 =	sshrl.u32 s1, $0x2  }
0xba: {  	s3 =	sand.u32 $0x4000, s31;
	s1 =	sadd.s32 s1, s30  }
0xbb: {  	s0 =	sor.u32 s3, s0;
	s1 =	sshll.u32 s1, $0x11  }
0xbc: {  	s0 =	sor.u32 s1, s0  }
0xbd: {  	s0 =	sadd.s32 $0x8F2B, s0  }
0xbe: {  	[sflag:s0] =	ssyncadd.remote.s32 $0x1  }
0xbf: {  	_ =	sfence.sel $0xFFFF  }
0xc0: {  	[dreg:$0x0] =	wrdreg $0xFFFFFFFF;
	(pc) =	sbr.abs _section_cstart, $3  }
0xc1: {  	[dreg:$0x1] =	wrdreg $0xFFFFFFFF  }
0xc2: {  	_ =	task.clear_ibuf [dreg:s7], $0x2FFFF;
	_ =	strace $0x9FFFFFFF  }
0xc3: {  	(tm) =	ssettm $0x7FFFFFFF  }
tec
execute0_lowered:
.L_overlay_start_1:
0x0: {  	(tag) =	ssettag $0x1  }
0x1: {  	s7 =	rddreg [dreg:$0x0]  }
0x2: {  	s2 =	rddreg [dreg:$0x1]  }
0x3: {  	s0 =	srdreg.scid;
	s3 =	rddreg [dreg:$0x2]  }
0x4: {  	s1 =	stileid.u32;
	s4 =	simm.s32 $0x0;
	s15 =	simm.s32 $0x2  }
0x5: {  	s16 =	simm.s32 $0x4800;
	s17 =	simm.s32 $0x4;
	s18 =	simm.s32 $0x6F10  }
0x6: {  	s19 =	simm.s32 $0x3;
	s20 =	simm.s32 $0x80;
	s21 =	simm.s32 $0x1  }
0x7: {  	s22 =	simm.s32 $0x6F90;
	s8 =	sand.u32 $0x1, s0;
	s0 =	rddreg [dreg:$0x3]  }
0x8: {  	s24 =	simm.s32 $0x0;
	s9 =	smul.u32 $0x16800, s1;
	[smem:$0x7FF] =	sst s4  }
0x9: {  	s6 =	sadd.s32 $0x7F000, s7;
	s12 =	sshll.u32 s1, $0x1;
	s13 =	smul.u32 $0x5A000, s1  }
0xa: {  	s5 =	smul.u32 $0x168000, s8;
	_ =	strace $0x80000047;
	s11 =	ssub.s32 $0x2, s8  }
0xb: {  	s8 =	sor.u32 s8, s12;
	s30 =	sshrl.u32 s11, $0x1;
	s31 =	sshrl.u32 s13, $0x2  }
0xc: {  	s23 =	sadd.s32 s9, s3;
	s10 =	sadd.s32 s9, s5;
	s5 =	sadd.s32 $0x52000, s7  }
0xd: {  	v0 =	vlaneseq.u32;
	s11 =	ssub.s32 s11, s30;
	s9 =	sadd.s32 s31, s3;
	s23 =	sshrl.u32 s23, $0x3  }
0xe: {  	v1 =	vmul.u32 $0x90, v0;
	s10 =	sshrl.u32 s10, $0x3;
	s12 =	sadd.s32 $0x9000, s9;
	s13 =	sadd.s32 $0xD800, s9  }
0xf: {  	s14 =	sadd.s32 $0x12000, s9;
	s10 =	sadd.s32 s10, s7;
	s7 =	smul.u32 $0x7680, s8  }
0x10: {  	v0 =	vimm.f32 $0.0e+00;
	v1 =	vadd.s32 $0x81, v1;
	s8 =	sadd.s32 $0x7F600, s10;
	s10 =	smax.u32 s11, $0x1;
	s11 =	sadd.s32 $0x4800, s9  }
.LBB2_1:
0x11: {  	s25 =	simm.s32 $0x0;
	s26 =	simm.s32 $0x240  }
.LBB2_2:
0x12: {  	p0 =	sne.s32 s26, $0x11DC0;
	[tilespmem:s25+$0x80] =	vst v0  }
0x13: {  	[tilespmem:s25+$0x0] =	vst v0  }
0x14: {  	[tilespmem:s25+$0x10] =	vst v0  }
0x15: {  	[tilespmem:s25+$0x20] =	vst v0  }
.Ltmp0:
0x16: {  	[tilespmem:s25+$0x30] =	vst v0;
	(pc) =	sbr.rel @p0 .LBB2_2-.Ltmp0, $4  }
0x17: {  	[tilespmem:s25+$0x40] =	vst v0  }
0x18: {  	[tilespmem:s25+$0x50] =	vst v0  }
0x19: {  	[tilespmem:s25+$0x60] =	vst v0  }
0x1a: {  	[tilespmem:s25+$0x70] =	vst v0;
	s25 =	sshra.s32 s26, $0x2;
	s26 =	sadd.s32 $0x240, s26  }
0x1b: {  	[tilespmem:s25+$0x80] =	vst v0  }
0x1c: {  	[tilespmem:s25+$0x0] =	vst v0  }
0x1d: {  	[tilespmem:s25+$0x10] =	vst v0  }
0x1e: {  	[tilespmem:s25+$0x20] =	vst v0  }
0x1f: {  	[tilespmem:s25+$0x30] =	vst v0  }
0x20: {  	[tilespmem:s25+$0x40] =	vst v0  }
0x21: {  	[tilespmem:s25+$0x50] =	vst v0  }
0x22: {  	[tilespmem:s25+$0x60] =	vst v0  }
0x23: {  	[tilespmem:s25+$0x70] =	vst v0;
	s25 =	simm.s32 $0x0  }
0x24: {  	[spmem:s9] =	stream.linear.scatter [tilespmem:s25], [sflag:$0x2], $0x4800, $0x38;
	[tilespmem:$0x1D890] =	vst v63  }
0x25: {  	_ =	swait.ge [sflag:s15], $0x4800  }
0x26: {  	[sflag:s15] =	ssyncset.done $0x0  }
0x27: {  	[sflag:s15] =	ssyncadd.s32 $0xFFFFB800  }
0x28: {  	[spmem:s11] =	stream.linear.scatter [tilespmem:s25], [sflag:$0x2], $0x4800, $0x38;
	[tilespmem:$0x1D890] =	vst v63  }
0x29: {  	_ =	swait.ge [sflag:s15], $0x4800  }
0x2a: {  	[sflag:s15] =	ssyncset.done $0x0  }
0x2b: {  	[sflag:s15] =	ssyncadd.s32 $0xFFFFB800  }
0x2c: {  	[spmem:s12] =	stream.linear.scatter [tilespmem:s25], [sflag:$0x2], $0x4800, $0x38;
	[tilespmem:$0x1D890] =	vst v63  }
0x2d: {  	_ =	swait.ge [sflag:s15], $0x4800  }
0x2e: {  	[sflag:s15] =	ssyncset.done $0x0  }
0x2f: {  	[sflag:s15] =	ssyncadd.s32 $0xFFFFB800  }
0x30: {  	[spmem:s13] =	stream.linear.scatter [tilespmem:s25], [sflag:$0x2], $0x4800, $0x38;
	[tilespmem:$0x1D890] =	vst v63  }
0x31: {  	_ =	swait.ge [sflag:s15], $0x4800  }
0x32: {  	[sflag:s15] =	ssyncset.done $0x0  }
0x33: {  	[sflag:s15] =	ssyncadd.s32 $0xFFFFB800  }
0x34: {  	[spmem:s14] =	stream.linear.scatter [tilespmem:s25], [sflag:$0x2], $0x4800, $0x38;
	[tilespmem:$0x1D890] =	vst v63  }
0x35: {  	_ =	swait.ge [sflag:s15], $0x4800  }
0x36: {  	[sflag:s15] =	ssyncset.done $0x0  }
0x37: {  	[sflag:s15] =	ssyncadd.s32 $0xFFFFB800  }
0x38: {  	[bflag:$0x0] =	sbarrier.arrive $0xFFFF  }
0x39: {  	[tilespmem:s16], [sflag:$0x4] =	stream.linear.gather [hbm4b:s6+s25], $0x2710, $0x38;
	[tilespmem:$0x1D890] =	vst v63  }
0x3a: {  	_ =	swait.ge [sflag:s17], $0x2710  }
0x3b: {  	[sflag:s17] =	ssyncset.done $0x0  }
0x3c: {  	s26 =	simm.s32 $0x0;
	[sflag:s17] =	ssyncadd.s32 $0xFFFFD8F0  }
.LBB2_4:
0x3d: {  	s28 =	smul.u32 $0x180, s26;
	_ =	sdelay $0x1  }
0x3e: {  	s28 =	sadd.s32 s7, s28  }
0x3f: {  	s28 =	sshrl.u32 s28, $0x3  }
0x40: {  	s28 =	sadd.s32 s2, s28  }
0x41: {  	[tilespmem:s18], [sflag:$0x3] =	stream.linear.gather [hbm4b:s28+s25], $0x180, $0x38;
	[tilespmem:$0x1D890] =	vst v63  }
0x42: {  	_ =	swait.ge [sflag:s19], $0x180  }
0x43: {  	[sflag:s19] =	ssyncset.done $0x0  }
0x44: {  	[sflag:s19] =	ssyncadd.s32 $0xFFFFFE80  }
0x45: {  	[tilespmem:s25], [sflag:$0x1] =	stream.indirect.gather [hbm4b:s5+s20], $0x90, s18, s20, $0xb8;
	[tilespmem:$0x1D890] =	vst v63  }
0x46: {  	_ =	swait.ge [sflag:s21], $0x4800  }
0x47: {  	[sflag:s21] =	ssyncset.done $0x0  }
0x48: {  	s28 =	simm.s32 $0x0;
	[sflag:s21] =	ssyncadd.s32 $0xFFFFB800  }
.LBB2_5:
0x49: {  	s29 =	sshll.u32 s28, $0x4  }
0x4a: {  	v2 =	vmov s29  }
0x4b: {  	v3 =	vld [tilespmem:s29+$0x6F90];
	v2 =	vmul.u32 $0x90, v2;
	_ =	sdelay $0x1  }
0x4c: {  	v2 =	vbroadcast v2, $0x0;
	_ =	sdelay $0x1  }
0x4d: {  	v2 =	vadd.s32 v1, v2;
	_ =	sdelay $0x3  }
0x4e: {  	v3 =	vld.idx.msk [tilespmem:v3+s16+$0x0], $0xffff  }
0x4f: {  	v2 =	vld.idx.msk [tilespmem:v2+s4+$0x0], $0xffff;
	_ =	sdelay $0x1  }
0x50: {  	v4 =	vld [tilespmem:s29+$0x7010];
	_ =	sdelay $0x2  }
0x51: {  	v2 =	vadd.f32 v3, v2;
	_ =	sdelay $0x1  }
0x52: {  	v2 =	vadd.f32 v4, v2;
	_ =	sdelay $0x1  }
0x53: {  	v3 =	vmul.f32 $2.000000030e-01, v2  }
0x54: {  	vm0 =	vgt.f32 v2, $0.0e+00  }
0x55: {  	v2 =	vsel vm0, v2, v3  }
0x56: {  	v2 =	vmul.f32 $1.442695020e+00, v2;
	_ =	sdelay $0x1  }
0x57: {  	(erf) = vpow2.f32 v2;
	_ =	sdelay $0x2  }
0x58: {  	s31 =	smul.u32 $0x2400, s28;
	_ =	sdelay $0x1  }
0x59: {  	s29 =	sshra.s32 s31, $0x2  }
0x5a: {  	v51 =	vld [tilespmem:s29+$0x10]  }
0x5b: {  	v3 =	vld [tilespmem:s29+$0x0]  }
0x5c: {  	v5 =	vld [tilespmem:s29+$0x20]  }
0x5d: {  	v7 =	vld [tilespmem:s29+$0x30];
	v2 =	vpop (erf)  }
0x5e: {  	v8 =	vld [tilespmem:s29+$0x40];
	v6 =	vbroadcast v2, $0x0  }
0x5f: {  	v9 =	vld [tilespmem:s29+$0x50]  }
0x60: {  	v10 =	vld [tilespmem:s29+$0x60];
	v3 =	vmul.f32 v6, v3  }
0x61: {  	v52 =	vld [tilespmem:s29+$0x70];
	v4 =	vmul.f32 v6, v51  }
0x62: {  	v54 =	vld [tilespmem:s29+$0x80];
	[tilespmem:s29+$0x0] =	vst v3;
	v3 =	vmul.f32 v6, v5  }
0x63: {  	v55 =	vld [tilespmem:s29+$0x90];
	v53 =	vmul.f32 v7, v6;
	[tilespmem:s29+$0x10] =	vst v4  }
0x64: {  	v57 =	vld [tilespmem:s29+$0xA0];
	[tilespmem:s29+$0x20] =	vst v3;
	v3 =	vmul.f32 v8, v6  }
0x65: {  	v58 =	vld [tilespmem:s29+$0xB0];
	v56 =	vmul.f32 v9, v6;
	[tilespmem:s29+$0x30] =	vst v53  }
0x66: {  	v11 =	vld [tilespmem:s29+$0xC0];
	[tilespmem:s29+$0x40] =	vst v3;
	v3 =	vmul.f32 v10, v6  }
0x67: {  	v61 =	vld [tilespmem:s29+$0xD0];
	v60 =	vbroadcast v2, $0x1;
	v59 =	vmul.f32 v52, v6;
	[tilespmem:s29+$0x50] =	vst v56  }
0x68: {  	v63 =	vld [tilespmem:s29+$0xE0];
	[tilespmem:s29+$0x60] =	vst v3;
	v3 =	vmul.f32 v54, v6  }
0x69: {  	v12 =	vld [tilespmem:s29+$0xF0];
	v62 =	vmul.f32 v55, v60;
	[tilespmem:s29+$0x70] =	vst v59  }
0x6a: {  	v14 =	vld [tilespmem:s29+$0x100];
	[tilespmem:s29+$0x80] =	vst v3;
	v3 =	vmul.f32 v57, v60  }
0x6b: {  	v15 =	vld [tilespmem:s29+$0x110];
	v13 =	vmul.f32 v58, v60;
	[tilespmem:s29+$0x90] =	vst v62  }
0x6c: {  	v17 =	vld [tilespmem:s29+$0x120];
	[tilespmem:s29+$0xA0] =	vst v3;
	v3 =	vmul.f32 v11, v60  }
0x6d: {  	v18 =	vld [tilespmem:s29+$0x130];
	v16 =	vmul.f32 v61, v60;
	[tilespmem:s29+$0xB0] =	vst v13  }
0x6e: {  	v20 =	vld [tilespmem:s29+$0x140];
	[tilespmem:s29+$0xC0] =	vst v3;
	v3 =	vmul.f32 v63, v60  }
0x6f: {  	v22 =	vld [tilespmem:s29+$0x150];
	v19 =	vmul.f32 v12, v60;
	[tilespmem:s29+$0xD0] =	vst v16  }
0x70: {  	v24 =	vld [tilespmem:s29+$0x160];
	v21 =	vbroadcast v2, $0x2;
	[tilespmem:s29+$0xE0] =	vst v3;
	v3 =	vmul.f32 v14, v60  }
0x71: {  	v25 =	vld [tilespmem:s29+$0x170];
	v23 =	vmul.f32 v15, v60;
	[tilespmem:s29+$0xF0] =	vst v19  }
0x72: {  	v27 =	vld [tilespmem:s29+$0x180];
	[tilespmem:s29+$0x100] =	vst v3;
	v3 =	vmul.f32 v17, v21  }
0x73: {  	v28 =	vld [tilespmem:s29+$0x190];
	v26 =	vmul.f32 v18, v21;
	[tilespmem:s29+$0x110] =	vst v23  }
0x74: {  	v30 =	vld [tilespmem:s29+$0x1A0];
	[tilespmem:s29+$0x120] =	vst v3;
	v3 =	vmul.f32 v20, v21  }
0x75: {  	v31 =	vld [tilespmem:s29+$0x1B0];
	v29 =	vmul.f32 v22, v21;
	[tilespmem:s29+$0x130] =	vst v26  }
0x76: {  	v33 =	vld [tilespmem:s29+$0x1C0];
	[tilespmem:s29+$0x140] =	vst v3;
	v3 =	vmul.f32 v24, v21  }
0x77: {  	v34 =	vld [tilespmem:s29+$0x1D0];
	v32 =	vmul.f32 v25, v21;
	[tilespmem:s29+$0x150] =	vst v29  }
0x78: {  	v37 =	vld [tilespmem:s29+$0x1E0];
	[tilespmem:s29+$0x160] =	vst v3;
	v3 =	vmul.f32 v27, v21  }
0x79: {  	v38 =	vld [tilespmem:s29+$0x1F0];
	v36 =	vbroadcast v2, $0x3;
	v35 =	vmul.f32 v28, v21;
	[tilespmem:s29+$0x170] =	vst v32  }
0x7a: {  	v40 =	vld [tilespmem:s29+$0x200];
	[tilespmem:s29+$0x180] =	vst v3;
	v3 =	vmul.f32 v30, v21  }
0x7b: {  	v41 =	vld [tilespmem:s29+$0x210];
	v39 =	vmul.f32 v31, v36;
	[tilespmem:s29+$0x190] =	vst v35  }
0x7c: {  	v43 =	vld [tilespmem:s29+$0x220];
	[tilespmem:s29+$0x1A0] =	vst v3;
	v3 =	vmul.f32 v33, v36  }
0x7d: {  	v44 =	vld [tilespmem:s29+$0x230];
	v42 =	vmul.f32 v34, v36;
	[tilespmem:s29+$0x1B0] =	vst v39  }
0x7e: {  	v46 =	vld [tilespmem:s29+$0x240];
	[tilespmem:s29+$0x1C0] =	vst v3;
	v3 =	vmul.f32 v37, v36  }
0x7f: {  	v47 =	vld [tilespmem:s29+$0x250];
	v45 =	vmul.f32 v38, v36;
	[tilespmem:s29+$0x1D0] =	vst v42  }
0x80: {  	v49 =	vld [tilespmem:s29+$0x260];
	[tilespmem:s29+$0x1E0] =	vst v3;
	v3 =	vmul.f32 v40, v36  }
0x81: {  	v48 =	vmul.f32 v41, v36;
	v51 =	vld [tilespmem:s29+$0x270];
	[tilespmem:s29+$0x1F0] =	vst v45  }
0x82: {  	v50 =	vbroadcast v2, $0x4;
	v15 =	vld [tilespmem:s29+$0x310];
	[tilespmem:s29+$0x200] =	vst v3;
	v3 =	vmul.f32 v43, v36  }
0x83: {  	v52 =	vmul.f32 v44, v36;
	[tilespmem:s29+$0x210] =	vst v48;
	v53 =	vld [tilespmem:s29+$0x280]  }
0x84: {  	v18 =	vld [tilespmem:s29+$0x330];
	[tilespmem:s29+$0x220] =	vst v3;
	v3 =	vmul.f32 v46, v50  }
0x85: {  	v55 =	vmul.f32 v47, v50;
	[tilespmem:s29+$0x230] =	vst v52;
	v56 =	vld [tilespmem:s29+$0x2A0]  }
0x86: {  	v28 =	vld [tilespmem:s29+$0x390];
	[tilespmem:s29+$0x240] =	vst v3;
	v3 =	vmul.f32 v49, v50  }
0x87: {  	[tilespmem:s29+$0x250] =	vst v55;
	v59 =	vld [tilespmem:s29+$0x2C0];
	v13 =	vbroadcast v2, $0x5;
	v58 =	vmul.f32 v51, v50  }
0x88: {  	v44 =	vld [tilespmem:s29+$0x430];
	[tilespmem:s29+$0x260] =	vst v3;
	v3 =	vmul.f32 v53, v50  }
0x89: {  	v62 =	vld [tilespmem:s29+$0x2E0];
	v22 =	vmul.f32 v15, v13;
	[tilespmem:s29+$0x270] =	vst v58  }
0x8a: {  	v54 =	vld [tilespmem:s29+$0x290];
	[tilespmem:s29+$0x280] =	vst v3;
	v3 =	vmul.f32 v56, v50  }
0x8b: {  	v42 =	vbroadcast v2, $0x7;
	v25 =	vmul.f32 v18, v13;
	[tilespmem:s29+$0x310] =	vst v22;
	v14 =	vld [tilespmem:s29+$0x300]  }
0x8c: {  	v47 =	vld [tilespmem:s29+$0x450];
	[tilespmem:s29+$0x2A0] =	vst v3;
	v3 =	vmul.f32 v59, v50  }
0x8d: {  	v51 =	vmul.f32 v44, v42;
	[tilespmem:s29+$0x330] =	vst v25;
	v17 =	vld [tilespmem:s29+$0x320]  }
0x8e: {  	v57 =	vld [tilespmem:s29+$0x2B0];
	[tilespmem:s29+$0x2C0] =	vst v3;
	v3 =	vmul.f32 v62, v13  }
0x8f: {  	[tilespmem:s29+$0x430] =	vst v51;
	v61 =	vmul.f32 v54, v50;
	v20 =	vld [tilespmem:s29+$0x340]  }
0x90: {  	v63 =	vld [tilespmem:s29+$0x2F0];
	[tilespmem:s29+$0x2E0] =	vst v3;
	v3 =	vmul.f32 v14, v13  }
0x91: {  	v23 =	vld [tilespmem:s29+$0x360];
	v54 =	vmul.f32 v47, v42;
	[tilespmem:s29+$0x290] =	vst v61  }
0x92: {  	v60 =	vld [tilespmem:s29+$0x2D0];
	[tilespmem:s29+$0x300] =	vst v3;
	v3 =	vmul.f32 v17, v13  }
0x93: {  	v26 =	vld [tilespmem:s29+$0x380];
	v12 =	vmul.f32 v57, v50;
	[tilespmem:s29+$0x450] =	vst v54  }
0x94: {  	v31 =	vld [tilespmem:s29+$0x3B0];
	v27 =	vbroadcast v2, $0x6;
	[tilespmem:s29+$0x320] =	vst v3;
	v3 =	vmul.f32 v20, v13  }
0x95: {  	[tilespmem:s29+$0x2B0] =	vst v12;
	v19 =	vmul.f32 v63, v13;
	v30 =	vld [tilespmem:s29+$0x3A0]  }
0x96: {  	v34 =	vld [tilespmem:s29+$0x3D0];
	[tilespmem:s29+$0x340] =	vst v3;
	v3 =	vmul.f32 v23, v27  }
0x97: {  	v16 =	vmul.f32 v60, v13;
	[tilespmem:s29+$0x2F0] =	vst v19;
	v33 =	vld [tilespmem:s29+$0x3C0]  }
0x98: {  	v24 =	vld [tilespmem:s29+$0x370];
	[tilespmem:s29+$0x360] =	vst v3;
	v3 =	vmul.f32 v26, v27  }
0x99: {  	[tilespmem:s29+$0x2D0] =	vst v16;
	v35 =	vmul.f32 v28, v27;
	v36 =	vld [tilespmem:s29+$0x3E0]  }
0x9a: {  	v39 =	vld [tilespmem:s29+$0x400];
	[tilespmem:s29+$0x380] =	vst v3;
	v3 =	vmul.f32 v30, v27  }
0x9b: {  	v52 =	vld [tilespmem:s29+$0x480];
	v38 =	vmul.f32 v31, v27;
	[tilespmem:s29+$0x390] =	vst v35  }
0x9c: {  	v21 =	vld [tilespmem:s29+$0x350];
	[tilespmem:s29+$0x3A0] =	vst v3;
	v3 =	vmul.f32 v33, v27  }
0x9d: {  	v41 =	vmul.f32 v34, v27;
	[tilespmem:s29+$0x3B0] =	vst v38;
	v43 =	vld [tilespmem:s29+$0x420]  }
0x9e: {  	v32 =	vmul.f32 v24, v27;
	v24 =	vld [tilespmem:s29+$0x570];
	[tilespmem:s29+$0x3C0] =	vst v3;
	v3 =	vmul.f32 v36, v27  }
0x9f: {  	[tilespmem:s29+$0x3D0] =	vst v41;
	v46 =	vld [tilespmem:s29+$0x440]  }
0xa0: {  	v37 =	vld [tilespmem:s29+$0x3F0];
	[tilespmem:s29+$0x3E0] =	vst v3;
	v3 =	vmul.f32 v39, v42  }
0xa1: {  	v19 =	vbroadcast v2, $0x9;
	[tilespmem:s29+$0x370] =	vst v32;
	v29 =	vmul.f32 v21, v13;
	v49 =	vld [tilespmem:s29+$0x460]  }
0xa2: {  	v21 =	vld [tilespmem:s29+$0x550];
	[tilespmem:s29+$0x400] =	vst v3;
	v3 =	vmul.f32 v43, v42  }
0xa3: {  	v55 =	vld [tilespmem:s29+$0x4A0];
	v31 =	vmul.f32 v24, v19;
	[tilespmem:s29+$0x350] =	vst v29  }
0xa4: {  	v40 =	vld [tilespmem:s29+$0x410];
	[tilespmem:s29+$0x420] =	vst v3;
	v3 =	vmul.f32 v46, v42  }
0xa5: {  	v57 =	vld [tilespmem:s29+$0x4B0];
	[tilespmem:s29+$0x570] =	vst v31;
	v45 =	vmul.f32 v37, v42  }
0xa6: {  	v63 =	vld [tilespmem:s29+$0x4F0];
	v56 =	vbroadcast v2, $0x8;
	[tilespmem:s29+$0x440] =	vst v3;
	v3 =	vmul.f32 v49, v42  }
0xa7: {  	v28 =	vmul.f32 v21, v19;
	[tilespmem:s29+$0x3F0] =	vst v45;
	v59 =	vld [tilespmem:s29+$0x4C0]  }
0xa8: {  	v60 =	vld [tilespmem:s29+$0x4D0];
	[tilespmem:s29+$0x460] =	vst v3;
	v3 =	vmul.f32 v52, v56  }
0xa9: {  	v48 =	vmul.f32 v40, v42;
	[tilespmem:s29+$0x550] =	vst v28;
	v62 =	vld [tilespmem:s29+$0x4E0]  }
0xaa: {  	v53 =	vld [tilespmem:s29+$0x490];
	[tilespmem:s29+$0x480] =	vst v3;
	v3 =	vmul.f32 v55, v56  }
0xab: {  	[tilespmem:s29+$0x410] =	vst v48;
	v12 =	vmul.f32 v57, v56;
	v13 =	vld [tilespmem:s29+$0x500]  }
0xac: {  	v16 =	vld [tilespmem:s29+$0x520];
	[tilespmem:s29+$0x4A0] =	vst v3;
	v3 =	vmul.f32 v59, v56  }
0xad: {  	v34 =	vld [tilespmem:s29+$0x5D0];
	v15 =	vmul.f32 v60, v56;
	[tilespmem:s29+$0x4B0] =	vst v12  }
0xae: {  	v50 =	vld [tilespmem:s29+$0x470];
	[tilespmem:s29+$0x4C0] =	vst v3;
	v3 =	vmul.f32 v62, v56  }
0xaf: {  	v18 =	vmul.f32 v63, v56;
	[tilespmem:s29+$0x4D0] =	vst v15;
	v20 =	vld [tilespmem:s29+$0x540]  }
0xb0: {  	v61 =	vmul.f32 v53, v56;
	v53 =	vld [tilespmem:s29+$0x690];
	[tilespmem:s29+$0x4E0] =	vst v3;
	v3 =	vmul.f32 v13, v56  }
0xb1: {  	[tilespmem:s29+$0x4F0] =	vst v18;
	v23 =	vld [tilespmem:s29+$0x560]  }
0xb2: {  	v14 =	vld [tilespmem:s29+$0x510];
	[tilespmem:s29+$0x500] =	vst v3;
	v3 =	vmul.f32 v16, v19  }
0xb3: {  	v48 =	vbroadcast v2, $0xB;
	[tilespmem:s29+$0x490] =	vst v61;
	v58 =	vmul.f32 v50, v42;
	v26 =	vld [tilespmem:s29+$0x580]  }
0xb4: {  	v50 =	vld [tilespmem:s29+$0x670];
	[tilespmem:s29+$0x520] =	vst v3;
	v3 =	vmul.f32 v20, v19  }
0xb5: {  	v29 =	vld [tilespmem:s29+$0x5A0];
	v60 =	vmul.f32 v53, v48;
	[tilespmem:s29+$0x470] =	vst v58  }
0xb6: {  	v17 =	vld [tilespmem:s29+$0x530];
	[tilespmem:s29+$0x540] =	vst v3;
	v3 =	vmul.f32 v23, v19  }
0xb7: {  	v32 =	vld [tilespmem:s29+$0x5C0];
	[tilespmem:s29+$0x690] =	vst v60;
	v22 =	vmul.f32 v14, v19  }
0xb8: {  	v37 =	vld [tilespmem:s29+$0x5F0];
	v33 =	vbroadcast v2, $0xA;
	[tilespmem:s29+$0x560] =	vst v3;
	v3 =	vmul.f32 v26, v19  }
0xb9: {  	v57 =	vmul.f32 v50, v48;
	[tilespmem:s29+$0x510] =	vst v22;
	v36 =	vld [tilespmem:s29+$0x5E0]  }
0xba: {  	v40 =	vld [tilespmem:s29+$0x610];
	[tilespmem:s29+$0x580] =	vst v3;
	v3 =	vmul.f32 v29, v33  }
0xbb: {  	v25 =	vmul.f32 v17, v19;
	[tilespmem:s29+$0x670] =	vst v57;
	v39 =	vld [tilespmem:s29+$0x600]  }
0xbc: {  	v30 =	vld [tilespmem:s29+$0x5B0];
	[tilespmem:s29+$0x5A0] =	vst v3;
	v3 =	vmul.f32 v32, v33  }
0xbd: {  	[tilespmem:s29+$0x530] =	vst v25;
	v41 =	vmul.f32 v34, v33;
	v42 =	vld [tilespmem:s29+$0x620]  }
0xbe: {  	[tilespmem:s29+$0x5C0] =	vst v3;
	v3 =	vmul.f32 v36, v33  }
0xbf: {  	v45 =	vld [tilespmem:s29+$0x640];
	v44 =	vmul.f32 v37, v33;
	[tilespmem:s29+$0x5D0] =	vst v41  }
0xc0: {  	v27 =	vld [tilespmem:s29+$0x590];
	[tilespmem:s29+$0x5E0] =	vst v3;
	v3 =	vmul.f32 v39, v33  }
0xc1: {  	v47 =	vmul.f32 v40, v33;
	[tilespmem:s29+$0x5F0] =	vst v44;
	v49 =	vld [tilespmem:s29+$0x660]  }
0xc2: {  	v38 =	vmul.f32 v30, v33;
	v30 =	vld [tilespmem:s29+$0x7B0];
	[tilespmem:s29+$0x600] =	vst v3;
	v3 =	vmul.f32 v42, v33  }
0xc3: {  	[tilespmem:s29+$0x610] =	vst v47;
	v52 =	vld [tilespmem:s29+$0x680]  }
0xc4: {  	v43 =	vld [tilespmem:s29+$0x630];
	[tilespmem:s29+$0x620] =	vst v3;
	v3 =	vmul.f32 v45, v48  }
0xc5: {  	v25 =	vbroadcast v2, $0xD;
	[tilespmem:s29+$0x5B0] =	vst v38;
	v35 =	vmul.f32 v27, v19;
	v55 =	vld [tilespmem:s29+$0x6A0]  }
0xc6: {  	v27 =	vld [tilespmem:s29+$0x790];
	[tilespmem:s29+$0x640] =	vst v3;
	v3 =	vmul.f32 v49, v48  }
0xc7: {  	v58 =	vld [tilespmem:s29+$0x6C0];
	v37 =	vmul.f32 v30, v25;
	[tilespmem:s29+$0x590] =	vst v35  }
0xc8: {  	v46 =	vld [tilespmem:s29+$0x650];
	[tilespmem:s29+$0x660] =	vst v3;
	v3 =	vmul.f32 v52, v48  }
0xc9: {  	v61 =	vld [tilespmem:s29+$0x6E0];
	[tilespmem:s29+$0x7B0] =	vst v37;
	v51 =	vmul.f32 v43, v48  }
0xca: {  	v63 =	vld [tilespmem:s29+$0x6F0];
	v62 =	vbroadcast v2, $0xC;
	[tilespmem:s29+$0x680] =	vst v3;
	v3 =	vmul.f32 v55, v48  }
0xcb: {  	v34 =	vmul.f32 v27, v25;
	[tilespmem:s29+$0x630] =	vst v51;
	v13 =	vld [tilespmem:s29+$0x700]  }
0xcc: {  	v14 =	vld [tilespmem:s29+$0x710];
	[tilespmem:s29+$0x6A0] =	vst v3;
	v3 =	vmul.f32 v58, v62  }
0xcd: {  	v54 =	vmul.f32 v46, v48;
	[tilespmem:s29+$0x790] =	vst v34;
	v16 =	vld [tilespmem:s29+$0x720]  }
0xce: {  	v17 =	vld [tilespmem:s29+$0x730];
	[tilespmem:s29+$0x6C0] =	vst v3;
	v3 =	vmul.f32 v61, v62  }
0xcf: {  	[tilespmem:s29+$0x650] =	vst v54;
	v18 =	vmul.f32 v63, v62;
	v19 =	vld [tilespmem:s29+$0x740]  }
0xd0: {  	v59 =	vld [tilespmem:s29+$0x6D0];
	[tilespmem:s29+$0x6E0] =	vst v3;
	v3 =	vmul.f32 v13, v62  }
0xd1: {  	v22 =	vld [tilespmem:s29+$0x760];
	v21 =	vmul.f32 v14, v62;
	[tilespmem:s29+$0x6F0] =	vst v18  }
0xd2: {  	v56 =	vld [tilespmem:s29+$0x6B0];
	[tilespmem:s29+$0x700] =	vst v3;
	v3 =	vmul.f32 v16, v62  }
0xd3: {  	v24 =	vmul.f32 v17, v62;
	[tilespmem:s29+$0x710] =	vst v21;
	v26 =	vld [tilespmem:s29+$0x780]  }
0xd4: {  	v20 =	vld [tilespmem:s29+$0x750];
	[tilespmem:s29+$0x720] =	vst v3;
	v3 =	vmul.f32 v19, v62  }
0xd5: {  	v15 =	vmul.f32 v59, v62;
	[tilespmem:s29+$0x730] =	vst v24;
	v29 =	vld [tilespmem:s29+$0x7A0]  }
0xd6: {  	v23 =	vld [tilespmem:s29+$0x770];
	[tilespmem:s29+$0x740] =	vst v3;
	v3 =	vmul.f32 v22, v25  }
0xd7: {  	[tilespmem:s29+$0x6D0] =	vst v15;
	v12 =	vmul.f32 v56, v48;
	v32 =	vld [tilespmem:s29+$0x7C0]  }
0xd8: {  	v40 =	vld [tilespmem:s29+$0x810];
	[tilespmem:s29+$0x760] =	vst v3;
	v3 =	vmul.f32 v26, v25  }
0xd9: {  	v35 =	vld [tilespmem:s29+$0x7E0];
	[tilespmem:s29+$0x6B0] =	vst v12;
	v28 =	vmul.f32 v20, v25  }
0xda: {  	v43 =	vld [tilespmem:s29+$0x830];
	[tilespmem:s29+$0x780] =	vst v3;
	v3 =	vmul.f32 v29, v25  }
0xdb: {  	v38 =	vld [tilespmem:s29+$0x800];
	[tilespmem:s29+$0x750] =	vst v28;
	v31 =	vmul.f32 v23, v25;
	v39 =	vbroadcast v2, $0xE  }
0xdc: {  	v46 =	vld [tilespmem:s29+$0x850];
	[tilespmem:s29+$0x7A0] =	vst v3;
	v3 =	vmul.f32 v32, v25  }
0xdd: {  	[tilespmem:s29+$0x770] =	vst v31;
	v42 =	vld [tilespmem:s29+$0x820];
	v47 =	vmul.f32 v40, v39  }
0xde: {  	v36 =	vld [tilespmem:s29+$0x7F0];
	[tilespmem:s29+$0x7C0] =	vst v3;
	v3 =	vmul.f32 v35, v39  }
0xdf: {  	v50 =	vmul.f32 v43, v39;
	v45 =	vld [tilespmem:s29+$0x840];
	[tilespmem:s29+$0x810] =	vst v47  }
0xe0: {  	v33 =	vld [tilespmem:s29+$0x7D0];
	[tilespmem:s29+$0x7E0] =	vst v3;
	v3 =	vmul.f32 v38, v39  }
0xe1: {  	v53 =	vmul.f32 v46, v39;
	[tilespmem:s29+$0x830] =	vst v50;
	v48 =	vld [tilespmem:s29+$0x860]  }
0xe2: {  	v49 =	vld [tilespmem:s29+$0x870];
	[tilespmem:s29+$0x800] =	vst v3;
	v3 =	vmul.f32 v42, v39  }
0xe3: {  	v51 =	vld [tilespmem:s29+$0x880];
	v44 =	vmul.f32 v36, v39;
	[tilespmem:s29+$0x850] =	vst v53  }
0xe4: {  	v52 =	vld [tilespmem:s29+$0x890];
	[tilespmem:s29+$0x820] =	vst v3;
	v3 =	vmul.f32 v45, v39  }
0xe5: {  	v54 =	vld [tilespmem:s29+$0x8A0];
	v2 =	vbroadcast v2, $0xF;
	[tilespmem:s29+$0x7F0] =	vst v44;
	v41 =	vmul.f32 v33, v25  }
0xe6: {  	v58 =	vld [tilespmem:s29+$0x8D0];
	[tilespmem:s29+$0x840] =	vst v3;
	v3 =	vmul.f32 v48, v39  }
0xe7: {  	v57 =	vld [tilespmem:s29+$0x8C0];
	[tilespmem:s29+$0x7D0] =	vst v41;
	v56 =	vmul.f32 v49, v2  }
0xe8: {  	v55 =	vld [tilespmem:s29+$0x8B0];
	[tilespmem:s29+$0x860] =	vst v3;
	v3 =	vmul.f32 v51, v2  }
0xe9: {  	v60 =	vld [tilespmem:s29+$0x8E0];
	[tilespmem:s29+$0x870] =	vst v56;
	v59 =	vmul.f32 v52, v2  }
0xea: {  	v61 =	vld [tilespmem:s29+$0x8F0];
	[tilespmem:s29+$0x880] =	vst v3;
	v3 =	vmul.f32 v54, v2  }
0xeb: {  	[tilespmem:s29+$0x890] =	vst v59;
	v63 =	vmul.f32 v58, v2  }
0xec: {  	p0 =	sne.s32 s28, $0x7;
	[tilespmem:s29+$0x8A0] =	vst v3;
	v3 =	vmul.f32 v57, v2  }
.Ltmp1:
0xed: {  	[tilespmem:s29+$0x8D0] =	vst v63;
	v62 =	vmul.f32 v55, v2;
	(pc) =	sbr.rel @p0 .LBB2_5-.Ltmp1, $4  }
0xee: {  	[tilespmem:s29+$0x8C0] =	vst v3;
	v3 =	vmul.f32 v60, v2  }
0xef: {  	[tilespmem:s29+$0x8B0] =	vst v62;
	v2 =	vmul.f32 v61, v2  }
0xf0: {  	[tilespmem:s29+$0x8E0] =	vst v3  }
0xf1: {  	s28 =	sadd.s32 $0x1, s28;
	[tilespmem:s29+$0x8F0] =	vst v2  }
0xf2: {  	s26 =	sadd.s32 $0x1, s26  }
0xf3: {  	p0 =	sne.s32 s26, $0x4F  }
.Ltmp2:
0xf4: {  	_ = 	snop;
	(pc) =	sbr.rel @p0 .LBB2_4-.Ltmp2, $4  }
0xf5: {  	[spmem:s3] =	stream.indirect.scatter.add.f32 [tilespmem:s4], [sflag:$0x2], $0x90, s22, s20, $0xb8;
	[tilespmem:$0x1D890] =	vst v63  }
0xf6: {  	_ =	swait.ge [sflag:s15], $0x4800  }
0xf7: {  	[sflag:s15] =	ssyncset.done $0x0  }
0xf8: {  	[sflag:s15] =	ssyncadd.s32 $0xFFFFB800  }
0xf9: {  	s24 =	sadd.s32 $0x1, s24  }
0xfa: {  	s25 =	sshll.u32 s1, $0x6;
	p0 =	sne.s32 s24, s10  }
.Ltmp3:
0xfb: {  	[bflag:$0x0] =	sbarrier.arrive $0xFFFF;
	s25 =	sor.u32 $0x1C04, s25;
	(pc) =	sbr.rel @p0 .LBB2_1-.Ltmp3, $4  }
0xfc: {  	[hbm:s8], [sflag:s25] =	dma.local [spmem:s23], $0x2D00  }
0xfd: {  	_ =	swait.ge [sflag:s17], $0x2D00  }
0xfe: {  	[sflag:s17] =	ssyncset.done $0x0  }
0xff: {  	[sflag:s17] =	ssyncadd.s32 $0xFFFFD300  }
0x100: {  	_ =	sfence.sel $0x180000  }
0x101: {  	[bflag:$0x0] =	sbarrier.arrive $0xFFFF  }
0x102: {  	p0 =	sne.s32 s1, $0x0;
	_ =	strace $0x90000047  }
0x103: {  	s0 =	sadd.s32 @!p0 $0x100000, s0;
	[bflag:$0x2] =	sbarrier.arrive $0xFFFF  }
0x104: {  	[sflag:s0] =	ssyncadd.tile.s32 @!p0 $0x1;
	_ =	shalt  }
.Lfunc_end2:
_tile_overlayer_lowered:
.L_overlay_start_2:
0x105: {  	(tag) =	ssettag $0x2  }
0x106: {  	s0 =	rddreg [dreg:$0x0];
	s2 =	stileid.u32  }
0x107: {  	s1 =	rddreg [dreg:$0x1];
	p0 =	sne.s32 s2, $0x0  }
0x108: {  	s3 =	rddreg [dreg:$0x2];
	[bflag:$0x3] =	sbarrier.arrive $0xFFFF;
	s2 =	simm.s32 @!p0 $0x1C04  }
0x109: {  	[timem:s3], [sflag:s2] =	dma.local @!p0 [hbm:s0], s1  }
0x10a: {  	s0 =	simm.s32 @!p0 $0x4  }
0x10b: {  	_ =	swait.ge @!p0 [sflag:s0], s1  }
0x10c: {  	s1 =	ssub.s32 @!p0 $0x0, s1;
	[sflag:s0] =	ssyncset.done @!p0 $0x0  }
0x10d: {  	[sflag:s0] =	ssyncadd.s32 @!p0 s1  }
0x10e: {  	[bflag:$0x3] =	sbarrier.arrive $0xFFFF  }
0x10f: {  	_ =	shalt  }

</sc_bundles>
